<compile_context>
chip_gen: v7x
topology: tpu7x:2x2x1
jax: 0.10.2.dev20260603
libtpu: 0.0.44.dev20260713+nightly
codegen_flags: <defaults>
</compile_context>

<pallas_src>
import jax
import jax.numpy as jnp
from jax import lax
from jax.experimental import pallas as pl
from jax.experimental.pallas import tpu as pltpu
from jax.experimental.pallas import tpu_sc as plsc

_B = 16
_NUM_CLASSES = 20
_NUM_ROWS = 240
_NUM_COLS = 240
_MAPB = _NUM_CLASSES * _NUM_ROWS * _NUM_COLS
_N = 1_000_000
_NP = 1_024_000
_SPAN = _NP // 16
_K = 3_200
_NCHUNK = _SPAN // _K
_SLICE = _MAPB // 16
_ZB = 6_000
_NSUB = _SLICE // _ZB
_MAGIC = 12582912.0


def _body(xs, ys, zs, bi, se, hx, hy, hz, cs, sn,
          out, gidx, gval,
          thx, thy, thz, tc, ts,
          xb0, yb0, zb0, bib0, seb0, gib0, gvb0,
          xb1, yb1, zb1, bib1, seb1, gib1, gvb1,
          buf0, buf1, smap,
          sin0, sin1, sout0, sout1, ssc0, ssc1, swb0, swb1):
    cid = lax.axis_index("c")
    sid = lax.axis_index("s")
    goff = cid * _NP + sid * _SPAN

    in_slots = ((xb0, yb0, zb0, bib0, seb0, sin0),
                (xb1, yb1, zb1, bib1, seb1, sin1))
    pair_slots = ((gib0, gvb0), (gib1, gvb1))
    out_sems = (sout0, sout1)
    sc_sems = (ssc0, ssc1)
    wb = ((buf0, swb0), (buf1, swb1))

    def a_loads(c, s, issue):
        xb, yb, zb, bib, seb, sem = in_slots[s]
        base = sid * _SPAN + c * _K
        for src, dst in ((xs, xb), (ys, yb), (zs, zb), (bi, bib), (se, seb)):
            d = pltpu.make_async_copy(src.at[pl.ds(base, _K)], dst, sem)
            d.start() if issue else d.wait()

    def a_outs(c, s, issue):
        gib, gvb = pair_slots[s]
        base = goff + c * _K
        for src, dst in ((gib, gidx.at[pl.ds(base, _K)]),
                         (gvb, gval.at[pl.ds(base, _K)])):
            d = pltpu.make_async_copy(src, dst, out_sems[s])
            d.start() if issue else d.wait()

    pltpu.sync_copy(hx, thx)
    pltpu.sync_copy(hy, thy)
    pltpu.sync_copy(hz, thz)
    pltpu.sync_copy(cs, tc)
    pltpu.sync_copy(sn, ts)
    a_loads(0, 0, True)
    a_loads(1, 1, True)

    def a_compute(s):
        xb, yb, zb, bib, seb, _ = in_slots[s]
        gib, gvb = pair_slots[s]

        def vbody(v, _):
            for u in range(5):
                sl = pl.ds((v * 5 + u) * 16, 16)
                xv = xb[sl]
                yv = yb[sl]
                zv = zb[sl]
                biv = bib[sl]
                sev = seb[sl]
                hxv = plsc.load_gather(thx, [biv])
                hyv = plsc.load_gather(thy, [biv])
                hzv = plsc.load_gather(thz, [biv])
                cv = plsc.load_gather(tc, [biv])
                sv = plsc.load_gather(ts, [biv])
                hm = (yv > hyv - 1.25) & (yv < hyv + 0.75)
                p0 = xv - hxv
                p1 = yv - hyv
                p2 = zv - hzv
                pxv = cv * p0 + sv * p2
                pzv = (-sv) * p0 + cv * p2
                rf = (pzv + 12.0) / 0.1
                cf = (pxv + 12.0) / 0.1
                ri = ((rf + _MAGIC) - _MAGIC).astype(jnp.int32)
                ci = ((cf + _MAGIC) - _MAGIC).astype(jnp.int32)
                ok = (hm & (ri >= 0) & (ri < _NUM_ROWS)
                      & (ci >= 0) & (ci < _NUM_COLS))
                ric = jnp.clip(ri, 0, _NUM_ROWS - 1)
                cic = jnp.clip(ci, 0, _NUM_COLS - 1)
                gib[sl] = ((biv << 21) | (sev * (_NUM_ROWS * _NUM_COLS)
                                          + ric * _NUM_COLS + cic))
                gvb[sl] = jnp.where(ok, p1, 0.0)
            return 0
        lax.fori_loop(0, _K // 80, vbody, 0)

    def a_step(jj, _):
        for s in range(2):
            c = jj * 2 + s

            @pl.when(jj > 0)
            def _():
                a_outs(c - 2, s, False)
            a_loads(c, s, False)
            a_compute(s)
            a_outs(c, s, True)

            @pl.when(jj < _NCHUNK // 2 - 1)
            def _():
                a_loads(c + 2, s, True)
        return 0
    with jax.named_scope("phaseA"):
        lax.fori_loop(0, _NCHUNK // 2, a_step, 0)
        a_outs(_NCHUNK - 2, 0, False)
        a_outs(_NCHUNK - 1, 1, False)
    plsc.subcore_barrier()

    def b_loads(c, s, issue):
        gib, _ = pair_slots[s]
        xb, yb = in_slots[s][0], in_slots[s][1]
        base = goff + c * _K
        for src, dst in ((gidx.at[pl.ds(base, _K)], gib),
                         (gval.at[pl.ds(base, _K)], yb)):
            d = pltpu.make_async_copy(src, dst, in_slots[s][5])
            d.start() if issue else d.wait()

    def b_scatter(s, issue):
        bib = in_slots[s][3]
        gvb = pair_slots[s][1]
        d = pltpu.make_async_copy(gvb, smap.at[bib], sc_sems[s])
        if issue:
            pltpu.async_copy(gvb, smap.at[bib], sc_sems[s], add=True)
        else:
            d.wait()

    def b_compute(s, b):
        gib = pair_slots[s][0]
        yb = in_slots[s][1]
        bib = in_slots[s][3]
        gvb = pair_slots[s][1]
        def vbody(v, _):
            for u in range(5):
                sl = pl.ds((v * 5 + u) * 16, 16)
                g = gib[sl]
                ok = (g >> 21) == b
                bib[sl] = g & 0x1FFFFF
                gvb[sl] = jnp.where(ok, yb[sl], 0.0)
            return 0
        lax.fori_loop(0, _K // 80, vbody, 0)

    def pass_body(k, _):
        b = cid * 8 + k

        with jax.named_scope("zero"):
            def zfill(i, _):
                buf0[pl.ds(i * 16, 16)] = jnp.zeros((16,), jnp.float32)
                return 0
            lax.fori_loop(0, _ZB // 16, zfill, 0)
            for q in range(_NSUB):
                pltpu.async_copy(
                    buf0, smap.at[pl.ds(sid * _SLICE + q * _ZB, _ZB)], swb0)
            for q in range(_NSUB):
                pltpu.make_async_copy(
                    buf0, smap.at[pl.ds(sid * _SLICE + q * _ZB, _ZB)],
                    swb0).wait()
        plsc.subcore_barrier()

        b_loads(0, 0, True)
        b_loads(1, 1, True)

        def b_step(jj, _):
            for s in range(2):
                c = jj * 2 + s

                @pl.when(jj > 0)
                def _():
                    b_scatter(s, False)
                b_loads(c, s, False)
                b_compute(s, b)
                b_scatter(s, True)

                @pl.when(jj < _NCHUNK // 2 - 1)
                def _():
                    b_loads(c + 2, s, True)
            return 0
        with jax.named_scope("scan"):
            lax.fori_loop(0, _NCHUNK // 2, b_step, 0)
        b_scatter(0, False)
        b_scatter(1, False)
        plsc.subcore_barrier()

        with jax.named_scope("writeback"):
            for q in range(_NSUB):
                bq, sq = wb[q % 2]
                if q >= 2:
                    pltpu.make_async_copy(
                        bq, out.at[pl.ds(b * _MAPB, _ZB)], sq).wait()
                pltpu.sync_copy(
                    smap.at[pl.ds(sid * _SLICE + q * _ZB, _ZB)], bq)
                pltpu.async_copy(
                    bq, out.at[pl.ds(b * _MAPB + sid * _SLICE + q * _ZB, _ZB)],
                    sq)
            for q in (_NSUB - 2, _NSUB - 1):
                bq, sq = wb[q % 2]
                pltpu.make_async_copy(
                    bq, out.at[pl.ds(b * _MAPB, _ZB)], sq).wait()
        return 0
    lax.fori_loop(0, 8, pass_body, 0)


_sc_call = pl.kernel(
    _body,
    out_type=(jax.ShapeDtypeStruct((_B * _MAPB,), jnp.float32),
              jax.ShapeDtypeStruct((2 * _NP,), jnp.int32),
              jax.ShapeDtypeStruct((2 * _NP,), jnp.float32)),
    mesh=plsc.VectorSubcoreMesh(core_axis_name="c", subcore_axis_name="s",
                                num_cores=2, num_subcores=16),
    compiler_params=pltpu.CompilerParams(needs_layout_passes=False),
    scratch_types=[
        pltpu.VMEM((16,), jnp.float32),
        pltpu.VMEM((16,), jnp.float32),
        pltpu.VMEM((16,), jnp.float32),
        pltpu.VMEM((16,), jnp.float32),
        pltpu.VMEM((16,), jnp.float32),
        pltpu.VMEM((_K,), jnp.float32),
        pltpu.VMEM((_K,), jnp.float32),
        pltpu.VMEM((_K,), jnp.float32),
        pltpu.VMEM((_K,), jnp.int32),
        pltpu.VMEM((_K,), jnp.int32),
        pltpu.VMEM((_K,), jnp.int32),
        pltpu.VMEM((_K,), jnp.float32),
        pltpu.VMEM((_K,), jnp.float32),
        pltpu.VMEM((_K,), jnp.float32),
        pltpu.VMEM((_K,), jnp.float32),
        pltpu.VMEM((_K,), jnp.int32),
        pltpu.VMEM((_K,), jnp.int32),
        pltpu.VMEM((_K,), jnp.int32),
        pltpu.VMEM((_K,), jnp.float32),
        pltpu.VMEM((_ZB,), jnp.float32),
        pltpu.VMEM((_ZB,), jnp.float32),
        pltpu.VMEM_SHARED((_MAPB,), jnp.float32),
        pltpu.SemaphoreType.DMA,
        pltpu.SemaphoreType.DMA,
        pltpu.SemaphoreType.DMA,
        pltpu.SemaphoreType.DMA,
        pltpu.SemaphoreType.DMA,
        pltpu.SemaphoreType.DMA,
        pltpu.SemaphoreType.DMA,
        pltpu.SemaphoreType.DMA,
    ],
)


def kernel(xyz, batch_indices, semantics, robot_pose, robot_heading):
    pad = _NP - _N
    xt = jnp.pad(jnp.transpose(xyz), ((0, 0), (0, pad)))
    bi = jnp.pad(batch_indices.astype(jnp.int32), (0, pad),
                 constant_values=_B)
    se = jnp.pad(semantics.astype(jnp.int32), (0, pad))
    ang = -robot_heading
    out, _, _ = _sc_call(xt[0], xt[1], xt[2], bi, se,
                         robot_pose[:, 0], robot_pose[:, 1], robot_pose[:, 2],
                         jnp.cos(ang), jnp.sin(ang))
    return out.reshape(_B, _NUM_CLASSES, _NUM_ROWS, _NUM_COLS)

# --- scband reference (transcript-rebuilt; emitter-appended) ---
"""Pipeline reference for scband-mapping-module-17738214932564 (READ-ONLY COPY).

The authoritative reference and input builder live on the scoring server;
editing this copy changes nothing except your own understanding.
"""

import jax, jax.numpy as jnp
import numpy as np

N = 1000000
B = 16
NUM_CLASSES = 20
H_M = 24.0
W_M = 24.0
RES = 0.1
NUM_ROWS = int(np.ceil(H_M / RES))
NUM_COLS = int(np.ceil(W_M / RES))
D_MIN = 1.25
D_MAX = 0.75


def setup_inputs(seed: int = 0) -> dict:
    key = jax.random.key(seed)
    k1, k2, k3, k4, k5 = jax.random.split(key, 5)
    xyz = jax.random.normal(k1, (N, 3), dtype=jnp.float32)
    batch_indices = jax.random.randint(k2, (N,), 0, B).astype(jnp.int64)
    semantics = jax.random.randint(k3, (N,), 0, NUM_CLASSES).astype(jnp.int64)
    robot_pose = jax.random.normal(k4, (B, 3), dtype=jnp.float32)
    robot_heading = jax.random.normal(k5, (B,), dtype=jnp.float32)
    return {
        'xyz': xyz,
        'batch_indices': batch_indices,
        'semantics': semantics,
        'robot_pose': robot_pose,
        'robot_heading': robot_heading,
    }


def reference(xyz, batch_indices, semantics, robot_pose, robot_heading):
    # 1) FilterPointCloudByRobotHeight: keep points within band around robot height
    robot_height = robot_pose[:, 1][batch_indices]
    hmask = jnp.logical_and(xyz[:, 1] > robot_height - D_MIN,
                            xyz[:, 1] < robot_height + D_MAX)

    # 2) shift_origin: translate(-pose) then rotate_around_y(-heading)
    p = xyz - robot_pose[batch_indices]
    ang = -robot_heading[batch_indices]
    c = jnp.cos(ang)
    s = jnp.sin(ang)
    # rotate_around_y_matrix applied per point (bmm): [c,0,s;0,1,0;-s,0,c] @ p
    px = c * p[:, 0] + s * p[:, 2]
    py = p[:, 1]
    pz = -s * p[:, 0] + c * p[:, 2]

    # 3) MapDimensions.meters_to_cell_index with map centered on robot
    rows = jnp.round((pz + H_M / 2.0) / RES).astype(jnp.int32)
    cols = jnp.round((px + W_M / 2.0) / RES).astype(jnp.int32)

    # 4) valid_map_bounds
    valid = (hmask
             & (rows >= 0) & (rows < NUM_ROWS)
             & (cols >= 0) & (cols < NUM_COLS))
    rows_c = jnp.clip(rows, 0, NUM_ROWS - 1)
    cols_c = jnp.clip(cols, 0, NUM_COLS - 1)

    # 5) scatter-add into per-class semantic map memory (height-weighted occupancy)
    vals = jnp.where(valid, py, 0.0).astype(jnp.float32)
    semantic_map = jnp.zeros((B, NUM_CLASSES, NUM_ROWS, NUM_COLS), dtype=jnp.float32)
    semantic_map = semantic_map.at[batch_indices, semantics, rows_c, cols_c].add(vals)
    return semantic_map

if __name__ == "__main__":
    import jax
    _d = setup_inputs()
    print(jax.jit(kernel)(*tuple(_d.values())))

</pallas_src>

<mosaic_0001>
#map = affine_map<(d0, d1) -> (0)>
module attributes {stable_mosaic.version = 14 : i64} {
  func.func @_body(%arg0: i32, %arg1: i32, %arg2: memref<1024000xf32, #tpu.memory_space<hbm>>, %arg3: memref<1024000xf32, #tpu.memory_space<hbm>>, %arg4: memref<1024000xf32, #tpu.memory_space<hbm>>, %arg5: memref<1024000xi32, #tpu.memory_space<hbm>>, %arg6: memref<1024000xi32, #tpu.memory_space<hbm>>, %arg7: memref<16xf32, #tpu.memory_space<hbm>>, %arg8: memref<16xf32, #tpu.memory_space<hbm>>, %arg9: memref<16xf32, #tpu.memory_space<hbm>>, %arg10: memref<16xf32, #tpu.memory_space<hbm>>, %arg11: memref<16xf32, #tpu.memory_space<hbm>>, %arg12: memref<18432000xf32, #tpu.memory_space<hbm>>, %arg13: memref<2048000xi32, #tpu.memory_space<hbm>>, %arg14: memref<2048000xf32, #tpu.memory_space<hbm>>, %arg15: memref<16xf32, #tpu.memory_space<vmem>>, %arg16: memref<16xf32, #tpu.memory_space<vmem>>, %arg17: memref<16xf32, #tpu.memory_space<vmem>>, %arg18: memref<16xf32, #tpu.memory_space<vmem>>, %arg19: memref<16xf32, #tpu.memory_space<vmem>>, %arg20: memref<3200xf32, #tpu.memory_space<vmem>>, %arg21: memref<3200xf32, #tpu.memory_space<vmem>>, %arg22: memref<3200xf32, #tpu.memory_space<vmem>>, %arg23: memref<3200xi32, #tpu.memory_space<vmem>>, %arg24: memref<3200xi32, #tpu.memory_space<vmem>>, %arg25: memref<3200xi32, #tpu.memory_space<vmem>>, %arg26: memref<3200xf32, #tpu.memory_space<vmem>>, %arg27: memref<3200xf32, #tpu.memory_space<vmem>>, %arg28: memref<3200xf32, #tpu.memory_space<vmem>>, %arg29: memref<3200xf32, #tpu.memory_space<vmem>>, %arg30: memref<3200xi32, #tpu.memory_space<vmem>>, %arg31: memref<3200xi32, #tpu.memory_space<vmem>>, %arg32: memref<3200xi32, #tpu.memory_space<vmem>>, %arg33: memref<3200xf32, #tpu.memory_space<vmem>>, %arg34: memref<6000xf32, #tpu.memory_space<vmem>>, %arg35: memref<6000xf32, #tpu.memory_space<vmem>>, %arg36: memref<1152000xf32, #tpu.memory_space<vmem_shared>>, %arg37: memref<!tpu.dma_semaphore, #tpu.memory_space<semaphore_mem>>, %arg38: memref<!tpu.dma_semaphore, #tpu.memory_space<semaphore_mem>>, %arg39: memref<!tpu.dma_semaphore, #tpu.memory_space<semaphore_mem>>, %arg40: memref<!tpu.dma_semaphore, #tpu.memory_space<semaphore_mem>>, %arg41: memref<!tpu.dma_semaphore, #tpu.memory_space<semaphore_mem>>, %arg42: memref<!tpu.dma_semaphore, #tpu.memory_space<semaphore_mem>>, %arg43: memref<!tpu.dma_semaphore, #tpu.memory_space<semaphore_mem>>, %arg44: memref<!tpu.dma_semaphore, #tpu.memory_space<semaphore_mem>>) attributes {dimension_semantics = [#tpu.dimension_semantics<core_parallel>, #tpu.dimension_semantics<subcore_parallel>], iteration_bounds = array<i64: 2, 16>, scalar_prefetch = 0 : i64, scratch_operands = 30 : i64, tpu.core_type = #tpu.core_type<sc_vector_subcore>, window_params = [{transform_indices = #map}, {transform_indices = #map}, {transform_indices = #map}, {transform_indices = #map}, {transform_indices = #map}, {transform_indices = #map}, {transform_indices = #map}, {transform_indices = #map}, {transform_indices = #map}, {transform_indices = #map}, {transform_indices = #map}, {transform_indices = #map}, {transform_indices = #map}]} {
    %mul3A = arith.constant 1024000 : i32
    %mul3A_0 = arith.muli %arg0, %mul3A : i32
    %mul3A_1 = arith.constant 64000 : i32
    %mul3A_2 = arith.muli %arg1, %mul3A_1 : i32
    %add3A = arith.addi %mul3A_0, %mul3A_2 : i32
    "tpu.region"() ({
      %run_scoped3A = tpu.sem_alloc : memref<!tpu.dma_semaphore, #tpu.memory_space<semaphore_mem>>
      tpu.enqueue_dma source(%arg7 : memref<16xf32, #tpu.memory_space<hbm>>) target(%arg15 : memref<16xf32, #tpu.memory_space<vmem>>) target_semaphore(%run_scoped3A : memref<!tpu.dma_semaphore, #tpu.memory_space<semaphore_mem>>)
      tpu.wait_dma2 semaphore(%run_scoped3A : memref<!tpu.dma_semaphore, #tpu.memory_space<semaphore_mem>>) src(%arg7 : memref<16xf32, #tpu.memory_space<hbm>>) dst(%arg15 : memref<16xf32, #tpu.memory_space<vmem>>)
      tpu.yield
    }) : () -> ()
    "tpu.region"() ({
      %run_scoped3A = tpu.sem_alloc : memref<!tpu.dma_semaphore, #tpu.memory_space<semaphore_mem>>
      tpu.enqueue_dma source(%arg8 : memref<16xf32, #tpu.memory_space<hbm>>) target(%arg16 : memref<16xf32, #tpu.memory_space<vmem>>) target_semaphore(%run_scoped3A : memref<!tpu.dma_semaphore, #tpu.memory_space<semaphore_mem>>)
      tpu.wait_dma2 semaphore(%run_scoped3A : memref<!tpu.dma_semaphore, #tpu.memory_space<semaphore_mem>>) src(%arg8 : memref<16xf32, #tpu.memory_space<hbm>>) dst(%arg16 : memref<16xf32, #tpu.memory_space<vmem>>)
      tpu.yield
    }) : () -> ()
    "tpu.region"() ({
      %run_scoped3A = tpu.sem_alloc : memref<!tpu.dma_semaphore, #tpu.memory_space<semaphore_mem>>
      tpu.enqueue_dma source(%arg9 : memref<16xf32, #tpu.memory_space<hbm>>) target(%arg17 : memref<16xf32, #tpu.memory_space<vmem>>) target_semaphore(%run_scoped3A : memref<!tpu.dma_semaphore, #tpu.memory_space<semaphore_mem>>)
      tpu.wait_dma2 semaphore(%run_scoped3A : memref<!tpu.dma_semaphore, #tpu.memory_space<semaphore_mem>>) src(%arg9 : memref<16xf32, #tpu.memory_space<hbm>>) dst(%arg17 : memref<16xf32, #tpu.memory_space<vmem>>)
      tpu.yield
    }) : () -> ()
    "tpu.region"() ({
      %run_scoped3A = tpu.sem_alloc : memref<!tpu.dma_semaphore, #tpu.memory_space<semaphore_mem>>
      tpu.enqueue_dma source(%arg10 : memref<16xf32, #tpu.memory_space<hbm>>) target(%arg18 : memref<16xf32, #tpu.memory_space<vmem>>) target_semaphore(%run_scoped3A : memref<!tpu.dma_semaphore, #tpu.memory_space<semaphore_mem>>)
      tpu.wait_dma2 semaphore(%run_scoped3A : memref<!tpu.dma_semaphore, #tpu.memory_space<semaphore_mem>>) src(%arg10 : memref<16xf32, #tpu.memory_space<hbm>>) dst(%arg18 : memref<16xf32, #tpu.memory_space<vmem>>)
      tpu.yield
    }) : () -> ()
    "tpu.region"() ({
      %run_scoped3A = tpu.sem_alloc : memref<!tpu.dma_semaphore, #tpu.memory_space<semaphore_mem>>
      tpu.enqueue_dma source(%arg11 : memref<16xf32, #tpu.memory_space<hbm>>) target(%arg19 : memref<16xf32, #tpu.memory_space<vmem>>) target_semaphore(%run_scoped3A : memref<!tpu.dma_semaphore, #tpu.memory_space<semaphore_mem>>)
      tpu.wait_dma2 semaphore(%run_scoped3A : memref<!tpu.dma_semaphore, #tpu.memory_space<semaphore_mem>>) src(%arg11 : memref<16xf32, #tpu.memory_space<hbm>>) dst(%arg19 : memref<16xf32, #tpu.memory_space<vmem>>)
      tpu.yield
    }) : () -> ()
    %mul3A_3 = arith.constant 64000 : i32
    %mul3A_4 = arith.muli %arg1, %mul3A_3 : i32
    %add3A_5 = arith.constant 0 : i32
    %add3A_6 = arith.addi %mul3A_4, %add3A_5 : i32
    %dma_start3A = tpu.memref_slice %arg2[%add3A_6] : memref<1024000xf32, #tpu.memory_space<hbm>> -> memref<3200xf32, #tpu.memory_space<hbm>>
    %dma_start3A_7 = tpu.memref_slice %arg2[%add3A_6] : memref<1024000xf32, #tpu.memory_space<hbm>> -> memref<3200xf32, #tpu.memory_space<hbm>>
    tpu.enqueue_dma source(%dma_start3A_7 : memref<3200xf32, #tpu.memory_space<hbm>>) target(%arg20 : memref<3200xf32, #tpu.memory_space<vmem>>) target_semaphore(%arg37 : memref<!tpu.dma_semaphore, #tpu.memory_space<semaphore_mem>>)
    %dma_start3A_8 = tpu.memref_slice %arg3[%add3A_6] : memref<1024000xf32, #tpu.memory_space<hbm>> -> memref<3200xf32, #tpu.memory_space<hbm>>
    %dma_start3A_9 = tpu.memref_slice %arg3[%add3A_6] : memref<1024000xf32, #tpu.memory_space<hbm>> -> memref<3200xf32, #tpu.memory_space<hbm>>
    tpu.enqueue_dma source(%dma_start3A_9 : memref<3200xf32, #tpu.memory_space<hbm>>) target(%arg21 : memref<3200xf32, #tpu.memory_space<vmem>>) target_semaphore(%arg37 : memref<!tpu.dma_semaphore, #tpu.memory_space<semaphore_mem>>)
    %dma_start3A_10 = tpu.memref_slice %arg4[%add3A_6] : memref<1024000xf32, #tpu.memory_space<hbm>> -> memref<3200xf32, #tpu.memory_space<hbm>>
    %dma_start3A_11 = tpu.memref_slice %arg4[%add3A_6] : memref<1024000xf32, #tpu.memory_space<hbm>> -> memref<3200xf32, #tpu.memory_space<hbm>>
    tpu.enqueue_dma source(%dma_start3A_11 : memref<3200xf32, #tpu.memory_space<hbm>>) target(%arg22 : memref<3200xf32, #tpu.memory_space<vmem>>) target_semaphore(%arg37 : memref<!tpu.dma_semaphore, #tpu.memory_space<semaphore_mem>>)
    %dma_start3A_12 = tpu.memref_slice %arg5[%add3A_6] : memref<1024000xi32, #tpu.memory_space<hbm>> -> memref<3200xi32, #tpu.memory_space<hbm>>
    %dma_start3A_13 = tpu.memref_slice %arg5[%add3A_6] : memref<1024000xi32, #tpu.memory_space<hbm>> -> memref<3200xi32, #tpu.memory_space<hbm>>
    tpu.enqueue_dma source(%dma_start3A_13 : memref<3200xi32, #tpu.memory_space<hbm>>) target(%arg23 : memref<3200xi32, #tpu.memory_space<vmem>>) target_semaphore(%arg37 : memref<!tpu.dma_semaphore, #tpu.memory_space<semaphore_mem>>)
    %dma_start3A_14 = tpu.memref_slice %arg6[%add3A_6] : memref<1024000xi32, #tpu.memory_space<hbm>> -> memref<3200xi32, #tpu.memory_space<hbm>>
    %dma_start3A_15 = tpu.memref_slice %arg6[%add3A_6] : memref<1024000xi32, #tpu.memory_space<hbm>> -> memref<3200xi32, #tpu.memory_space<hbm>>
    tpu.enqueue_dma source(%dma_start3A_15 : memref<3200xi32, #tpu.memory_space<hbm>>) target(%arg24 : memref<3200xi32, #tpu.memory_space<vmem>>) target_semaphore(%arg37 : memref<!tpu.dma_semaphore, #tpu.memory_space<semaphore_mem>>)
    %mul3A_16 = arith.constant 64000 : i32
    %mul3A_17 = arith.muli %arg1, %mul3A_16 : i32
    %add3A_18 = arith.constant 3200 : i32
    %add3A_19 = arith.addi %mul3A_17, %add3A_18 : i32
    %dma_start3A_20 = tpu.memref_slice %arg2[%add3A_19] : memref<1024000xf32, #tpu.memory_space<hbm>> -> memref<3200xf32, #tpu.memory_space<hbm>>
    %dma_start3A_21 = tpu.memref_slice %arg2[%add3A_19] : memref<1024000xf32, #tpu.memory_space<hbm>> -> memref<3200xf32, #tpu.memory_space<hbm>>
    tpu.enqueue_dma source(%dma_start3A_21 : memref<3200xf32, #tpu.memory_space<hbm>>) target(%arg27 : memref<3200xf32, #tpu.memory_space<vmem>>) target_semaphore(%arg38 : memref<!tpu.dma_semaphore, #tpu.memory_space<semaphore_mem>>)
    %dma_start3A_22 = tpu.memref_slice %arg3[%add3A_19] : memref<1024000xf32, #tpu.memory_space<hbm>> -> memref<3200xf32, #tpu.memory_space<hbm>>
    %dma_start3A_23 = tpu.memref_slice %arg3[%add3A_19] : memref<1024000xf32, #tpu.memory_space<hbm>> -> memref<3200xf32, #tpu.memory_space<hbm>>
    tpu.enqueue_dma source(%dma_start3A_23 : memref<3200xf32, #tpu.memory_space<hbm>>) target(%arg28 : memref<3200xf32, #tpu.memory_space<vmem>>) target_semaphore(%arg38 : memref<!tpu.dma_semaphore, #tpu.memory_space<semaphore_mem>>)
    %dma_start3A_24 = tpu.memref_slice %arg4[%add3A_19] : memref<1024000xf32, #tpu.memory_space<hbm>> -> memref<3200xf32, #tpu.memory_space<hbm>>
    %dma_start3A_25 = tpu.memref_slice %arg4[%add3A_19] : memref<1024000xf32, #tpu.memory_space<hbm>> -> memref<3200xf32, #tpu.memory_space<hbm>>
    tpu.enqueue_dma source(%dma_start3A_25 : memref<3200xf32, #tpu.memory_space<hbm>>) target(%arg29 : memref<3200xf32, #tpu.memory_space<vmem>>) target_semaphore(%arg38 : memref<!tpu.dma_semaphore, #tpu.memory_space<semaphore_mem>>)
    %dma_start3A_26 = tpu.memref_slice %arg5[%add3A_19] : memref<1024000xi32, #tpu.memory_space<hbm>> -> memref<3200xi32, #tpu.memory_space<hbm>>
    %dma_start3A_27 = tpu.memref_slice %arg5[%add3A_19] : memref<1024000xi32, #tpu.memory_space<hbm>> -> memref<3200xi32, #tpu.memory_space<hbm>>
    tpu.enqueue_dma source(%dma_start3A_27 : memref<3200xi32, #tpu.memory_space<hbm>>) target(%arg30 : memref<3200xi32, #tpu.memory_space<vmem>>) target_semaphore(%arg38 : memref<!tpu.dma_semaphore, #tpu.memory_space<semaphore_mem>>)
    %dma_start3A_28 = tpu.memref_slice %arg6[%add3A_19] : memref<1024000xi32, #tpu.memory_space<hbm>> -> memref<3200xi32, #tpu.memory_space<hbm>>
    %dma_start3A_29 = tpu.memref_slice %arg6[%add3A_19] : memref<1024000xi32, #tpu.memory_space<hbm>> -> memref<3200xi32, #tpu.memory_space<hbm>>
    tpu.enqueue_dma source(%dma_start3A_29 : memref<3200xi32, #tpu.memory_space<hbm>>) target(%arg31 : memref<3200xi32, #tpu.memory_space<vmem>>) target_semaphore(%arg38 : memref<!tpu.dma_semaphore, #tpu.memory_space<semaphore_mem>>)
    "tpu.trace_start"() <{level = 10 : i32, message = "phaseA"}> : () -> ()
    %scan3A = arith.constant 0 : i32
    %scan3A_30 = arith.constant 0 : i32
    %scan3A_31 = arith.constant 10 : i32
    %scan3A_32 = arith.addi %scan3A_30, %scan3A_31 : i32
    %scan3A_33 = arith.constant 1 : i32
    %scan3A_34 = scf.for %scan3A_54 = %scan3A_30 to %scan3A_32 step %scan3A_33 iter_args(%scan3A_55 = %scan3A) -> (i32)  : i32 {
      %mul3A_56 = arith.constant 2 : i32
      %mul3A_57 = arith.muli %scan3A_54, %mul3A_56 : i32
      %add3A_58 = arith.constant 0 : i32
      %add3A_59 = arith.addi %mul3A_57, %add3A_58 : i32
      %gt3A = arith.constant 0 : i32
      %gt3A_60 = arith.cmpi sgt, %scan3A_54, %gt3A : i32
      %convert_element_type3A = arith.extui %gt3A_60 : i1 to i32
      %cond3A = arith.constant 0 : i32
      %cond3A_61 = arith.cmpi ne, %convert_element_type3A, %cond3A : i32
      scf.if %cond3A_61 {
        %sub3A = arith.constant 2 : i32
        %sub3A_139 = arith.subi %add3A_59, %sub3A : i32
        %mul3A_140 = arith.constant 3200 : i32
        %mul3A_141 = arith.muli %sub3A_139, %mul3A_140 : i32
        %add3A_142 = arith.addi %add3A, %mul3A_141 : i32
        %dma_wait3A_143 = tpu.memref_slice %arg13[%add3A_142] : memref<2048000xi32, #tpu.memory_space<hbm>> -> memref<3200xi32, #tpu.memory_space<hbm>>
        %dma_wait3A_144 = tpu.memref_slice %arg13[%add3A_142] : memref<2048000xi32, #tpu.memory_space<hbm>> -> memref<3200xi32, #tpu.memory_space<hbm>>
        tpu.wait_dma2 semaphore(%arg39 : memref<!tpu.dma_semaphore, #tpu.memory_space<semaphore_mem>>) src(%arg25 : memref<3200xi32, #tpu.memory_space<vmem>>) dst(%dma_wait3A_144 : memref<3200xi32, #tpu.memory_space<hbm>>)
        %dma_wait3A_145 = tpu.memref_slice %arg14[%add3A_142] : memref<2048000xf32, #tpu.memory_space<hbm>> -> memref<3200xf32, #tpu.memory_space<hbm>>
        %dma_wait3A_146 = tpu.memref_slice %arg14[%add3A_142] : memref<2048000xf32, #tpu.memory_space<hbm>> -> memref<3200xf32, #tpu.memory_space<hbm>>
        tpu.wait_dma2 semaphore(%arg39 : memref<!tpu.dma_semaphore, #tpu.memory_space<semaphore_mem>>) src(%arg26 : memref<3200xf32, #tpu.memory_space<vmem>>) dst(%dma_wait3A_146 : memref<3200xf32, #tpu.memory_space<hbm>>)
      } else {
      }
      %mul3A_62 = arith.constant 64000 : i32
      %mul3A_63 = arith.muli %arg1, %mul3A_62 : i32
      %mul3A_64 = arith.constant 3200 : i32
      %mul3A_65 = arith.muli %add3A_59, %mul3A_64 : i32
      %add3A_66 = arith.addi %mul3A_63, %mul3A_65 : i32
      %dma_wait3A_67 = tpu.memref_slice %arg2[%add3A_66] : memref<1024000xf32, #tpu.memory_space<hbm>> -> memref<3200xf32, #tpu.memory_space<hbm>>
      %dma_wait3A_68 = tpu.memref_slice %arg2[%add3A_66] : memref<1024000xf32, #tpu.memory_space<hbm>> -> memref<3200xf32, #tpu.memory_space<hbm>>
      tpu.wait_dma2 semaphore(%arg37 : memref<!tpu.dma_semaphore, #tpu.memory_space<semaphore_mem>>) src(%dma_wait3A_68 : memref<3200xf32, #tpu.memory_space<hbm>>) dst(%arg20 : memref<3200xf32, #tpu.memory_space<vmem>>)
      %dma_wait3A_69 = tpu.memref_slice %arg3[%add3A_66] : memref<1024000xf32, #tpu.memory_space<hbm>> -> memref<3200xf32, #tpu.memory_space<hbm>>
      %dma_wait3A_70 = tpu.memref_slice %arg3[%add3A_66] : memref<1024000xf32, #tpu.memory_space<hbm>> -> memref<3200xf32, #tpu.memory_space<hbm>>
      tpu.wait_dma2 semaphore(%arg37 : memref<!tpu.dma_semaphore, #tpu.memory_space<semaphore_mem>>) src(%dma_wait3A_70 : memref<3200xf32, #tpu.memory_space<hbm>>) dst(%arg21 : memref<3200xf32, #tpu.memory_space<vmem>>)
      %dma_wait3A_71 = tpu.memref_slice %arg4[%add3A_66] : memref<1024000xf32, #tpu.memory_space<hbm>> -> memref<3200xf32, #tpu.memory_space<hbm>>
      %dma_wait3A_72 = tpu.memref_slice %arg4[%add3A_66] : memref<1024000xf32, #tpu.memory_space<hbm>> -> memref<3200xf32, #tpu.memory_space<hbm>>
      tpu.wait_dma2 semaphore(%arg37 : memref<!tpu.dma_semaphore, #tpu.memory_space<semaphore_mem>>) src(%dma_wait3A_72 : memref<3200xf32, #tpu.memory_space<hbm>>) dst(%arg22 : memref<3200xf32, #tpu.memory_space<vmem>>)
      %dma_wait3A_73 = tpu.memref_slice %arg5[%add3A_66] : memref<1024000xi32, #tpu.memory_space<hbm>> -> memref<3200xi32, #tpu.memory_space<hbm>>
      %dma_wait3A_74 = tpu.memref_slice %arg5[%add3A_66] : memref<1024000xi32, #tpu.memory_space<hbm>> -> memref<3200xi32, #tpu.memory_space<hbm>>
      tpu.wait_dma2 semaphore(%arg37 : memref<!tpu.dma_semaphore, #tpu.memory_space<semaphore_mem>>) src(%dma_wait3A_74 : memref<3200xi32, #tpu.memory_space<hbm>>) dst(%arg23 : memref<3200xi32, #tpu.memory_space<vmem>>)
      %dma_wait3A_75 = tpu.memref_slice %arg6[%add3A_66] : memref<1024000xi32, #tpu.memory_space<hbm>> -> memref<3200xi32, #tpu.memory_space<hbm>>
      %dma_wait3A_76 = tpu.memref_slice %arg6[%add3A_66] : memref<1024000xi32, #tpu.memory_space<hbm>> -> memref<3200xi32, #tpu.memory_space<hbm>>
      tpu.wait_dma2 semaphore(%arg37 : memref<!tpu.dma_semaphore, #tpu.memory_space<semaphore_mem>>) src(%dma_wait3A_76 : memref<3200xi32, #tpu.memory_space<hbm>>) dst(%arg24 : memref<3200xi32, #tpu.memory_space<vmem>>)
      %scan3A_77 = arith.constant 0 : i32
      %scan3A_78 = arith.constant 0 : i32
      %scan3A_79 = arith.constant 40 : i32
      %scan3A_80 = arith.addi %scan3A_78, %scan3A_79 : i32
      %scan3A_81 = arith.constant 1 : i32
      %scan3A_82 = scf.for %scan3A_139 = %scan3A_78 to %scan3A_80 step %scan3A_81 iter_args(%scan3A_140 = %scan3A_77) -> (i32)  : i32 {
        %mul3A_141 = arith.constant 5 : i32
        %mul3A_142 = arith.muli %scan3A_139, %mul3A_141 : i32
        %add3A_143 = arith.constant 0 : i32
        %add3A_144 = arith.addi %mul3A_142, %add3A_143 : i32
        %mul3A_145 = arith.constant 16 : i32
        %mul3A_146 = arith.muli %add3A_144, %mul3A_145 : i32
        %get3A = arith.index_cast %mul3A_146 : i32 to index
        %get3A_147 = tpu.vector_load %arg20[%get3A] {strides = array<i32>} : memref<3200xf32, #tpu.memory_space<vmem>>, vector<16xf32>,
        %get3A_148 = arith.index_cast %mul3A_146 : i32 to index
        %get3A_149 = tpu.vector_load %arg21[%get3A_148] {strides = array<i32>} : memref<3200xf32, #tpu.memory_space<vmem>>, vector<16xf32>,
        %get3A_150 = arith.index_cast %mul3A_146 : i32 to index
        %get3A_151 = tpu.vector_load %arg22[%get3A_150] {strides = array<i32>} : memref<3200xf32, #tpu.memory_space<vmem>>, vector<16xf32>,
        %get3A_152 = arith.index_cast %mul3A_146 : i32 to index
        %get3A_153 = tpu.vector_load %arg23[%get3A_152] {strides = array<i32>} : memref<3200xi32, #tpu.memory_space<vmem>>, vector<16xi32>,
        %get3A_154 = arith.index_cast %mul3A_146 : i32 to index
        %get3A_155 = tpu.vector_load %arg24[%get3A_154] {strides = array<i32>} : memref<3200xi32, #tpu.memory_space<vmem>>, vector<16xi32>,
        %gather3A = tpu.vector_load_idx %arg15[%get3A_153] : memref<16xf32, #tpu.memory_space<vmem>>[vector<16xi32>], vector<16xf32>,
        %gather3A_156 = tpu.vector_load_idx %arg16[%get3A_153] : memref<16xf32, #tpu.memory_space<vmem>>[vector<16xi32>], vector<16xf32>,
        %gather3A_157 = tpu.vector_load_idx %arg17[%get3A_153] : memref<16xf32, #tpu.memory_space<vmem>>[vector<16xi32>], vector<16xf32>,
        %gather3A_158 = tpu.vector_load_idx %arg18[%get3A_153] : memref<16xf32, #tpu.memory_space<vmem>>[vector<16xi32>], vector<16xf32>,
        %gather3A_159 = tpu.vector_load_idx %arg19[%get3A_153] : memref<16xf32, #tpu.memory_space<vmem>>[vector<16xi32>], vector<16xf32>,
        %sub3A = arith.constant 1.250000e+00 : f32
        %sub3A_160 = vector.broadcast %sub3A : f32 to vector<16xf32>
        %sub3A_161 = arith.subf %gather3A_156, %sub3A_160 : vector<16xf32>
        %gt3A_162 = arith.cmpf ogt, %get3A_149, %sub3A_161 : vector<16xf32>
        %add3A_163 = arith.constant 7.500000e-01 : f32
        %add3A_164 = vector.broadcast %add3A_163 : f32 to vector<16xf32>
        %add3A_165 = arith.addf %gather3A_156, %add3A_164 : vector<16xf32>
        %lt3A_166 = arith.cmpf olt, %get3A_149, %add3A_165 : vector<16xf32>
        %and3A = arith.andi %gt3A_162, %lt3A_166 : vector<16xi1>
        %sub3A_167 = arith.subf %get3A_147, %gather3A : vector<16xf32>
        %sub3A_168 = arith.subf %get3A_149, %gather3A_156 : vector<16xf32>
        %sub3A_169 = arith.subf %get3A_151, %gather3A_157 : vector<16xf32>
        %mul3A_170 = arith.mulf %gather3A_158, %sub3A_167 : vector<16xf32>
        %mul3A_171 = arith.mulf %gather3A_159, %sub3A_169 : vector<16xf32>
        %add3A_172 = arith.addf %mul3A_170, %mul3A_171 : vector<16xf32>
        %neg3A = arith.constant 0.000000e+00 : f32
        %neg3A_173 = vector.broadcast %neg3A : f32 to vector<16xf32>
        %neg3A_174 = arith.subf %neg3A_173, %gather3A_159 : vector<16xf32>
        %mul3A_175 = arith.mulf %neg3A_174, %sub3A_167 : vector<16xf32>
        %mul3A_176 = arith.mulf %gather3A_158, %sub3A_169 : vector<16xf32>
        %add3A_177 = arith.addf %mul3A_175, %mul3A_176 : vector<16xf32>
        %add3A_178 = arith.constant 1.200000e+01 : f32
        %add3A_179 = vector.broadcast %add3A_178 : f32 to vector<16xf32>
        %add3A_180 = arith.addf %add3A_177, %add3A_179 : vector<16xf32>
        %div3A = arith.constant 1.000000e-01 : f32
        %div3A_181 = vector.broadcast %div3A : f32 to vector<16xf32>
        %div3A_182 = arith.divf %add3A_180, %div3A_181 : vector<16xf32>
        %add3A_183 = arith.constant 1.200000e+01 : f32
        %add3A_184 = vector.broadcast %add3A_183 : f32 to vector<16xf32>
        %add3A_185 = arith.addf %add3A_172, %add3A_184 : vector<16xf32>
        %div3A_186 = arith.constant 1.000000e-01 : f32
        %div3A_187 = vector.broadcast %div3A_186 : f32 to vector<16xf32>
        %div3A_188 = arith.divf %add3A_185, %div3A_187 : vector<16xf32>
        %add3A_189 = arith.constant 0x4B400000 : f32
        %add3A_190 = vector.broadcast %add3A_189 : f32 to vector<16xf32>
        %add3A_191 = arith.addf %div3A_182, %add3A_190 : vector<16xf32>
        %sub3A_192 = arith.constant 0x4B400000 : f32
        %sub3A_193 = vector.broadcast %sub3A_192 : f32 to vector<16xf32>
        %sub3A_194 = arith.subf %add3A_191, %sub3A_193 : vector<16xf32>
        %convert_element_type3A_195 = arith.fptosi %sub3A_194 : vector<16xf32> to vector<16xi32>
        %add3A_196 = arith.constant 0x4B400000 : f32
        %add3A_197 = vector.broadcast %add3A_196 : f32 to vector<16xf32>
        %add3A_198 = arith.addf %div3A_188, %add3A_197 : vector<16xf32>
        %sub3A_199 = arith.constant 0x4B400000 : f32
        %sub3A_200 = vector.broadcast %sub3A_199 : f32 to vector<16xf32>
        %sub3A_201 = arith.subf %add3A_198, %sub3A_200 : vector<16xf32>
        %convert_element_type3A_202 = arith.fptosi %sub3A_201 : vector<16xf32> to vector<16xi32>
        %ge3A = arith.constant 0 : i32
        %ge3A_203 = vector.broadcast %ge3A : i32 to vector<16xi32>
        %ge3A_204 = arith.cmpi sge, %convert_element_type3A_195, %ge3A_203 : vector<16xi32>
        %and3A_205 = arith.andi %and3A, %ge3A_204 : vector<16xi1>
        %lt3A_206 = arith.constant 240 : i32
        %lt3A_207 = vector.broadcast %lt3A_206 : i32 to vector<16xi32>
        %lt3A_208 = arith.cmpi slt, %convert_element_type3A_195, %lt3A_207 : vector<16xi32>
        %and3A_209 = arith.andi %and3A_205, %lt3A_208 : vector<16xi1>
        %ge3A_210 = arith.constant 0 : i32
        %ge3A_211 = vector.broadcast %ge3A_210 : i32 to vector<16xi32>
        %ge3A_212 = arith.cmpi sge, %convert_element_type3A_202, %ge3A_211 : vector<16xi32>
        %and3A_213 = arith.andi %and3A_209, %ge3A_212 : vector<16xi1>
        %lt3A_214 = arith.constant 240 : i32
        %lt3A_215 = vector.broadcast %lt3A_214 : i32 to vector<16xi32>
        %lt3A_216 = arith.cmpi slt, %convert_element_type3A_202, %lt3A_215 : vector<16xi32>
        %and3A_217 = arith.andi %and3A_213, %lt3A_216 : vector<16xi1>
        %jit3A = arith.constant 0 : i32
        %jit3A_218 = arith.constant 239 : i32
        %max3A = vector.broadcast %jit3A : i32 to vector<16xi32>
        %max3A_219 = arith.maxsi %max3A, %convert_element_type3A_195 : vector<16xi32>
        %min3A = vector.broadcast %jit3A_218 : i32 to vector<16xi32>
        %min3A_220 = arith.minsi %min3A, %max3A_219 : vector<16xi32>
        %jit3A_221 = arith.constant 0 : i32
        %jit3A_222 = arith.constant 239 : i32
        %max3A_223 = vector.broadcast %jit3A_221 : i32 to vector<16xi32>
        %max3A_224 = arith.maxsi %max3A_223, %convert_element_type3A_202 : vector<16xi32>
        %min3A_225 = vector.broadcast %jit3A_222 : i32 to vector<16xi32>
        %min3A_226 = arith.minsi %min3A_225, %max3A_224 : vector<16xi32>
        %shift_left3A = arith.constant 21 : i32
        %shift_left3A_227 = vector.broadcast %shift_left3A : i32 to vector<16xi32>
        %shift_left3A_228 = arith.shli %get3A_153, %shift_left3A_227 : vector<16xi32>
        %mul3A_229 = arith.constant 57600 : i32
        %mul3A_230 = vector.broadcast %mul3A_229 : i32 to vector<16xi32>
        %mul3A_231 = arith.muli %get3A_155, %mul3A_230 : vector<16xi32>
        %mul3A_232 = arith.constant 240 : i32
        %mul3A_233 = vector.broadcast %mul3A_232 : i32 to vector<16xi32>
        %mul3A_234 = arith.muli %min3A_220, %mul3A_233 : vector<16xi32>
        %add3A_235 = arith.addi %mul3A_231, %mul3A_234 : vector<16xi32>
        %add3A_236 = arith.addi %add3A_235, %min3A_226 : vector<16xi32>
        %or3A = arith.ori %shift_left3A_228, %add3A_236 : vector<16xi32>
        %swap3A = arith.index_cast %mul3A_146 : i32 to index
        %swap3A_237 = tpu.vector_load %arg25[%swap3A] {strides = array<i32>} : memref<3200xi32, #tpu.memory_space<vmem>>, vector<16xi32>,
        tpu.vector_store %arg25[%swap3A], %or3A {strides = array<i32>} : memref<3200xi32, #tpu.memory_space<vmem>>, vector<16xi32>,
        %jit3A_238 = arith.constant 0.000000e+00 : f32
        %broadcast_in_dim3A = vector.broadcast %jit3A_238 : f32 to vector<16xf32>
        %select_n3A = arith.select %and3A_217, %sub3A_168, %broadcast_in_dim3A : vector<16xi1>, vector<16xf32>
        %swap3A_239 = arith.index_cast %mul3A_146 : i32 to index
        %swap3A_240 = tpu.vector_load %arg26[%swap3A_239] {strides = array<i32>} : memref<3200xf32, #tpu.memory_space<vmem>>, vector<16xf32>,
        tpu.vector_store %arg26[%swap3A_239], %select_n3A {strides = array<i32>} : memref<3200xf32, #tpu.memory_space<vmem>>, vector<16xf32>,
        %mul3A_241 = arith.constant 5 : i32
        %mul3A_242 = arith.muli %scan3A_139, %mul3A_241 : i32
        %add3A_243 = arith.constant 1 : i32
        %add3A_244 = arith.addi %mul3A_242, %add3A_243 : i32
        %mul3A_245 = arith.constant 16 : i32
        %mul3A_246 = arith.muli %add3A_244, %mul3A_245 : i32
        %get3A_247 = arith.index_cast %mul3A_246 : i32 to index
        %get3A_248 = tpu.vector_load %arg20[%get3A_247] {strides = array<i32>} : memref<3200xf32, #tpu.memory_space<vmem>>, vector<16xf32>,
        %get3A_249 = arith.index_cast %mul3A_246 : i32 to index
        %get3A_250 = tpu.vector_load %arg21[%get3A_249] {strides = array<i32>} : memref<3200xf32, #tpu.memory_space<vmem>>, vector<16xf32>,
        %get3A_251 = arith.index_cast %mul3A_246 : i32 to index
        %get3A_252 = tpu.vector_load %arg22[%get3A_251] {strides = array<i32>} : memref<3200xf32, #tpu.memory_space<vmem>>, vector<16xf32>,
        %get3A_253 = arith.index_cast %mul3A_246 : i32 to index
        %get3A_254 = tpu.vector_load %arg23[%get3A_253] {strides = array<i32>} : memref<3200xi32, #tpu.memory_space<vmem>>, vector<16xi32>,
        %get3A_255 = arith.index_cast %mul3A_246 : i32 to index
        %get3A_256 = tpu.vector_load %arg24[%get3A_255] {strides = array<i32>} : memref<3200xi32, #tpu.memory_space<vmem>>, vector<16xi32>,
        %gather3A_257 = tpu.vector_load_idx %arg15[%get3A_254] : memref<16xf32, #tpu.memory_space<vmem>>[vector<16xi32>], vector<16xf32>,
        %gather3A_258 = tpu.vector_load_idx %arg16[%get3A_254] : memref<16xf32, #tpu.memory_space<vmem>>[vector<16xi32>], vector<16xf32>,
        %gather3A_259 = tpu.vector_load_idx %arg17[%get3A_254] : memref<16xf32, #tpu.memory_space<vmem>>[vector<16xi32>], vector<16xf32>,
        %gather3A_260 = tpu.vector_load_idx %arg18[%get3A_254] : memref<16xf32, #tpu.memory_space<vmem>>[vector<16xi32>], vector<16xf32>,
        %gather3A_261 = tpu.vector_load_idx %arg19[%get3A_254] : memref<16xf32, #tpu.memory_space<vmem>>[vector<16xi32>], vector<16xf32>,
        %sub3A_262 = arith.constant 1.250000e+00 : f32
        %sub3A_263 = vector.broadcast %sub3A_262 : f32 to vector<16xf32>
        %sub3A_264 = arith.subf %gather3A_258, %sub3A_263 : vector<16xf32>
        %gt3A_265 = arith.cmpf ogt, %get3A_250, %sub3A_264 : vector<16xf32>
        %add3A_266 = arith.constant 7.500000e-01 : f32
        %add3A_267 = vector.broadcast %add3A_266 : f32 to vector<16xf32>
        %add3A_268 = arith.addf %gather3A_258, %add3A_267 : vector<16xf32>
        %lt3A_269 = arith.cmpf olt, %get3A_250, %add3A_268 : vector<16xf32>
        %and3A_270 = arith.andi %gt3A_265, %lt3A_269 : vector<16xi1>
        %sub3A_271 = arith.subf %get3A_248, %gather3A_257 : vector<16xf32>
        %sub3A_272 = arith.subf %get3A_250, %gather3A_258 : vector<16xf32>
        %sub3A_273 = arith.subf %get3A_252, %gather3A_259 : vector<16xf32>
        %mul3A_274 = arith.mulf %gather3A_260, %sub3A_271 : vector<16xf32>
        %mul3A_275 = arith.mulf %gather3A_261, %sub3A_273 : vector<16xf32>
        %add3A_276 = arith.addf %mul3A_274, %mul3A_275 : vector<16xf32>
        %neg3A_277 = arith.constant 0.000000e+00 : f32
        %neg3A_278 = vector.broadcast %neg3A_277 : f32 to vector<16xf32>
        %neg3A_279 = arith.subf %neg3A_278, %gather3A_261 : vector<16xf32>
        %mul3A_280 = arith.mulf %neg3A_279, %sub3A_271 : vector<16xf32>
        %mul3A_281 = arith.mulf %gather3A_260, %sub3A_273 : vector<16xf32>
        %add3A_282 = arith.addf %mul3A_280, %mul3A_281 : vector<16xf32>
        %add3A_283 = arith.constant 1.200000e+01 : f32
        %add3A_284 = vector.broadcast %add3A_283 : f32 to vector<16xf32>
        %add3A_285 = arith.addf %add3A_282, %add3A_284 : vector<16xf32>
        %div3A_286 = arith.constant 1.000000e-01 : f32
        %div3A_287 = vector.broadcast %div3A_286 : f32 to vector<16xf32>
        %div3A_288 = arith.divf %add3A_285, %div3A_287 : vector<16xf32>
        %add3A_289 = arith.constant 1.200000e+01 : f32
        %add3A_290 = vector.broadcast %add3A_289 : f32 to vector<16xf32>
        %add3A_291 = arith.addf %add3A_276, %add3A_290 : vector<16xf32>
        %div3A_292 = arith.constant 1.000000e-01 : f32
        %div3A_293 = vector.broadcast %div3A_292 : f32 to vector<16xf32>
        %div3A_294 = arith.divf %add3A_291, %div3A_293 : vector<16xf32>
        %add3A_295 = arith.constant 0x4B400000 : f32
        %add3A_296 = vector.broadcast %add3A_295 : f32 to vector<16xf32>
        %add3A_297 = arith.addf %div3A_288, %add3A_296 : vector<16xf32>
        %sub3A_298 = arith.constant 0x4B400000 : f32
        %sub3A_299 = vector.broadcast %sub3A_298 : f32 to vector<16xf32>
        %sub3A_300 = arith.subf %add3A_297, %sub3A_299 : vector<16xf32>
        %convert_element_type3A_301 = arith.fptosi %sub3A_300 : vector<16xf32> to vector<16xi32>
        %add3A_302 = arith.constant 0x4B400000 : f32
        %add3A_303 = vector.broadcast %add3A_302 : f32 to vector<16xf32>
        %add3A_304 = arith.addf %div3A_294, %add3A_303 : vector<16xf32>
        %sub3A_305 = arith.constant 0x4B400000 : f32
        %sub3A_306 = vector.broadcast %sub3A_305 : f32 to vector<16xf32>
        %sub3A_307 = arith.subf %add3A_304, %sub3A_306 : vector<16xf32>
        %convert_element_type3A_308 = arith.fptosi %sub3A_307 : vector<16xf32> to vector<16xi32>
        %ge3A_309 = arith.constant 0 : i32
        %ge3A_310 = vector.broadcast %ge3A_309 : i32 to vector<16xi32>
        %ge3A_311 = arith.cmpi sge, %convert_element_type3A_301, %ge3A_310 : vector<16xi32>
        %and3A_312 = arith.andi %and3A_270, %ge3A_311 : vector<16xi1>
        %lt3A_313 = arith.constant 240 : i32
        %lt3A_314 = vector.broadcast %lt3A_313 : i32 to vector<16xi32>
        %lt3A_315 = arith.cmpi slt, %convert_element_type3A_301, %lt3A_314 : vector<16xi32>
        %and3A_316 = arith.andi %and3A_312, %lt3A_315 : vector<16xi1>
        %ge3A_317 = arith.constant 0 : i32
        %ge3A_318 = vector.broadcast %ge3A_317 : i32 to vector<16xi32>
        %ge3A_319 = arith.cmpi sge, %convert_element_type3A_308, %ge3A_318 : vector<16xi32>
        %and3A_320 = arith.andi %and3A_316, %ge3A_319 : vector<16xi1>
        %lt3A_321 = arith.constant 240 : i32
        %lt3A_322 = vector.broadcast %lt3A_321 : i32 to vector<16xi32>
        %lt3A_323 = arith.cmpi slt, %convert_element_type3A_308, %lt3A_322 : vector<16xi32>
        %and3A_324 = arith.andi %and3A_320, %lt3A_323 : vector<16xi1>
        %jit3A_325 = arith.constant 0 : i32
        %jit3A_326 = arith.constant 239 : i32
        %max3A_327 = vector.broadcast %jit3A_325 : i32 to vector<16xi32>
        %max3A_328 = arith.maxsi %max3A_327, %convert_element_type3A_301 : vector<16xi32>
        %min3A_329 = vector.broadcast %jit3A_326 : i32 to vector<16xi32>
        %min3A_330 = arith.minsi %min3A_329, %max3A_328 : vector<16xi32>
        %jit3A_331 = arith.constant 0 : i32
        %jit3A_332 = arith.constant 239 : i32
        %max3A_333 = vector.broadcast %jit3A_331 : i32 to vector<16xi32>
        %max3A_334 = arith.maxsi %max3A_333, %convert_element_type3A_308 : vector<16xi32>
        %min3A_335 = vector.broadcast %jit3A_332 : i32 to vector<16xi32>
        %min3A_336 = arith.minsi %min3A_335, %max3A_334 : vector<16xi32>
        %shift_left3A_337 = arith.constant 21 : i32
        %shift_left3A_338 = vector.broadcast %shift_left3A_337 : i32 to vector<16xi32>
        %shift_left3A_339 = arith.shli %get3A_254, %shift_left3A_338 : vector<16xi32>
        %mul3A_340 = arith.constant 57600 : i32
        %mul3A_341 = vector.broadcast %mul3A_340 : i32 to vector<16xi32>
        %mul3A_342 = arith.muli %get3A_256, %mul3A_341 : vector<16xi32>
        %mul3A_343 = arith.constant 240 : i32
        %mul3A_344 = vector.broadcast %mul3A_343 : i32 to vector<16xi32>
        %mul3A_345 = arith.muli %min3A_330, %mul3A_344 : vector<16xi32>
        %add3A_346 = arith.addi %mul3A_342, %mul3A_345 : vector<16xi32>
        %add3A_347 = arith.addi %add3A_346, %min3A_336 : vector<16xi32>
        %or3A_348 = arith.ori %shift_left3A_339, %add3A_347 : vector<16xi32>
        %swap3A_349 = arith.index_cast %mul3A_246 : i32 to index
        %swap3A_350 = tpu.vector_load %arg25[%swap3A_349] {strides = array<i32>} : memref<3200xi32, #tpu.memory_space<vmem>>, vector<16xi32>,
        tpu.vector_store %arg25[%swap3A_349], %or3A_348 {strides = array<i32>} : memref<3200xi32, #tpu.memory_space<vmem>>, vector<16xi32>,
        %jit3A_351 = arith.constant 0.000000e+00 : f32
        %broadcast_in_dim3A_352 = vector.broadcast %jit3A_351 : f32 to vector<16xf32>
        %select_n3A_353 = arith.select %and3A_324, %sub3A_272, %broadcast_in_dim3A_352 : vector<16xi1>, vector<16xf32>
        %swap3A_354 = arith.index_cast %mul3A_246 : i32 to index
        %swap3A_355 = tpu.vector_load %arg26[%swap3A_354] {strides = array<i32>} : memref<3200xf32, #tpu.memory_space<vmem>>, vector<16xf32>,
        tpu.vector_store %arg26[%swap3A_354], %select_n3A_353 {strides = array<i32>} : memref<3200xf32, #tpu.memory_space<vmem>>, vector<16xf32>,
        %mul3A_356 = arith.constant 5 : i32
        %mul3A_357 = arith.muli %scan3A_139, %mul3A_356 : i32
        %add3A_358 = arith.constant 2 : i32
        %add3A_359 = arith.addi %mul3A_357, %add3A_358 : i32
        %mul3A_360 = arith.constant 16 : i32
        %mul3A_361 = arith.muli %add3A_359, %mul3A_360 : i32
        %get3A_362 = arith.index_cast %mul3A_361 : i32 to index
        %get3A_363 = tpu.vector_load %arg20[%get3A_362] {strides = array<i32>} : memref<3200xf32, #tpu.memory_space<vmem>>, vector<16xf32>,
        %get3A_364 = arith.index_cast %mul3A_361 : i32 to index
        %get3A_365 = tpu.vector_load %arg21[%get3A_364] {strides = array<i32>} : memref<3200xf32, #tpu.memory_space<vmem>>, vector<16xf32>,
        %get3A_366 = arith.index_cast %mul3A_361 : i32 to index
        %get3A_367 = tpu.vector_load %arg22[%get3A_366] {strides = array<i32>} : memref<3200xf32, #tpu.memory_space<vmem>>, vector<16xf32>,
        %get3A_368 = arith.index_cast %mul3A_361 : i32 to index
        %get3A_369 = tpu.vector_load %arg23[%get3A_368] {strides = array<i32>} : memref<3200xi32, #tpu.memory_space<vmem>>, vector<16xi32>,
        %get3A_370 = arith.index_cast %mul3A_361 : i32 to index
        %get3A_371 = tpu.vector_load %arg24[%get3A_370] {strides = array<i32>} : memref<3200xi32, #tpu.memory_space<vmem>>, vector<16xi32>,
        %gather3A_372 = tpu.vector_load_idx %arg15[%get3A_369] : memref<16xf32, #tpu.memory_space<vmem>>[vector<16xi32>], vector<16xf32>,
        %gather3A_373 = tpu.vector_load_idx %arg16[%get3A_369] : memref<16xf32, #tpu.memory_space<vmem>>[vector<16xi32>], vector<16xf32>,
        %gather3A_374 = tpu.vector_load_idx %arg17[%get3A_369] : memref<16xf32, #tpu.memory_space<vmem>>[vector<16xi32>], vector<16xf32>,
        %gather3A_375 = tpu.vector_load_idx %arg18[%get3A_369] : memref<16xf32, #tpu.memory_space<vmem>>[vector<16xi32>], vector<16xf32>,
        %gather3A_376 = tpu.vector_load_idx %arg19[%get3A_369] : memref<16xf32, #tpu.memory_space<vmem>>[vector<16xi32>], vector<16xf32>,
        %sub3A_377 = arith.constant 1.250000e+00 : f32
        %sub3A_378 = vector.broadcast %sub3A_377 : f32 to vector<16xf32>
        %sub3A_379 = arith.subf %gather3A_373, %sub3A_378 : vector<16xf32>
        %gt3A_380 = arith.cmpf ogt, %get3A_365, %sub3A_379 : vector<16xf32>
        %add3A_381 = arith.constant 7.500000e-01 : f32
        %add3A_382 = vector.broadcast %add3A_381 : f32 to vector<16xf32>
        %add3A_383 = arith.addf %gather3A_373, %add3A_382 : vector<16xf32>
        %lt3A_384 = arith.cmpf olt, %get3A_365, %add3A_383 : vector<16xf32>
        %and3A_385 = arith.andi %gt3A_380, %lt3A_384 : vector<16xi1>
        %sub3A_386 = arith.subf %get3A_363, %gather3A_372 : vector<16xf32>
        %sub3A_387 = arith.subf %get3A_365, %gather3A_373 : vector<16xf32>
        %sub3A_388 = arith.subf %get3A_367, %gather3A_374 : vector<16xf32>
        %mul3A_389 = arith.mulf %gather3A_375, %sub3A_386 : vector<16xf32>
        %mul3A_390 = arith.mulf %gather3A_376, %sub3A_388 : vector<16xf32>
        %add3A_391 = arith.addf %mul3A_389, %mul3A_390 : vector<16xf32>
        %neg3A_392 = arith.constant 0.000000e+00 : f32
        %neg3A_393 = vector.broadcast %neg3A_392 : f32 to vector<16xf32>
        %neg3A_394 = arith.subf %neg3A_393, %gather3A_376 : vector<16xf32>
        %mul3A_395 = arith.mulf %neg3A_394, %sub3A_386 : vector<16xf32>
        %mul3A_396 = arith.mulf %gather3A_375, %sub3A_388 : vector<16xf32>
        %add3A_397 = arith.addf %mul3A_395, %mul3A_396 : vector<16xf32>
        %add3A_398 = arith.constant 1.200000e+01 : f32
        %add3A_399 = vector.broadcast %add3A_398 : f32 to vector<16xf32>
        %add3A_400 = arith.addf %add3A_397, %add3A_399 : vector<16xf32>
        %div3A_401 = arith.constant 1.000000e-01 : f32
        %div3A_402 = vector.broadcast %div3A_401 : f32 to vector<16xf32>
        %div3A_403 = arith.divf %add3A_400, %div3A_402 : vector<16xf32>
        %add3A_404 = arith.constant 1.200000e+01 : f32
        %add3A_405 = vector.broadcast %add3A_404 : f32 to vector<16xf32>
        %add3A_406 = arith.addf %add3A_391, %add3A_405 : vector<16xf32>
        %div3A_407 = arith.constant 1.000000e-01 : f32
        %div3A_408 = vector.broadcast %div3A_407 : f32 to vector<16xf32>
        %div3A_409 = arith.divf %add3A_406, %div3A_408 : vector<16xf32>
        %add3A_410 = arith.constant 0x4B400000 : f32
        %add3A_411 = vector.broadcast %add3A_410 : f32 to vector<16xf32>
        %add3A_412 = arith.addf %div3A_403, %add3A_411 : vector<16xf32>
        %sub3A_413 = arith.constant 0x4B400000 : f32
        %sub3A_414 = vector.broadcast %sub3A_413 : f32 to vector<16xf32>
        %sub3A_415 = arith.subf %add3A_412, %sub3A_414 : vector<16xf32>
        %convert_element_type3A_416 = arith.fptosi %sub3A_415 : vector<16xf32> to vector<16xi32>
        %add3A_417 = arith.constant 0x4B400000 : f32
        %add3A_418 = vector.broadcast %add3A_417 : f32 to vector<16xf32>
        %add3A_419 = arith.addf %div3A_409, %add3A_418 : vector<16xf32>
        %sub3A_420 = arith.constant 0x4B400000 : f32
        %sub3A_421 = vector.broadcast %sub3A_420 : f32 to vector<16xf32>
        %sub3A_422 = arith.subf %add3A_419, %sub3A_421 : vector<16xf32>
        %convert_element_type3A_423 = arith.fptosi %sub3A_422 : vector<16xf32> to vector<16xi32>
        %ge3A_424 = arith.constant 0 : i32
        %ge3A_425 = vector.broadcast %ge3A_424 : i32 to vector<16xi32>
        %ge3A_426 = arith.cmpi sge, %convert_element_type3A_416, %ge3A_425 : vector<16xi32>
        %and3A_427 = arith.andi %and3A_385, %ge3A_426 : vector<16xi1>
        %lt3A_428 = arith.constant 240 : i32
        %lt3A_429 = vector.broadcast %lt3A_428 : i32 to vector<16xi32>
        %lt3A_430 = arith.cmpi slt, %convert_element_type3A_416, %lt3A_429 : vector<16xi32>
        %and3A_431 = arith.andi %and3A_427, %lt3A_430 : vector<16xi1>
        %ge3A_432 = arith.constant 0 : i32
        %ge3A_433 = vector.broadcast %ge3A_432 : i32 to vector<16xi32>
        %ge3A_434 = arith.cmpi sge, %convert_element_type3A_423, %ge3A_433 : vector<16xi32>
        %and3A_435 = arith.andi %and3A_431, %ge3A_434 : vector<16xi1>
        %lt3A_436 = arith.constant 240 : i32
        %lt3A_437 = vector.broadcast %lt3A_436 : i32 to vector<16xi32>
        %lt3A_438 = arith.cmpi slt, %convert_element_type3A_423, %lt3A_437 : vector<16xi32>
        %and3A_439 = arith.andi %and3A_435, %lt3A_438 : vector<16xi1>
        %jit3A_440 = arith.constant 0 : i32
        %jit3A_441 = arith.constant 239 : i32
        %max3A_442 = vector.broadcast %jit3A_440 : i32 to vector<16xi32>
        %max3A_443 = arith.maxsi %max3A_442, %convert_element_type3A_416 : vector<16xi32>
        %min3A_444 = vector.broadcast %jit3A_441 : i32 to vector<16xi32>
        %min3A_445 = arith.minsi %min3A_444, %max3A_443 : vector<16xi32>
        %jit3A_446 = arith.constant 0 : i32
        %jit3A_447 = arith.constant 239 : i32
        %max3A_448 = vector.broadcast %jit3A_446 : i32 to vector<16xi32>
        %max3A_449 = arith.maxsi %max3A_448, %convert_element_type3A_423 : vector<16xi32>
        %min3A_450 = vector.broadcast %jit3A_447 : i32 to vector<16xi32>
        %min3A_451 = arith.minsi %min3A_450, %max3A_449 : vector<16xi32>
        %shift_left3A_452 = arith.constant 21 : i32
        %shift_left3A_453 = vector.broadcast %shift_left3A_452 : i32 to vector<16xi32>
        %shift_left3A_454 = arith.shli %get3A_369, %shift_left3A_453 : vector<16xi32>
        %mul3A_455 = arith.constant 57600 : i32
        %mul3A_456 = vector.broadcast %mul3A_455 : i32 to vector<16xi32>
        %mul3A_457 = arith.muli %get3A_371, %mul3A_456 : vector<16xi32>
        %mul3A_458 = arith.constant 240 : i32
        %mul3A_459 = vector.broadcast %mul3A_458 : i32 to vector<16xi32>
        %mul3A_460 = arith.muli %min3A_445, %mul3A_459 : vector<16xi32>
        %add3A_461 = arith.addi %mul3A_457, %mul3A_460 : vector<16xi32>
        %add3A_462 = arith.addi %add3A_461, %min3A_451 : vector<16xi32>
        %or3A_463 = arith.ori %shift_left3A_454, %add3A_462 : vector<16xi32>
        %swap3A_464 = arith.index_cast %mul3A_361 : i32 to index
        %swap3A_465 = tpu.vector_load %arg25[%swap3A_464] {strides = array<i32>} : memref<3200xi32, #tpu.memory_space<vmem>>, vector<16xi32>,
        tpu.vector_store %arg25[%swap3A_464], %or3A_463 {strides = array<i32>} : memref<3200xi32, #tpu.memory_space<vmem>>, vector<16xi32>,
        %jit3A_466 = arith.constant 0.000000e+00 : f32
        %broadcast_in_dim3A_467 = vector.broadcast %jit3A_466 : f32 to vector<16xf32>
        %select_n3A_468 = arith.select %and3A_439, %sub3A_387, %broadcast_in_dim3A_467 : vector<16xi1>, vector<16xf32>
        %swap3A_469 = arith.index_cast %mul3A_361 : i32 to index
        %swap3A_470 = tpu.vector_load %arg26[%swap3A_469] {strides = array<i32>} : memref<3200xf32, #tpu.memory_space<vmem>>, vector<16xf32>,
        tpu.vector_store %arg26[%swap3A_469], %select_n3A_468 {strides = array<i32>} : memref<3200xf32, #tpu.memory_space<vmem>>, vector<16xf32>,
        %mul3A_471 = arith.constant 5 : i32
        %mul3A_472 = arith.muli %scan3A_139, %mul3A_471 : i32
        %add3A_473 = arith.constant 3 : i32
        %add3A_474 = arith.addi %mul3A_472, %add3A_473 : i32
        %mul3A_475 = arith.constant 16 : i32
        %mul3A_476 = arith.muli %add3A_474, %mul3A_475 : i32
        %get3A_477 = arith.index_cast %mul3A_476 : i32 to index
        %get3A_478 = tpu.vector_load %arg20[%get3A_477] {strides = array<i32>} : memref<3200xf32, #tpu.memory_space<vmem>>, vector<16xf32>,
        %get3A_479 = arith.index_cast %mul3A_476 : i32 to index
        %get3A_480 = tpu.vector_load %arg21[%get3A_479] {strides = array<i32>} : memref<3200xf32, #tpu.memory_space<vmem>>, vector<16xf32>,
        %get3A_481 = arith.index_cast %mul3A_476 : i32 to index
        %get3A_482 = tpu.vector_load %arg22[%get3A_481] {strides = array<i32>} : memref<3200xf32, #tpu.memory_space<vmem>>, vector<16xf32>,
        %get3A_483 = arith.index_cast %mul3A_476 : i32 to index
        %get3A_484 = tpu.vector_load %arg23[%get3A_483] {strides = array<i32>} : memref<3200xi32, #tpu.memory_space<vmem>>, vector<16xi32>,
        %get3A_485 = arith.index_cast %mul3A_476 : i32 to index
        %get3A_486 = tpu.vector_load %arg24[%get3A_485] {strides = array<i32>} : memref<3200xi32, #tpu.memory_space<vmem>>, vector<16xi32>,
        %gather3A_487 = tpu.vector_load_idx %arg15[%get3A_484] : memref<16xf32, #tpu.memory_space<vmem>>[vector<16xi32>], vector<16xf32>,
        %gather3A_488 = tpu.vector_load_idx %arg16[%get3A_484] : memref<16xf32, #tpu.memory_space<vmem>>[vector<16xi32>], vector<16xf32>,
        %gather3A_489 = tpu.vector_load_idx %arg17[%get3A_484] : memref<16xf32, #tpu.memory_space<vmem>>[vector<16xi32>], vector<16xf32>,
        %gather3A_490 = tpu.vector_load_idx %arg18[%get3A_484] : memref<16xf32, #tpu.memory_space<vmem>>[vector<16xi32>], vector<16xf32>,
        %gather3A_491 = tpu.vector_load_idx %arg19[%get3A_484] : memref<16xf32, #tpu.memory_space<vmem>>[vector<16xi32>], vector<16xf32>,
        %sub3A_492 = arith.constant 1.250000e+00 : f32
        %sub3A_493 = vector.broadcast %sub3A_492 : f32 to vector<16xf32>
        %sub3A_494 = arith.subf %gather3A_488, %sub3A_493 : vector<16xf32>
        %gt3A_495 = arith.cmpf ogt, %get3A_480, %sub3A_494 : vector<16xf32>
        %add3A_496 = arith.constant 7.500000e-01 : f32
        %add3A_497 = vector.broadcast %add3A_496 : f32 to vector<16xf32>
        %add3A_498 = arith.addf %gather3A_488, %add3A_497 : vector<16xf32>
        %lt3A_499 = arith.cmpf olt, %get3A_480, %add3A_498 : vector<16xf32>
        %and3A_500 = arith.andi %gt3A_495, %lt3A_499 : vector<16xi1>
        %sub3A_501 = arith.subf %get3A_478, %gather3A_487 : vector<16xf32>
        %sub3A_502 = arith.subf %get3A_480, %gather3A_488 : vector<16xf32>
        %sub3A_503 = arith.subf %get3A_482, %gather3A_489 : vector<16xf32>
        %mul3A_504 = arith.mulf %gather3A_490, %sub3A_501 : vector<16xf32>
        %mul3A_505 = arith.mulf %gather3A_491, %sub3A_503 : vector<16xf32>
        %add3A_506 = arith.addf %mul3A_504, %mul3A_505 : vector<16xf32>
        %neg3A_507 = arith.constant 0.000000e+00 : f32
        %neg3A_508 = vector.broadcast %neg3A_507 : f32 to vector<16xf32>
        %neg3A_509 = arith.subf %neg3A_508, %gather3A_491 : vector<16xf32>
        %mul3A_510 = arith.mulf %neg3A_509, %sub3A_501 : vector<16xf32>
        %mul3A_511 = arith.mulf %gather3A_490, %sub3A_503 : vector<16xf32>
        %add3A_512 = arith.addf %mul3A_510, %mul3A_511 : vector<16xf32>
        %add3A_513 = arith.constant 1.200000e+01 : f32
        %add3A_514 = vector.broadcast %add3A_513 : f32 to vector<16xf32>
        %add3A_515 = arith.addf %add3A_512, %add3A_514 : vector<16xf32>
        %div3A_516 = arith.constant 1.000000e-01 : f32
        %div3A_517 = vector.broadcast %div3A_516 : f32 to vector<16xf32>
        %div3A_518 = arith.divf %add3A_515, %div3A_517 : vector<16xf32>
        %add3A_519 = arith.constant 1.200000e+01 : f32
        %add3A_520 = vector.broadcast %add3A_519 : f32 to vector<16xf32>
        %add3A_521 = arith.addf %add3A_506, %add3A_520 : vector<16xf32>
        %div3A_522 = arith.constant 1.000000e-01 : f32
        %div3A_523 = vector.broadcast %div3A_522 : f32 to vector<16xf32>
        %div3A_524 = arith.divf %add3A_521, %div3A_523 : vector<16xf32>
        %add3A_525 = arith.constant 0x4B400000 : f32
        %add3A_526 = vector.broadcast %add3A_525 : f32 to vector<16xf32>
        %add3A_527 = arith.addf %div3A_518, %add3A_526 : vector<16xf32>
        %sub3A_528 = arith.constant 0x4B400000 : f32
        %sub3A_529 = vector.broadcast %sub3A_528 : f32 to vector<16xf32>
        %sub3A_530 = arith.subf %add3A_527, %sub3A_529 : vector<16xf32>
        %convert_element_type3A_531 = arith.fptosi %sub3A_530 : vector<16xf32> to vector<16xi32>
        %add3A_532 = arith.constant 0x4B400000 : f32
        %add3A_533 = vector.broadcast %add3A_532 : f32 to vector<16xf32>
        %add3A_534 = arith.addf %div3A_524, %add3A_533 : vector<16xf32>
        %sub3A_535 = arith.constant 0x4B400000 : f32
        %sub3A_536 = vector.broadcast %sub3A_535 : f32 to vector<16xf32>
        %sub3A_537 = arith.subf %add3A_534, %sub3A_536 : vector<16xf32>
        %convert_element_type3A_538 = arith.fptosi %sub3A_537 : vector<16xf32> to vector<16xi32>
        %ge3A_539 = arith.constant 0 : i32
        %ge3A_540 = vector.broadcast %ge3A_539 : i32 to vector<16xi32>
        %ge3A_541 = arith.cmpi sge, %convert_element_type3A_531, %ge3A_540 : vector<16xi32>
        %and3A_542 = arith.andi %and3A_500, %ge3A_541 : vector<16xi1>
        %lt3A_543 = arith.constant 240 : i32
        %lt3A_544 = vector.broadcast %lt3A_543 : i32 to vector<16xi32>
        %lt3A_545 = arith.cmpi slt, %convert_element_type3A_531, %lt3A_544 : vector<16xi32>
        %and3A_546 = arith.andi %and3A_542, %lt3A_545 : vector<16xi1>
        %ge3A_547 = arith.constant 0 : i32
        %ge3A_548 = vector.broadcast %ge3A_547 : i32 to vector<16xi32>
        %ge3A_549 = arith.cmpi sge, %convert_element_type3A_538, %ge3A_548 : vector<16xi32>
        %and3A_550 = arith.andi %and3A_546, %ge3A_549 : vector<16xi1>
        %lt3A_551 = arith.constant 240 : i32
        %lt3A_552 = vector.broadcast %lt3A_551 : i32 to vector<16xi32>
        %lt3A_553 = arith.cmpi slt, %convert_element_type3A_538, %lt3A_552 : vector<16xi32>
        %and3A_554 = arith.andi %and3A_550, %lt3A_553 : vector<16xi1>
        %jit3A_555 = arith.constant 0 : i32
        %jit3A_556 = arith.constant 239 : i32
        %max3A_557 = vector.broadcast %jit3A_555 : i32 to vector<16xi32>
        %max3A_558 = arith.maxsi %max3A_557, %convert_element_type3A_531 : vector<16xi32>
        %min3A_559 = vector.broadcast %jit3A_556 : i32 to vector<16xi32>
        %min3A_560 = arith.minsi %min3A_559, %max3A_558 : vector<16xi32>
        %jit3A_561 = arith.constant 0 : i32
        %jit3A_562 = arith.constant 239 : i32
        %max3A_563 = vector.broadcast %jit3A_561 : i32 to vector<16xi32>
        %max3A_564 = arith.maxsi %max3A_563, %convert_element_type3A_538 : vector<16xi32>
        %min3A_565 = vector.broadcast %jit3A_562 : i32 to vector<16xi32>
        %min3A_566 = arith.minsi %min3A_565, %max3A_564 : vector<16xi32>
        %shift_left3A_567 = arith.constant 21 : i32
        %shift_left3A_568 = vector.broadcast %shift_left3A_567 : i32 to vector<16xi32>
        %shift_left3A_569 = arith.shli %get3A_484, %shift_left3A_568 : vector<16xi32>
        %mul3A_570 = arith.constant 57600 : i32
        %mul3A_571 = vector.broadcast %mul3A_570 : i32 to vector<16xi32>
        %mul3A_572 = arith.muli %get3A_486, %mul3A_571 : vector<16xi32>
        %mul3A_573 = arith.constant 240 : i32
        %mul3A_574 = vector.broadcast %mul3A_573 : i32 to vector<16xi32>
        %mul3A_575 = arith.muli %min3A_560, %mul3A_574 : vector<16xi32>
        %add3A_576 = arith.addi %mul3A_572, %mul3A_575 : vector<16xi32>
        %add3A_577 = arith.addi %add3A_576, %min3A_566 : vector<16xi32>
        %or3A_578 = arith.ori %shift_left3A_569, %add3A_577 : vector<16xi32>
        %swap3A_579 = arith.index_cast %mul3A_476 : i32 to index
        %swap3A_580 = tpu.vector_load %arg25[%swap3A_579] {strides = array<i32>} : memref<3200xi32, #tpu.memory_space<vmem>>, vector<16xi32>,
        tpu.vector_store %arg25[%swap3A_579], %or3A_578 {strides = array<i32>} : memref<3200xi32, #tpu.memory_space<vmem>>, vector<16xi32>,
        %jit3A_581 = arith.constant 0.000000e+00 : f32
        %broadcast_in_dim3A_582 = vector.broadcast %jit3A_581 : f32 to vector<16xf32>
        %select_n3A_583 = arith.select %and3A_554, %sub3A_502, %broadcast_in_dim3A_582 : vector<16xi1>, vector<16xf32>
        %swap3A_584 = arith.index_cast %mul3A_476 : i32 to index
        %swap3A_585 = tpu.vector_load %arg26[%swap3A_584] {strides = array<i32>} : memref<3200xf32, #tpu.memory_space<vmem>>, vector<16xf32>,
        tpu.vector_store %arg26[%swap3A_584], %select_n3A_583 {strides = array<i32>} : memref<3200xf32, #tpu.memory_space<vmem>>, vector<16xf32>,
        %mul3A_586 = arith.constant 5 : i32
        %mul3A_587 = arith.muli %scan3A_139, %mul3A_586 : i32
        %add3A_588 = arith.constant 4 : i32
        %add3A_589 = arith.addi %mul3A_587, %add3A_588 : i32
        %mul3A_590 = arith.constant 16 : i32
        %mul3A_591 = arith.muli %add3A_589, %mul3A_590 : i32
        %get3A_592 = arith.index_cast %mul3A_591 : i32 to index
        %get3A_593 = tpu.vector_load %arg20[%get3A_592] {strides = array<i32>} : memref<3200xf32, #tpu.memory_space<vmem>>, vector<16xf32>,
        %get3A_594 = arith.index_cast %mul3A_591 : i32 to index
        %get3A_595 = tpu.vector_load %arg21[%get3A_594] {strides = array<i32>} : memref<3200xf32, #tpu.memory_space<vmem>>, vector<16xf32>,
        %get3A_596 = arith.index_cast %mul3A_591 : i32 to index
        %get3A_597 = tpu.vector_load %arg22[%get3A_596] {strides = array<i32>} : memref<3200xf32, #tpu.memory_space<vmem>>, vector<16xf32>,
        %get3A_598 = arith.index_cast %mul3A_591 : i32 to index
        %get3A_599 = tpu.vector_load %arg23[%get3A_598] {strides = array<i32>} : memref<3200xi32, #tpu.memory_space<vmem>>, vector<16xi32>,
        %get3A_600 = arith.index_cast %mul3A_591 : i32 to index
        %get3A_601 = tpu.vector_load %arg24[%get3A_600] {strides = array<i32>} : memref<3200xi32, #tpu.memory_space<vmem>>, vector<16xi32>,
        %gather3A_602 = tpu.vector_load_idx %arg15[%get3A_599] : memref<16xf32, #tpu.memory_space<vmem>>[vector<16xi32>], vector<16xf32>,
        %gather3A_603 = tpu.vector_load_idx %arg16[%get3A_599] : memref<16xf32, #tpu.memory_space<vmem>>[vector<16xi32>], vector<16xf32>,
        %gather3A_604 = tpu.vector_load_idx %arg17[%get3A_599] : memref<16xf32, #tpu.memory_space<vmem>>[vector<16xi32>], vector<16xf32>,
        %gather3A_605 = tpu.vector_load_idx %arg18[%get3A_599] : memref<16xf32, #tpu.memory_space<vmem>>[vector<16xi32>], vector<16xf32>,
        %gather3A_606 = tpu.vector_load_idx %arg19[%get3A_599] : memref<16xf32, #tpu.memory_space<vmem>>[vector<16xi32>], vector<16xf32>,
        %sub3A_607 = arith.constant 1.250000e+00 : f32
        %sub3A_608 = vector.broadcast %sub3A_607 : f32 to vector<16xf32>
        %sub3A_609 = arith.subf %gather3A_603, %sub3A_608 : vector<16xf32>
        %gt3A_610 = arith.cmpf ogt, %get3A_595, %sub3A_609 : vector<16xf32>
        %add3A_611 = arith.constant 7.500000e-01 : f32
        %add3A_612 = vector.broadcast %add3A_611 : f32 to vector<16xf32>
        %add3A_613 = arith.addf %gather3A_603, %add3A_612 : vector<16xf32>
        %lt3A_614 = arith.cmpf olt, %get3A_595, %add3A_613 : vector<16xf32>
        %and3A_615 = arith.andi %gt3A_610, %lt3A_614 : vector<16xi1>
        %sub3A_616 = arith.subf %get3A_593, %gather3A_602 : vector<16xf32>
        %sub3A_617 = arith.subf %get3A_595, %gather3A_603 : vector<16xf32>
        %sub3A_618 = arith.subf %get3A_597, %gather3A_604 : vector<16xf32>
        %mul3A_619 = arith.mulf %gather3A_605, %sub3A_616 : vector<16xf32>
        %mul3A_620 = arith.mulf %gather3A_606, %sub3A_618 : vector<16xf32>
        %add3A_621 = arith.addf %mul3A_619, %mul3A_620 : vector<16xf32>
        %neg3A_622 = arith.constant 0.000000e+00 : f32
        %neg3A_623 = vector.broadcast %neg3A_622 : f32 to vector<16xf32>
        %neg3A_624 = arith.subf %neg3A_623, %gather3A_606 : vector<16xf32>
        %mul3A_625 = arith.mulf %neg3A_624, %sub3A_616 : vector<16xf32>
        %mul3A_626 = arith.mulf %gather3A_605, %sub3A_618 : vector<16xf32>
        %add3A_627 = arith.addf %mul3A_625, %mul3A_626 : vector<16xf32>
        %add3A_628 = arith.constant 1.200000e+01 : f32
        %add3A_629 = vector.broadcast %add3A_628 : f32 to vector<16xf32>
        %add3A_630 = arith.addf %add3A_627, %add3A_629 : vector<16xf32>
        %div3A_631 = arith.constant 1.000000e-01 : f32
        %div3A_632 = vector.broadcast %div3A_631 : f32 to vector<16xf32>
        %div3A_633 = arith.divf %add3A_630, %div3A_632 : vector<16xf32>
        %add3A_634 = arith.constant 1.200000e+01 : f32
        %add3A_635 = vector.broadcast %add3A_634 : f32 to vector<16xf32>
        %add3A_636 = arith.addf %add3A_621, %add3A_635 : vector<16xf32>
        %div3A_637 = arith.constant 1.000000e-01 : f32
        %div3A_638 = vector.broadcast %div3A_637 : f32 to vector<16xf32>
        %div3A_639 = arith.divf %add3A_636, %div3A_638 : vector<16xf32>
        %add3A_640 = arith.constant 0x4B400000 : f32
        %add3A_641 = vector.broadcast %add3A_640 : f32 to vector<16xf32>
        %add3A_642 = arith.addf %div3A_633, %add3A_641 : vector<16xf32>
        %sub3A_643 = arith.constant 0x4B400000 : f32
        %sub3A_644 = vector.broadcast %sub3A_643 : f32 to vector<16xf32>
        %sub3A_645 = arith.subf %add3A_642, %sub3A_644 : vector<16xf32>
        %convert_element_type3A_646 = arith.fptosi %sub3A_645 : vector<16xf32> to vector<16xi32>
        %add3A_647 = arith.constant 0x4B400000 : f32
        %add3A_648 = vector.broadcast %add3A_647 : f32 to vector<16xf32>
        %add3A_649 = arith.addf %div3A_639, %add3A_648 : vector<16xf32>
        %sub3A_650 = arith.constant 0x4B400000 : f32
        %sub3A_651 = vector.broadcast %sub3A_650 : f32 to vector<16xf32>
        %sub3A_652 = arith.subf %add3A_649, %sub3A_651 : vector<16xf32>
        %convert_element_type3A_653 = arith.fptosi %sub3A_652 : vector<16xf32> to vector<16xi32>
        %ge3A_654 = arith.constant 0 : i32
        %ge3A_655 = vector.broadcast %ge3A_654 : i32 to vector<16xi32>
        %ge3A_656 = arith.cmpi sge, %convert_element_type3A_646, %ge3A_655 : vector<16xi32>
        %and3A_657 = arith.andi %and3A_615, %ge3A_656 : vector<16xi1>
        %lt3A_658 = arith.constant 240 : i32
        %lt3A_659 = vector.broadcast %lt3A_658 : i32 to vector<16xi32>
        %lt3A_660 = arith.cmpi slt, %convert_element_type3A_646, %lt3A_659 : vector<16xi32>
        %and3A_661 = arith.andi %and3A_657, %lt3A_660 : vector<16xi1>
        %ge3A_662 = arith.constant 0 : i32
        %ge3A_663 = vector.broadcast %ge3A_662 : i32 to vector<16xi32>
        %ge3A_664 = arith.cmpi sge, %convert_element_type3A_653, %ge3A_663 : vector<16xi32>
        %and3A_665 = arith.andi %and3A_661, %ge3A_664 : vector<16xi1>
        %lt3A_666 = arith.constant 240 : i32
        %lt3A_667 = vector.broadcast %lt3A_666 : i32 to vector<16xi32>
        %lt3A_668 = arith.cmpi slt, %convert_element_type3A_653, %lt3A_667 : vector<16xi32>
        %and3A_669 = arith.andi %and3A_665, %lt3A_668 : vector<16xi1>
        %jit3A_670 = arith.constant 0 : i32
        %jit3A_671 = arith.constant 239 : i32
        %max3A_672 = vector.broadcast %jit3A_670 : i32 to vector<16xi32>
        %max3A_673 = arith.maxsi %max3A_672, %convert_element_type3A_646 : vector<16xi32>
        %min3A_674 = vector.broadcast %jit3A_671 : i32 to vector<16xi32>
        %min3A_675 = arith.minsi %min3A_674, %max3A_673 : vector<16xi32>
        %jit3A_676 = arith.constant 0 : i32
        %jit3A_677 = arith.constant 239 : i32
        %max3A_678 = vector.broadcast %jit3A_676 : i32 to vector<16xi32>
        %max3A_679 = arith.maxsi %max3A_678, %convert_element_type3A_653 : vector<16xi32>
        %min3A_680 = vector.broadcast %jit3A_677 : i32 to vector<16xi32>
        %min3A_681 = arith.minsi %min3A_680, %max3A_679 : vector<16xi32>
        %shift_left3A_682 = arith.constant 21 : i32
        %shift_left3A_683 = vector.broadcast %shift_left3A_682 : i32 to vector<16xi32>
        %shift_left3A_684 = arith.shli %get3A_599, %shift_left3A_683 : vector<16xi32>
        %mul3A_685 = arith.constant 57600 : i32
        %mul3A_686 = vector.broadcast %mul3A_685 : i32 to vector<16xi32>
        %mul3A_687 = arith.muli %get3A_601, %mul3A_686 : vector<16xi32>
        %mul3A_688 = arith.constant 240 : i32
        %mul3A_689 = vector.broadcast %mul3A_688 : i32 to vector<16xi32>
        %mul3A_690 = arith.muli %min3A_675, %mul3A_689 : vector<16xi32>
        %add3A_691 = arith.addi %mul3A_687, %mul3A_690 : vector<16xi32>
        %add3A_692 = arith.addi %add3A_691, %min3A_681 : vector<16xi32>
        %or3A_693 = arith.ori %shift_left3A_684, %add3A_692 : vector<16xi32>
        %swap3A_694 = arith.index_cast %mul3A_591 : i32 to index
        %swap3A_695 = tpu.vector_load %arg25[%swap3A_694] {strides = array<i32>} : memref<3200xi32, #tpu.memory_space<vmem>>, vector<16xi32>,
        tpu.vector_store %arg25[%swap3A_694], %or3A_693 {strides = array<i32>} : memref<3200xi32, #tpu.memory_space<vmem>>, vector<16xi32>,
        %jit3A_696 = arith.constant 0.000000e+00 : f32
        %broadcast_in_dim3A_697 = vector.broadcast %jit3A_696 : f32 to vector<16xf32>
        %select_n3A_698 = arith.select %and3A_669, %sub3A_617, %broadcast_in_dim3A_697 : vector<16xi1>, vector<16xf32>
        %swap3A_699 = arith.index_cast %mul3A_591 : i32 to index
        %swap3A_700 = tpu.vector_load %arg26[%swap3A_699] {strides = array<i32>} : memref<3200xf32, #tpu.memory_space<vmem>>, vector<16xf32>,
        tpu.vector_store %arg26[%swap3A_699], %select_n3A_698 {strides = array<i32>} : memref<3200xf32, #tpu.memory_space<vmem>>, vector<16xf32>,
        %scan3A_701 = arith.constant 0 : i32
        scf.yield %scan3A_701 : i32
      }
      %scan3A_83 = arith.constant 40 : i32
      %mul3A_84 = arith.constant 3200 : i32
      %mul3A_85 = arith.muli %add3A_59, %mul3A_84 : i32
      %add3A_86 = arith.addi %add3A, %mul3A_85 : i32
      %dma_start3A_87 = tpu.memref_slice %arg13[%add3A_86] : memref<2048000xi32, #tpu.memory_space<hbm>> -> memref<3200xi32, #tpu.memory_space<hbm>>
      %dma_start3A_88 = tpu.memref_slice %arg13[%add3A_86] : memref<2048000xi32, #tpu.memory_space<hbm>> -> memref<3200xi32, #tpu.memory_space<hbm>>
      tpu.enqueue_dma source(%arg25 : memref<3200xi32, #tpu.memory_space<vmem>>) target(%dma_start3A_88 : memref<3200xi32, #tpu.memory_space<hbm>>) target_semaphore(%arg39 : memref<!tpu.dma_semaphore, #tpu.memory_space<semaphore_mem>>)
      %dma_start3A_89 = tpu.memref_slice %arg14[%add3A_86] : memref<2048000xf32, #tpu.memory_space<hbm>> -> memref<3200xf32, #tpu.memory_space<hbm>>
      %dma_start3A_90 = tpu.memref_slice %arg14[%add3A_86] : memref<2048000xf32, #tpu.memory_space<hbm>> -> memref<3200xf32, #tpu.memory_space<hbm>>
      tpu.enqueue_dma source(%arg26 : memref<3200xf32, #tpu.memory_space<vmem>>) target(%dma_start3A_90 : memref<3200xf32, #tpu.memory_space<hbm>>) target_semaphore(%arg39 : memref<!tpu.dma_semaphore, #tpu.memory_space<semaphore_mem>>)
      %lt3A = arith.constant 9 : i32
      %lt3A_91 = arith.cmpi slt, %scan3A_54, %lt3A : i32
      %convert_element_type3A_92 = arith.extui %lt3A_91 : i1 to i32
      %cond3A_93 = arith.constant 0 : i32
      %cond3A_94 = arith.cmpi ne, %convert_element_type3A_92, %cond3A_93 : i32
      scf.if %cond3A_94 {
        %add3A_139 = arith.constant 2 : i32
        %add3A_140 = arith.addi %add3A_59, %add3A_139 : i32
        %mul3A_141 = arith.constant 64000 : i32
        %mul3A_142 = arith.muli %arg1, %mul3A_141 : i32
        %mul3A_143 = arith.constant 3200 : i32
        %mul3A_144 = arith.muli %add3A_140, %mul3A_143 : i32
        %add3A_145 = arith.addi %mul3A_142, %mul3A_144 : i32
        %dma_start3A_146 = tpu.memref_slice %arg2[%add3A_145] : memref<1024000xf32, #tpu.memory_space<hbm>> -> memref<3200xf32, #tpu.memory_space<hbm>>
        %dma_start3A_147 = tpu.memref_slice %arg2[%add3A_145] : memref<1024000xf32, #tpu.memory_space<hbm>> -> memref<3200xf32, #tpu.memory_space<hbm>>
        tpu.enqueue_dma source(%dma_start3A_147 : memref<3200xf32, #tpu.memory_space<hbm>>) target(%arg20 : memref<3200xf32, #tpu.memory_space<vmem>>) target_semaphore(%arg37 : memref<!tpu.dma_semaphore, #tpu.memory_space<semaphore_mem>>)
        %dma_start3A_148 = tpu.memref_slice %arg3[%add3A_145] : memref<1024000xf32, #tpu.memory_space<hbm>> -> memref<3200xf32, #tpu.memory_space<hbm>>
        %dma_start3A_149 = tpu.memref_slice %arg3[%add3A_145] : memref<1024000xf32, #tpu.memory_space<hbm>> -> memref<3200xf32, #tpu.memory_space<hbm>>
        tpu.enqueue_dma source(%dma_start3A_149 : memref<3200xf32, #tpu.memory_space<hbm>>) target(%arg21 : memref<3200xf32, #tpu.memory_space<vmem>>) target_semaphore(%arg37 : memref<!tpu.dma_semaphore, #tpu.memory_space<semaphore_mem>>)
        %dma_start3A_150 = tpu.memref_slice %arg4[%add3A_145] : memref<1024000xf32, #tpu.memory_space<hbm>> -> memref<3200xf32, #tpu.memory_space<hbm>>
        %dma_start3A_151 = tpu.memref_slice %arg4[%add3A_145] : memref<1024000xf32, #tpu.memory_space<hbm>> -> memref<3200xf32, #tpu.memory_space<hbm>>
        tpu.enqueue_dma source(%dma_start3A_151 : memref<3200xf32, #tpu.memory_space<hbm>>) target(%arg22 : memref<3200xf32, #tpu.memory_space<vmem>>) target_semaphore(%arg37 : memref<!tpu.dma_semaphore, #tpu.memory_space<semaphore_mem>>)
        %dma_start3A_152 = tpu.memref_slice %arg5[%add3A_145] : memref<1024000xi32, #tpu.memory_space<hbm>> -> memref<3200xi32, #tpu.memory_space<hbm>>
        %dma_start3A_153 = tpu.memref_slice %arg5[%add3A_145] : memref<1024000xi32, #tpu.memory_space<hbm>> -> memref<3200xi32, #tpu.memory_space<hbm>>
        tpu.enqueue_dma source(%dma_start3A_153 : memref<3200xi32, #tpu.memory_space<hbm>>) target(%arg23 : memref<3200xi32, #tpu.memory_space<vmem>>) target_semaphore(%arg37 : memref<!tpu.dma_semaphore, #tpu.memory_space<semaphore_mem>>)
        %dma_start3A_154 = tpu.memref_slice %arg6[%add3A_145] : memref<1024000xi32, #tpu.memory_space<hbm>> -> memref<3200xi32, #tpu.memory_space<hbm>>
        %dma_start3A_155 = tpu.memref_slice %arg6[%add3A_145] : memref<1024000xi32, #tpu.memory_space<hbm>> -> memref<3200xi32, #tpu.memory_space<hbm>>
        tpu.enqueue_dma source(%dma_start3A_155 : memref<3200xi32, #tpu.memory_space<hbm>>) target(%arg24 : memref<3200xi32, #tpu.memory_space<vmem>>) target_semaphore(%arg37 : memref<!tpu.dma_semaphore, #tpu.memory_space<semaphore_mem>>)
      } else {
      }
      %mul3A_95 = arith.constant 2 : i32
      %mul3A_96 = arith.muli %scan3A_54, %mul3A_95 : i32
      %add3A_97 = arith.constant 1 : i32
      %add3A_98 = arith.addi %mul3A_96, %add3A_97 : i32
      %gt3A_99 = arith.constant 0 : i32
      %gt3A_100 = arith.cmpi sgt, %scan3A_54, %gt3A_99 : i32
      %convert_element_type3A_101 = arith.extui %gt3A_100 : i1 to i32
      %cond3A_102 = arith.constant 0 : i32
      %cond3A_103 = arith.cmpi ne, %convert_element_type3A_101, %cond3A_102 : i32
      scf.if %cond3A_103 {
        %sub3A = arith.constant 2 : i32
        %sub3A_139 = arith.subi %add3A_98, %sub3A : i32
        %mul3A_140 = arith.constant 3200 : i32
        %mul3A_141 = arith.muli %sub3A_139, %mul3A_140 : i32
        %add3A_142 = arith.addi %add3A, %mul3A_141 : i32
        %dma_wait3A_143 = tpu.memref_slice %arg13[%add3A_142] : memref<2048000xi32, #tpu.memory_space<hbm>> -> memref<3200xi32, #tpu.memory_space<hbm>>
        %dma_wait3A_144 = tpu.memref_slice %arg13[%add3A_142] : memref<2048000xi32, #tpu.memory_space<hbm>> -> memref<3200xi32, #tpu.memory_space<hbm>>
        tpu.wait_dma2 semaphore(%arg40 : memref<!tpu.dma_semaphore, #tpu.memory_space<semaphore_mem>>) src(%arg32 : memref<3200xi32, #tpu.memory_space<vmem>>) dst(%dma_wait3A_144 : memref<3200xi32, #tpu.memory_space<hbm>>)
        %dma_wait3A_145 = tpu.memref_slice %arg14[%add3A_142] : memref<2048000xf32, #tpu.memory_space<hbm>> -> memref<3200xf32, #tpu.memory_space<hbm>>
        %dma_wait3A_146 = tpu.memref_slice %arg14[%add3A_142] : memref<2048000xf32, #tpu.memory_space<hbm>> -> memref<3200xf32, #tpu.memory_space<hbm>>
        tpu.wait_dma2 semaphore(%arg40 : memref<!tpu.dma_semaphore, #tpu.memory_space<semaphore_mem>>) src(%arg33 : memref<3200xf32, #tpu.memory_space<vmem>>) dst(%dma_wait3A_146 : memref<3200xf32, #tpu.memory_space<hbm>>)
      } else {
      }
      %mul3A_104 = arith.constant 64000 : i32
      %mul3A_105 = arith.muli %arg1, %mul3A_104 : i32
      %mul3A_106 = arith.constant 3200 : i32
      %mul3A_107 = arith.muli %add3A_98, %mul3A_106 : i32
      %add3A_108 = arith.addi %mul3A_105, %mul3A_107 : i32
      %dma_wait3A_109 = tpu.memref_slice %arg2[%add3A_108] : memref<1024000xf32, #tpu.memory_space<hbm>> -> memref<3200xf32, #tpu.memory_space<hbm>>
      %dma_wait3A_110 = tpu.memref_slice %arg2[%add3A_108] : memref<1024000xf32, #tpu.memory_space<hbm>> -> memref<3200xf32, #tpu.memory_space<hbm>>
      tpu.wait_dma2 semaphore(%arg38 : memref<!tpu.dma_semaphore, #tpu.memory_space<semaphore_mem>>) src(%dma_wait3A_110 : memref<3200xf32, #tpu.memory_space<hbm>>) dst(%arg27 : memref<3200xf32, #tpu.memory_space<vmem>>)
      %dma_wait3A_111 = tpu.memref_slice %arg3[%add3A_108] : memref<1024000xf32, #tpu.memory_space<hbm>> -> memref<3200xf32, #tpu.memory_space<hbm>>
      %dma_wait3A_112 = tpu.memref_slice %arg3[%add3A_108] : memref<1024000xf32, #tpu.memory_space<hbm>> -> memref<3200xf32, #tpu.memory_space<hbm>>
      tpu.wait_dma2 semaphore(%arg38 : memref<!tpu.dma_semaphore, #tpu.memory_space<semaphore_mem>>) src(%dma_wait3A_112 : memref<3200xf32, #tpu.memory_space<hbm>>) dst(%arg28 : memref<3200xf32, #tpu.memory_space<vmem>>)
      %dma_wait3A_113 = tpu.memref_slice %arg4[%add3A_108] : memref<1024000xf32, #tpu.memory_space<hbm>> -> memref<3200xf32, #tpu.memory_space<hbm>>
      %dma_wait3A_114 = tpu.memref_slice %arg4[%add3A_108] : memref<1024000xf32, #tpu.memory_space<hbm>> -> memref<3200xf32, #tpu.memory_space<hbm>>
      tpu.wait_dma2 semaphore(%arg38 : memref<!tpu.dma_semaphore, #tpu.memory_space<semaphore_mem>>) src(%dma_wait3A_114 : memref<3200xf32, #tpu.memory_space<hbm>>) dst(%arg29 : memref<3200xf32, #tpu.memory_space<vmem>>)
      %dma_wait3A_115 = tpu.memref_slice %arg5[%add3A_108] : memref<1024000xi32, #tpu.memory_space<hbm>> -> memref<3200xi32, #tpu.memory_space<hbm>>
      %dma_wait3A_116 = tpu.memref_slice %arg5[%add3A_108] : memref<1024000xi32, #tpu.memory_space<hbm>> -> memref<3200xi32, #tpu.memory_space<hbm>>
      tpu.wait_dma2 semaphore(%arg38 : memref<!tpu.dma_semaphore, #tpu.memory_space<semaphore_mem>>) src(%dma_wait3A_116 : memref<3200xi32, #tpu.memory_space<hbm>>) dst(%arg30 : memref<3200xi32, #tpu.memory_space<vmem>>)
      %dma_wait3A_117 = tpu.memref_slice %arg6[%add3A_108] : memref<1024000xi32, #tpu.memory_space<hbm>> -> memref<3200xi32, #tpu.memory_space<hbm>>
      %dma_wait3A_118 = tpu.memref_slice %arg6[%add3A_108] : memref<1024000xi32, #tpu.memory_space<hbm>> -> memref<3200xi32, #tpu.memory_space<hbm>>
      tpu.wait_dma2 semaphore(%arg38 : memref<!tpu.dma_semaphore, #tpu.memory_space<semaphore_mem>>) src(%dma_wait3A_118 : memref<3200xi32, #tpu.memory_space<hbm>>) dst(%arg31 : memref<3200xi32, #tpu.memory_space<vmem>>)
      %scan3A_119 = arith.constant 0 : i32
      %scan3A_120 = arith.constant 0 : i32
      %scan3A_121 = arith.constant 40 : i32
      %scan3A_122 = arith.addi %scan3A_120, %scan3A_121 : i32
      %scan3A_123 = arith.constant 1 : i32
      %scan3A_124 = scf.for %scan3A_139 = %scan3A_120 to %scan3A_122 step %scan3A_123 iter_args(%scan3A_140 = %scan3A_119) -> (i32)  : i32 {
        %mul3A_141 = arith.constant 5 : i32
        %mul3A_142 = arith.muli %scan3A_139, %mul3A_141 : i32
        %add3A_143 = arith.constant 0 : i32
        %add3A_144 = arith.addi %mul3A_142, %add3A_143 : i32
        %mul3A_145 = arith.constant 16 : i32
        %mul3A_146 = arith.muli %add3A_144, %mul3A_145 : i32
        %get3A = arith.index_cast %mul3A_146 : i32 to index
        %get3A_147 = tpu.vector_load %arg27[%get3A] {strides = array<i32>} : memref<3200xf32, #tpu.memory_space<vmem>>, vector<16xf32>,
        %get3A_148 = arith.index_cast %mul3A_146 : i32 to index
        %get3A_149 = tpu.vector_load %arg28[%get3A_148] {strides = array<i32>} : memref<3200xf32, #tpu.memory_space<vmem>>, vector<16xf32>,
        %get3A_150 = arith.index_cast %mul3A_146 : i32 to index
        %get3A_151 = tpu.vector_load %arg29[%get3A_150] {strides = array<i32>} : memref<3200xf32, #tpu.memory_space<vmem>>, vector<16xf32>,
        %get3A_152 = arith.index_cast %mul3A_146 : i32 to index
        %get3A_153 = tpu.vector_load %arg30[%get3A_152] {strides = array<i32>} : memref<3200xi32, #tpu.memory_space<vmem>>, vector<16xi32>,
        %get3A_154 = arith.index_cast %mul3A_146 : i32 to index
        %get3A_155 = tpu.vector_load %arg31[%get3A_154] {strides = array<i32>} : memref<3200xi32, #tpu.memory_space<vmem>>, vector<16xi32>,
        %gather3A = tpu.vector_load_idx %arg15[%get3A_153] : memref<16xf32, #tpu.memory_space<vmem>>[vector<16xi32>], vector<16xf32>,
        %gather3A_156 = tpu.vector_load_idx %arg16[%get3A_153] : memref<16xf32, #tpu.memory_space<vmem>>[vector<16xi32>], vector<16xf32>,
        %gather3A_157 = tpu.vector_load_idx %arg17[%get3A_153] : memref<16xf32, #tpu.memory_space<vmem>>[vector<16xi32>], vector<16xf32>,
        %gather3A_158 = tpu.vector_load_idx %arg18[%get3A_153] : memref<16xf32, #tpu.memory_space<vmem>>[vector<16xi32>], vector<16xf32>,
        %gather3A_159 = tpu.vector_load_idx %arg19[%get3A_153] : memref<16xf32, #tpu.memory_space<vmem>>[vector<16xi32>], vector<16xf32>,
        %sub3A = arith.constant 1.250000e+00 : f32
        %sub3A_160 = vector.broadcast %sub3A : f32 to vector<16xf32>
        %sub3A_161 = arith.subf %gather3A_156, %sub3A_160 : vector<16xf32>
        %gt3A_162 = arith.cmpf ogt, %get3A_149, %sub3A_161 : vector<16xf32>
        %add3A_163 = arith.constant 7.500000e-01 : f32
        %add3A_164 = vector.broadcast %add3A_163 : f32 to vector<16xf32>
        %add3A_165 = arith.addf %gather3A_156, %add3A_164 : vector<16xf32>
        %lt3A_166 = arith.cmpf olt, %get3A_149, %add3A_165 : vector<16xf32>
        %and3A = arith.andi %gt3A_162, %lt3A_166 : vector<16xi1>
        %sub3A_167 = arith.subf %get3A_147, %gather3A : vector<16xf32>
        %sub3A_168 = arith.subf %get3A_149, %gather3A_156 : vector<16xf32>
        %sub3A_169 = arith.subf %get3A_151, %gather3A_157 : vector<16xf32>
        %mul3A_170 = arith.mulf %gather3A_158, %sub3A_167 : vector<16xf32>
        %mul3A_171 = arith.mulf %gather3A_159, %sub3A_169 : vector<16xf32>
        %add3A_172 = arith.addf %mul3A_170, %mul3A_171 : vector<16xf32>
        %neg3A = arith.constant 0.000000e+00 : f32
        %neg3A_173 = vector.broadcast %neg3A : f32 to vector<16xf32>
        %neg3A_174 = arith.subf %neg3A_173, %gather3A_159 : vector<16xf32>
        %mul3A_175 = arith.mulf %neg3A_174, %sub3A_167 : vector<16xf32>
        %mul3A_176 = arith.mulf %gather3A_158, %sub3A_169 : vector<16xf32>
        %add3A_177 = arith.addf %mul3A_175, %mul3A_176 : vector<16xf32>
        %add3A_178 = arith.constant 1.200000e+01 : f32
        %add3A_179 = vector.broadcast %add3A_178 : f32 to vector<16xf32>
        %add3A_180 = arith.addf %add3A_177, %add3A_179 : vector<16xf32>
        %div3A = arith.constant 1.000000e-01 : f32
        %div3A_181 = vector.broadcast %div3A : f32 to vector<16xf32>
        %div3A_182 = arith.divf %add3A_180, %div3A_181 : vector<16xf32>
        %add3A_183 = arith.constant 1.200000e+01 : f32
        %add3A_184 = vector.broadcast %add3A_183 : f32 to vector<16xf32>
        %add3A_185 = arith.addf %add3A_172, %add3A_184 : vector<16xf32>
        %div3A_186 = arith.constant 1.000000e-01 : f32
        %div3A_187 = vector.broadcast %div3A_186 : f32 to vector<16xf32>
        %div3A_188 = arith.divf %add3A_185, %div3A_187 : vector<16xf32>
        %add3A_189 = arith.constant 0x4B400000 : f32
        %add3A_190 = vector.broadcast %add3A_189 : f32 to vector<16xf32>
        %add3A_191 = arith.addf %div3A_182, %add3A_190 : vector<16xf32>
        %sub3A_192 = arith.constant 0x4B400000 : f32
        %sub3A_193 = vector.broadcast %sub3A_192 : f32 to vector<16xf32>
        %sub3A_194 = arith.subf %add3A_191, %sub3A_193 : vector<16xf32>
        %convert_element_type3A_195 = arith.fptosi %sub3A_194 : vector<16xf32> to vector<16xi32>
        %add3A_196 = arith.constant 0x4B400000 : f32
        %add3A_197 = vector.broadcast %add3A_196 : f32 to vector<16xf32>
        %add3A_198 = arith.addf %div3A_188, %add3A_197 : vector<16xf32>
        %sub3A_199 = arith.constant 0x4B400000 : f32
        %sub3A_200 = vector.broadcast %sub3A_199 : f32 to vector<16xf32>
        %sub3A_201 = arith.subf %add3A_198, %sub3A_200 : vector<16xf32>
        %convert_element_type3A_202 = arith.fptosi %sub3A_201 : vector<16xf32> to vector<16xi32>
        %ge3A = arith.constant 0 : i32
        %ge3A_203 = vector.broadcast %ge3A : i32 to vector<16xi32>
        %ge3A_204 = arith.cmpi sge, %convert_element_type3A_195, %ge3A_203 : vector<16xi32>
        %and3A_205 = arith.andi %and3A, %ge3A_204 : vector<16xi1>
        %lt3A_206 = arith.constant 240 : i32
        %lt3A_207 = vector.broadcast %lt3A_206 : i32 to vector<16xi32>
        %lt3A_208 = arith.cmpi slt, %convert_element_type3A_195, %lt3A_207 : vector<16xi32>
        %and3A_209 = arith.andi %and3A_205, %lt3A_208 : vector<16xi1>
        %ge3A_210 = arith.constant 0 : i32
        %ge3A_211 = vector.broadcast %ge3A_210 : i32 to vector<16xi32>
        %ge3A_212 = arith.cmpi sge, %convert_element_type3A_202, %ge3A_211 : vector<16xi32>
        %and3A_213 = arith.andi %and3A_209, %ge3A_212 : vector<16xi1>
        %lt3A_214 = arith.constant 240 : i32
        %lt3A_215 = vector.broadcast %lt3A_214 : i32 to vector<16xi32>
        %lt3A_216 = arith.cmpi slt, %convert_element_type3A_202, %lt3A_215 : vector<16xi32>
        %and3A_217 = arith.andi %and3A_213, %lt3A_216 : vector<16xi1>
        %jit3A = arith.constant 0 : i32
        %jit3A_218 = arith.constant 239 : i32
        %max3A = vector.broadcast %jit3A : i32 to vector<16xi32>
        %max3A_219 = arith.maxsi %max3A, %convert_element_type3A_195 : vector<16xi32>
        %min3A = vector.broadcast %jit3A_218 : i32 to vector<16xi32>
        %min3A_220 = arith.minsi %min3A, %max3A_219 : vector<16xi32>
        %jit3A_221 = arith.constant 0 : i32
        %jit3A_222 = arith.constant 239 : i32
        %max3A_223 = vector.broadcast %jit3A_221 : i32 to vector<16xi32>
        %max3A_224 = arith.maxsi %max3A_223, %convert_element_type3A_202 : vector<16xi32>
        %min3A_225 = vector.broadcast %jit3A_222 : i32 to vector<16xi32>
        %min3A_226 = arith.minsi %min3A_225, %max3A_224 : vector<16xi32>
        %shift_left3A = arith.constant 21 : i32
        %shift_left3A_227 = vector.broadcast %shift_left3A : i32 to vector<16xi32>
        %shift_left3A_228 = arith.shli %get3A_153, %shift_left3A_227 : vector<16xi32>
        %mul3A_229 = arith.constant 57600 : i32
        %mul3A_230 = vector.broadcast %mul3A_229 : i32 to vector<16xi32>
        %mul3A_231 = arith.muli %get3A_155, %mul3A_230 : vector<16xi32>
        %mul3A_232 = arith.constant 240 : i32
        %mul3A_233 = vector.broadcast %mul3A_232 : i32 to vector<16xi32>
        %mul3A_234 = arith.muli %min3A_220, %mul3A_233 : vector<16xi32>
        %add3A_235 = arith.addi %mul3A_231, %mul3A_234 : vector<16xi32>
        %add3A_236 = arith.addi %add3A_235, %min3A_226 : vector<16xi32>
        %or3A = arith.ori %shift_left3A_228, %add3A_236 : vector<16xi32>
        %swap3A = arith.index_cast %mul3A_146 : i32 to index
        %swap3A_237 = tpu.vector_load %arg32[%swap3A] {strides = array<i32>} : memref<3200xi32, #tpu.memory_space<vmem>>, vector<16xi32>,
        tpu.vector_store %arg32[%swap3A], %or3A {strides = array<i32>} : memref<3200xi32, #tpu.memory_space<vmem>>, vector<16xi32>,
        %jit3A_238 = arith.constant 0.000000e+00 : f32
        %broadcast_in_dim3A = vector.broadcast %jit3A_238 : f32 to vector<16xf32>
        %select_n3A = arith.select %and3A_217, %sub3A_168, %broadcast_in_dim3A : vector<16xi1>, vector<16xf32>
        %swap3A_239 = arith.index_cast %mul3A_146 : i32 to index
        %swap3A_240 = tpu.vector_load %arg33[%swap3A_239] {strides = array<i32>} : memref<3200xf32, #tpu.memory_space<vmem>>, vector<16xf32>,
        tpu.vector_store %arg33[%swap3A_239], %select_n3A {strides = array<i32>} : memref<3200xf32, #tpu.memory_space<vmem>>, vector<16xf32>,
        %mul3A_241 = arith.constant 5 : i32
        %mul3A_242 = arith.muli %scan3A_139, %mul3A_241 : i32
        %add3A_243 = arith.constant 1 : i32
        %add3A_244 = arith.addi %mul3A_242, %add3A_243 : i32
        %mul3A_245 = arith.constant 16 : i32
        %mul3A_246 = arith.muli %add3A_244, %mul3A_245 : i32
        %get3A_247 = arith.index_cast %mul3A_246 : i32 to index
        %get3A_248 = tpu.vector_load %arg27[%get3A_247] {strides = array<i32>} : memref<3200xf32, #tpu.memory_space<vmem>>, vector<16xf32>,
        %get3A_249 = arith.index_cast %mul3A_246 : i32 to index
        %get3A_250 = tpu.vector_load %arg28[%get3A_249] {strides = array<i32>} : memref<3200xf32, #tpu.memory_space<vmem>>, vector<16xf32>,
        %get3A_251 = arith.index_cast %mul3A_246 : i32 to index
        %get3A_252 = tpu.vector_load %arg29[%get3A_251] {strides = array<i32>} : memref<3200xf32, #tpu.memory_space<vmem>>, vector<16xf32>,
        %get3A_253 = arith.index_cast %mul3A_246 : i32 to index
        %get3A_254 = tpu.vector_load %arg30[%get3A_253] {strides = array<i32>} : memref<3200xi32, #tpu.memory_space<vmem>>, vector<16xi32>,
        %get3A_255 = arith.index_cast %mul3A_246 : i32 to index
        %get3A_256 = tpu.vector_load %arg31[%get3A_255] {strides = array<i32>} : memref<3200xi32, #tpu.memory_space<vmem>>, vector<16xi32>,
        %gather3A_257 = tpu.vector_load_idx %arg15[%get3A_254] : memref<16xf32, #tpu.memory_space<vmem>>[vector<16xi32>], vector<16xf32>,
        %gather3A_258 = tpu.vector_load_idx %arg16[%get3A_254] : memref<16xf32, #tpu.memory_space<vmem>>[vector<16xi32>], vector<16xf32>,
        %gather3A_259 = tpu.vector_load_idx %arg17[%get3A_254] : memref<16xf32, #tpu.memory_space<vmem>>[vector<16xi32>], vector<16xf32>,
        %gather3A_260 = tpu.vector_load_idx %arg18[%get3A_254] : memref<16xf32, #tpu.memory_space<vmem>>[vector<16xi32>], vector<16xf32>,
        %gather3A_261 = tpu.vector_load_idx %arg19[%get3A_254] : memref<16xf32, #tpu.memory_space<vmem>>[vector<16xi32>], vector<16xf32>,
        %sub3A_262 = arith.constant 1.250000e+00 : f32
        %sub3A_263 = vector.broadcast %sub3A_262 : f32 to vector<16xf32>
        %sub3A_264 = arith.subf %gather3A_258, %sub3A_263 : vector<16xf32>
        %gt3A_265 = arith.cmpf ogt, %get3A_250, %sub3A_264 : vector<16xf32>
        %add3A_266 = arith.constant 7.500000e-01 : f32
        %add3A_267 = vector.broadcast %add3A_266 : f32 to vector<16xf32>
        %add3A_268 = arith.addf %gather3A_258, %add3A_267 : vector<16xf32>
        %lt3A_269 = arith.cmpf olt, %get3A_250, %add3A_268 : vector<16xf32>
        %and3A_270 = arith.andi %gt3A_265, %lt3A_269 : vector<16xi1>
        %sub3A_271 = arith.subf %get3A_248, %gather3A_257 : vector<16xf32>
        %sub3A_272 = arith.subf %get3A_250, %gather3A_258 : vector<16xf32>
        %sub3A_273 = arith.subf %get3A_252, %gather3A_259 : vector<16xf32>
        %mul3A_274 = arith.mulf %gather3A_260, %sub3A_271 : vector<16xf32>
        %mul3A_275 = arith.mulf %gather3A_261, %sub3A_273 : vector<16xf32>
        %add3A_276 = arith.addf %mul3A_274, %mul3A_275 : vector<16xf32>
        %neg3A_277 = arith.constant 0.000000e+00 : f32
        %neg3A_278 = vector.broadcast %neg3A_277 : f32 to vector<16xf32>
        %neg3A_279 = arith.subf %neg3A_278, %gather3A_261 : vector<16xf32>
        %mul3A_280 = arith.mulf %neg3A_279, %sub3A_271 : vector<16xf32>
        %mul3A_281 = arith.mulf %gather3A_260, %sub3A_273 : vector<16xf32>
        %add3A_282 = arith.addf %mul3A_280, %mul3A_281 : vector<16xf32>
        %add3A_283 = arith.constant 1.200000e+01 : f32
        %add3A_284 = vector.broadcast %add3A_283 : f32 to vector<16xf32>
        %add3A_285 = arith.addf %add3A_282, %add3A_284 : vector<16xf32>
        %div3A_286 = arith.constant 1.000000e-01 : f32
        %div3A_287 = vector.broadcast %div3A_286 : f32 to vector<16xf32>
        %div3A_288 = arith.divf %add3A_285, %div3A_287 : vector<16xf32>
        %add3A_289 = arith.constant 1.200000e+01 : f32
        %add3A_290 = vector.broadcast %add3A_289 : f32 to vector<16xf32>
        %add3A_291 = arith.addf %add3A_276, %add3A_290 : vector<16xf32>
        %div3A_292 = arith.constant 1.000000e-01 : f32
        %div3A_293 = vector.broadcast %div3A_292 : f32 to vector<16xf32>
        %div3A_294 = arith.divf %add3A_291, %div3A_293 : vector<16xf32>
        %add3A_295 = arith.constant 0x4B400000 : f32
        %add3A_296 = vector.broadcast %add3A_295 : f32 to vector<16xf32>
        %add3A_297 = arith.addf %div3A_288, %add3A_296 : vector<16xf32>
        %sub3A_298 = arith.constant 0x4B400000 : f32
        %sub3A_299 = vector.broadcast %sub3A_298 : f32 to vector<16xf32>
        %sub3A_300 = arith.subf %add3A_297, %sub3A_299 : vector<16xf32>
        %convert_element_type3A_301 = arith.fptosi %sub3A_300 : vector<16xf32> to vector<16xi32>
        %add3A_302 = arith.constant 0x4B400000 : f32
        %add3A_303 = vector.broadcast %add3A_302 : f32 to vector<16xf32>
        %add3A_304 = arith.addf %div3A_294, %add3A_303 : vector<16xf32>
        %sub3A_305 = arith.constant 0x4B400000 : f32
        %sub3A_306 = vector.broadcast %sub3A_305 : f32 to vector<16xf32>
        %sub3A_307 = arith.subf %add3A_304, %sub3A_306 : vector<16xf32>
        %convert_element_type3A_308 = arith.fptosi %sub3A_307 : vector<16xf32> to vector<16xi32>
        %ge3A_309 = arith.constant 0 : i32
        %ge3A_310 = vector.broadcast %ge3A_309 : i32 to vector<16xi32>
        %ge3A_311 = arith.cmpi sge, %convert_element_type3A_301, %ge3A_310 : vector<16xi32>
        %and3A_312 = arith.andi %and3A_270, %ge3A_311 : vector<16xi1>
        %lt3A_313 = arith.constant 240 : i32
        %lt3A_314 = vector.broadcast %lt3A_313 : i32 to vector<16xi32>
        %lt3A_315 = arith.cmpi slt, %convert_element_type3A_301, %lt3A_314 : vector<16xi32>
        %and3A_316 = arith.andi %and3A_312, %lt3A_315 : vector<16xi1>
        %ge3A_317 = arith.constant 0 : i32
        %ge3A_318 = vector.broadcast %ge3A_317 : i32 to vector<16xi32>
        %ge3A_319 = arith.cmpi sge, %convert_element_type3A_308, %ge3A_318 : vector<16xi32>
        %and3A_320 = arith.andi %and3A_316, %ge3A_319 : vector<16xi1>
        %lt3A_321 = arith.constant 240 : i32
        %lt3A_322 = vector.broadcast %lt3A_321 : i32 to vector<16xi32>
        %lt3A_323 = arith.cmpi slt, %convert_element_type3A_308, %lt3A_322 : vector<16xi32>
        %and3A_324 = arith.andi %and3A_320, %lt3A_323 : vector<16xi1>
        %jit3A_325 = arith.constant 0 : i32
        %jit3A_326 = arith.constant 239 : i32
        %max3A_327 = vector.broadcast %jit3A_325 : i32 to vector<16xi32>
        %max3A_328 = arith.maxsi %max3A_327, %convert_element_type3A_301 : vector<16xi32>
        %min3A_329 = vector.broadcast %jit3A_326 : i32 to vector<16xi32>
        %min3A_330 = arith.minsi %min3A_329, %max3A_328 : vector<16xi32>
        %jit3A_331 = arith.constant 0 : i32
        %jit3A_332 = arith.constant 239 : i32
        %max3A_333 = vector.broadcast %jit3A_331 : i32 to vector<16xi32>
        %max3A_334 = arith.maxsi %max3A_333, %convert_element_type3A_308 : vector<16xi32>
        %min3A_335 = vector.broadcast %jit3A_332 : i32 to vector<16xi32>
        %min3A_336 = arith.minsi %min3A_335, %max3A_334 : vector<16xi32>
        %shift_left3A_337 = arith.constant 21 : i32
        %shift_left3A_338 = vector.broadcast %shift_left3A_337 : i32 to vector<16xi32>
        %shift_left3A_339 = arith.shli %get3A_254, %shift_left3A_338 : vector<16xi32>
        %mul3A_340 = arith.constant 57600 : i32
        %mul3A_341 = vector.broadcast %mul3A_340 : i32 to vector<16xi32>
        %mul3A_342 = arith.muli %get3A_256, %mul3A_341 : vector<16xi32>
        %mul3A_343 = arith.constant 240 : i32
        %mul3A_344 = vector.broadcast %mul3A_343 : i32 to vector<16xi32>
        %mul3A_345 = arith.muli %min3A_330, %mul3A_344 : vector<16xi32>
        %add3A_346 = arith.addi %mul3A_342, %mul3A_345 : vector<16xi32>
        %add3A_347 = arith.addi %add3A_346, %min3A_336 : vector<16xi32>
        %or3A_348 = arith.ori %shift_left3A_339, %add3A_347 : vector<16xi32>
        %swap3A_349 = arith.index_cast %mul3A_246 : i32 to index
        %swap3A_350 = tpu.vector_load %arg32[%swap3A_349] {strides = array<i32>} : memref<3200xi32, #tpu.memory_space<vmem>>, vector<16xi32>,
        tpu.vector_store %arg32[%swap3A_349], %or3A_348 {strides = array<i32>} : memref<3200xi32, #tpu.memory_space<vmem>>, vector<16xi32>,
        %jit3A_351 = arith.constant 0.000000e+00 : f32
        %broadcast_in_dim3A_352 = vector.broadcast %jit3A_351 : f32 to vector<16xf32>
        %select_n3A_353 = arith.select %and3A_324, %sub3A_272, %broadcast_in_dim3A_352 : vector<16xi1>, vector<16xf32>
        %swap3A_354 = arith.index_cast %mul3A_246 : i32 to index
        %swap3A_355 = tpu.vector_load %arg33[%swap3A_354] {strides = array<i32>} : memref<3200xf32, #tpu.memory_space<vmem>>, vector<16xf32>,
        tpu.vector_store %arg33[%swap3A_354], %select_n3A_353 {strides = array<i32>} : memref<3200xf32, #tpu.memory_space<vmem>>, vector<16xf32>,
        %mul3A_356 = arith.constant 5 : i32
        %mul3A_357 = arith.muli %scan3A_139, %mul3A_356 : i32
        %add3A_358 = arith.constant 2 : i32
        %add3A_359 = arith.addi %mul3A_357, %add3A_358 : i32
        %mul3A_360 = arith.constant 16 : i32
        %mul3A_361 = arith.muli %add3A_359, %mul3A_360 : i32
        %get3A_362 = arith.index_cast %mul3A_361 : i32 to index
        %get3A_363 = tpu.vector_load %arg27[%get3A_362] {strides = array<i32>} : memref<3200xf32, #tpu.memory_space<vmem>>, vector<16xf32>,
        %get3A_364 = arith.index_cast %mul3A_361 : i32 to index
        %get3A_365 = tpu.vector_load %arg28[%get3A_364] {strides = array<i32>} : memref<3200xf32, #tpu.memory_space<vmem>>, vector<16xf32>,
        %get3A_366 = arith.index_cast %mul3A_361 : i32 to index
        %get3A_367 = tpu.vector_load %arg29[%get3A_366] {strides = array<i32>} : memref<3200xf32, #tpu.memory_space<vmem>>, vector<16xf32>,
        %get3A_368 = arith.index_cast %mul3A_361 : i32 to index
        %get3A_369 = tpu.vector_load %arg30[%get3A_368] {strides = array<i32>} : memref<3200xi32, #tpu.memory_space<vmem>>, vector<16xi32>,
        %get3A_370 = arith.index_cast %mul3A_361 : i32 to index
        %get3A_371 = tpu.vector_load %arg31[%get3A_370] {strides = array<i32>} : memref<3200xi32, #tpu.memory_space<vmem>>, vector<16xi32>,
        %gather3A_372 = tpu.vector_load_idx %arg15[%get3A_369] : memref<16xf32, #tpu.memory_space<vmem>>[vector<16xi32>], vector<16xf32>,
        %gather3A_373 = tpu.vector_load_idx %arg16[%get3A_369] : memref<16xf32, #tpu.memory_space<vmem>>[vector<16xi32>], vector<16xf32>,
        %gather3A_374 = tpu.vector_load_idx %arg17[%get3A_369] : memref<16xf32, #tpu.memory_space<vmem>>[vector<16xi32>], vector<16xf32>,
        %gather3A_375 = tpu.vector_load_idx %arg18[%get3A_369] : memref<16xf32, #tpu.memory_space<vmem>>[vector<16xi32>], vector<16xf32>,
        %gather3A_376 = tpu.vector_load_idx %arg19[%get3A_369] : memref<16xf32, #tpu.memory_space<vmem>>[vector<16xi32>], vector<16xf32>,
        %sub3A_377 = arith.constant 1.250000e+00 : f32
        %sub3A_378 = vector.broadcast %sub3A_377 : f32 to vector<16xf32>
        %sub3A_379 = arith.subf %gather3A_373, %sub3A_378 : vector<16xf32>
        %gt3A_380 = arith.cmpf ogt, %get3A_365, %sub3A_379 : vector<16xf32>
        %add3A_381 = arith.constant 7.500000e-01 : f32
        %add3A_382 = vector.broadcast %add3A_381 : f32 to vector<16xf32>
        %add3A_383 = arith.addf %gather3A_373, %add3A_382 : vector<16xf32>
        %lt3A_384 = arith.cmpf olt, %get3A_365, %add3A_383 : vector<16xf32>
        %and3A_385 = arith.andi %gt3A_380, %lt3A_384 : vector<16xi1>
        %sub3A_386 = arith.subf %get3A_363, %gather3A_372 : vector<16xf32>
        %sub3A_387 = arith.subf %get3A_365, %gather3A_373 : vector<16xf32>
        %sub3A_388 = arith.subf %get3A_367, %gather3A_374 : vector<16xf32>
        %mul3A_389 = arith.mulf %gather3A_375, %sub3A_386 : vector<16xf32>
        %mul3A_390 = arith.mulf %gather3A_376, %sub3A_388 : vector<16xf32>
        %add3A_391 = arith.addf %mul3A_389, %mul3A_390 : vector<16xf32>
        %neg3A_392 = arith.constant 0.000000e+00 : f32
        %neg3A_393 = vector.broadcast %neg3A_392 : f32 to vector<16xf32>
        %neg3A_394 = arith.subf %neg3A_393, %gather3A_376 : vector<16xf32>
        %mul3A_395 = arith.mulf %neg3A_394, %sub3A_386 : vector<16xf32>
        %mul3A_396 = arith.mulf %gather3A_375, %sub3A_388 : vector<16xf32>
        %add3A_397 = arith.addf %mul3A_395, %mul3A_396 : vector<16xf32>
        %add3A_398 = arith.constant 1.200000e+01 : f32
        %add3A_399 = vector.broadcast %add3A_398 : f32 to vector<16xf32>
        %add3A_400 = arith.addf %add3A_397, %add3A_399 : vector<16xf32>
        %div3A_401 = arith.constant 1.000000e-01 : f32
        %div3A_402 = vector.broadcast %div3A_401 : f32 to vector<16xf32>
        %div3A_403 = arith.divf %add3A_400, %div3A_402 : vector<16xf32>
        %add3A_404 = arith.constant 1.200000e+01 : f32
        %add3A_405 = vector.broadcast %add3A_404 : f32 to vector<16xf32>
        %add3A_406 = arith.addf %add3A_391, %add3A_405 : vector<16xf32>
        %div3A_407 = arith.constant 1.000000e-01 : f32
        %div3A_408 = vector.broadcast %div3A_407 : f32 to vector<16xf32>
        %div3A_409 = arith.divf %add3A_406, %div3A_408 : vector<16xf32>
        %add3A_410 = arith.constant 0x4B400000 : f32
        %add3A_411 = vector.broadcast %add3A_410 : f32 to vector<16xf32>
        %add3A_412 = arith.addf %div3A_403, %add3A_411 : vector<16xf32>
        %sub3A_413 = arith.constant 0x4B400000 : f32
        %sub3A_414 = vector.broadcast %sub3A_413 : f32 to vector<16xf32>
        %sub3A_415 = arith.subf %add3A_412, %sub3A_414 : vector<16xf32>
        %convert_element_type3A_416 = arith.fptosi %sub3A_415 : vector<16xf32> to vector<16xi32>
        %add3A_417 = arith.constant 0x4B400000 : f32
        %add3A_418 = vector.broadcast %add3A_417 : f32 to vector<16xf32>
        %add3A_419 = arith.addf %div3A_409, %add3A_418 : vector<16xf32>
        %sub3A_420 = arith.constant 0x4B400000 : f32
        %sub3A_421 = vector.broadcast %sub3A_420 : f32 to vector<16xf32>
        %sub3A_422 = arith.subf %add3A_419, %sub3A_421 : vector<16xf32>
        %convert_element_type3A_423 = arith.fptosi %sub3A_422 : vector<16xf32> to vector<16xi32>
        %ge3A_424 = arith.constant 0 : i32
        %ge3A_425 = vector.broadcast %ge3A_424 : i32 to vector<16xi32>
        %ge3A_426 = arith.cmpi sge, %convert_element_type3A_416, %ge3A_425 : vector<16xi32>
        %and3A_427 = arith.andi %and3A_385, %ge3A_426 : vector<16xi1>
        %lt3A_428 = arith.constant 240 : i32
        %lt3A_429 = vector.broadcast %lt3A_428 : i32 to vector<16xi32>
        %lt3A_430 = arith.cmpi slt, %convert_element_type3A_416, %lt3A_429 : vector<16xi32>
        %and3A_431 = arith.andi %and3A_427, %lt3A_430 : vector<16xi1>
        %ge3A_432 = arith.constant 0 : i32
        %ge3A_433 = vector.broadcast %ge3A_432 : i32 to vector<16xi32>
        %ge3A_434 = arith.cmpi sge, %convert_element_type3A_423, %ge3A_433 : vector<16xi32>
        %and3A_435 = arith.andi %and3A_431, %ge3A_434 : vector<16xi1>
        %lt3A_436 = arith.constant 240 : i32
        %lt3A_437 = vector.broadcast %lt3A_436 : i32 to vector<16xi32>
        %lt3A_438 = arith.cmpi slt, %convert_element_type3A_423, %lt3A_437 : vector<16xi32>
        %and3A_439 = arith.andi %and3A_435, %lt3A_438 : vector<16xi1>
        %jit3A_440 = arith.constant 0 : i32
        %jit3A_441 = arith.constant 239 : i32
        %max3A_442 = vector.broadcast %jit3A_440 : i32 to vector<16xi32>
        %max3A_443 = arith.maxsi %max3A_442, %convert_element_type3A_416 : vector<16xi32>
        %min3A_444 = vector.broadcast %jit3A_441 : i32 to vector<16xi32>
        %min3A_445 = arith.minsi %min3A_444, %max3A_443 : vector<16xi32>
        %jit3A_446 = arith.constant 0 : i32
        %jit3A_447 = arith.constant 239 : i32
        %max3A_448 = vector.broadcast %jit3A_446 : i32 to vector<16xi32>
        %max3A_449 = arith.maxsi %max3A_448, %convert_element_type3A_423 : vector<16xi32>
        %min3A_450 = vector.broadcast %jit3A_447 : i32 to vector<16xi32>
        %min3A_451 = arith.minsi %min3A_450, %max3A_449 : vector<16xi32>
        %shift_left3A_452 = arith.constant 21 : i32
        %shift_left3A_453 = vector.broadcast %shift_left3A_452 : i32 to vector<16xi32>
        %shift_left3A_454 = arith.shli %get3A_369, %shift_left3A_453 : vector<16xi32>
        %mul3A_455 = arith.constant 57600 : i32
        %mul3A_456 = vector.broadcast %mul3A_455 : i32 to vector<16xi32>
        %mul3A_457 = arith.muli %get3A_371, %mul3A_456 : vector<16xi32>
        %mul3A_458 = arith.constant 240 : i32
        %mul3A_459 = vector.broadcast %mul3A_458 : i32 to vector<16xi32>
        %mul3A_460 = arith.muli %min3A_445, %mul3A_459 : vector<16xi32>
        %add3A_461 = arith.addi %mul3A_457, %mul3A_460 : vector<16xi32>
        %add3A_462 = arith.addi %add3A_461, %min3A_451 : vector<16xi32>
        %or3A_463 = arith.ori %shift_left3A_454, %add3A_462 : vector<16xi32>
        %swap3A_464 = arith.index_cast %mul3A_361 : i32 to index
        %swap3A_465 = tpu.vector_load %arg32[%swap3A_464] {strides = array<i32>} : memref<3200xi32, #tpu.memory_space<vmem>>, vector<16xi32>,
        tpu.vector_store %arg32[%swap3A_464], %or3A_463 {strides = array<i32>} : memref<3200xi32, #tpu.memory_space<vmem>>, vector<16xi32>,
        %jit3A_466 = arith.constant 0.000000e+00 : f32
        %broadcast_in_dim3A_467 = vector.broadcast %jit3A_466 : f32 to vector<16xf32>
        %select_n3A_468 = arith.select %and3A_439, %sub3A_387, %broadcast_in_dim3A_467 : vector<16xi1>, vector<16xf32>
        %swap3A_469 = arith.index_cast %mul3A_361 : i32 to index
        %swap3A_470 = tpu.vector_load %arg33[%swap3A_469] {strides = array<i32>} : memref<3200xf32, #tpu.memory_space<vmem>>, vector<16xf32>,
        tpu.vector_store %arg33[%swap3A_469], %select_n3A_468 {strides = array<i32>} : memref<3200xf32, #tpu.memory_space<vmem>>, vector<16xf32>,
        %mul3A_471 = arith.constant 5 : i32
        %mul3A_472 = arith.muli %scan3A_139, %mul3A_471 : i32
        %add3A_473 = arith.constant 3 : i32
        %add3A_474 = arith.addi %mul3A_472, %add3A_473 : i32
        %mul3A_475 = arith.constant 16 : i32
        %mul3A_476 = arith.muli %add3A_474, %mul3A_475 : i32
        %get3A_477 = arith.index_cast %mul3A_476 : i32 to index
        %get3A_478 = tpu.vector_load %arg27[%get3A_477] {strides = array<i32>} : memref<3200xf32, #tpu.memory_space<vmem>>, vector<16xf32>,
        %get3A_479 = arith.index_cast %mul3A_476 : i32 to index
        %get3A_480 = tpu.vector_load %arg28[%get3A_479] {strides = array<i32>} : memref<3200xf32, #tpu.memory_space<vmem>>, vector<16xf32>,
        %get3A_481 = arith.index_cast %mul3A_476 : i32 to index
        %get3A_482 = tpu.vector_load %arg29[%get3A_481] {strides = array<i32>} : memref<3200xf32, #tpu.memory_space<vmem>>, vector<16xf32>,
        %get3A_483 = arith.index_cast %mul3A_476 : i32 to index
        %get3A_484 = tpu.vector_load %arg30[%get3A_483] {strides = array<i32>} : memref<3200xi32, #tpu.memory_space<vmem>>, vector<16xi32>,
        %get3A_485 = arith.index_cast %mul3A_476 : i32 to index
        %get3A_486 = tpu.vector_load %arg31[%get3A_485] {strides = array<i32>} : memref<3200xi32, #tpu.memory_space<vmem>>, vector<16xi32>,
        %gather3A_487 = tpu.vector_load_idx %arg15[%get3A_484] : memref<16xf32, #tpu.memory_space<vmem>>[vector<16xi32>], vector<16xf32>,
        %gather3A_488 = tpu.vector_load_idx %arg16[%get3A_484] : memref<16xf32, #tpu.memory_space<vmem>>[vector<16xi32>], vector<16xf32>,
        %gather3A_489 = tpu.vector_load_idx %arg17[%get3A_484] : memref<16xf32, #tpu.memory_space<vmem>>[vector<16xi32>], vector<16xf32>,
        %gather3A_490 = tpu.vector_load_idx %arg18[%get3A_484] : memref<16xf32, #tpu.memory_space<vmem>>[vector<16xi32>], vector<16xf32>,
        %gather3A_491 = tpu.vector_load_idx %arg19[%get3A_484] : memref<16xf32, #tpu.memory_space<vmem>>[vector<16xi32>], vector<16xf32>,
        %sub3A_492 = arith.constant 1.250000e+00 : f32
        %sub3A_493 = vector.broadcast %sub3A_492 : f32 to vector<16xf32>
        %sub3A_494 = arith.subf %gather3A_488, %sub3A_493 : vector<16xf32>
        %gt3A_495 = arith.cmpf ogt, %get3A_480, %sub3A_494 : vector<16xf32>
        %add3A_496 = arith.constant 7.500000e-01 : f32
        %add3A_497 = vector.broadcast %add3A_496 : f32 to vector<16xf32>
        %add3A_498 = arith.addf %gather3A_488, %add3A_497 : vector<16xf32>
        %lt3A_499 = arith.cmpf olt, %get3A_480, %add3A_498 : vector<16xf32>
        %and3A_500 = arith.andi %gt3A_495, %lt3A_499 : vector<16xi1>
        %sub3A_501 = arith.subf %get3A_478, %gather3A_487 : vector<16xf32>
        %sub3A_502 = arith.subf %get3A_480, %gather3A_488 : vector<16xf32>
        %sub3A_503 = arith.subf %get3A_482, %gather3A_489 : vector<16xf32>
        %mul3A_504 = arith.mulf %gather3A_490, %sub3A_501 : vector<16xf32>
        %mul3A_505 = arith.mulf %gather3A_491, %sub3A_503 : vector<16xf32>
        %add3A_506 = arith.addf %mul3A_504, %mul3A_505 : vector<16xf32>
        %neg3A_507 = arith.constant 0.000000e+00 : f32
        %neg3A_508 = vector.broadcast %neg3A_507 : f32 to vector<16xf32>
        %neg3A_509 = arith.subf %neg3A_508, %gather3A_491 : vector<16xf32>
        %mul3A_510 = arith.mulf %neg3A_509, %sub3A_501 : vector<16xf32>
        %mul3A_511 = arith.mulf %gather3A_490, %sub3A_503 : vector<16xf32>
        %add3A_512 = arith.addf %mul3A_510, %mul3A_511 : vector<16xf32>
        %add3A_513 = arith.constant 1.200000e+01 : f32
        %add3A_514 = vector.broadcast %add3A_513 : f32 to vector<16xf32>
        %add3A_515 = arith.addf %add3A_512, %add3A_514 : vector<16xf32>
        %div3A_516 = arith.constant 1.000000e-01 : f32
        %div3A_517 = vector.broadcast %div3A_516 : f32 to vector<16xf32>
        %div3A_518 = arith.divf %add3A_515, %div3A_517 : vector<16xf32>
        %add3A_519 = arith.constant 1.200000e+01 : f32
        %add3A_520 = vector.broadcast %add3A_519 : f32 to vector<16xf32>
        %add3A_521 = arith.addf %add3A_506, %add3A_520 : vector<16xf32>
        %div3A_522 = arith.constant 1.000000e-01 : f32
        %div3A_523 = vector.broadcast %div3A_522 : f32 to vector<16xf32>
        %div3A_524 = arith.divf %add3A_521, %div3A_523 : vector<16xf32>
        %add3A_525 = arith.constant 0x4B400000 : f32
        %add3A_526 = vector.broadcast %add3A_525 : f32 to vector<16xf32>
        %add3A_527 = arith.addf %div3A_518, %add3A_526 : vector<16xf32>
        %sub3A_528 = arith.constant 0x4B400000 : f32
        %sub3A_529 = vector.broadcast %sub3A_528 : f32 to vector<16xf32>
        %sub3A_530 = arith.subf %add3A_527, %sub3A_529 : vector<16xf32>
        %convert_element_type3A_531 = arith.fptosi %sub3A_530 : vector<16xf32> to vector<16xi32>
        %add3A_532 = arith.constant 0x4B400000 : f32
        %add3A_533 = vector.broadcast %add3A_532 : f32 to vector<16xf32>
        %add3A_534 = arith.addf %div3A_524, %add3A_533 : vector<16xf32>
        %sub3A_535 = arith.constant 0x4B400000 : f32
        %sub3A_536 = vector.broadcast %sub3A_535 : f32 to vector<16xf32>
        %sub3A_537 = arith.subf %add3A_534, %sub3A_536 : vector<16xf32>
        %convert_element_type3A_538 = arith.fptosi %sub3A_537 : vector<16xf32> to vector<16xi32>
        %ge3A_539 = arith.constant 0 : i32
        %ge3A_540 = vector.broadcast %ge3A_539 : i32 to vector<16xi32>
        %ge3A_541 = arith.cmpi sge, %convert_element_type3A_531, %ge3A_540 : vector<16xi32>
        %and3A_542 = arith.andi %and3A_500, %ge3A_541 : vector<16xi1>
        %lt3A_543 = arith.constant 240 : i32
        %lt3A_544 = vector.broadcast %lt3A_543 : i32 to vector<16xi32>
        %lt3A_545 = arith.cmpi slt, %convert_element_type3A_531, %lt3A_544 : vector<16xi32>
        %and3A_546 = arith.andi %and3A_542, %lt3A_545 : vector<16xi1>
        %ge3A_547 = arith.constant 0 : i32
        %ge3A_548 = vector.broadcast %ge3A_547 : i32 to vector<16xi32>
        %ge3A_549 = arith.cmpi sge, %convert_element_type3A_538, %ge3A_548 : vector<16xi32>
        %and3A_550 = arith.andi %and3A_546, %ge3A_549 : vector<16xi1>
        %lt3A_551 = arith.constant 240 : i32
        %lt3A_552 = vector.broadcast %lt3A_551 : i32 to vector<16xi32>
        %lt3A_553 = arith.cmpi slt, %convert_element_type3A_538, %lt3A_552 : vector<16xi32>
        %and3A_554 = arith.andi %and3A_550, %lt3A_553 : vector<16xi1>
        %jit3A_555 = arith.constant 0 : i32
        %jit3A_556 = arith.constant 239 : i32
        %max3A_557 = vector.broadcast %jit3A_555 : i32 to vector<16xi32>
        %max3A_558 = arith.maxsi %max3A_557, %convert_element_type3A_531 : vector<16xi32>
        %min3A_559 = vector.broadcast %jit3A_556 : i32 to vector<16xi32>
        %min3A_560 = arith.minsi %min3A_559, %max3A_558 : vector<16xi32>
        %jit3A_561 = arith.constant 0 : i32
        %jit3A_562 = arith.constant 239 : i32
        %max3A_563 = vector.broadcast %jit3A_561 : i32 to vector<16xi32>
        %max3A_564 = arith.maxsi %max3A_563, %convert_element_type3A_538 : vector<16xi32>
        %min3A_565 = vector.broadcast %jit3A_562 : i32 to vector<16xi32>
        %min3A_566 = arith.minsi %min3A_565, %max3A_564 : vector<16xi32>
        %shift_left3A_567 = arith.constant 21 : i32
        %shift_left3A_568 = vector.broadcast %shift_left3A_567 : i32 to vector<16xi32>
        %shift_left3A_569 = arith.shli %get3A_484, %shift_left3A_568 : vector<16xi32>
        %mul3A_570 = arith.constant 57600 : i32
        %mul3A_571 = vector.broadcast %mul3A_570 : i32 to vector<16xi32>
        %mul3A_572 = arith.muli %get3A_486, %mul3A_571 : vector<16xi32>
        %mul3A_573 = arith.constant 240 : i32
        %mul3A_574 = vector.broadcast %mul3A_573 : i32 to vector<16xi32>
        %mul3A_575 = arith.muli %min3A_560, %mul3A_574 : vector<16xi32>
        %add3A_576 = arith.addi %mul3A_572, %mul3A_575 : vector<16xi32>
        %add3A_577 = arith.addi %add3A_576, %min3A_566 : vector<16xi32>
        %or3A_578 = arith.ori %shift_left3A_569, %add3A_577 : vector<16xi32>
        %swap3A_579 = arith.index_cast %mul3A_476 : i32 to index
        %swap3A_580 = tpu.vector_load %arg32[%swap3A_579] {strides = array<i32>} : memref<3200xi32, #tpu.memory_space<vmem>>, vector<16xi32>,
        tpu.vector_store %arg32[%swap3A_579], %or3A_578 {strides = array<i32>} : memref<3200xi32, #tpu.memory_space<vmem>>, vector<16xi32>,
        %jit3A_581 = arith.constant 0.000000e+00 : f32
        %broadcast_in_dim3A_582 = vector.broadcast %jit3A_581 : f32 to vector<16xf32>
        %select_n3A_583 = arith.select %and3A_554, %sub3A_502, %broadcast_in_dim3A_582 : vector<16xi1>, vector<16xf32>
        %swap3A_584 = arith.index_cast %mul3A_476 : i32 to index
        %swap3A_585 = tpu.vector_load %arg33[%swap3A_584] {strides = array<i32>} : memref<3200xf32, #tpu.memory_space<vmem>>, vector<16xf32>,
        tpu.vector_store %arg33[%swap3A_584], %select_n3A_583 {strides = array<i32>} : memref<3200xf32, #tpu.memory_space<vmem>>, vector<16xf32>,
        %mul3A_586 = arith.constant 5 : i32
        %mul3A_587 = arith.muli %scan3A_139, %mul3A_586 : i32
        %add3A_588 = arith.constant 4 : i32
        %add3A_589 = arith.addi %mul3A_587, %add3A_588 : i32
        %mul3A_590 = arith.constant 16 : i32
        %mul3A_591 = arith.muli %add3A_589, %mul3A_590 : i32
        %get3A_592 = arith.index_cast %mul3A_591 : i32 to index
        %get3A_593 = tpu.vector_load %arg27[%get3A_592] {strides = array<i32>} : memref<3200xf32, #tpu.memory_space<vmem>>, vector<16xf32>,
        %get3A_594 = arith.index_cast %mul3A_591 : i32 to index
        %get3A_595 = tpu.vector_load %arg28[%get3A_594] {strides = array<i32>} : memref<3200xf32, #tpu.memory_space<vmem>>, vector<16xf32>,
        %get3A_596 = arith.index_cast %mul3A_591 : i32 to index
        %get3A_597 = tpu.vector_load %arg29[%get3A_596] {strides = array<i32>} : memref<3200xf32, #tpu.memory_space<vmem>>, vector<16xf32>,
        %get3A_598 = arith.index_cast %mul3A_591 : i32 to index
        %get3A_599 = tpu.vector_load %arg30[%get3A_598] {strides = array<i32>} : memref<3200xi32, #tpu.memory_space<vmem>>, vector<16xi32>,
        %get3A_600 = arith.index_cast %mul3A_591 : i32 to index
        %get3A_601 = tpu.vector_load %arg31[%get3A_600] {strides = array<i32>} : memref<3200xi32, #tpu.memory_space<vmem>>, vector<16xi32>,
        %gather3A_602 = tpu.vector_load_idx %arg15[%get3A_599] : memref<16xf32, #tpu.memory_space<vmem>>[vector<16xi32>], vector<16xf32>,
        %gather3A_603 = tpu.vector_load_idx %arg16[%get3A_599] : memref<16xf32, #tpu.memory_space<vmem>>[vector<16xi32>], vector<16xf32>,
        %gather3A_604 = tpu.vector_load_idx %arg17[%get3A_599] : memref<16xf32, #tpu.memory_space<vmem>>[vector<16xi32>], vector<16xf32>,
        %gather3A_605 = tpu.vector_load_idx %arg18[%get3A_599] : memref<16xf32, #tpu.memory_space<vmem>>[vector<16xi32>], vector<16xf32>,
        %gather3A_606 = tpu.vector_load_idx %arg19[%get3A_599] : memref<16xf32, #tpu.memory_space<vmem>>[vector<16xi32>], vector<16xf32>,
        %sub3A_607 = arith.constant 1.250000e+00 : f32
        %sub3A_608 = vector.broadcast %sub3A_607 : f32 to vector<16xf32>
        %sub3A_609 = arith.subf %gather3A_603, %sub3A_608 : vector<16xf32>
        %gt3A_610 = arith.cmpf ogt, %get3A_595, %sub3A_609 : vector<16xf32>
        %add3A_611 = arith.constant 7.500000e-01 : f32
        %add3A_612 = vector.broadcast %add3A_611 : f32 to vector<16xf32>
        %add3A_613 = arith.addf %gather3A_603, %add3A_612 : vector<16xf32>
        %lt3A_614 = arith.cmpf olt, %get3A_595, %add3A_613 : vector<16xf32>
        %and3A_615 = arith.andi %gt3A_610, %lt3A_614 : vector<16xi1>
        %sub3A_616 = arith.subf %get3A_593, %gather3A_602 : vector<16xf32>
        %sub3A_617 = arith.subf %get3A_595, %gather3A_603 : vector<16xf32>
        %sub3A_618 = arith.subf %get3A_597, %gather3A_604 : vector<16xf32>
        %mul3A_619 = arith.mulf %gather3A_605, %sub3A_616 : vector<16xf32>
        %mul3A_620 = arith.mulf %gather3A_606, %sub3A_618 : vector<16xf32>
        %add3A_621 = arith.addf %mul3A_619, %mul3A_620 : vector<16xf32>
        %neg3A_622 = arith.constant 0.000000e+00 : f32
        %neg3A_623 = vector.broadcast %neg3A_622 : f32 to vector<16xf32>
        %neg3A_624 = arith.subf %neg3A_623, %gather3A_606 : vector<16xf32>
        %mul3A_625 = arith.mulf %neg3A_624, %sub3A_616 : vector<16xf32>
        %mul3A_626 = arith.mulf %gather3A_605, %sub3A_618 : vector<16xf32>
        %add3A_627 = arith.addf %mul3A_625, %mul3A_626 : vector<16xf32>
        %add3A_628 = arith.constant 1.200000e+01 : f32
        %add3A_629 = vector.broadcast %add3A_628 : f32 to vector<16xf32>
        %add3A_630 = arith.addf %add3A_627, %add3A_629 : vector<16xf32>
        %div3A_631 = arith.constant 1.000000e-01 : f32
        %div3A_632 = vector.broadcast %div3A_631 : f32 to vector<16xf32>
        %div3A_633 = arith.divf %add3A_630, %div3A_632 : vector<16xf32>
        %add3A_634 = arith.constant 1.200000e+01 : f32
        %add3A_635 = vector.broadcast %add3A_634 : f32 to vector<16xf32>
        %add3A_636 = arith.addf %add3A_621, %add3A_635 : vector<16xf32>
        %div3A_637 = arith.constant 1.000000e-01 : f32
        %div3A_638 = vector.broadcast %div3A_637 : f32 to vector<16xf32>
        %div3A_639 = arith.divf %add3A_636, %div3A_638 : vector<16xf32>
        %add3A_640 = arith.constant 0x4B400000 : f32
        %add3A_641 = vector.broadcast %add3A_640 : f32 to vector<16xf32>
        %add3A_642 = arith.addf %div3A_633, %add3A_641 : vector<16xf32>
        %sub3A_643 = arith.constant 0x4B400000 : f32
        %sub3A_644 = vector.broadcast %sub3A_643 : f32 to vector<16xf32>
        %sub3A_645 = arith.subf %add3A_642, %sub3A_644 : vector<16xf32>
        %convert_element_type3A_646 = arith.fptosi %sub3A_645 : vector<16xf32> to vector<16xi32>
        %add3A_647 = arith.constant 0x4B400000 : f32
        %add3A_648 = vector.broadcast %add3A_647 : f32 to vector<16xf32>
        %add3A_649 = arith.addf %div3A_639, %add3A_648 : vector<16xf32>
        %sub3A_650 = arith.constant 0x4B400000 : f32
        %sub3A_651 = vector.broadcast %sub3A_650 : f32 to vector<16xf32>
        %sub3A_652 = arith.subf %add3A_649, %sub3A_651 : vector<16xf32>
        %convert_element_type3A_653 = arith.fptosi %sub3A_652 : vector<16xf32> to vector<16xi32>
        %ge3A_654 = arith.constant 0 : i32
        %ge3A_655 = vector.broadcast %ge3A_654 : i32 to vector<16xi32>
        %ge3A_656 = arith.cmpi sge, %convert_element_type3A_646, %ge3A_655 : vector<16xi32>
        %and3A_657 = arith.andi %and3A_615, %ge3A_656 : vector<16xi1>
        %lt3A_658 = arith.constant 240 : i32
        %lt3A_659 = vector.broadcast %lt3A_658 : i32 to vector<16xi32>
        %lt3A_660 = arith.cmpi slt, %convert_element_type3A_646, %lt3A_659 : vector<16xi32>
        %and3A_661 = arith.andi %and3A_657, %lt3A_660 : vector<16xi1>
        %ge3A_662 = arith.constant 0 : i32
        %ge3A_663 = vector.broadcast %ge3A_662 : i32 to vector<16xi32>
        %ge3A_664 = arith.cmpi sge, %convert_element_type3A_653, %ge3A_663 : vector<16xi32>
        %and3A_665 = arith.andi %and3A_661, %ge3A_664 : vector<16xi1>
        %lt3A_666 = arith.constant 240 : i32
        %lt3A_667 = vector.broadcast %lt3A_666 : i32 to vector<16xi32>
        %lt3A_668 = arith.cmpi slt, %convert_element_type3A_653, %lt3A_667 : vector<16xi32>
        %and3A_669 = arith.andi %and3A_665, %lt3A_668 : vector<16xi1>
        %jit3A_670 = arith.constant 0 : i32
        %jit3A_671 = arith.constant 239 : i32
        %max3A_672 = vector.broadcast %jit3A_670 : i32 to vector<16xi32>
        %max3A_673 = arith.maxsi %max3A_672, %convert_element_type3A_646 : vector<16xi32>
        %min3A_674 = vector.broadcast %jit3A_671 : i32 to vector<16xi32>
        %min3A_675 = arith.minsi %min3A_674, %max3A_673 : vector<16xi32>
        %jit3A_676 = arith.constant 0 : i32
        %jit3A_677 = arith.constant 239 : i32
        %max3A_678 = vector.broadcast %jit3A_676 : i32 to vector<16xi32>
        %max3A_679 = arith.maxsi %max3A_678, %convert_element_type3A_653 : vector<16xi32>
        %min3A_680 = vector.broadcast %jit3A_677 : i32 to vector<16xi32>
        %min3A_681 = arith.minsi %min3A_680, %max3A_679 : vector<16xi32>
        %shift_left3A_682 = arith.constant 21 : i32
        %shift_left3A_683 = vector.broadcast %shift_left3A_682 : i32 to vector<16xi32>
        %shift_left3A_684 = arith.shli %get3A_599, %shift_left3A_683 : vector<16xi32>
        %mul3A_685 = arith.constant 57600 : i32
        %mul3A_686 = vector.broadcast %mul3A_685 : i32 to vector<16xi32>
        %mul3A_687 = arith.muli %get3A_601, %mul3A_686 : vector<16xi32>
        %mul3A_688 = arith.constant 240 : i32
        %mul3A_689 = vector.broadcast %mul3A_688 : i32 to vector<16xi32>
        %mul3A_690 = arith.muli %min3A_675, %mul3A_689 : vector<16xi32>
        %add3A_691 = arith.addi %mul3A_687, %mul3A_690 : vector<16xi32>
        %add3A_692 = arith.addi %add3A_691, %min3A_681 : vector<16xi32>
        %or3A_693 = arith.ori %shift_left3A_684, %add3A_692 : vector<16xi32>
        %swap3A_694 = arith.index_cast %mul3A_591 : i32 to index
        %swap3A_695 = tpu.vector_load %arg32[%swap3A_694] {strides = array<i32>} : memref<3200xi32, #tpu.memory_space<vmem>>, vector<16xi32>,
        tpu.vector_store %arg32[%swap3A_694], %or3A_693 {strides = array<i32>} : memref<3200xi32, #tpu.memory_space<vmem>>, vector<16xi32>,
        %jit3A_696 = arith.constant 0.000000e+00 : f32
        %broadcast_in_dim3A_697 = vector.broadcast %jit3A_696 : f32 to vector<16xf32>
        %select_n3A_698 = arith.select %and3A_669, %sub3A_617, %broadcast_in_dim3A_697 : vector<16xi1>, vector<16xf32>
        %swap3A_699 = arith.index_cast %mul3A_591 : i32 to index
        %swap3A_700 = tpu.vector_load %arg33[%swap3A_699] {strides = array<i32>} : memref<3200xf32, #tpu.memory_space<vmem>>, vector<16xf32>,
        tpu.vector_store %arg33[%swap3A_699], %select_n3A_698 {strides = array<i32>} : memref<3200xf32, #tpu.memory_space<vmem>>, vector<16xf32>,
        %scan3A_701 = arith.constant 0 : i32
        scf.yield %scan3A_701 : i32
      }
      %scan3A_125 = arith.constant 40 : i32
      %mul3A_126 = arith.constant 3200 : i32
      %mul3A_127 = arith.muli %add3A_98, %mul3A_126 : i32
      %add3A_128 = arith.addi %add3A, %mul3A_127 : i32
      %dma_start3A_129 = tpu.memref_slice %arg13[%add3A_128] : memref<2048000xi32, #tpu.memory_space<hbm>> -> memref<3200xi32, #tpu.memory_space<hbm>>
      %dma_start3A_130 = tpu.memref_slice %arg13[%add3A_128] : memref<2048000xi32, #tpu.memory_space<hbm>> -> memref<3200xi32, #tpu.memory_space<hbm>>
      tpu.enqueue_dma source(%arg32 : memref<3200xi32, #tpu.memory_space<vmem>>) target(%dma_start3A_130 : memref<3200xi32, #tpu.memory_space<hbm>>) target_semaphore(%arg40 : memref<!tpu.dma_semaphore, #tpu.memory_space<semaphore_mem>>)
      %dma_start3A_131 = tpu.memref_slice %arg14[%add3A_128] : memref<2048000xf32, #tpu.memory_space<hbm>> -> memref<3200xf32, #tpu.memory_space<hbm>>
      %dma_start3A_132 = tpu.memref_slice %arg14[%add3A_128] : memref<2048000xf32, #tpu.memory_space<hbm>> -> memref<3200xf32, #tpu.memory_space<hbm>>
      tpu.enqueue_dma source(%arg33 : memref<3200xf32, #tpu.memory_space<vmem>>) target(%dma_start3A_132 : memref<3200xf32, #tpu.memory_space<hbm>>) target_semaphore(%arg40 : memref<!tpu.dma_semaphore, #tpu.memory_space<semaphore_mem>>)
      %lt3A_133 = arith.constant 9 : i32
      %lt3A_134 = arith.cmpi slt, %scan3A_54, %lt3A_133 : i32
      %convert_element_type3A_135 = arith.extui %lt3A_134 : i1 to i32
      %cond3A_136 = arith.constant 0 : i32
      %cond3A_137 = arith.cmpi ne, %convert_element_type3A_135, %cond3A_136 : i32
      scf.if %cond3A_137 {
        %add3A_139 = arith.constant 2 : i32
        %add3A_140 = arith.addi %add3A_98, %add3A_139 : i32
        %mul3A_141 = arith.constant 64000 : i32
        %mul3A_142 = arith.muli %arg1, %mul3A_141 : i32
        %mul3A_143 = arith.constant 3200 : i32
        %mul3A_144 = arith.muli %add3A_140, %mul3A_143 : i32
        %add3A_145 = arith.addi %mul3A_142, %mul3A_144 : i32
        %dma_start3A_146 = tpu.memref_slice %arg2[%add3A_145] : memref<1024000xf32, #tpu.memory_space<hbm>> -> memref<3200xf32, #tpu.memory_space<hbm>>
        %dma_start3A_147 = tpu.memref_slice %arg2[%add3A_145] : memref<1024000xf32, #tpu.memory_space<hbm>> -> memref<3200xf32, #tpu.memory_space<hbm>>
        tpu.enqueue_dma source(%dma_start3A_147 : memref<3200xf32, #tpu.memory_space<hbm>>) target(%arg27 : memref<3200xf32, #tpu.memory_space<vmem>>) target_semaphore(%arg38 : memref<!tpu.dma_semaphore, #tpu.memory_space<semaphore_mem>>)
        %dma_start3A_148 = tpu.memref_slice %arg3[%add3A_145] : memref<1024000xf32, #tpu.memory_space<hbm>> -> memref<3200xf32, #tpu.memory_space<hbm>>
        %dma_start3A_149 = tpu.memref_slice %arg3[%add3A_145] : memref<1024000xf32, #tpu.memory_space<hbm>> -> memref<3200xf32, #tpu.memory_space<hbm>>
        tpu.enqueue_dma source(%dma_start3A_149 : memref<3200xf32, #tpu.memory_space<hbm>>) target(%arg28 : memref<3200xf32, #tpu.memory_space<vmem>>) target_semaphore(%arg38 : memref<!tpu.dma_semaphore, #tpu.memory_space<semaphore_mem>>)
        %dma_start3A_150 = tpu.memref_slice %arg4[%add3A_145] : memref<1024000xf32, #tpu.memory_space<hbm>> -> memref<3200xf32, #tpu.memory_space<hbm>>
        %dma_start3A_151 = tpu.memref_slice %arg4[%add3A_145] : memref<1024000xf32, #tpu.memory_space<hbm>> -> memref<3200xf32, #tpu.memory_space<hbm>>
        tpu.enqueue_dma source(%dma_start3A_151 : memref<3200xf32, #tpu.memory_space<hbm>>) target(%arg29 : memref<3200xf32, #tpu.memory_space<vmem>>) target_semaphore(%arg38 : memref<!tpu.dma_semaphore, #tpu.memory_space<semaphore_mem>>)
        %dma_start3A_152 = tpu.memref_slice %arg5[%add3A_145] : memref<1024000xi32, #tpu.memory_space<hbm>> -> memref<3200xi32, #tpu.memory_space<hbm>>
        %dma_start3A_153 = tpu.memref_slice %arg5[%add3A_145] : memref<1024000xi32, #tpu.memory_space<hbm>> -> memref<3200xi32, #tpu.memory_space<hbm>>
        tpu.enqueue_dma source(%dma_start3A_153 : memref<3200xi32, #tpu.memory_space<hbm>>) target(%arg30 : memref<3200xi32, #tpu.memory_space<vmem>>) target_semaphore(%arg38 : memref<!tpu.dma_semaphore, #tpu.memory_space<semaphore_mem>>)
        %dma_start3A_154 = tpu.memref_slice %arg6[%add3A_145] : memref<1024000xi32, #tpu.memory_space<hbm>> -> memref<3200xi32, #tpu.memory_space<hbm>>
        %dma_start3A_155 = tpu.memref_slice %arg6[%add3A_145] : memref<1024000xi32, #tpu.memory_space<hbm>> -> memref<3200xi32, #tpu.memory_space<hbm>>
        tpu.enqueue_dma source(%dma_start3A_155 : memref<3200xi32, #tpu.memory_space<hbm>>) target(%arg31 : memref<3200xi32, #tpu.memory_space<vmem>>) target_semaphore(%arg38 : memref<!tpu.dma_semaphore, #tpu.memory_space<semaphore_mem>>)
      } else {
      }
      %scan3A_138 = arith.constant 0 : i32
      scf.yield %scan3A_138 : i32
    }
    %scan3A_35 = arith.constant 10 : i32
    %add3A_36 = arith.constant 57600 : i32
    %add3A_37 = arith.addi %add3A, %add3A_36 : i32
    %dma_wait3A = tpu.memref_slice %arg13[%add3A_37] : memref<2048000xi32, #tpu.memory_space<hbm>> -> memref<3200xi32, #tpu.memory_space<hbm>>
    %dma_wait3A_38 = tpu.memref_slice %arg13[%add3A_37] : memref<2048000xi32, #tpu.memory_space<hbm>> -> memref<3200xi32, #tpu.memory_space<hbm>>
    tpu.wait_dma2 semaphore(%arg39 : memref<!tpu.dma_semaphore, #tpu.memory_space<semaphore_mem>>) src(%arg25 : memref<3200xi32, #tpu.memory_space<vmem>>) dst(%dma_wait3A_38 : memref<3200xi32, #tpu.memory_space<hbm>>)
    %dma_wait3A_39 = tpu.memref_slice %arg14[%add3A_37] : memref<2048000xf32, #tpu.memory_space<hbm>> -> memref<3200xf32, #tpu.memory_space<hbm>>
    %dma_wait3A_40 = tpu.memref_slice %arg14[%add3A_37] : memref<2048000xf32, #tpu.memory_space<hbm>> -> memref<3200xf32, #tpu.memory_space<hbm>>
    tpu.wait_dma2 semaphore(%arg39 : memref<!tpu.dma_semaphore, #tpu.memory_space<semaphore_mem>>) src(%arg26 : memref<3200xf32, #tpu.memory_space<vmem>>) dst(%dma_wait3A_40 : memref<3200xf32, #tpu.memory_space<hbm>>)
    %add3A_41 = arith.constant 60800 : i32
    %add3A_42 = arith.addi %add3A, %add3A_41 : i32
    %dma_wait3A_43 = tpu.memref_slice %arg13[%add3A_42] : memref<2048000xi32, #tpu.memory_space<hbm>> -> memref<3200xi32, #tpu.memory_space<hbm>>
    %dma_wait3A_44 = tpu.memref_slice %arg13[%add3A_42] : memref<2048000xi32, #tpu.memory_space<hbm>> -> memref<3200xi32, #tpu.memory_space<hbm>>
    tpu.wait_dma2 semaphore(%arg40 : memref<!tpu.dma_semaphore, #tpu.memory_space<semaphore_mem>>) src(%arg32 : memref<3200xi32, #tpu.memory_space<vmem>>) dst(%dma_wait3A_44 : memref<3200xi32, #tpu.memory_space<hbm>>)
    %dma_wait3A_45 = tpu.memref_slice %arg14[%add3A_42] : memref<2048000xf32, #tpu.memory_space<hbm>> -> memref<3200xf32, #tpu.memory_space<hbm>>
    %dma_wait3A_46 = tpu.memref_slice %arg14[%add3A_42] : memref<2048000xf32, #tpu.memory_space<hbm>> -> memref<3200xf32, #tpu.memory_space<hbm>>
    tpu.wait_dma2 semaphore(%arg40 : memref<!tpu.dma_semaphore, #tpu.memory_space<semaphore_mem>>) src(%arg33 : memref<3200xf32, #tpu.memory_space<vmem>>) dst(%dma_wait3A_46 : memref<3200xf32, #tpu.memory_space<hbm>>)
    "tpu.trace_stop"() : () -> ()
    %barrier3A = arith.constant 0 : index
    tpu.barrier barrier_id(%barrier3A)
    %scan3A_47 = arith.constant 0 : i32
    %scan3A_48 = arith.constant 0 : i32
    %scan3A_49 = arith.constant 8 : i32
    %scan3A_50 = arith.addi %scan3A_48, %scan3A_49 : i32
    %scan3A_51 = arith.constant 1 : i32
    %scan3A_52 = scf.for %scan3A_54 = %scan3A_48 to %scan3A_50 step %scan3A_51 iter_args(%scan3A_55 = %scan3A_47) -> (i32)  : i32 {
      %mul3A_56 = arith.constant 8 : i32
      %mul3A_57 = arith.muli %arg0, %mul3A_56 : i32
      %add3A_58 = arith.addi %mul3A_57, %scan3A_54 : i32
      "tpu.trace_start"() <{level = 10 : i32, message = "zero"}> : () -> ()
      %scan3A_59 = arith.constant 0 : i32
      %scan3A_60 = arith.constant 0 : i32
      %scan3A_61 = arith.constant 375 : i32
      %scan3A_62 = arith.addi %scan3A_60, %scan3A_61 : i32
      %scan3A_63 = arith.constant 1 : i32
      %scan3A_64 = scf.for %scan3A_440 = %scan3A_60 to %scan3A_62 step %scan3A_63 iter_args(%scan3A_441 = %scan3A_59) -> (i32)  : i32 {
        %broadcast_in_dim3A = arith.constant 0.000000e+00 : f32
        %broadcast_in_dim3A_442 = vector.broadcast %broadcast_in_dim3A : f32 to vector<16xf32>
        %mul3A_443 = arith.constant 16 : i32
        %mul3A_444 = arith.muli %scan3A_440, %mul3A_443 : i32
        %swap3A = arith.index_cast %mul3A_444 : i32 to index
        %swap3A_445 = tpu.vector_load %arg34[%swap3A] {strides = array<i32>} : memref<6000xf32, #tpu.memory_space<vmem>>, vector<16xf32>,
        tpu.vector_store %arg34[%swap3A], %broadcast_in_dim3A_442 {strides = array<i32>} : memref<6000xf32, #tpu.memory_space<vmem>>, vector<16xf32>,
        %scan3A_446 = arith.constant 0 : i32
        scf.yield %scan3A_446 : i32
      }
      %scan3A_65 = arith.constant 375 : i32
      %mul3A_66 = arith.constant 72000 : i32
      %mul3A_67 = arith.muli %arg1, %mul3A_66 : i32
      %add3A_68 = arith.constant 0 : i32
      %add3A_69 = arith.addi %mul3A_67, %add3A_68 : i32
      %dma_start3A_70 = tpu.memref_slice %arg36[%add3A_69] : memref<1152000xf32, #tpu.memory_space<vmem_shared>> -> memref<6000xf32, #tpu.memory_space<vmem_shared>>
      %dma_start3A_71 = tpu.memref_slice %arg36[%add3A_69] : memref<1152000xf32, #tpu.memory_space<vmem_shared>> -> memref<6000xf32, #tpu.memory_space<vmem_shared>>
      tpu.enqueue_dma source(%arg34 : memref<6000xf32, #tpu.memory_space<vmem>>) target(%dma_start3A_71 : memref<6000xf32, #tpu.memory_space<vmem_shared>>) target_semaphore(%arg43 : memref<!tpu.dma_semaphore, #tpu.memory_space<semaphore_mem>>)
      %mul3A_72 = arith.constant 72000 : i32
      %mul3A_73 = arith.muli %arg1, %mul3A_72 : i32
      %add3A_74 = arith.constant 6000 : i32
      %add3A_75 = arith.addi %mul3A_73, %add3A_74 : i32
      %dma_start3A_76 = tpu.memref_slice %arg36[%add3A_75] : memref<1152000xf32, #tpu.memory_space<vmem_shared>> -> memref<6000xf32, #tpu.memory_space<vmem_shared>>
      %dma_start3A_77 = tpu.memref_slice %arg36[%add3A_75] : memref<1152000xf32, #tpu.memory_space<vmem_shared>> -> memref<6000xf32, #tpu.memory_space<vmem_shared>>
      tpu.enqueue_dma source(%arg34 : memref<6000xf32, #tpu.memory_space<vmem>>) target(%dma_start3A_77 : memref<6000xf32, #tpu.memory_space<vmem_shared>>) target_semaphore(%arg43 : memref<!tpu.dma_semaphore, #tpu.memory_space<semaphore_mem>>)
      %mul3A_78 = arith.constant 72000 : i32
      %mul3A_79 = arith.muli %arg1, %mul3A_78 : i32
      %add3A_80 = arith.constant 12000 : i32
      %add3A_81 = arith.addi %mul3A_79, %add3A_80 : i32
      %dma_start3A_82 = tpu.memref_slice %arg36[%add3A_81] : memref<1152000xf32, #tpu.memory_space<vmem_shared>> -> memref<6000xf32, #tpu.memory_space<vmem_shared>>
      %dma_start3A_83 = tpu.memref_slice %arg36[%add3A_81] : memref<1152000xf32, #tpu.memory_space<vmem_shared>> -> memref<6000xf32, #tpu.memory_space<vmem_shared>>
      tpu.enqueue_dma source(%arg34 : memref<6000xf32, #tpu.memory_space<vmem>>) target(%dma_start3A_83 : memref<6000xf32, #tpu.memory_space<vmem_shared>>) target_semaphore(%arg43 : memref<!tpu.dma_semaphore, #tpu.memory_space<semaphore_mem>>)
      %mul3A_84 = arith.constant 72000 : i32
      %mul3A_85 = arith.muli %arg1, %mul3A_84 : i32
      %add3A_86 = arith.constant 18000 : i32
      %add3A_87 = arith.addi %mul3A_85, %add3A_86 : i32
      %dma_start3A_88 = tpu.memref_slice %arg36[%add3A_87] : memref<1152000xf32, #tpu.memory_space<vmem_shared>> -> memref<6000xf32, #tpu.memory_space<vmem_shared>>
      %dma_start3A_89 = tpu.memref_slice %arg36[%add3A_87] : memref<1152000xf32, #tpu.memory_space<vmem_shared>> -> memref<6000xf32, #tpu.memory_space<vmem_shared>>
      tpu.enqueue_dma source(%arg34 : memref<6000xf32, #tpu.memory_space<vmem>>) target(%dma_start3A_89 : memref<6000xf32, #tpu.memory_space<vmem_shared>>) target_semaphore(%arg43 : memref<!tpu.dma_semaphore, #tpu.memory_space<semaphore_mem>>)
      %mul3A_90 = arith.constant 72000 : i32
      %mul3A_91 = arith.muli %arg1, %mul3A_90 : i32
      %add3A_92 = arith.constant 24000 : i32
      %add3A_93 = arith.addi %mul3A_91, %add3A_92 : i32
      %dma_start3A_94 = tpu.memref_slice %arg36[%add3A_93] : memref<1152000xf32, #tpu.memory_space<vmem_shared>> -> memref<6000xf32, #tpu.memory_space<vmem_shared>>
      %dma_start3A_95 = tpu.memref_slice %arg36[%add3A_93] : memref<1152000xf32, #tpu.memory_space<vmem_shared>> -> memref<6000xf32, #tpu.memory_space<vmem_shared>>
      tpu.enqueue_dma source(%arg34 : memref<6000xf32, #tpu.memory_space<vmem>>) target(%dma_start3A_95 : memref<6000xf32, #tpu.memory_space<vmem_shared>>) target_semaphore(%arg43 : memref<!tpu.dma_semaphore, #tpu.memory_space<semaphore_mem>>)
      %mul3A_96 = arith.constant 72000 : i32
      %mul3A_97 = arith.muli %arg1, %mul3A_96 : i32
      %add3A_98 = arith.constant 30000 : i32
      %add3A_99 = arith.addi %mul3A_97, %add3A_98 : i32
      %dma_start3A_100 = tpu.memref_slice %arg36[%add3A_99] : memref<1152000xf32, #tpu.memory_space<vmem_shared>> -> memref<6000xf32, #tpu.memory_space<vmem_shared>>
      %dma_start3A_101 = tpu.memref_slice %arg36[%add3A_99] : memref<1152000xf32, #tpu.memory_space<vmem_shared>> -> memref<6000xf32, #tpu.memory_space<vmem_shared>>
      tpu.enqueue_dma source(%arg34 : memref<6000xf32, #tpu.memory_space<vmem>>) target(%dma_start3A_101 : memref<6000xf32, #tpu.memory_space<vmem_shared>>) target_semaphore(%arg43 : memref<!tpu.dma_semaphore, #tpu.memory_space<semaphore_mem>>)
      %mul3A_102 = arith.constant 72000 : i32
      %mul3A_103 = arith.muli %arg1, %mul3A_102 : i32
      %add3A_104 = arith.constant 36000 : i32
      %add3A_105 = arith.addi %mul3A_103, %add3A_104 : i32
      %dma_start3A_106 = tpu.memref_slice %arg36[%add3A_105] : memref<1152000xf32, #tpu.memory_space<vmem_shared>> -> memref<6000xf32, #tpu.memory_space<vmem_shared>>
      %dma_start3A_107 = tpu.memref_slice %arg36[%add3A_105] : memref<1152000xf32, #tpu.memory_space<vmem_shared>> -> memref<6000xf32, #tpu.memory_space<vmem_shared>>
      tpu.enqueue_dma source(%arg34 : memref<6000xf32, #tpu.memory_space<vmem>>) target(%dma_start3A_107 : memref<6000xf32, #tpu.memory_space<vmem_shared>>) target_semaphore(%arg43 : memref<!tpu.dma_semaphore, #tpu.memory_space<semaphore_mem>>)
      %mul3A_108 = arith.constant 72000 : i32
      %mul3A_109 = arith.muli %arg1, %mul3A_108 : i32
      %add3A_110 = arith.constant 42000 : i32
      %add3A_111 = arith.addi %mul3A_109, %add3A_110 : i32
      %dma_start3A_112 = tpu.memref_slice %arg36[%add3A_111] : memref<1152000xf32, #tpu.memory_space<vmem_shared>> -> memref<6000xf32, #tpu.memory_space<vmem_shared>>
      %dma_start3A_113 = tpu.memref_slice %arg36[%add3A_111] : memref<1152000xf32, #tpu.memory_space<vmem_shared>> -> memref<6000xf32, #tpu.memory_space<vmem_shared>>
      tpu.enqueue_dma source(%arg34 : memref<6000xf32, #tpu.memory_space<vmem>>) target(%dma_start3A_113 : memref<6000xf32, #tpu.memory_space<vmem_shared>>) target_semaphore(%arg43 : memref<!tpu.dma_semaphore, #tpu.memory_space<semaphore_mem>>)
      %mul3A_114 = arith.constant 72000 : i32
      %mul3A_115 = arith.muli %arg1, %mul3A_114 : i32
      %add3A_116 = arith.constant 48000 : i32
      %add3A_117 = arith.addi %mul3A_115, %add3A_116 : i32
      %dma_start3A_118 = tpu.memref_slice %arg36[%add3A_117] : memref<1152000xf32, #tpu.memory_space<vmem_shared>> -> memref<6000xf32, #tpu.memory_space<vmem_shared>>
      %dma_start3A_119 = tpu.memref_slice %arg36[%add3A_117] : memref<1152000xf32, #tpu.memory_space<vmem_shared>> -> memref<6000xf32, #tpu.memory_space<vmem_shared>>
      tpu.enqueue_dma source(%arg34 : memref<6000xf32, #tpu.memory_space<vmem>>) target(%dma_start3A_119 : memref<6000xf32, #tpu.memory_space<vmem_shared>>) target_semaphore(%arg43 : memref<!tpu.dma_semaphore, #tpu.memory_space<semaphore_mem>>)
      %mul3A_120 = arith.constant 72000 : i32
      %mul3A_121 = arith.muli %arg1, %mul3A_120 : i32
      %add3A_122 = arith.constant 54000 : i32
      %add3A_123 = arith.addi %mul3A_121, %add3A_122 : i32
      %dma_start3A_124 = tpu.memref_slice %arg36[%add3A_123] : memref<1152000xf32, #tpu.memory_space<vmem_shared>> -> memref<6000xf32, #tpu.memory_space<vmem_shared>>
      %dma_start3A_125 = tpu.memref_slice %arg36[%add3A_123] : memref<1152000xf32, #tpu.memory_space<vmem_shared>> -> memref<6000xf32, #tpu.memory_space<vmem_shared>>
      tpu.enqueue_dma source(%arg34 : memref<6000xf32, #tpu.memory_space<vmem>>) target(%dma_start3A_125 : memref<6000xf32, #tpu.memory_space<vmem_shared>>) target_semaphore(%arg43 : memref<!tpu.dma_semaphore, #tpu.memory_space<semaphore_mem>>)
      %mul3A_126 = arith.constant 72000 : i32
      %mul3A_127 = arith.muli %arg1, %mul3A_126 : i32
      %add3A_128 = arith.constant 60000 : i32
      %add3A_129 = arith.addi %mul3A_127, %add3A_128 : i32
      %dma_start3A_130 = tpu.memref_slice %arg36[%add3A_129] : memref<1152000xf32, #tpu.memory_space<vmem_shared>> -> memref<6000xf32, #tpu.memory_space<vmem_shared>>
      %dma_start3A_131 = tpu.memref_slice %arg36[%add3A_129] : memref<1152000xf32, #tpu.memory_space<vmem_shared>> -> memref<6000xf32, #tpu.memory_space<vmem_shared>>
      tpu.enqueue_dma source(%arg34 : memref<6000xf32, #tpu.memory_space<vmem>>) target(%dma_start3A_131 : memref<6000xf32, #tpu.memory_space<vmem_shared>>) target_semaphore(%arg43 : memref<!tpu.dma_semaphore, #tpu.memory_space<semaphore_mem>>)
      %mul3A_132 = arith.constant 72000 : i32
      %mul3A_133 = arith.muli %arg1, %mul3A_132 : i32
      %add3A_134 = arith.constant 66000 : i32
      %add3A_135 = arith.addi %mul3A_133, %add3A_134 : i32
      %dma_start3A_136 = tpu.memref_slice %arg36[%add3A_135] : memref<1152000xf32, #tpu.memory_space<vmem_shared>> -> memref<6000xf32, #tpu.memory_space<vmem_shared>>
      %dma_start3A_137 = tpu.memref_slice %arg36[%add3A_135] : memref<1152000xf32, #tpu.memory_space<vmem_shared>> -> memref<6000xf32, #tpu.memory_space<vmem_shared>>
      tpu.enqueue_dma source(%arg34 : memref<6000xf32, #tpu.memory_space<vmem>>) target(%dma_start3A_137 : memref<6000xf32, #tpu.memory_space<vmem_shared>>) target_semaphore(%arg43 : memref<!tpu.dma_semaphore, #tpu.memory_space<semaphore_mem>>)
      %mul3A_138 = arith.constant 72000 : i32
      %mul3A_139 = arith.muli %arg1, %mul3A_138 : i32
      %add3A_140 = arith.constant 0 : i32
      %add3A_141 = arith.addi %mul3A_139, %add3A_140 : i32
      %dma_wait3A_142 = tpu.memref_slice %arg36[%add3A_141] : memref<1152000xf32, #tpu.memory_space<vmem_shared>> -> memref<6000xf32, #tpu.memory_space<vmem_shared>>
      %dma_wait3A_143 = tpu.memref_slice %arg36[%add3A_141] : memref<1152000xf32, #tpu.memory_space<vmem_shared>> -> memref<6000xf32, #tpu.memory_space<vmem_shared>>
      tpu.wait_dma2 semaphore(%arg43 : memref<!tpu.dma_semaphore, #tpu.memory_space<semaphore_mem>>) src(%arg34 : memref<6000xf32, #tpu.memory_space<vmem>>) dst(%dma_wait3A_143 : memref<6000xf32, #tpu.memory_space<vmem_shared>>)
      %mul3A_144 = arith.constant 72000 : i32
      %mul3A_145 = arith.muli %arg1, %mul3A_144 : i32
      %add3A_146 = arith.constant 6000 : i32
      %add3A_147 = arith.addi %mul3A_145, %add3A_146 : i32
      %dma_wait3A_148 = tpu.memref_slice %arg36[%add3A_147] : memref<1152000xf32, #tpu.memory_space<vmem_shared>> -> memref<6000xf32, #tpu.memory_space<vmem_shared>>
      %dma_wait3A_149 = tpu.memref_slice %arg36[%add3A_147] : memref<1152000xf32, #tpu.memory_space<vmem_shared>> -> memref<6000xf32, #tpu.memory_space<vmem_shared>>
      tpu.wait_dma2 semaphore(%arg43 : memref<!tpu.dma_semaphore, #tpu.memory_space<semaphore_mem>>) src(%arg34 : memref<6000xf32, #tpu.memory_space<vmem>>) dst(%dma_wait3A_149 : memref<6000xf32, #tpu.memory_space<vmem_shared>>)
      %mul3A_150 = arith.constant 72000 : i32
      %mul3A_151 = arith.muli %arg1, %mul3A_150 : i32
      %add3A_152 = arith.constant 12000 : i32
      %add3A_153 = arith.addi %mul3A_151, %add3A_152 : i32
      %dma_wait3A_154 = tpu.memref_slice %arg36[%add3A_153] : memref<1152000xf32, #tpu.memory_space<vmem_shared>> -> memref<6000xf32, #tpu.memory_space<vmem_shared>>
      %dma_wait3A_155 = tpu.memref_slice %arg36[%add3A_153] : memref<1152000xf32, #tpu.memory_space<vmem_shared>> -> memref<6000xf32, #tpu.memory_space<vmem_shared>>
      tpu.wait_dma2 semaphore(%arg43 : memref<!tpu.dma_semaphore, #tpu.memory_space<semaphore_mem>>) src(%arg34 : memref<6000xf32, #tpu.memory_space<vmem>>) dst(%dma_wait3A_155 : memref<6000xf32, #tpu.memory_space<vmem_shared>>)
      %mul3A_156 = arith.constant 72000 : i32
      %mul3A_157 = arith.muli %arg1, %mul3A_156 : i32
      %add3A_158 = arith.constant 18000 : i32
      %add3A_159 = arith.addi %mul3A_157, %add3A_158 : i32
      %dma_wait3A_160 = tpu.memref_slice %arg36[%add3A_159] : memref<1152000xf32, #tpu.memory_space<vmem_shared>> -> memref<6000xf32, #tpu.memory_space<vmem_shared>>
      %dma_wait3A_161 = tpu.memref_slice %arg36[%add3A_159] : memref<1152000xf32, #tpu.memory_space<vmem_shared>> -> memref<6000xf32, #tpu.memory_space<vmem_shared>>
      tpu.wait_dma2 semaphore(%arg43 : memref<!tpu.dma_semaphore, #tpu.memory_space<semaphore_mem>>) src(%arg34 : memref<6000xf32, #tpu.memory_space<vmem>>) dst(%dma_wait3A_161 : memref<6000xf32, #tpu.memory_space<vmem_shared>>)
      %mul3A_162 = arith.constant 72000 : i32
      %mul3A_163 = arith.muli %arg1, %mul3A_162 : i32
      %add3A_164 = arith.constant 24000 : i32
      %add3A_165 = arith.addi %mul3A_163, %add3A_164 : i32
      %dma_wait3A_166 = tpu.memref_slice %arg36[%add3A_165] : memref<1152000xf32, #tpu.memory_space<vmem_shared>> -> memref<6000xf32, #tpu.memory_space<vmem_shared>>
      %dma_wait3A_167 = tpu.memref_slice %arg36[%add3A_165] : memref<1152000xf32, #tpu.memory_space<vmem_shared>> -> memref<6000xf32, #tpu.memory_space<vmem_shared>>
      tpu.wait_dma2 semaphore(%arg43 : memref<!tpu.dma_semaphore, #tpu.memory_space<semaphore_mem>>) src(%arg34 : memref<6000xf32, #tpu.memory_space<vmem>>) dst(%dma_wait3A_167 : memref<6000xf32, #tpu.memory_space<vmem_shared>>)
      %mul3A_168 = arith.constant 72000 : i32
      %mul3A_169 = arith.muli %arg1, %mul3A_168 : i32
      %add3A_170 = arith.constant 30000 : i32
      %add3A_171 = arith.addi %mul3A_169, %add3A_170 : i32
      %dma_wait3A_172 = tpu.memref_slice %arg36[%add3A_171] : memref<1152000xf32, #tpu.memory_space<vmem_shared>> -> memref<6000xf32, #tpu.memory_space<vmem_shared>>
      %dma_wait3A_173 = tpu.memref_slice %arg36[%add3A_171] : memref<1152000xf32, #tpu.memory_space<vmem_shared>> -> memref<6000xf32, #tpu.memory_space<vmem_shared>>
      tpu.wait_dma2 semaphore(%arg43 : memref<!tpu.dma_semaphore, #tpu.memory_space<semaphore_mem>>) src(%arg34 : memref<6000xf32, #tpu.memory_space<vmem>>) dst(%dma_wait3A_173 : memref<6000xf32, #tpu.memory_space<vmem_shared>>)
      %mul3A_174 = arith.constant 72000 : i32
      %mul3A_175 = arith.muli %arg1, %mul3A_174 : i32
      %add3A_176 = arith.constant 36000 : i32
      %add3A_177 = arith.addi %mul3A_175, %add3A_176 : i32
      %dma_wait3A_178 = tpu.memref_slice %arg36[%add3A_177] : memref<1152000xf32, #tpu.memory_space<vmem_shared>> -> memref<6000xf32, #tpu.memory_space<vmem_shared>>
      %dma_wait3A_179 = tpu.memref_slice %arg36[%add3A_177] : memref<1152000xf32, #tpu.memory_space<vmem_shared>> -> memref<6000xf32, #tpu.memory_space<vmem_shared>>
      tpu.wait_dma2 semaphore(%arg43 : memref<!tpu.dma_semaphore, #tpu.memory_space<semaphore_mem>>) src(%arg34 : memref<6000xf32, #tpu.memory_space<vmem>>) dst(%dma_wait3A_179 : memref<6000xf32, #tpu.memory_space<vmem_shared>>)
      %mul3A_180 = arith.constant 72000 : i32
      %mul3A_181 = arith.muli %arg1, %mul3A_180 : i32
      %add3A_182 = arith.constant 42000 : i32
      %add3A_183 = arith.addi %mul3A_181, %add3A_182 : i32
      %dma_wait3A_184 = tpu.memref_slice %arg36[%add3A_183] : memref<1152000xf32, #tpu.memory_space<vmem_shared>> -> memref<6000xf32, #tpu.memory_space<vmem_shared>>
      %dma_wait3A_185 = tpu.memref_slice %arg36[%add3A_183] : memref<1152000xf32, #tpu.memory_space<vmem_shared>> -> memref<6000xf32, #tpu.memory_space<vmem_shared>>
      tpu.wait_dma2 semaphore(%arg43 : memref<!tpu.dma_semaphore, #tpu.memory_space<semaphore_mem>>) src(%arg34 : memref<6000xf32, #tpu.memory_space<vmem>>) dst(%dma_wait3A_185 : memref<6000xf32, #tpu.memory_space<vmem_shared>>)
      %mul3A_186 = arith.constant 72000 : i32
      %mul3A_187 = arith.muli %arg1, %mul3A_186 : i32
      %add3A_188 = arith.constant 48000 : i32
      %add3A_189 = arith.addi %mul3A_187, %add3A_188 : i32
      %dma_wait3A_190 = tpu.memref_slice %arg36[%add3A_189] : memref<1152000xf32, #tpu.memory_space<vmem_shared>> -> memref<6000xf32, #tpu.memory_space<vmem_shared>>
      %dma_wait3A_191 = tpu.memref_slice %arg36[%add3A_189] : memref<1152000xf32, #tpu.memory_space<vmem_shared>> -> memref<6000xf32, #tpu.memory_space<vmem_shared>>
      tpu.wait_dma2 semaphore(%arg43 : memref<!tpu.dma_semaphore, #tpu.memory_space<semaphore_mem>>) src(%arg34 : memref<6000xf32, #tpu.memory_space<vmem>>) dst(%dma_wait3A_191 : memref<6000xf32, #tpu.memory_space<vmem_shared>>)
      %mul3A_192 = arith.constant 72000 : i32
      %mul3A_193 = arith.muli %arg1, %mul3A_192 : i32
      %add3A_194 = arith.constant 54000 : i32
      %add3A_195 = arith.addi %mul3A_193, %add3A_194 : i32
      %dma_wait3A_196 = tpu.memref_slice %arg36[%add3A_195] : memref<1152000xf32, #tpu.memory_space<vmem_shared>> -> memref<6000xf32, #tpu.memory_space<vmem_shared>>
      %dma_wait3A_197 = tpu.memref_slice %arg36[%add3A_195] : memref<1152000xf32, #tpu.memory_space<vmem_shared>> -> memref<6000xf32, #tpu.memory_space<vmem_shared>>
      tpu.wait_dma2 semaphore(%arg43 : memref<!tpu.dma_semaphore, #tpu.memory_space<semaphore_mem>>) src(%arg34 : memref<6000xf32, #tpu.memory_space<vmem>>) dst(%dma_wait3A_197 : memref<6000xf32, #tpu.memory_space<vmem_shared>>)
      %mul3A_198 = arith.constant 72000 : i32
      %mul3A_199 = arith.muli %arg1, %mul3A_198 : i32
      %add3A_200 = arith.constant 60000 : i32
      %add3A_201 = arith.addi %mul3A_199, %add3A_200 : i32
      %dma_wait3A_202 = tpu.memref_slice %arg36[%add3A_201] : memref<1152000xf32, #tpu.memory_space<vmem_shared>> -> memref<6000xf32, #tpu.memory_space<vmem_shared>>
      %dma_wait3A_203 = tpu.memref_slice %arg36[%add3A_201] : memref<1152000xf32, #tpu.memory_space<vmem_shared>> -> memref<6000xf32, #tpu.memory_space<vmem_shared>>
      tpu.wait_dma2 semaphore(%arg43 : memref<!tpu.dma_semaphore, #tpu.memory_space<semaphore_mem>>) src(%arg34 : memref<6000xf32, #tpu.memory_space<vmem>>) dst(%dma_wait3A_203 : memref<6000xf32, #tpu.memory_space<vmem_shared>>)
      %mul3A_204 = arith.constant 72000 : i32
      %mul3A_205 = arith.muli %arg1, %mul3A_204 : i32
      %add3A_206 = arith.constant 66000 : i32
      %add3A_207 = arith.addi %mul3A_205, %add3A_206 : i32
      %dma_wait3A_208 = tpu.memref_slice %arg36[%add3A_207] : memref<1152000xf32, #tpu.memory_space<vmem_shared>> -> memref<6000xf32, #tpu.memory_space<vmem_shared>>
      %dma_wait3A_209 = tpu.memref_slice %arg36[%add3A_207] : memref<1152000xf32, #tpu.memory_space<vmem_shared>> -> memref<6000xf32, #tpu.memory_space<vmem_shared>>
      tpu.wait_dma2 semaphore(%arg43 : memref<!tpu.dma_semaphore, #tpu.memory_space<semaphore_mem>>) src(%arg34 : memref<6000xf32, #tpu.memory_space<vmem>>) dst(%dma_wait3A_209 : memref<6000xf32, #tpu.memory_space<vmem_shared>>)
      "tpu.trace_stop"() : () -> ()
      %barrier3A_210 = arith.constant 0 : index
      tpu.barrier barrier_id(%barrier3A_210)
      %add3A_211 = arith.constant 0 : i32
      %add3A_212 = arith.addi %add3A, %add3A_211 : i32
      %dma_start3A_213 = tpu.memref_slice %arg13[%add3A_212] : memref<2048000xi32, #tpu.memory_space<hbm>> -> memref<3200xi32, #tpu.memory_space<hbm>>
      %dma_start3A_214 = tpu.memref_slice %arg13[%add3A_212] : memref<2048000xi32, #tpu.memory_space<hbm>> -> memref<3200xi32, #tpu.memory_space<hbm>>
      tpu.enqueue_dma source(%dma_start3A_214 : memref<3200xi32, #tpu.memory_space<hbm>>) target(%arg25 : memref<3200xi32, #tpu.memory_space<vmem>>) target_semaphore(%arg37 : memref<!tpu.dma_semaphore, #tpu.memory_space<semaphore_mem>>)
      %dma_start3A_215 = tpu.memref_slice %arg14[%add3A_212] : memref<2048000xf32, #tpu.memory_space<hbm>> -> memref<3200xf32, #tpu.memory_space<hbm>>
      %dma_start3A_216 = tpu.memref_slice %arg14[%add3A_212] : memref<2048000xf32, #tpu.memory_space<hbm>> -> memref<3200xf32, #tpu.memory_space<hbm>>
      tpu.enqueue_dma source(%dma_start3A_216 : memref<3200xf32, #tpu.memory_space<hbm>>) target(%arg21 : memref<3200xf32, #tpu.memory_space<vmem>>) target_semaphore(%arg37 : memref<!tpu.dma_semaphore, #tpu.memory_space<semaphore_mem>>)
      %add3A_217 = arith.constant 3200 : i32
      %add3A_218 = arith.addi %add3A, %add3A_217 : i32
      %dma_start3A_219 = tpu.memref_slice %arg13[%add3A_218] : memref<2048000xi32, #tpu.memory_space<hbm>> -> memref<3200xi32, #tpu.memory_space<hbm>>
      %dma_start3A_220 = tpu.memref_slice %arg13[%add3A_218] : memref<2048000xi32, #tpu.memory_space<hbm>> -> memref<3200xi32, #tpu.memory_space<hbm>>
      tpu.enqueue_dma source(%dma_start3A_220 : memref<3200xi32, #tpu.memory_space<hbm>>) target(%arg32 : memref<3200xi32, #tpu.memory_space<vmem>>) target_semaphore(%arg38 : memref<!tpu.dma_semaphore, #tpu.memory_space<semaphore_mem>>)
      %dma_start3A_221 = tpu.memref_slice %arg14[%add3A_218] : memref<2048000xf32, #tpu.memory_space<hbm>> -> memref<3200xf32, #tpu.memory_space<hbm>>
      %dma_start3A_222 = tpu.memref_slice %arg14[%add3A_218] : memref<2048000xf32, #tpu.memory_space<hbm>> -> memref<3200xf32, #tpu.memory_space<hbm>>
      tpu.enqueue_dma source(%dma_start3A_222 : memref<3200xf32, #tpu.memory_space<hbm>>) target(%arg28 : memref<3200xf32, #tpu.memory_space<vmem>>) target_semaphore(%arg38 : memref<!tpu.dma_semaphore, #tpu.memory_space<semaphore_mem>>)
      "tpu.trace_start"() <{level = 10 : i32, message = "scan"}> : () -> ()
      %scan3A_223 = arith.constant 0 : i32
      %scan3A_224 = arith.constant 0 : i32
      %scan3A_225 = arith.constant 10 : i32
      %scan3A_226 = arith.addi %scan3A_224, %scan3A_225 : i32
      %scan3A_227 = arith.constant 1 : i32
      %scan3A_228 = scf.for %scan3A_440 = %scan3A_224 to %scan3A_226 step %scan3A_227 iter_args(%scan3A_441 = %scan3A_223) -> (i32)  : i32 {
        %mul3A_442 = arith.constant 2 : i32
        %mul3A_443 = arith.muli %scan3A_440, %mul3A_442 : i32
        %add3A_444 = arith.constant 0 : i32
        %add3A_445 = arith.addi %mul3A_443, %add3A_444 : i32
        %gt3A = arith.constant 0 : i32
        %gt3A_446 = arith.cmpi sgt, %scan3A_440, %gt3A : i32
        %convert_element_type3A = arith.extui %gt3A_446 : i1 to i32
        %cond3A = arith.constant 0 : i32
        %cond3A_447 = arith.cmpi ne, %convert_element_type3A, %cond3A : i32
        scf.if %cond3A_447 {
          %dma_wait3A_499 = arith.constant 0 : i32
          %dma_wait3A_500 = tpu.memref_slice %arg36[%dma_wait3A_499] : memref<1152000xf32, #tpu.memory_space<vmem_shared>> -> memref<1152000xf32, #tpu.memory_space<vmem_shared>>
          tpu.wait_indirect_dma semaphore(%arg41 : memref<!tpu.dma_semaphore, #tpu.memory_space<semaphore_mem>>) src(%arg26 : memref<3200xf32, #tpu.memory_space<vmem>>) dst(%dma_wait3A_500 : memref<1152000xf32, #tpu.memory_space<vmem_shared>>)
        } else {
        }
        %mul3A_448 = arith.constant 3200 : i32
        %mul3A_449 = arith.muli %add3A_445, %mul3A_448 : i32
        %add3A_450 = arith.addi %add3A, %mul3A_449 : i32
        %dma_wait3A_451 = tpu.memref_slice %arg13[%add3A_450] : memref<2048000xi32, #tpu.memory_space<hbm>> -> memref<3200xi32, #tpu.memory_space<hbm>>
        %dma_wait3A_452 = tpu.memref_slice %arg13[%add3A_450] : memref<2048000xi32, #tpu.memory_space<hbm>> -> memref<3200xi32, #tpu.memory_space<hbm>>
        tpu.wait_dma2 semaphore(%arg37 : memref<!tpu.dma_semaphore, #tpu.memory_space<semaphore_mem>>) src(%dma_wait3A_452 : memref<3200xi32, #tpu.memory_space<hbm>>) dst(%arg25 : memref<3200xi32, #tpu.memory_space<vmem>>)
        %dma_wait3A_453 = tpu.memref_slice %arg14[%add3A_450] : memref<2048000xf32, #tpu.memory_space<hbm>> -> memref<3200xf32, #tpu.memory_space<hbm>>
        %dma_wait3A_454 = tpu.memref_slice %arg14[%add3A_450] : memref<2048000xf32, #tpu.memory_space<hbm>> -> memref<3200xf32, #tpu.memory_space<hbm>>
        tpu.wait_dma2 semaphore(%arg37 : memref<!tpu.dma_semaphore, #tpu.memory_space<semaphore_mem>>) src(%dma_wait3A_454 : memref<3200xf32, #tpu.memory_space<hbm>>) dst(%arg21 : memref<3200xf32, #tpu.memory_space<vmem>>)
        %scan3A_455 = arith.constant 0 : i32
        %scan3A_456 = arith.constant 0 : i32
        %scan3A_457 = arith.constant 40 : i32
        %scan3A_458 = arith.addi %scan3A_456, %scan3A_457 : i32
        %scan3A_459 = arith.constant 1 : i32
        %scan3A_460 = scf.for %scan3A_499 = %scan3A_456 to %scan3A_458 step %scan3A_459 iter_args(%scan3A_500 = %scan3A_455) -> (i32)  : i32 {
          %mul3A_501 = arith.constant 5 : i32
          %mul3A_502 = arith.muli %scan3A_499, %mul3A_501 : i32
          %add3A_503 = arith.constant 0 : i32
          %add3A_504 = arith.addi %mul3A_502, %add3A_503 : i32
          %mul3A_505 = arith.constant 16 : i32
          %mul3A_506 = arith.muli %add3A_504, %mul3A_505 : i32
          %get3A = arith.index_cast %mul3A_506 : i32 to index
          %get3A_507 = tpu.vector_load %arg25[%get3A] {strides = array<i32>} : memref<3200xi32, #tpu.memory_space<vmem>>, vector<16xi32>,
          %shift_right_arithmetic3A = arith.constant 21 : i32
          %shift_right_arithmetic3A_508 = vector.broadcast %shift_right_arithmetic3A : i32 to vector<16xi32>
          %shift_right_arithmetic3A_509 = arith.shrsi %get3A_507, %shift_right_arithmetic3A_508 : vector<16xi32>
          %eq3A = vector.broadcast %add3A_58 : i32 to vector<16xi32>
          %eq3A_510 = arith.cmpi eq, %shift_right_arithmetic3A_509, %eq3A : vector<16xi32>
          %and3A = arith.constant 2097151 : i32
          %and3A_511 = vector.broadcast %and3A : i32 to vector<16xi32>
          %and3A_512 = arith.andi %get3A_507, %and3A_511 : vector<16xi32>
          %swap3A = arith.index_cast %mul3A_506 : i32 to index
          %swap3A_513 = tpu.vector_load %arg23[%swap3A] {strides = array<i32>} : memref<3200xi32, #tpu.memory_space<vmem>>, vector<16xi32>,
          tpu.vector_store %arg23[%swap3A], %and3A_512 {strides = array<i32>} : memref<3200xi32, #tpu.memory_space<vmem>>, vector<16xi32>,
          %get3A_514 = arith.index_cast %mul3A_506 : i32 to index
          %get3A_515 = tpu.vector_load %arg21[%get3A_514] {strides = array<i32>} : memref<3200xf32, #tpu.memory_space<vmem>>, vector<16xf32>,
          %jit3A = arith.constant 0.000000e+00 : f32
          %broadcast_in_dim3A = vector.broadcast %jit3A : f32 to vector<16xf32>
          %select_n3A = arith.select %eq3A_510, %get3A_515, %broadcast_in_dim3A : vector<16xi1>, vector<16xf32>
          %swap3A_516 = arith.index_cast %mul3A_506 : i32 to index
          %swap3A_517 = tpu.vector_load %arg26[%swap3A_516] {strides = array<i32>} : memref<3200xf32, #tpu.memory_space<vmem>>, vector<16xf32>,
          tpu.vector_store %arg26[%swap3A_516], %select_n3A {strides = array<i32>} : memref<3200xf32, #tpu.memory_space<vmem>>, vector<16xf32>,
          %mul3A_518 = arith.constant 5 : i32
          %mul3A_519 = arith.muli %scan3A_499, %mul3A_518 : i32
          %add3A_520 = arith.constant 1 : i32
          %add3A_521 = arith.addi %mul3A_519, %add3A_520 : i32
          %mul3A_522 = arith.constant 16 : i32
          %mul3A_523 = arith.muli %add3A_521, %mul3A_522 : i32
          %get3A_524 = arith.index_cast %mul3A_523 : i32 to index
          %get3A_525 = tpu.vector_load %arg25[%get3A_524] {strides = array<i32>} : memref<3200xi32, #tpu.memory_space<vmem>>, vector<16xi32>,
          %shift_right_arithmetic3A_526 = arith.constant 21 : i32
          %shift_right_arithmetic3A_527 = vector.broadcast %shift_right_arithmetic3A_526 : i32 to vector<16xi32>
          %shift_right_arithmetic3A_528 = arith.shrsi %get3A_525, %shift_right_arithmetic3A_527 : vector<16xi32>
          %eq3A_529 = vector.broadcast %add3A_58 : i32 to vector<16xi32>
          %eq3A_530 = arith.cmpi eq, %shift_right_arithmetic3A_528, %eq3A_529 : vector<16xi32>
          %and3A_531 = arith.constant 2097151 : i32
          %and3A_532 = vector.broadcast %and3A_531 : i32 to vector<16xi32>
          %and3A_533 = arith.andi %get3A_525, %and3A_532 : vector<16xi32>
          %swap3A_534 = arith.index_cast %mul3A_523 : i32 to index
          %swap3A_535 = tpu.vector_load %arg23[%swap3A_534] {strides = array<i32>} : memref<3200xi32, #tpu.memory_space<vmem>>, vector<16xi32>,
          tpu.vector_store %arg23[%swap3A_534], %and3A_533 {strides = array<i32>} : memref<3200xi32, #tpu.memory_space<vmem>>, vector<16xi32>,
          %get3A_536 = arith.index_cast %mul3A_523 : i32 to index
          %get3A_537 = tpu.vector_load %arg21[%get3A_536] {strides = array<i32>} : memref<3200xf32, #tpu.memory_space<vmem>>, vector<16xf32>,
          %jit3A_538 = arith.constant 0.000000e+00 : f32
          %broadcast_in_dim3A_539 = vector.broadcast %jit3A_538 : f32 to vector<16xf32>
          %select_n3A_540 = arith.select %eq3A_530, %get3A_537, %broadcast_in_dim3A_539 : vector<16xi1>, vector<16xf32>
          %swap3A_541 = arith.index_cast %mul3A_523 : i32 to index
          %swap3A_542 = tpu.vector_load %arg26[%swap3A_541] {strides = array<i32>} : memref<3200xf32, #tpu.memory_space<vmem>>, vector<16xf32>,
          tpu.vector_store %arg26[%swap3A_541], %select_n3A_540 {strides = array<i32>} : memref<3200xf32, #tpu.memory_space<vmem>>, vector<16xf32>,
          %mul3A_543 = arith.constant 5 : i32
          %mul3A_544 = arith.muli %scan3A_499, %mul3A_543 : i32
          %add3A_545 = arith.constant 2 : i32
          %add3A_546 = arith.addi %mul3A_544, %add3A_545 : i32
          %mul3A_547 = arith.constant 16 : i32
          %mul3A_548 = arith.muli %add3A_546, %mul3A_547 : i32
          %get3A_549 = arith.index_cast %mul3A_548 : i32 to index
          %get3A_550 = tpu.vector_load %arg25[%get3A_549] {strides = array<i32>} : memref<3200xi32, #tpu.memory_space<vmem>>, vector<16xi32>,
          %shift_right_arithmetic3A_551 = arith.constant 21 : i32
          %shift_right_arithmetic3A_552 = vector.broadcast %shift_right_arithmetic3A_551 : i32 to vector<16xi32>
          %shift_right_arithmetic3A_553 = arith.shrsi %get3A_550, %shift_right_arithmetic3A_552 : vector<16xi32>
          %eq3A_554 = vector.broadcast %add3A_58 : i32 to vector<16xi32>
          %eq3A_555 = arith.cmpi eq, %shift_right_arithmetic3A_553, %eq3A_554 : vector<16xi32>
          %and3A_556 = arith.constant 2097151 : i32
          %and3A_557 = vector.broadcast %and3A_556 : i32 to vector<16xi32>
          %and3A_558 = arith.andi %get3A_550, %and3A_557 : vector<16xi32>
          %swap3A_559 = arith.index_cast %mul3A_548 : i32 to index
          %swap3A_560 = tpu.vector_load %arg23[%swap3A_559] {strides = array<i32>} : memref<3200xi32, #tpu.memory_space<vmem>>, vector<16xi32>,
          tpu.vector_store %arg23[%swap3A_559], %and3A_558 {strides = array<i32>} : memref<3200xi32, #tpu.memory_space<vmem>>, vector<16xi32>,
          %get3A_561 = arith.index_cast %mul3A_548 : i32 to index
          %get3A_562 = tpu.vector_load %arg21[%get3A_561] {strides = array<i32>} : memref<3200xf32, #tpu.memory_space<vmem>>, vector<16xf32>,
          %jit3A_563 = arith.constant 0.000000e+00 : f32
          %broadcast_in_dim3A_564 = vector.broadcast %jit3A_563 : f32 to vector<16xf32>
          %select_n3A_565 = arith.select %eq3A_555, %get3A_562, %broadcast_in_dim3A_564 : vector<16xi1>, vector<16xf32>
          %swap3A_566 = arith.index_cast %mul3A_548 : i32 to index
          %swap3A_567 = tpu.vector_load %arg26[%swap3A_566] {strides = array<i32>} : memref<3200xf32, #tpu.memory_space<vmem>>, vector<16xf32>,
          tpu.vector_store %arg26[%swap3A_566], %select_n3A_565 {strides = array<i32>} : memref<3200xf32, #tpu.memory_space<vmem>>, vector<16xf32>,
          %mul3A_568 = arith.constant 5 : i32
          %mul3A_569 = arith.muli %scan3A_499, %mul3A_568 : i32
          %add3A_570 = arith.constant 3 : i32
          %add3A_571 = arith.addi %mul3A_569, %add3A_570 : i32
          %mul3A_572 = arith.constant 16 : i32
          %mul3A_573 = arith.muli %add3A_571, %mul3A_572 : i32
          %get3A_574 = arith.index_cast %mul3A_573 : i32 to index
          %get3A_575 = tpu.vector_load %arg25[%get3A_574] {strides = array<i32>} : memref<3200xi32, #tpu.memory_space<vmem>>, vector<16xi32>,
          %shift_right_arithmetic3A_576 = arith.constant 21 : i32
          %shift_right_arithmetic3A_577 = vector.broadcast %shift_right_arithmetic3A_576 : i32 to vector<16xi32>
          %shift_right_arithmetic3A_578 = arith.shrsi %get3A_575, %shift_right_arithmetic3A_577 : vector<16xi32>
          %eq3A_579 = vector.broadcast %add3A_58 : i32 to vector<16xi32>
          %eq3A_580 = arith.cmpi eq, %shift_right_arithmetic3A_578, %eq3A_579 : vector<16xi32>
          %and3A_581 = arith.constant 2097151 : i32
          %and3A_582 = vector.broadcast %and3A_581 : i32 to vector<16xi32>
          %and3A_583 = arith.andi %get3A_575, %and3A_582 : vector<16xi32>
          %swap3A_584 = arith.index_cast %mul3A_573 : i32 to index
          %swap3A_585 = tpu.vector_load %arg23[%swap3A_584] {strides = array<i32>} : memref<3200xi32, #tpu.memory_space<vmem>>, vector<16xi32>,
          tpu.vector_store %arg23[%swap3A_584], %and3A_583 {strides = array<i32>} : memref<3200xi32, #tpu.memory_space<vmem>>, vector<16xi32>,
          %get3A_586 = arith.index_cast %mul3A_573 : i32 to index
          %get3A_587 = tpu.vector_load %arg21[%get3A_586] {strides = array<i32>} : memref<3200xf32, #tpu.memory_space<vmem>>, vector<16xf32>,
          %jit3A_588 = arith.constant 0.000000e+00 : f32
          %broadcast_in_dim3A_589 = vector.broadcast %jit3A_588 : f32 to vector<16xf32>
          %select_n3A_590 = arith.select %eq3A_580, %get3A_587, %broadcast_in_dim3A_589 : vector<16xi1>, vector<16xf32>
          %swap3A_591 = arith.index_cast %mul3A_573 : i32 to index
          %swap3A_592 = tpu.vector_load %arg26[%swap3A_591] {strides = array<i32>} : memref<3200xf32, #tpu.memory_space<vmem>>, vector<16xf32>,
          tpu.vector_store %arg26[%swap3A_591], %select_n3A_590 {strides = array<i32>} : memref<3200xf32, #tpu.memory_space<vmem>>, vector<16xf32>,
          %mul3A_593 = arith.constant 5 : i32
          %mul3A_594 = arith.muli %scan3A_499, %mul3A_593 : i32
          %add3A_595 = arith.constant 4 : i32
          %add3A_596 = arith.addi %mul3A_594, %add3A_595 : i32
          %mul3A_597 = arith.constant 16 : i32
          %mul3A_598 = arith.muli %add3A_596, %mul3A_597 : i32
          %get3A_599 = arith.index_cast %mul3A_598 : i32 to index
          %get3A_600 = tpu.vector_load %arg25[%get3A_599] {strides = array<i32>} : memref<3200xi32, #tpu.memory_space<vmem>>, vector<16xi32>,
          %shift_right_arithmetic3A_601 = arith.constant 21 : i32
          %shift_right_arithmetic3A_602 = vector.broadcast %shift_right_arithmetic3A_601 : i32 to vector<16xi32>
          %shift_right_arithmetic3A_603 = arith.shrsi %get3A_600, %shift_right_arithmetic3A_602 : vector<16xi32>
          %eq3A_604 = vector.broadcast %add3A_58 : i32 to vector<16xi32>
          %eq3A_605 = arith.cmpi eq, %shift_right_arithmetic3A_603, %eq3A_604 : vector<16xi32>
          %and3A_606 = arith.constant 2097151 : i32
          %and3A_607 = vector.broadcast %and3A_606 : i32 to vector<16xi32>
          %and3A_608 = arith.andi %get3A_600, %and3A_607 : vector<16xi32>
          %swap3A_609 = arith.index_cast %mul3A_598 : i32 to index
          %swap3A_610 = tpu.vector_load %arg23[%swap3A_609] {strides = array<i32>} : memref<3200xi32, #tpu.memory_space<vmem>>, vector<16xi32>,
          tpu.vector_store %arg23[%swap3A_609], %and3A_608 {strides = array<i32>} : memref<3200xi32, #tpu.memory_space<vmem>>, vector<16xi32>,
          %get3A_611 = arith.index_cast %mul3A_598 : i32 to index
          %get3A_612 = tpu.vector_load %arg21[%get3A_611] {strides = array<i32>} : memref<3200xf32, #tpu.memory_space<vmem>>, vector<16xf32>,
          %jit3A_613 = arith.constant 0.000000e+00 : f32
          %broadcast_in_dim3A_614 = vector.broadcast %jit3A_613 : f32 to vector<16xf32>
          %select_n3A_615 = arith.select %eq3A_605, %get3A_612, %broadcast_in_dim3A_614 : vector<16xi1>, vector<16xf32>
          %swap3A_616 = arith.index_cast %mul3A_598 : i32 to index
          %swap3A_617 = tpu.vector_load %arg26[%swap3A_616] {strides = array<i32>} : memref<3200xf32, #tpu.memory_space<vmem>>, vector<16xf32>,
          tpu.vector_store %arg26[%swap3A_616], %select_n3A_615 {strides = array<i32>} : memref<3200xf32, #tpu.memory_space<vmem>>, vector<16xf32>,
          %scan3A_618 = arith.constant 0 : i32
          scf.yield %scan3A_618 : i32
        }
        %scan3A_461 = arith.constant 40 : i32
        %dma_start3A_462 = arith.constant 0 : i32
        %dma_start3A_463 = tpu.memref_slice %arg36[%dma_start3A_462] : memref<1152000xf32, #tpu.memory_space<vmem_shared>> -> memref<1152000xf32, #tpu.memory_space<vmem_shared>>
        tpu.enqueue_indirect_dma source(%arg26 : memref<3200xf32, #tpu.memory_space<vmem>>) target(%dma_start3A_463 : memref<1152000xf32, #tpu.memory_space<vmem_shared>>) offsets(%arg23 : memref<3200xi32, #tpu.memory_space<vmem>>) semaphore(%arg41 : memref<!tpu.dma_semaphore, #tpu.memory_space<semaphore_mem>>) {add = true}
        %lt3A = arith.constant 9 : i32
        %lt3A_464 = arith.cmpi slt, %scan3A_440, %lt3A : i32
        %convert_element_type3A_465 = arith.extui %lt3A_464 : i1 to i32
        %cond3A_466 = arith.constant 0 : i32
        %cond3A_467 = arith.cmpi ne, %convert_element_type3A_465, %cond3A_466 : i32
        scf.if %cond3A_467 {
          %add3A_499 = arith.constant 2 : i32
          %add3A_500 = arith.addi %add3A_445, %add3A_499 : i32
          %mul3A_501 = arith.constant 3200 : i32
          %mul3A_502 = arith.muli %add3A_500, %mul3A_501 : i32
          %add3A_503 = arith.addi %add3A, %mul3A_502 : i32
          %dma_start3A_504 = tpu.memref_slice %arg13[%add3A_503] : memref<2048000xi32, #tpu.memory_space<hbm>> -> memref<3200xi32, #tpu.memory_space<hbm>>
          %dma_start3A_505 = tpu.memref_slice %arg13[%add3A_503] : memref<2048000xi32, #tpu.memory_space<hbm>> -> memref<3200xi32, #tpu.memory_space<hbm>>
          tpu.enqueue_dma source(%dma_start3A_505 : memref<3200xi32, #tpu.memory_space<hbm>>) target(%arg25 : memref<3200xi32, #tpu.memory_space<vmem>>) target_semaphore(%arg37 : memref<!tpu.dma_semaphore, #tpu.memory_space<semaphore_mem>>)
          %dma_start3A_506 = tpu.memref_slice %arg14[%add3A_503] : memref<2048000xf32, #tpu.memory_space<hbm>> -> memref<3200xf32, #tpu.memory_space<hbm>>
          %dma_start3A_507 = tpu.memref_slice %arg14[%add3A_503] : memref<2048000xf32, #tpu.memory_space<hbm>> -> memref<3200xf32, #tpu.memory_space<hbm>>
          tpu.enqueue_dma source(%dma_start3A_507 : memref<3200xf32, #tpu.memory_space<hbm>>) target(%arg21 : memref<3200xf32, #tpu.memory_space<vmem>>) target_semaphore(%arg37 : memref<!tpu.dma_semaphore, #tpu.memory_space<semaphore_mem>>)
        } else {
        }
        %mul3A_468 = arith.constant 2 : i32
        %mul3A_469 = arith.muli %scan3A_440, %mul3A_468 : i32
        %add3A_470 = arith.constant 1 : i32
        %add3A_471 = arith.addi %mul3A_469, %add3A_470 : i32
        %gt3A_472 = arith.constant 0 : i32
        %gt3A_473 = arith.cmpi sgt, %scan3A_440, %gt3A_472 : i32
        %convert_element_type3A_474 = arith.extui %gt3A_473 : i1 to i32
        %cond3A_475 = arith.constant 0 : i32
        %cond3A_476 = arith.cmpi ne, %convert_element_type3A_474, %cond3A_475 : i32
        scf.if %cond3A_476 {
          %dma_wait3A_499 = arith.constant 0 : i32
          %dma_wait3A_500 = tpu.memref_slice %arg36[%dma_wait3A_499] : memref<1152000xf32, #tpu.memory_space<vmem_shared>> -> memref<1152000xf32, #tpu.memory_space<vmem_shared>>
          tpu.wait_indirect_dma semaphore(%arg42 : memref<!tpu.dma_semaphore, #tpu.memory_space<semaphore_mem>>) src(%arg33 : memref<3200xf32, #tpu.memory_space<vmem>>) dst(%dma_wait3A_500 : memref<1152000xf32, #tpu.memory_space<vmem_shared>>)
        } else {
        }
        %mul3A_477 = arith.constant 3200 : i32
        %mul3A_478 = arith.muli %add3A_471, %mul3A_477 : i32
        %add3A_479 = arith.addi %add3A, %mul3A_478 : i32
        %dma_wait3A_480 = tpu.memref_slice %arg13[%add3A_479] : memref<2048000xi32, #tpu.memory_space<hbm>> -> memref<3200xi32, #tpu.memory_space<hbm>>
        %dma_wait3A_481 = tpu.memref_slice %arg13[%add3A_479] : memref<2048000xi32, #tpu.memory_space<hbm>> -> memref<3200xi32, #tpu.memory_space<hbm>>
        tpu.wait_dma2 semaphore(%arg38 : memref<!tpu.dma_semaphore, #tpu.memory_space<semaphore_mem>>) src(%dma_wait3A_481 : memref<3200xi32, #tpu.memory_space<hbm>>) dst(%arg32 : memref<3200xi32, #tpu.memory_space<vmem>>)
        %dma_wait3A_482 = tpu.memref_slice %arg14[%add3A_479] : memref<2048000xf32, #tpu.memory_space<hbm>> -> memref<3200xf32, #tpu.memory_space<hbm>>
        %dma_wait3A_483 = tpu.memref_slice %arg14[%add3A_479] : memref<2048000xf32, #tpu.memory_space<hbm>> -> memref<3200xf32, #tpu.memory_space<hbm>>
        tpu.wait_dma2 semaphore(%arg38 : memref<!tpu.dma_semaphore, #tpu.memory_space<semaphore_mem>>) src(%dma_wait3A_483 : memref<3200xf32, #tpu.memory_space<hbm>>) dst(%arg28 : memref<3200xf32, #tpu.memory_space<vmem>>)
        %scan3A_484 = arith.constant 0 : i32
        %scan3A_485 = arith.constant 0 : i32
        %scan3A_486 = arith.constant 40 : i32
        %scan3A_487 = arith.addi %scan3A_485, %scan3A_486 : i32
        %scan3A_488 = arith.constant 1 : i32
        %scan3A_489 = scf.for %scan3A_499 = %scan3A_485 to %scan3A_487 step %scan3A_488 iter_args(%scan3A_500 = %scan3A_484) -> (i32)  : i32 {
          %mul3A_501 = arith.constant 5 : i32
          %mul3A_502 = arith.muli %scan3A_499, %mul3A_501 : i32
          %add3A_503 = arith.constant 0 : i32
          %add3A_504 = arith.addi %mul3A_502, %add3A_503 : i32
          %mul3A_505 = arith.constant 16 : i32
          %mul3A_506 = arith.muli %add3A_504, %mul3A_505 : i32
          %get3A = arith.index_cast %mul3A_506 : i32 to index
          %get3A_507 = tpu.vector_load %arg32[%get3A] {strides = array<i32>} : memref<3200xi32, #tpu.memory_space<vmem>>, vector<16xi32>,
          %shift_right_arithmetic3A = arith.constant 21 : i32
          %shift_right_arithmetic3A_508 = vector.broadcast %shift_right_arithmetic3A : i32 to vector<16xi32>
          %shift_right_arithmetic3A_509 = arith.shrsi %get3A_507, %shift_right_arithmetic3A_508 : vector<16xi32>
          %eq3A = vector.broadcast %add3A_58 : i32 to vector<16xi32>
          %eq3A_510 = arith.cmpi eq, %shift_right_arithmetic3A_509, %eq3A : vector<16xi32>
          %and3A = arith.constant 2097151 : i32
          %and3A_511 = vector.broadcast %and3A : i32 to vector<16xi32>
          %and3A_512 = arith.andi %get3A_507, %and3A_511 : vector<16xi32>
          %swap3A = arith.index_cast %mul3A_506 : i32 to index
          %swap3A_513 = tpu.vector_load %arg30[%swap3A] {strides = array<i32>} : memref<3200xi32, #tpu.memory_space<vmem>>, vector<16xi32>,
          tpu.vector_store %arg30[%swap3A], %and3A_512 {strides = array<i32>} : memref<3200xi32, #tpu.memory_space<vmem>>, vector<16xi32>,
          %get3A_514 = arith.index_cast %mul3A_506 : i32 to index
          %get3A_515 = tpu.vector_load %arg28[%get3A_514] {strides = array<i32>} : memref<3200xf32, #tpu.memory_space<vmem>>, vector<16xf32>,
          %jit3A = arith.constant 0.000000e+00 : f32
          %broadcast_in_dim3A = vector.broadcast %jit3A : f32 to vector<16xf32>
          %select_n3A = arith.select %eq3A_510, %get3A_515, %broadcast_in_dim3A : vector<16xi1>, vector<16xf32>
          %swap3A_516 = arith.index_cast %mul3A_506 : i32 to index
          %swap3A_517 = tpu.vector_load %arg33[%swap3A_516] {strides = array<i32>} : memref<3200xf32, #tpu.memory_space<vmem>>, vector<16xf32>,
          tpu.vector_store %arg33[%swap3A_516], %select_n3A {strides = array<i32>} : memref<3200xf32, #tpu.memory_space<vmem>>, vector<16xf32>,
          %mul3A_518 = arith.constant 5 : i32
          %mul3A_519 = arith.muli %scan3A_499, %mul3A_518 : i32
          %add3A_520 = arith.constant 1 : i32
          %add3A_521 = arith.addi %mul3A_519, %add3A_520 : i32
          %mul3A_522 = arith.constant 16 : i32
          %mul3A_523 = arith.muli %add3A_521, %mul3A_522 : i32
          %get3A_524 = arith.index_cast %mul3A_523 : i32 to index
          %get3A_525 = tpu.vector_load %arg32[%get3A_524] {strides = array<i32>} : memref<3200xi32, #tpu.memory_space<vmem>>, vector<16xi32>,
          %shift_right_arithmetic3A_526 = arith.constant 21 : i32
          %shift_right_arithmetic3A_527 = vector.broadcast %shift_right_arithmetic3A_526 : i32 to vector<16xi32>
          %shift_right_arithmetic3A_528 = arith.shrsi %get3A_525, %shift_right_arithmetic3A_527 : vector<16xi32>
          %eq3A_529 = vector.broadcast %add3A_58 : i32 to vector<16xi32>
          %eq3A_530 = arith.cmpi eq, %shift_right_arithmetic3A_528, %eq3A_529 : vector<16xi32>
          %and3A_531 = arith.constant 2097151 : i32
          %and3A_532 = vector.broadcast %and3A_531 : i32 to vector<16xi32>
          %and3A_533 = arith.andi %get3A_525, %and3A_532 : vector<16xi32>
          %swap3A_534 = arith.index_cast %mul3A_523 : i32 to index
          %swap3A_535 = tpu.vector_load %arg30[%swap3A_534] {strides = array<i32>} : memref<3200xi32, #tpu.memory_space<vmem>>, vector<16xi32>,
          tpu.vector_store %arg30[%swap3A_534], %and3A_533 {strides = array<i32>} : memref<3200xi32, #tpu.memory_space<vmem>>, vector<16xi32>,
          %get3A_536 = arith.index_cast %mul3A_523 : i32 to index
          %get3A_537 = tpu.vector_load %arg28[%get3A_536] {strides = array<i32>} : memref<3200xf32, #tpu.memory_space<vmem>>, vector<16xf32>,
          %jit3A_538 = arith.constant 0.000000e+00 : f32
          %broadcast_in_dim3A_539 = vector.broadcast %jit3A_538 : f32 to vector<16xf32>
          %select_n3A_540 = arith.select %eq3A_530, %get3A_537, %broadcast_in_dim3A_539 : vector<16xi1>, vector<16xf32>
          %swap3A_541 = arith.index_cast %mul3A_523 : i32 to index
          %swap3A_542 = tpu.vector_load %arg33[%swap3A_541] {strides = array<i32>} : memref<3200xf32, #tpu.memory_space<vmem>>, vector<16xf32>,
          tpu.vector_store %arg33[%swap3A_541], %select_n3A_540 {strides = array<i32>} : memref<3200xf32, #tpu.memory_space<vmem>>, vector<16xf32>,
          %mul3A_543 = arith.constant 5 : i32
          %mul3A_544 = arith.muli %scan3A_499, %mul3A_543 : i32
          %add3A_545 = arith.constant 2 : i32
          %add3A_546 = arith.addi %mul3A_544, %add3A_545 : i32
          %mul3A_547 = arith.constant 16 : i32
          %mul3A_548 = arith.muli %add3A_546, %mul3A_547 : i32
          %get3A_549 = arith.index_cast %mul3A_548 : i32 to index
          %get3A_550 = tpu.vector_load %arg32[%get3A_549] {strides = array<i32>} : memref<3200xi32, #tpu.memory_space<vmem>>, vector<16xi32>,
          %shift_right_arithmetic3A_551 = arith.constant 21 : i32
          %shift_right_arithmetic3A_552 = vector.broadcast %shift_right_arithmetic3A_551 : i32 to vector<16xi32>
          %shift_right_arithmetic3A_553 = arith.shrsi %get3A_550, %shift_right_arithmetic3A_552 : vector<16xi32>
          %eq3A_554 = vector.broadcast %add3A_58 : i32 to vector<16xi32>
          %eq3A_555 = arith.cmpi eq, %shift_right_arithmetic3A_553, %eq3A_554 : vector<16xi32>
          %and3A_556 = arith.constant 2097151 : i32
          %and3A_557 = vector.broadcast %and3A_556 : i32 to vector<16xi32>
          %and3A_558 = arith.andi %get3A_550, %and3A_557 : vector<16xi32>
          %swap3A_559 = arith.index_cast %mul3A_548 : i32 to index
          %swap3A_560 = tpu.vector_load %arg30[%swap3A_559] {strides = array<i32>} : memref<3200xi32, #tpu.memory_space<vmem>>, vector<16xi32>,
          tpu.vector_store %arg30[%swap3A_559], %and3A_558 {strides = array<i32>} : memref<3200xi32, #tpu.memory_space<vmem>>, vector<16xi32>,
          %get3A_561 = arith.index_cast %mul3A_548 : i32 to index
          %get3A_562 = tpu.vector_load %arg28[%get3A_561] {strides = array<i32>} : memref<3200xf32, #tpu.memory_space<vmem>>, vector<16xf32>,
          %jit3A_563 = arith.constant 0.000000e+00 : f32
          %broadcast_in_dim3A_564 = vector.broadcast %jit3A_563 : f32 to vector<16xf32>
          %select_n3A_565 = arith.select %eq3A_555, %get3A_562, %broadcast_in_dim3A_564 : vector<16xi1>, vector<16xf32>
          %swap3A_566 = arith.index_cast %mul3A_548 : i32 to index
          %swap3A_567 = tpu.vector_load %arg33[%swap3A_566] {strides = array<i32>} : memref<3200xf32, #tpu.memory_space<vmem>>, vector<16xf32>,
          tpu.vector_store %arg33[%swap3A_566], %select_n3A_565 {strides = array<i32>} : memref<3200xf32, #tpu.memory_space<vmem>>, vector<16xf32>,
          %mul3A_568 = arith.constant 5 : i32
          %mul3A_569 = arith.muli %scan3A_499, %mul3A_568 : i32
          %add3A_570 = arith.constant 3 : i32
          %add3A_571 = arith.addi %mul3A_569, %add3A_570 : i32
          %mul3A_572 = arith.constant 16 : i32
          %mul3A_573 = arith.muli %add3A_571, %mul3A_572 : i32
          %get3A_574 = arith.index_cast %mul3A_573 : i32 to index
          %get3A_575 = tpu.vector_load %arg32[%get3A_574] {strides = array<i32>} : memref<3200xi32, #tpu.memory_space<vmem>>, vector<16xi32>,
          %shift_right_arithmetic3A_576 = arith.constant 21 : i32
          %shift_right_arithmetic3A_577 = vector.broadcast %shift_right_arithmetic3A_576 : i32 to vector<16xi32>
          %shift_right_arithmetic3A_578 = arith.shrsi %get3A_575, %shift_right_arithmetic3A_577 : vector<16xi32>
          %eq3A_579 = vector.broadcast %add3A_58 : i32 to vector<16xi32>
          %eq3A_580 = arith.cmpi eq, %shift_right_arithmetic3A_578, %eq3A_579 : vector<16xi32>
          %and3A_581 = arith.constant 2097151 : i32
          %and3A_582 = vector.broadcast %and3A_581 : i32 to vector<16xi32>
          %and3A_583 = arith.andi %get3A_575, %and3A_582 : vector<16xi32>
          %swap3A_584 = arith.index_cast %mul3A_573 : i32 to index
          %swap3A_585 = tpu.vector_load %arg30[%swap3A_584] {strides = array<i32>} : memref<3200xi32, #tpu.memory_space<vmem>>, vector<16xi32>,
          tpu.vector_store %arg30[%swap3A_584], %and3A_583 {strides = array<i32>} : memref<3200xi32, #tpu.memory_space<vmem>>, vector<16xi32>,
          %get3A_586 = arith.index_cast %mul3A_573 : i32 to index
          %get3A_587 = tpu.vector_load %arg28[%get3A_586] {strides = array<i32>} : memref<3200xf32, #tpu.memory_space<vmem>>, vector<16xf32>,
          %jit3A_588 = arith.constant 0.000000e+00 : f32
          %broadcast_in_dim3A_589 = vector.broadcast %jit3A_588 : f32 to vector<16xf32>
          %select_n3A_590 = arith.select %eq3A_580, %get3A_587, %broadcast_in_dim3A_589 : vector<16xi1>, vector<16xf32>
          %swap3A_591 = arith.index_cast %mul3A_573 : i32 to index
          %swap3A_592 = tpu.vector_load %arg33[%swap3A_591] {strides = array<i32>} : memref<3200xf32, #tpu.memory_space<vmem>>, vector<16xf32>,
          tpu.vector_store %arg33[%swap3A_591], %select_n3A_590 {strides = array<i32>} : memref<3200xf32, #tpu.memory_space<vmem>>, vector<16xf32>,
          %mul3A_593 = arith.constant 5 : i32
          %mul3A_594 = arith.muli %scan3A_499, %mul3A_593 : i32
          %add3A_595 = arith.constant 4 : i32
          %add3A_596 = arith.addi %mul3A_594, %add3A_595 : i32
          %mul3A_597 = arith.constant 16 : i32
          %mul3A_598 = arith.muli %add3A_596, %mul3A_597 : i32
          %get3A_599 = arith.index_cast %mul3A_598 : i32 to index
          %get3A_600 = tpu.vector_load %arg32[%get3A_599] {strides = array<i32>} : memref<3200xi32, #tpu.memory_space<vmem>>, vector<16xi32>,
          %shift_right_arithmetic3A_601 = arith.constant 21 : i32
          %shift_right_arithmetic3A_602 = vector.broadcast %shift_right_arithmetic3A_601 : i32 to vector<16xi32>
          %shift_right_arithmetic3A_603 = arith.shrsi %get3A_600, %shift_right_arithmetic3A_602 : vector<16xi32>
          %eq3A_604 = vector.broadcast %add3A_58 : i32 to vector<16xi32>
          %eq3A_605 = arith.cmpi eq, %shift_right_arithmetic3A_603, %eq3A_604 : vector<16xi32>
          %and3A_606 = arith.constant 2097151 : i32
          %and3A_607 = vector.broadcast %and3A_606 : i32 to vector<16xi32>
          %and3A_608 = arith.andi %get3A_600, %and3A_607 : vector<16xi32>
          %swap3A_609 = arith.index_cast %mul3A_598 : i32 to index
          %swap3A_610 = tpu.vector_load %arg30[%swap3A_609] {strides = array<i32>} : memref<3200xi32, #tpu.memory_space<vmem>>, vector<16xi32>,
          tpu.vector_store %arg30[%swap3A_609], %and3A_608 {strides = array<i32>} : memref<3200xi32, #tpu.memory_space<vmem>>, vector<16xi32>,
          %get3A_611 = arith.index_cast %mul3A_598 : i32 to index
          %get3A_612 = tpu.vector_load %arg28[%get3A_611] {strides = array<i32>} : memref<3200xf32, #tpu.memory_space<vmem>>, vector<16xf32>,
          %jit3A_613 = arith.constant 0.000000e+00 : f32
          %broadcast_in_dim3A_614 = vector.broadcast %jit3A_613 : f32 to vector<16xf32>
          %select_n3A_615 = arith.select %eq3A_605, %get3A_612, %broadcast_in_dim3A_614 : vector<16xi1>, vector<16xf32>
          %swap3A_616 = arith.index_cast %mul3A_598 : i32 to index
          %swap3A_617 = tpu.vector_load %arg33[%swap3A_616] {strides = array<i32>} : memref<3200xf32, #tpu.memory_space<vmem>>, vector<16xf32>,
          tpu.vector_store %arg33[%swap3A_616], %select_n3A_615 {strides = array<i32>} : memref<3200xf32, #tpu.memory_space<vmem>>, vector<16xf32>,
          %scan3A_618 = arith.constant 0 : i32
          scf.yield %scan3A_618 : i32
        }
        %scan3A_490 = arith.constant 40 : i32
        %dma_start3A_491 = arith.constant 0 : i32
        %dma_start3A_492 = tpu.memref_slice %arg36[%dma_start3A_491] : memref<1152000xf32, #tpu.memory_space<vmem_shared>> -> memref<1152000xf32, #tpu.memory_space<vmem_shared>>
        tpu.enqueue_indirect_dma source(%arg33 : memref<3200xf32, #tpu.memory_space<vmem>>) target(%dma_start3A_492 : memref<1152000xf32, #tpu.memory_space<vmem_shared>>) offsets(%arg30 : memref<3200xi32, #tpu.memory_space<vmem>>) semaphore(%arg42 : memref<!tpu.dma_semaphore, #tpu.memory_space<semaphore_mem>>) {add = true}
        %lt3A_493 = arith.constant 9 : i32
        %lt3A_494 = arith.cmpi slt, %scan3A_440, %lt3A_493 : i32
        %convert_element_type3A_495 = arith.extui %lt3A_494 : i1 to i32
        %cond3A_496 = arith.constant 0 : i32
        %cond3A_497 = arith.cmpi ne, %convert_element_type3A_495, %cond3A_496 : i32
        scf.if %cond3A_497 {
          %add3A_499 = arith.constant 2 : i32
          %add3A_500 = arith.addi %add3A_471, %add3A_499 : i32
          %mul3A_501 = arith.constant 3200 : i32
          %mul3A_502 = arith.muli %add3A_500, %mul3A_501 : i32
          %add3A_503 = arith.addi %add3A, %mul3A_502 : i32
          %dma_start3A_504 = tpu.memref_slice %arg13[%add3A_503] : memref<2048000xi32, #tpu.memory_space<hbm>> -> memref<3200xi32, #tpu.memory_space<hbm>>
          %dma_start3A_505 = tpu.memref_slice %arg13[%add3A_503] : memref<2048000xi32, #tpu.memory_space<hbm>> -> memref<3200xi32, #tpu.memory_space<hbm>>
          tpu.enqueue_dma source(%dma_start3A_505 : memref<3200xi32, #tpu.memory_space<hbm>>) target(%arg32 : memref<3200xi32, #tpu.memory_space<vmem>>) target_semaphore(%arg38 : memref<!tpu.dma_semaphore, #tpu.memory_space<semaphore_mem>>)
          %dma_start3A_506 = tpu.memref_slice %arg14[%add3A_503] : memref<2048000xf32, #tpu.memory_space<hbm>> -> memref<3200xf32, #tpu.memory_space<hbm>>
          %dma_start3A_507 = tpu.memref_slice %arg14[%add3A_503] : memref<2048000xf32, #tpu.memory_space<hbm>> -> memref<3200xf32, #tpu.memory_space<hbm>>
          tpu.enqueue_dma source(%dma_start3A_507 : memref<3200xf32, #tpu.memory_space<hbm>>) target(%arg28 : memref<3200xf32, #tpu.memory_space<vmem>>) target_semaphore(%arg38 : memref<!tpu.dma_semaphore, #tpu.memory_space<semaphore_mem>>)
        } else {
        }
        %scan3A_498 = arith.constant 0 : i32
        scf.yield %scan3A_498 : i32
      }
      %scan3A_229 = arith.constant 10 : i32
      "tpu.trace_stop"() : () -> ()
      %dma_wait3A_230 = arith.constant 0 : i32
      %dma_wait3A_231 = tpu.memref_slice %arg36[%dma_wait3A_230] : memref<1152000xf32, #tpu.memory_space<vmem_shared>> -> memref<1152000xf32, #tpu.memory_space<vmem_shared>>
      tpu.wait_indirect_dma semaphore(%arg41 : memref<!tpu.dma_semaphore, #tpu.memory_space<semaphore_mem>>) src(%arg26 : memref<3200xf32, #tpu.memory_space<vmem>>) dst(%dma_wait3A_231 : memref<1152000xf32, #tpu.memory_space<vmem_shared>>)
      %dma_wait3A_232 = arith.constant 0 : i32
      %dma_wait3A_233 = tpu.memref_slice %arg36[%dma_wait3A_232] : memref<1152000xf32, #tpu.memory_space<vmem_shared>> -> memref<1152000xf32, #tpu.memory_space<vmem_shared>>
      tpu.wait_indirect_dma semaphore(%arg42 : memref<!tpu.dma_semaphore, #tpu.memory_space<semaphore_mem>>) src(%arg33 : memref<3200xf32, #tpu.memory_space<vmem>>) dst(%dma_wait3A_233 : memref<1152000xf32, #tpu.memory_space<vmem_shared>>)
      %barrier3A_234 = arith.constant 0 : index
      tpu.barrier barrier_id(%barrier3A_234)
      "tpu.trace_start"() <{level = 10 : i32, message = "writeback"}> : () -> ()
      %mul3A_235 = arith.constant 72000 : i32
      %mul3A_236 = arith.muli %arg1, %mul3A_235 : i32
      %add3A_237 = arith.constant 0 : i32
      %add3A_238 = arith.addi %mul3A_236, %add3A_237 : i32
      "tpu.region"() ({
        %run_scoped3A = tpu.sem_alloc : memref<!tpu.dma_semaphore, #tpu.memory_space<semaphore_mem>>
        %dma_start3A_440 = tpu.memref_slice %arg36[%add3A_238] : memref<1152000xf32, #tpu.memory_space<vmem_shared>> -> memref<6000xf32, #tpu.memory_space<vmem_shared>>
        %dma_start3A_441 = tpu.memref_slice %arg36[%add3A_238] : memref<1152000xf32, #tpu.memory_space<vmem_shared>> -> memref<6000xf32, #tpu.memory_space<vmem_shared>>
        tpu.enqueue_dma source(%dma_start3A_441 : memref<6000xf32, #tpu.memory_space<vmem_shared>>) target(%arg34 : memref<6000xf32, #tpu.memory_space<vmem>>) target_semaphore(%run_scoped3A : memref<!tpu.dma_semaphore, #tpu.memory_space<semaphore_mem>>)
        %dma_wait3A_442 = tpu.memref_slice %arg36[%add3A_238] : memref<1152000xf32, #tpu.memory_space<vmem_shared>> -> memref<6000xf32, #tpu.memory_space<vmem_shared>>
        %dma_wait3A_443 = tpu.memref_slice %arg36[%add3A_238] : memref<1152000xf32, #tpu.memory_space<vmem_shared>> -> memref<6000xf32, #tpu.memory_space<vmem_shared>>
        tpu.wait_dma2 semaphore(%run_scoped3A : memref<!tpu.dma_semaphore, #tpu.memory_space<semaphore_mem>>) src(%dma_wait3A_443 : memref<6000xf32, #tpu.memory_space<vmem_shared>>) dst(%arg34 : memref<6000xf32, #tpu.memory_space<vmem>>)
        tpu.yield
      }) : () -> ()
      %mul3A_239 = arith.constant 1152000 : i32
      %mul3A_240 = arith.muli %add3A_58, %mul3A_239 : i32
      %mul3A_241 = arith.constant 72000 : i32
      %mul3A_242 = arith.muli %arg1, %mul3A_241 : i32
      %add3A_243 = arith.addi %mul3A_240, %mul3A_242 : i32
      %add3A_244 = arith.constant 0 : i32
      %add3A_245 = arith.addi %add3A_243, %add3A_244 : i32
      %dma_start3A_246 = tpu.memref_slice %arg12[%add3A_245] : memref<18432000xf32, #tpu.memory_space<hbm>> -> memref<6000xf32, #tpu.memory_space<hbm>>
      %dma_start3A_247 = tpu.memref_slice %arg12[%add3A_245] : memref<18432000xf32, #tpu.memory_space<hbm>> -> memref<6000xf32, #tpu.memory_space<hbm>>
      tpu.enqueue_dma source(%arg34 : memref<6000xf32, #tpu.memory_space<vmem>>) target(%dma_start3A_247 : memref<6000xf32, #tpu.memory_space<hbm>>) target_semaphore(%arg43 : memref<!tpu.dma_semaphore, #tpu.memory_space<semaphore_mem>>)
      %mul3A_248 = arith.constant 72000 : i32
      %mul3A_249 = arith.muli %arg1, %mul3A_248 : i32
      %add3A_250 = arith.constant 6000 : i32
      %add3A_251 = arith.addi %mul3A_249, %add3A_250 : i32
      "tpu.region"() ({
        %run_scoped3A = tpu.sem_alloc : memref<!tpu.dma_semaphore, #tpu.memory_space<semaphore_mem>>
        %dma_start3A_440 = tpu.memref_slice %arg36[%add3A_251] : memref<1152000xf32, #tpu.memory_space<vmem_shared>> -> memref<6000xf32, #tpu.memory_space<vmem_shared>>
        %dma_start3A_441 = tpu.memref_slice %arg36[%add3A_251] : memref<1152000xf32, #tpu.memory_space<vmem_shared>> -> memref<6000xf32, #tpu.memory_space<vmem_shared>>
        tpu.enqueue_dma source(%dma_start3A_441 : memref<6000xf32, #tpu.memory_space<vmem_shared>>) target(%arg35 : memref<6000xf32, #tpu.memory_space<vmem>>) target_semaphore(%run_scoped3A : memref<!tpu.dma_semaphore, #tpu.memory_space<semaphore_mem>>)
        %dma_wait3A_442 = tpu.memref_slice %arg36[%add3A_251] : memref<1152000xf32, #tpu.memory_space<vmem_shared>> -> memref<6000xf32, #tpu.memory_space<vmem_shared>>
        %dma_wait3A_443 = tpu.memref_slice %arg36[%add3A_251] : memref<1152000xf32, #tpu.memory_space<vmem_shared>> -> memref<6000xf32, #tpu.memory_space<vmem_shared>>
        tpu.wait_dma2 semaphore(%run_scoped3A : memref<!tpu.dma_semaphore, #tpu.memory_space<semaphore_mem>>) src(%dma_wait3A_443 : memref<6000xf32, #tpu.memory_space<vmem_shared>>) dst(%arg35 : memref<6000xf32, #tpu.memory_space<vmem>>)
        tpu.yield
      }) : () -> ()
      %mul3A_252 = arith.constant 1152000 : i32
      %mul3A_253 = arith.muli %add3A_58, %mul3A_252 : i32
      %mul3A_254 = arith.constant 72000 : i32
      %mul3A_255 = arith.muli %arg1, %mul3A_254 : i32
      %add3A_256 = arith.addi %mul3A_253, %mul3A_255 : i32
      %add3A_257 = arith.constant 6000 : i32
      %add3A_258 = arith.addi %add3A_256, %add3A_257 : i32
      %dma_start3A_259 = tpu.memref_slice %arg12[%add3A_258] : memref<18432000xf32, #tpu.memory_space<hbm>> -> memref<6000xf32, #tpu.memory_space<hbm>>
      %dma_start3A_260 = tpu.memref_slice %arg12[%add3A_258] : memref<18432000xf32, #tpu.memory_space<hbm>> -> memref<6000xf32, #tpu.memory_space<hbm>>
      tpu.enqueue_dma source(%arg35 : memref<6000xf32, #tpu.memory_space<vmem>>) target(%dma_start3A_260 : memref<6000xf32, #tpu.memory_space<hbm>>) target_semaphore(%arg44 : memref<!tpu.dma_semaphore, #tpu.memory_space<semaphore_mem>>)
      %mul3A_261 = arith.constant 1152000 : i32
      %mul3A_262 = arith.muli %add3A_58, %mul3A_261 : i32
      %dma_wait3A_263 = tpu.memref_slice %arg12[%mul3A_262] : memref<18432000xf32, #tpu.memory_space<hbm>> -> memref<6000xf32, #tpu.memory_space<hbm>>
      %dma_wait3A_264 = tpu.memref_slice %arg12[%mul3A_262] : memref<18432000xf32, #tpu.memory_space<hbm>> -> memref<6000xf32, #tpu.memory_space<hbm>>
      tpu.wait_dma2 semaphore(%arg43 : memref<!tpu.dma_semaphore, #tpu.memory_space<semaphore_mem>>) src(%arg34 : memref<6000xf32, #tpu.memory_space<vmem>>) dst(%dma_wait3A_264 : memref<6000xf32, #tpu.memory_space<hbm>>)
      %mul3A_265 = arith.constant 72000 : i32
      %mul3A_266 = arith.muli %arg1, %mul3A_265 : i32
      %add3A_267 = arith.constant 12000 : i32
      %add3A_268 = arith.addi %mul3A_266, %add3A_267 : i32
      "tpu.region"() ({
        %run_scoped3A = tpu.sem_alloc : memref<!tpu.dma_semaphore, #tpu.memory_space<semaphore_mem>>
        %dma_start3A_440 = tpu.memref_slice %arg36[%add3A_268] : memref<1152000xf32, #tpu.memory_space<vmem_shared>> -> memref<6000xf32, #tpu.memory_space<vmem_shared>>
        %dma_start3A_441 = tpu.memref_slice %arg36[%add3A_268] : memref<1152000xf32, #tpu.memory_space<vmem_shared>> -> memref<6000xf32, #tpu.memory_space<vmem_shared>>
        tpu.enqueue_dma source(%dma_start3A_441 : memref<6000xf32, #tpu.memory_space<vmem_shared>>) target(%arg34 : memref<6000xf32, #tpu.memory_space<vmem>>) target_semaphore(%run_scoped3A : memref<!tpu.dma_semaphore, #tpu.memory_space<semaphore_mem>>)
        %dma_wait3A_442 = tpu.memref_slice %arg36[%add3A_268] : memref<1152000xf32, #tpu.memory_space<vmem_shared>> -> memref<6000xf32, #tpu.memory_space<vmem_shared>>
        %dma_wait3A_443 = tpu.memref_slice %arg36[%add3A_268] : memref<1152000xf32, #tpu.memory_space<vmem_shared>> -> memref<6000xf32, #tpu.memory_space<vmem_shared>>
        tpu.wait_dma2 semaphore(%run_scoped3A : memref<!tpu.dma_semaphore, #tpu.memory_space<semaphore_mem>>) src(%dma_wait3A_443 : memref<6000xf32, #tpu.memory_space<vmem_shared>>) dst(%arg34 : memref<6000xf32, #tpu.memory_space<vmem>>)
        tpu.yield
      }) : () -> ()
      %mul3A_269 = arith.constant 1152000 : i32
      %mul3A_270 = arith.muli %add3A_58, %mul3A_269 : i32
      %mul3A_271 = arith.constant 72000 : i32
      %mul3A_272 = arith.muli %arg1, %mul3A_271 : i32
      %add3A_273 = arith.addi %mul3A_270, %mul3A_272 : i32
      %add3A_274 = arith.constant 12000 : i32
      %add3A_275 = arith.addi %add3A_273, %add3A_274 : i32
      %dma_start3A_276 = tpu.memref_slice %arg12[%add3A_275] : memref<18432000xf32, #tpu.memory_space<hbm>> -> memref<6000xf32, #tpu.memory_space<hbm>>
      %dma_start3A_277 = tpu.memref_slice %arg12[%add3A_275] : memref<18432000xf32, #tpu.memory_space<hbm>> -> memref<6000xf32, #tpu.memory_space<hbm>>
      tpu.enqueue_dma source(%arg34 : memref<6000xf32, #tpu.memory_space<vmem>>) target(%dma_start3A_277 : memref<6000xf32, #tpu.memory_space<hbm>>) target_semaphore(%arg43 : memref<!tpu.dma_semaphore, #tpu.memory_space<semaphore_mem>>)
      %mul3A_278 = arith.constant 1152000 : i32
      %mul3A_279 = arith.muli %add3A_58, %mul3A_278 : i32
      %dma_wait3A_280 = tpu.memref_slice %arg12[%mul3A_279] : memref<18432000xf32, #tpu.memory_space<hbm>> -> memref<6000xf32, #tpu.memory_space<hbm>>
      %dma_wait3A_281 = tpu.memref_slice %arg12[%mul3A_279] : memref<18432000xf32, #tpu.memory_space<hbm>> -> memref<6000xf32, #tpu.memory_space<hbm>>
      tpu.wait_dma2 semaphore(%arg44 : memref<!tpu.dma_semaphore, #tpu.memory_space<semaphore_mem>>) src(%arg35 : memref<6000xf32, #tpu.memory_space<vmem>>) dst(%dma_wait3A_281 : memref<6000xf32, #tpu.memory_space<hbm>>)
      %mul3A_282 = arith.constant 72000 : i32
      %mul3A_283 = arith.muli %arg1, %mul3A_282 : i32
      %add3A_284 = arith.constant 18000 : i32
      %add3A_285 = arith.addi %mul3A_283, %add3A_284 : i32
      "tpu.region"() ({
        %run_scoped3A = tpu.sem_alloc : memref<!tpu.dma_semaphore, #tpu.memory_space<semaphore_mem>>
        %dma_start3A_440 = tpu.memref_slice %arg36[%add3A_285] : memref<1152000xf32, #tpu.memory_space<vmem_shared>> -> memref<6000xf32, #tpu.memory_space<vmem_shared>>
        %dma_start3A_441 = tpu.memref_slice %arg36[%add3A_285] : memref<1152000xf32, #tpu.memory_space<vmem_shared>> -> memref<6000xf32, #tpu.memory_space<vmem_shared>>
        tpu.enqueue_dma source(%dma_start3A_441 : memref<6000xf32, #tpu.memory_space<vmem_shared>>) target(%arg35 : memref<6000xf32, #tpu.memory_space<vmem>>) target_semaphore(%run_scoped3A : memref<!tpu.dma_semaphore, #tpu.memory_space<semaphore_mem>>)
        %dma_wait3A_442 = tpu.memref_slice %arg36[%add3A_285] : memref<1152000xf32, #tpu.memory_space<vmem_shared>> -> memref<6000xf32, #tpu.memory_space<vmem_shared>>
        %dma_wait3A_443 = tpu.memref_slice %arg36[%add3A_285] : memref<1152000xf32, #tpu.memory_space<vmem_shared>> -> memref<6000xf32, #tpu.memory_space<vmem_shared>>
        tpu.wait_dma2 semaphore(%run_scoped3A : memref<!tpu.dma_semaphore, #tpu.memory_space<semaphore_mem>>) src(%dma_wait3A_443 : memref<6000xf32, #tpu.memory_space<vmem_shared>>) dst(%arg35 : memref<6000xf32, #tpu.memory_space<vmem>>)
        tpu.yield
      }) : () -> ()
      %mul3A_286 = arith.constant 1152000 : i32
      %mul3A_287 = arith.muli %add3A_58, %mul3A_286 : i32
      %mul3A_288 = arith.constant 72000 : i32
      %mul3A_289 = arith.muli %arg1, %mul3A_288 : i32
      %add3A_290 = arith.addi %mul3A_287, %mul3A_289 : i32
      %add3A_291 = arith.constant 18000 : i32
      %add3A_292 = arith.addi %add3A_290, %add3A_291 : i32
      %dma_start3A_293 = tpu.memref_slice %arg12[%add3A_292] : memref<18432000xf32, #tpu.memory_space<hbm>> -> memref<6000xf32, #tpu.memory_space<hbm>>
      %dma_start3A_294 = tpu.memref_slice %arg12[%add3A_292] : memref<18432000xf32, #tpu.memory_space<hbm>> -> memref<6000xf32, #tpu.memory_space<hbm>>
      tpu.enqueue_dma source(%arg35 : memref<6000xf32, #tpu.memory_space<vmem>>) target(%dma_start3A_294 : memref<6000xf32, #tpu.memory_space<hbm>>) target_semaphore(%arg44 : memref<!tpu.dma_semaphore, #tpu.memory_space<semaphore_mem>>)
      %mul3A_295 = arith.constant 1152000 : i32
      %mul3A_296 = arith.muli %add3A_58, %mul3A_295 : i32
      %dma_wait3A_297 = tpu.memref_slice %arg12[%mul3A_296] : memref<18432000xf32, #tpu.memory_space<hbm>> -> memref<6000xf32, #tpu.memory_space<hbm>>
      %dma_wait3A_298 = tpu.memref_slice %arg12[%mul3A_296] : memref<18432000xf32, #tpu.memory_space<hbm>> -> memref<6000xf32, #tpu.memory_space<hbm>>
      tpu.wait_dma2 semaphore(%arg43 : memref<!tpu.dma_semaphore, #tpu.memory_space<semaphore_mem>>) src(%arg34 : memref<6000xf32, #tpu.memory_space<vmem>>) dst(%dma_wait3A_298 : memref<6000xf32, #tpu.memory_space<hbm>>)
      %mul3A_299 = arith.constant 72000 : i32
      %mul3A_300 = arith.muli %arg1, %mul3A_299 : i32
      %add3A_301 = arith.constant 24000 : i32
      %add3A_302 = arith.addi %mul3A_300, %add3A_301 : i32
      "tpu.region"() ({
        %run_scoped3A = tpu.sem_alloc : memref<!tpu.dma_semaphore, #tpu.memory_space<semaphore_mem>>
        %dma_start3A_440 = tpu.memref_slice %arg36[%add3A_302] : memref<1152000xf32, #tpu.memory_space<vmem_shared>> -> memref<6000xf32, #tpu.memory_space<vmem_shared>>
        %dma_start3A_441 = tpu.memref_slice %arg36[%add3A_302] : memref<1152000xf32, #tpu.memory_space<vmem_shared>> -> memref<6000xf32, #tpu.memory_space<vmem_shared>>
        tpu.enqueue_dma source(%dma_start3A_441 : memref<6000xf32, #tpu.memory_space<vmem_shared>>) target(%arg34 : memref<6000xf32, #tpu.memory_space<vmem>>) target_semaphore(%run_scoped3A : memref<!tpu.dma_semaphore, #tpu.memory_space<semaphore_mem>>)
        %dma_wait3A_442 = tpu.memref_slice %arg36[%add3A_302] : memref<1152000xf32, #tpu.memory_space<vmem_shared>> -> memref<6000xf32, #tpu.memory_space<vmem_shared>>
        %dma_wait3A_443 = tpu.memref_slice %arg36[%add3A_302] : memref<1152000xf32, #tpu.memory_space<vmem_shared>> -> memref<6000xf32, #tpu.memory_space<vmem_shared>>
        tpu.wait_dma2 semaphore(%run_scoped3A : memref<!tpu.dma_semaphore, #tpu.memory_space<semaphore_mem>>) src(%dma_wait3A_443 : memref<6000xf32, #tpu.memory_space<vmem_shared>>) dst(%arg34 : memref<6000xf32, #tpu.memory_space<vmem>>)
        tpu.yield
      }) : () -> ()
      %mul3A_303 = arith.constant 1152000 : i32
      %mul3A_304 = arith.muli %add3A_58, %mul3A_303 : i32
      %mul3A_305 = arith.constant 72000 : i32
      %mul3A_306 = arith.muli %arg1, %mul3A_305 : i32
      %add3A_307 = arith.addi %mul3A_304, %mul3A_306 : i32
      %add3A_308 = arith.constant 24000 : i32
      %add3A_309 = arith.addi %add3A_307, %add3A_308 : i32
      %dma_start3A_310 = tpu.memref_slice %arg12[%add3A_309] : memref<18432000xf32, #tpu.memory_space<hbm>> -> memref<6000xf32, #tpu.memory_space<hbm>>
      %dma_start3A_311 = tpu.memref_slice %arg12[%add3A_309] : memref<18432000xf32, #tpu.memory_space<hbm>> -> memref<6000xf32, #tpu.memory_space<hbm>>
      tpu.enqueue_dma source(%arg34 : memref<6000xf32, #tpu.memory_space<vmem>>) target(%dma_start3A_311 : memref<6000xf32, #tpu.memory_space<hbm>>) target_semaphore(%arg43 : memref<!tpu.dma_semaphore, #tpu.memory_space<semaphore_mem>>)
      %mul3A_312 = arith.constant 1152000 : i32
      %mul3A_313 = arith.muli %add3A_58, %mul3A_312 : i32
      %dma_wait3A_314 = tpu.memref_slice %arg12[%mul3A_313] : memref<18432000xf32, #tpu.memory_space<hbm>> -> memref<6000xf32, #tpu.memory_space<hbm>>
      %dma_wait3A_315 = tpu.memref_slice %arg12[%mul3A_313] : memref<18432000xf32, #tpu.memory_space<hbm>> -> memref<6000xf32, #tpu.memory_space<hbm>>
      tpu.wait_dma2 semaphore(%arg44 : memref<!tpu.dma_semaphore, #tpu.memory_space<semaphore_mem>>) src(%arg35 : memref<6000xf32, #tpu.memory_space<vmem>>) dst(%dma_wait3A_315 : memref<6000xf32, #tpu.memory_space<hbm>>)
      %mul3A_316 = arith.constant 72000 : i32
      %mul3A_317 = arith.muli %arg1, %mul3A_316 : i32
      %add3A_318 = arith.constant 30000 : i32
      %add3A_319 = arith.addi %mul3A_317, %add3A_318 : i32
      "tpu.region"() ({
        %run_scoped3A = tpu.sem_alloc : memref<!tpu.dma_semaphore, #tpu.memory_space<semaphore_mem>>
        %dma_start3A_440 = tpu.memref_slice %arg36[%add3A_319] : memref<1152000xf32, #tpu.memory_space<vmem_shared>> -> memref<6000xf32, #tpu.memory_space<vmem_shared>>
        %dma_start3A_441 = tpu.memref_slice %arg36[%add3A_319] : memref<1152000xf32, #tpu.memory_space<vmem_shared>> -> memref<6000xf32, #tpu.memory_space<vmem_shared>>
        tpu.enqueue_dma source(%dma_start3A_441 : memref<6000xf32, #tpu.memory_space<vmem_shared>>) target(%arg35 : memref<6000xf32, #tpu.memory_space<vmem>>) target_semaphore(%run_scoped3A : memref<!tpu.dma_semaphore, #tpu.memory_space<semaphore_mem>>)
        %dma_wait3A_442 = tpu.memref_slice %arg36[%add3A_319] : memref<1152000xf32, #tpu.memory_space<vmem_shared>> -> memref<6000xf32, #tpu.memory_space<vmem_shared>>
        %dma_wait3A_443 = tpu.memref_slice %arg36[%add3A_319] : memref<1152000xf32, #tpu.memory_space<vmem_shared>> -> memref<6000xf32, #tpu.memory_space<vmem_shared>>
        tpu.wait_dma2 semaphore(%run_scoped3A : memref<!tpu.dma_semaphore, #tpu.memory_space<semaphore_mem>>) src(%dma_wait3A_443 : memref<6000xf32, #tpu.memory_space<vmem_shared>>) dst(%arg35 : memref<6000xf32, #tpu.memory_space<vmem>>)
        tpu.yield
      }) : () -> ()
      %mul3A_320 = arith.constant 1152000 : i32
      %mul3A_321 = arith.muli %add3A_58, %mul3A_320 : i32
      %mul3A_322 = arith.constant 72000 : i32
      %mul3A_323 = arith.muli %arg1, %mul3A_322 : i32
      %add3A_324 = arith.addi %mul3A_321, %mul3A_323 : i32
      %add3A_325 = arith.constant 30000 : i32
      %add3A_326 = arith.addi %add3A_324, %add3A_325 : i32
      %dma_start3A_327 = tpu.memref_slice %arg12[%add3A_326] : memref<18432000xf32, #tpu.memory_space<hbm>> -> memref<6000xf32, #tpu.memory_space<hbm>>
      %dma_start3A_328 = tpu.memref_slice %arg12[%add3A_326] : memref<18432000xf32, #tpu.memory_space<hbm>> -> memref<6000xf32, #tpu.memory_space<hbm>>
      tpu.enqueue_dma source(%arg35 : memref<6000xf32, #tpu.memory_space<vmem>>) target(%dma_start3A_328 : memref<6000xf32, #tpu.memory_space<hbm>>) target_semaphore(%arg44 : memref<!tpu.dma_semaphore, #tpu.memory_space<semaphore_mem>>)
      %mul3A_329 = arith.constant 1152000 : i32
      %mul3A_330 = arith.muli %add3A_58, %mul3A_329 : i32
      %dma_wait3A_331 = tpu.memref_slice %arg12[%mul3A_330] : memref<18432000xf32, #tpu.memory_space<hbm>> -> memref<6000xf32, #tpu.memory_space<hbm>>
      %dma_wait3A_332 = tpu.memref_slice %arg12[%mul3A_330] : memref<18432000xf32, #tpu.memory_space<hbm>> -> memref<6000xf32, #tpu.memory_space<hbm>>
      tpu.wait_dma2 semaphore(%arg43 : memref<!tpu.dma_semaphore, #tpu.memory_space<semaphore_mem>>) src(%arg34 : memref<6000xf32, #tpu.memory_space<vmem>>) dst(%dma_wait3A_332 : memref<6000xf32, #tpu.memory_space<hbm>>)
      %mul3A_333 = arith.constant 72000 : i32
      %mul3A_334 = arith.muli %arg1, %mul3A_333 : i32
      %add3A_335 = arith.constant 36000 : i32
      %add3A_336 = arith.addi %mul3A_334, %add3A_335 : i32
      "tpu.region"() ({
        %run_scoped3A = tpu.sem_alloc : memref<!tpu.dma_semaphore, #tpu.memory_space<semaphore_mem>>
        %dma_start3A_440 = tpu.memref_slice %arg36[%add3A_336] : memref<1152000xf32, #tpu.memory_space<vmem_shared>> -> memref<6000xf32, #tpu.memory_space<vmem_shared>>
        %dma_start3A_441 = tpu.memref_slice %arg36[%add3A_336] : memref<1152000xf32, #tpu.memory_space<vmem_shared>> -> memref<6000xf32, #tpu.memory_space<vmem_shared>>
        tpu.enqueue_dma source(%dma_start3A_441 : memref<6000xf32, #tpu.memory_space<vmem_shared>>) target(%arg34 : memref<6000xf32, #tpu.memory_space<vmem>>) target_semaphore(%run_scoped3A : memref<!tpu.dma_semaphore, #tpu.memory_space<semaphore_mem>>)
        %dma_wait3A_442 = tpu.memref_slice %arg36[%add3A_336] : memref<1152000xf32, #tpu.memory_space<vmem_shared>> -> memref<6000xf32, #tpu.memory_space<vmem_shared>>
        %dma_wait3A_443 = tpu.memref_slice %arg36[%add3A_336] : memref<1152000xf32, #tpu.memory_space<vmem_shared>> -> memref<6000xf32, #tpu.memory_space<vmem_shared>>
        tpu.wait_dma2 semaphore(%run_scoped3A : memref<!tpu.dma_semaphore, #tpu.memory_space<semaphore_mem>>) src(%dma_wait3A_443 : memref<6000xf32, #tpu.memory_space<vmem_shared>>) dst(%arg34 : memref<6000xf32, #tpu.memory_space<vmem>>)
        tpu.yield
      }) : () -> ()
      %mul3A_337 = arith.constant 1152000 : i32
      %mul3A_338 = arith.muli %add3A_58, %mul3A_337 : i32
      %mul3A_339 = arith.constant 72000 : i32
      %mul3A_340 = arith.muli %arg1, %mul3A_339 : i32
      %add3A_341 = arith.addi %mul3A_338, %mul3A_340 : i32
      %add3A_342 = arith.constant 36000 : i32
      %add3A_343 = arith.addi %add3A_341, %add3A_342 : i32
      %dma_start3A_344 = tpu.memref_slice %arg12[%add3A_343] : memref<18432000xf32, #tpu.memory_space<hbm>> -> memref<6000xf32, #tpu.memory_space<hbm>>
      %dma_start3A_345 = tpu.memref_slice %arg12[%add3A_343] : memref<18432000xf32, #tpu.memory_space<hbm>> -> memref<6000xf32, #tpu.memory_space<hbm>>
      tpu.enqueue_dma source(%arg34 : memref<6000xf32, #tpu.memory_space<vmem>>) target(%dma_start3A_345 : memref<6000xf32, #tpu.memory_space<hbm>>) target_semaphore(%arg43 : memref<!tpu.dma_semaphore, #tpu.memory_space<semaphore_mem>>)
      %mul3A_346 = arith.constant 1152000 : i32
      %mul3A_347 = arith.muli %add3A_58, %mul3A_346 : i32
      %dma_wait3A_348 = tpu.memref_slice %arg12[%mul3A_347] : memref<18432000xf32, #tpu.memory_space<hbm>> -> memref<6000xf32, #tpu.memory_space<hbm>>
      %dma_wait3A_349 = tpu.memref_slice %arg12[%mul3A_347] : memref<18432000xf32, #tpu.memory_space<hbm>> -> memref<6000xf32, #tpu.memory_space<hbm>>
      tpu.wait_dma2 semaphore(%arg44 : memref<!tpu.dma_semaphore, #tpu.memory_space<semaphore_mem>>) src(%arg35 : memref<6000xf32, #tpu.memory_space<vmem>>) dst(%dma_wait3A_349 : memref<6000xf32, #tpu.memory_space<hbm>>)
      %mul3A_350 = arith.constant 72000 : i32
      %mul3A_351 = arith.muli %arg1, %mul3A_350 : i32
      %add3A_352 = arith.constant 42000 : i32
      %add3A_353 = arith.addi %mul3A_351, %add3A_352 : i32
      "tpu.region"() ({
        %run_scoped3A = tpu.sem_alloc : memref<!tpu.dma_semaphore, #tpu.memory_space<semaphore_mem>>
        %dma_start3A_440 = tpu.memref_slice %arg36[%add3A_353] : memref<1152000xf32, #tpu.memory_space<vmem_shared>> -> memref<6000xf32, #tpu.memory_space<vmem_shared>>
        %dma_start3A_441 = tpu.memref_slice %arg36[%add3A_353] : memref<1152000xf32, #tpu.memory_space<vmem_shared>> -> memref<6000xf32, #tpu.memory_space<vmem_shared>>
        tpu.enqueue_dma source(%dma_start3A_441 : memref<6000xf32, #tpu.memory_space<vmem_shared>>) target(%arg35 : memref<6000xf32, #tpu.memory_space<vmem>>) target_semaphore(%run_scoped3A : memref<!tpu.dma_semaphore, #tpu.memory_space<semaphore_mem>>)
        %dma_wait3A_442 = tpu.memref_slice %arg36[%add3A_353] : memref<1152000xf32, #tpu.memory_space<vmem_shared>> -> memref<6000xf32, #tpu.memory_space<vmem_shared>>
        %dma_wait3A_443 = tpu.memref_slice %arg36[%add3A_353] : memref<1152000xf32, #tpu.memory_space<vmem_shared>> -> memref<6000xf32, #tpu.memory_space<vmem_shared>>
        tpu.wait_dma2 semaphore(%run_scoped3A : memref<!tpu.dma_semaphore, #tpu.memory_space<semaphore_mem>>) src(%dma_wait3A_443 : memref<6000xf32, #tpu.memory_space<vmem_shared>>) dst(%arg35 : memref<6000xf32, #tpu.memory_space<vmem>>)
        tpu.yield
      }) : () -> ()
      %mul3A_354 = arith.constant 1152000 : i32
      %mul3A_355 = arith.muli %add3A_58, %mul3A_354 : i32
      %mul3A_356 = arith.constant 72000 : i32
      %mul3A_357 = arith.muli %arg1, %mul3A_356 : i32
      %add3A_358 = arith.addi %mul3A_355, %mul3A_357 : i32
      %add3A_359 = arith.constant 42000 : i32
      %add3A_360 = arith.addi %add3A_358, %add3A_359 : i32
      %dma_start3A_361 = tpu.memref_slice %arg12[%add3A_360] : memref<18432000xf32, #tpu.memory_space<hbm>> -> memref<6000xf32, #tpu.memory_space<hbm>>
      %dma_start3A_362 = tpu.memref_slice %arg12[%add3A_360] : memref<18432000xf32, #tpu.memory_space<hbm>> -> memref<6000xf32, #tpu.memory_space<hbm>>
      tpu.enqueue_dma source(%arg35 : memref<6000xf32, #tpu.memory_space<vmem>>) target(%dma_start3A_362 : memref<6000xf32, #tpu.memory_space<hbm>>) target_semaphore(%arg44 : memref<!tpu.dma_semaphore, #tpu.memory_space<semaphore_mem>>)
      %mul3A_363 = arith.constant 1152000 : i32
      %mul3A_364 = arith.muli %add3A_58, %mul3A_363 : i32
      %dma_wait3A_365 = tpu.memref_slice %arg12[%mul3A_364] : memref<18432000xf32, #tpu.memory_space<hbm>> -> memref<6000xf32, #tpu.memory_space<hbm>>
      %dma_wait3A_366 = tpu.memref_slice %arg12[%mul3A_364] : memref<18432000xf32, #tpu.memory_space<hbm>> -> memref<6000xf32, #tpu.memory_space<hbm>>
      tpu.wait_dma2 semaphore(%arg43 : memref<!tpu.dma_semaphore, #tpu.memory_space<semaphore_mem>>) src(%arg34 : memref<6000xf32, #tpu.memory_space<vmem>>) dst(%dma_wait3A_366 : memref<6000xf32, #tpu.memory_space<hbm>>)
      %mul3A_367 = arith.constant 72000 : i32
      %mul3A_368 = arith.muli %arg1, %mul3A_367 : i32
      %add3A_369 = arith.constant 48000 : i32
      %add3A_370 = arith.addi %mul3A_368, %add3A_369 : i32
      "tpu.region"() ({
        %run_scoped3A = tpu.sem_alloc : memref<!tpu.dma_semaphore, #tpu.memory_space<semaphore_mem>>
        %dma_start3A_440 = tpu.memref_slice %arg36[%add3A_370] : memref<1152000xf32, #tpu.memory_space<vmem_shared>> -> memref<6000xf32, #tpu.memory_space<vmem_shared>>
        %dma_start3A_441 = tpu.memref_slice %arg36[%add3A_370] : memref<1152000xf32, #tpu.memory_space<vmem_shared>> -> memref<6000xf32, #tpu.memory_space<vmem_shared>>
        tpu.enqueue_dma source(%dma_start3A_441 : memref<6000xf32, #tpu.memory_space<vmem_shared>>) target(%arg34 : memref<6000xf32, #tpu.memory_space<vmem>>) target_semaphore(%run_scoped3A : memref<!tpu.dma_semaphore, #tpu.memory_space<semaphore_mem>>)
        %dma_wait3A_442 = tpu.memref_slice %arg36[%add3A_370] : memref<1152000xf32, #tpu.memory_space<vmem_shared>> -> memref<6000xf32, #tpu.memory_space<vmem_shared>>
        %dma_wait3A_443 = tpu.memref_slice %arg36[%add3A_370] : memref<1152000xf32, #tpu.memory_space<vmem_shared>> -> memref<6000xf32, #tpu.memory_space<vmem_shared>>
        tpu.wait_dma2 semaphore(%run_scoped3A : memref<!tpu.dma_semaphore, #tpu.memory_space<semaphore_mem>>) src(%dma_wait3A_443 : memref<6000xf32, #tpu.memory_space<vmem_shared>>) dst(%arg34 : memref<6000xf32, #tpu.memory_space<vmem>>)
        tpu.yield
      }) : () -> ()
      %mul3A_371 = arith.constant 1152000 : i32
      %mul3A_372 = arith.muli %add3A_58, %mul3A_371 : i32
      %mul3A_373 = arith.constant 72000 : i32
      %mul3A_374 = arith.muli %arg1, %mul3A_373 : i32
      %add3A_375 = arith.addi %mul3A_372, %mul3A_374 : i32
      %add3A_376 = arith.constant 48000 : i32
      %add3A_377 = arith.addi %add3A_375, %add3A_376 : i32
      %dma_start3A_378 = tpu.memref_slice %arg12[%add3A_377] : memref<18432000xf32, #tpu.memory_space<hbm>> -> memref<6000xf32, #tpu.memory_space<hbm>>
      %dma_start3A_379 = tpu.memref_slice %arg12[%add3A_377] : memref<18432000xf32, #tpu.memory_space<hbm>> -> memref<6000xf32, #tpu.memory_space<hbm>>
      tpu.enqueue_dma source(%arg34 : memref<6000xf32, #tpu.memory_space<vmem>>) target(%dma_start3A_379 : memref<6000xf32, #tpu.memory_space<hbm>>) target_semaphore(%arg43 : memref<!tpu.dma_semaphore, #tpu.memory_space<semaphore_mem>>)
      %mul3A_380 = arith.constant 1152000 : i32
      %mul3A_381 = arith.muli %add3A_58, %mul3A_380 : i32
      %dma_wait3A_382 = tpu.memref_slice %arg12[%mul3A_381] : memref<18432000xf32, #tpu.memory_space<hbm>> -> memref<6000xf32, #tpu.memory_space<hbm>>
      %dma_wait3A_383 = tpu.memref_slice %arg12[%mul3A_381] : memref<18432000xf32, #tpu.memory_space<hbm>> -> memref<6000xf32, #tpu.memory_space<hbm>>
      tpu.wait_dma2 semaphore(%arg44 : memref<!tpu.dma_semaphore, #tpu.memory_space<semaphore_mem>>) src(%arg35 : memref<6000xf32, #tpu.memory_space<vmem>>) dst(%dma_wait3A_383 : memref<6000xf32, #tpu.memory_space<hbm>>)
      %mul3A_384 = arith.constant 72000 : i32
      %mul3A_385 = arith.muli %arg1, %mul3A_384 : i32
      %add3A_386 = arith.constant 54000 : i32
      %add3A_387 = arith.addi %mul3A_385, %add3A_386 : i32
      "tpu.region"() ({
        %run_scoped3A = tpu.sem_alloc : memref<!tpu.dma_semaphore, #tpu.memory_space<semaphore_mem>>
        %dma_start3A_440 = tpu.memref_slice %arg36[%add3A_387] : memref<1152000xf32, #tpu.memory_space<vmem_shared>> -> memref<6000xf32, #tpu.memory_space<vmem_shared>>
        %dma_start3A_441 = tpu.memref_slice %arg36[%add3A_387] : memref<1152000xf32, #tpu.memory_space<vmem_shared>> -> memref<6000xf32, #tpu.memory_space<vmem_shared>>
        tpu.enqueue_dma source(%dma_start3A_441 : memref<6000xf32, #tpu.memory_space<vmem_shared>>) target(%arg35 : memref<6000xf32, #tpu.memory_space<vmem>>) target_semaphore(%run_scoped3A : memref<!tpu.dma_semaphore, #tpu.memory_space<semaphore_mem>>)
        %dma_wait3A_442 = tpu.memref_slice %arg36[%add3A_387] : memref<1152000xf32, #tpu.memory_space<vmem_shared>> -> memref<6000xf32, #tpu.memory_space<vmem_shared>>
        %dma_wait3A_443 = tpu.memref_slice %arg36[%add3A_387] : memref<1152000xf32, #tpu.memory_space<vmem_shared>> -> memref<6000xf32, #tpu.memory_space<vmem_shared>>
        tpu.wait_dma2 semaphore(%run_scoped3A : memref<!tpu.dma_semaphore, #tpu.memory_space<semaphore_mem>>) src(%dma_wait3A_443 : memref<6000xf32, #tpu.memory_space<vmem_shared>>) dst(%arg35 : memref<6000xf32, #tpu.memory_space<vmem>>)
        tpu.yield
      }) : () -> ()
      %mul3A_388 = arith.constant 1152000 : i32
      %mul3A_389 = arith.muli %add3A_58, %mul3A_388 : i32
      %mul3A_390 = arith.constant 72000 : i32
      %mul3A_391 = arith.muli %arg1, %mul3A_390 : i32
      %add3A_392 = arith.addi %mul3A_389, %mul3A_391 : i32
      %add3A_393 = arith.constant 54000 : i32
      %add3A_394 = arith.addi %add3A_392, %add3A_393 : i32
      %dma_start3A_395 = tpu.memref_slice %arg12[%add3A_394] : memref<18432000xf32, #tpu.memory_space<hbm>> -> memref<6000xf32, #tpu.memory_space<hbm>>
      %dma_start3A_396 = tpu.memref_slice %arg12[%add3A_394] : memref<18432000xf32, #tpu.memory_space<hbm>> -> memref<6000xf32, #tpu.memory_space<hbm>>
      tpu.enqueue_dma source(%arg35 : memref<6000xf32, #tpu.memory_space<vmem>>) target(%dma_start3A_396 : memref<6000xf32, #tpu.memory_space<hbm>>) target_semaphore(%arg44 : memref<!tpu.dma_semaphore, #tpu.memory_space<semaphore_mem>>)
      %mul3A_397 = arith.constant 1152000 : i32
      %mul3A_398 = arith.muli %add3A_58, %mul3A_397 : i32
      %dma_wait3A_399 = tpu.memref_slice %arg12[%mul3A_398] : memref<18432000xf32, #tpu.memory_space<hbm>> -> memref<6000xf32, #tpu.memory_space<hbm>>
      %dma_wait3A_400 = tpu.memref_slice %arg12[%mul3A_398] : memref<18432000xf32, #tpu.memory_space<hbm>> -> memref<6000xf32, #tpu.memory_space<hbm>>
      tpu.wait_dma2 semaphore(%arg43 : memref<!tpu.dma_semaphore, #tpu.memory_space<semaphore_mem>>) src(%arg34 : memref<6000xf32, #tpu.memory_space<vmem>>) dst(%dma_wait3A_400 : memref<6000xf32, #tpu.memory_space<hbm>>)
      %mul3A_401 = arith.constant 72000 : i32
      %mul3A_402 = arith.muli %arg1, %mul3A_401 : i32
      %add3A_403 = arith.constant 60000 : i32
      %add3A_404 = arith.addi %mul3A_402, %add3A_403 : i32
      "tpu.region"() ({
        %run_scoped3A = tpu.sem_alloc : memref<!tpu.dma_semaphore, #tpu.memory_space<semaphore_mem>>
        %dma_start3A_440 = tpu.memref_slice %arg36[%add3A_404] : memref<1152000xf32, #tpu.memory_space<vmem_shared>> -> memref<6000xf32, #tpu.memory_space<vmem_shared>>
        %dma_start3A_441 = tpu.memref_slice %arg36[%add3A_404] : memref<1152000xf32, #tpu.memory_space<vmem_shared>> -> memref<6000xf32, #tpu.memory_space<vmem_shared>>
        tpu.enqueue_dma source(%dma_start3A_441 : memref<6000xf32, #tpu.memory_space<vmem_shared>>) target(%arg34 : memref<6000xf32, #tpu.memory_space<vmem>>) target_semaphore(%run_scoped3A : memref<!tpu.dma_semaphore, #tpu.memory_space<semaphore_mem>>)
        %dma_wait3A_442 = tpu.memref_slice %arg36[%add3A_404] : memref<1152000xf32, #tpu.memory_space<vmem_shared>> -> memref<6000xf32, #tpu.memory_space<vmem_shared>>
        %dma_wait3A_443 = tpu.memref_slice %arg36[%add3A_404] : memref<1152000xf32, #tpu.memory_space<vmem_shared>> -> memref<6000xf32, #tpu.memory_space<vmem_shared>>
        tpu.wait_dma2 semaphore(%run_scoped3A : memref<!tpu.dma_semaphore, #tpu.memory_space<semaphore_mem>>) src(%dma_wait3A_443 : memref<6000xf32, #tpu.memory_space<vmem_shared>>) dst(%arg34 : memref<6000xf32, #tpu.memory_space<vmem>>)
        tpu.yield
      }) : () -> ()
      %mul3A_405 = arith.constant 1152000 : i32
      %mul3A_406 = arith.muli %add3A_58, %mul3A_405 : i32
      %mul3A_407 = arith.constant 72000 : i32
      %mul3A_408 = arith.muli %arg1, %mul3A_407 : i32
      %add3A_409 = arith.addi %mul3A_406, %mul3A_408 : i32
      %add3A_410 = arith.constant 60000 : i32
      %add3A_411 = arith.addi %add3A_409, %add3A_410 : i32
      %dma_start3A_412 = tpu.memref_slice %arg12[%add3A_411] : memref<18432000xf32, #tpu.memory_space<hbm>> -> memref<6000xf32, #tpu.memory_space<hbm>>
      %dma_start3A_413 = tpu.memref_slice %arg12[%add3A_411] : memref<18432000xf32, #tpu.memory_space<hbm>> -> memref<6000xf32, #tpu.memory_space<hbm>>
      tpu.enqueue_dma source(%arg34 : memref<6000xf32, #tpu.memory_space<vmem>>) target(%dma_start3A_413 : memref<6000xf32, #tpu.memory_space<hbm>>) target_semaphore(%arg43 : memref<!tpu.dma_semaphore, #tpu.memory_space<semaphore_mem>>)
      %mul3A_414 = arith.constant 1152000 : i32
      %mul3A_415 = arith.muli %add3A_58, %mul3A_414 : i32
      %dma_wait3A_416 = tpu.memref_slice %arg12[%mul3A_415] : memref<18432000xf32, #tpu.memory_space<hbm>> -> memref<6000xf32, #tpu.memory_space<hbm>>
      %dma_wait3A_417 = tpu.memref_slice %arg12[%mul3A_415] : memref<18432000xf32, #tpu.memory_space<hbm>> -> memref<6000xf32, #tpu.memory_space<hbm>>
      tpu.wait_dma2 semaphore(%arg44 : memref<!tpu.dma_semaphore, #tpu.memory_space<semaphore_mem>>) src(%arg35 : memref<6000xf32, #tpu.memory_space<vmem>>) dst(%dma_wait3A_417 : memref<6000xf32, #tpu.memory_space<hbm>>)
      %mul3A_418 = arith.constant 72000 : i32
      %mul3A_419 = arith.muli %arg1, %mul3A_418 : i32
      %add3A_420 = arith.constant 66000 : i32
      %add3A_421 = arith.addi %mul3A_419, %add3A_420 : i32
      "tpu.region"() ({
        %run_scoped3A = tpu.sem_alloc : memref<!tpu.dma_semaphore, #tpu.memory_space<semaphore_mem>>
        %dma_start3A_440 = tpu.memref_slice %arg36[%add3A_421] : memref<1152000xf32, #tpu.memory_space<vmem_shared>> -> memref<6000xf32, #tpu.memory_space<vmem_shared>>
        %dma_start3A_441 = tpu.memref_slice %arg36[%add3A_421] : memref<1152000xf32, #tpu.memory_space<vmem_shared>> -> memref<6000xf32, #tpu.memory_space<vmem_shared>>
        tpu.enqueue_dma source(%dma_start3A_441 : memref<6000xf32, #tpu.memory_space<vmem_shared>>) target(%arg35 : memref<6000xf32, #tpu.memory_space<vmem>>) target_semaphore(%run_scoped3A : memref<!tpu.dma_semaphore, #tpu.memory_space<semaphore_mem>>)
        %dma_wait3A_442 = tpu.memref_slice %arg36[%add3A_421] : memref<1152000xf32, #tpu.memory_space<vmem_shared>> -> memref<6000xf32, #tpu.memory_space<vmem_shared>>
        %dma_wait3A_443 = tpu.memref_slice %arg36[%add3A_421] : memref<1152000xf32, #tpu.memory_space<vmem_shared>> -> memref<6000xf32, #tpu.memory_space<vmem_shared>>
        tpu.wait_dma2 semaphore(%run_scoped3A : memref<!tpu.dma_semaphore, #tpu.memory_space<semaphore_mem>>) src(%dma_wait3A_443 : memref<6000xf32, #tpu.memory_space<vmem_shared>>) dst(%arg35 : memref<6000xf32, #tpu.memory_space<vmem>>)
        tpu.yield
      }) : () -> ()
      %mul3A_422 = arith.constant 1152000 : i32
      %mul3A_423 = arith.muli %add3A_58, %mul3A_422 : i32
      %mul3A_424 = arith.constant 72000 : i32
      %mul3A_425 = arith.muli %arg1, %mul3A_424 : i32
      %add3A_426 = arith.addi %mul3A_423, %mul3A_425 : i32
      %add3A_427 = arith.constant 66000 : i32
      %add3A_428 = arith.addi %add3A_426, %add3A_427 : i32
      %dma_start3A_429 = tpu.memref_slice %arg12[%add3A_428] : memref<18432000xf32, #tpu.memory_space<hbm>> -> memref<6000xf32, #tpu.memory_space<hbm>>
      %dma_start3A_430 = tpu.memref_slice %arg12[%add3A_428] : memref<18432000xf32, #tpu.memory_space<hbm>> -> memref<6000xf32, #tpu.memory_space<hbm>>
      tpu.enqueue_dma source(%arg35 : memref<6000xf32, #tpu.memory_space<vmem>>) target(%dma_start3A_430 : memref<6000xf32, #tpu.memory_space<hbm>>) target_semaphore(%arg44 : memref<!tpu.dma_semaphore, #tpu.memory_space<semaphore_mem>>)
      %mul3A_431 = arith.constant 1152000 : i32
      %mul3A_432 = arith.muli %add3A_58, %mul3A_431 : i32
      %dma_wait3A_433 = tpu.memref_slice %arg12[%mul3A_432] : memref<18432000xf32, #tpu.memory_space<hbm>> -> memref<6000xf32, #tpu.memory_space<hbm>>
      %dma_wait3A_434 = tpu.memref_slice %arg12[%mul3A_432] : memref<18432000xf32, #tpu.memory_space<hbm>> -> memref<6000xf32, #tpu.memory_space<hbm>>
      tpu.wait_dma2 semaphore(%arg43 : memref<!tpu.dma_semaphore, #tpu.memory_space<semaphore_mem>>) src(%arg34 : memref<6000xf32, #tpu.memory_space<vmem>>) dst(%dma_wait3A_434 : memref<6000xf32, #tpu.memory_space<hbm>>)
      %mul3A_435 = arith.constant 1152000 : i32
      %mul3A_436 = arith.muli %add3A_58, %mul3A_435 : i32
      %dma_wait3A_437 = tpu.memref_slice %arg12[%mul3A_436] : memref<18432000xf32, #tpu.memory_space<hbm>> -> memref<6000xf32, #tpu.memory_space<hbm>>
      %dma_wait3A_438 = tpu.memref_slice %arg12[%mul3A_436] : memref<18432000xf32, #tpu.memory_space<hbm>> -> memref<6000xf32, #tpu.memory_space<hbm>>
      tpu.wait_dma2 semaphore(%arg44 : memref<!tpu.dma_semaphore, #tpu.memory_space<semaphore_mem>>) src(%arg35 : memref<6000xf32, #tpu.memory_space<vmem>>) dst(%dma_wait3A_438 : memref<6000xf32, #tpu.memory_space<hbm>>)
      "tpu.trace_stop"() : () -> ()
      %scan3A_439 = arith.constant 0 : i32
      scf.yield %scan3A_439 : i32
    }
    %scan3A_53 = arith.constant 8 : i32
    return
  }
}

</mosaic_0001>

<sc_bundles>
// kernel: kernel.3.cloned.1.call-start
scs
__scs_entry_jumppad:
0x0: {  	(pc) =	sbr.rel $0x88, $3  }
0x1: {  	(tag) =	ssettag $0x0;
	lr =	simm.s32 $0x1  }
0x2: {  	[smem:$0x3F9C] =	sst lr;
	_ =	strace $0xD0000000  }
0x3: {  	_ = 	snop  }
0x4: {  	_ = 	snop  }
0x5: {  	_ = 	snop  }
0x6: {  	_ = 	snop  }
0x7: {  	_ = 	snop  }
__scs_overlays_trampoline_lowered:
0x8: {  	[smem:$0x3FAB] =	sst s0  }
0x9: {  	[smem:$0x3FAC] =	sst s1  }
0xa: {  	[smem:$0x3FAD] =	sst s2  }
0xb: {  	[smem:$0x3FAE] =	sst s3  }
0xc: {  	[smem:$0x3FAF] =	sst s4  }
0xd: {  	[smem:$0x3FB0] =	sst s5  }
0xe: {  	[smem:$0x3FB1] =	sst s6  }
0xf: {  	[smem:$0x3FB2] =	sst s7  }
0x10: {  	[smem:$0x3FB3] =	sst s8  }
0x11: {  	[smem:$0x3FB4] =	sst s9;
	s0 =	simm.s32 @!p0 $0x0  }
0x12: {  	s1 =	sld [smem:$0x3F9A];
	s0 =	simm.s32 @p0 $0x1  }
0x13: {  	[smem:$0x3FB5] =	sst s0;
	s0 =	simm.s32 @!p1 $0x0  }
0x14: {  	s2 =	sld [smem:$0x3F99];
	s0 =	simm.s32 @p1 $0x1  }
0x15: {  	[smem:$0x3FB6] =	sst s0;
	s0 =	simm.s32 @!p2 $0x0  }
0x16: {  	s3 =	sld [smem:$0x3FDB];
	s0 =	simm.s32 @p2 $0x1  }
0x17: {  	s4 =	simm.s32 $0x1BF5;
	[smem:$0x3FB8] =	sst s0  }
0x18: {  	s0 =	sld [smem:$0x3F9B];
	_ =	swait.ge [sflag:s4], $0x0  }
0x19: {  	s7 =	sld [smem:$0x3F9C]  }
0x1a: {  	s8 =	sadd.s32 $0xFFFFE003, lr  }
0x1b: {  	s9 =	sadd.s32 $0xFFFFFEF7, lr;
	s5 =	simm.s32 $0xFFFFFFFF;
	p2 =	slt.u32 s8, $0xFFFFF086  }
0x1c: {  	p1 =	slt.u32 s9, $0xF7A;
	s5 =	simm.s32 @!p2 $0x0  }
0x1d: {  	s5 =	simm.s32 @p1 $0x1;
	p0 =	seq.s32 s7, s2  }
0x1e: {  	s7 =	smul.u32 @!p0 $0xF7A, s2;
	p2 =	seq.s32 @!p0 s5, $0x0  }
0x1f: {  	s9 =	smul.u32 $0xF7A, s1;
	s8 =	simm.s32 @!p0 $0x1BF5;
	p2 =	por !p2, p0  }
0x20: {  	[sflag:s8] =	ssyncset.s32 @!p0 $0xFFFFF086;
	s6 =	sadd.s32 @!p0 s3, s7;
	s7 =	simm.s32 @!p0 $0x108  }
0x21: {  	s3 =	sadd.s32 s3, s9;
	s6 =	sadd.s32 @!p0 $0x88, s6;
	s7 =	simm.s32 @p2 $0x1082  }
0x22: {  	[simem:s7], [sflag:s8] =	dma.local @!p0 [hbm:s6], $0xF7A  }
0x23: {  	s9 =	sor.u32 $0xD0000000, s2;
	s6 =	simm.s32 $0x108;
	_ =	swait.ge @!p0 [sflag:s8], $0x0  }
0x24: {  	s3 =	sadd.s32 $0x88, s3;
	s6 =	simm.s32 @!p1 $0x1082;
	[sflag:s4] =	ssyncset.s32 $0xFFFFF086  }
0x25: {  	[simem:s6], [sflag:s4] =	dma.local [hbm:s3], $0xF7A  }
0x26: {  	[smem:$0x3F9C] =	sst s1;
	(tag) =	ssettag s2;
	_ =	strace s9  }
0x27: {  	s1 =	sld [smem:$0x3FAC]  }
0x28: {  	s2 =	sld [smem:$0x3FAD]  }
0x29: {  	s4 =	sld [smem:$0x3FAF]  }
0x2a: {  	p0 =	seq.s32 s5, $0x0;
	s5 =	sld [smem:$0x3FB0]  }
0x2b: {  	s6 =	sld [smem:$0x3FB1]  }
0x2c: {  	s7 =	sld [smem:$0x3FB2]  }
0x2d: {  	s3 =	simm.s32 $0x108;
	s8 =	sld [smem:$0x3FB3]  }
0x2e: {  	s3 =	simm.s32 @!p0 $0x1082;
	s9 =	sld [smem:$0x3FB4]  }
0x2f: {  	lr =	sadd.s32 s0, s3;
	s0 =	sld [smem:$0x3FAB]  }
0x30: {  	s3 =	sld [smem:$0x3FAE]  }
0x31: {  	[smem:$0x3FB7] =	sst s10  }
0x32: {  	s10 =	sld [smem:$0x3FB5];
	_ =	sdelay $0x3  }
0x33: {  	p0 =	seq.s32 s10, $0x1;
	s10 =	sld [smem:$0x3FB7];
	_ =	sdelay $0x3  }
0x34: {  	[smem:$0x3FB7] =	sst s10  }
0x35: {  	s10 =	sld [smem:$0x3FB6];
	_ =	sdelay $0x3  }
0x36: {  	p1 =	seq.s32 s10, $0x1;
	s10 =	sld [smem:$0x3FB7];
	_ =	sdelay $0x3  }
0x37: {  	[smem:$0x3FB7] =	sst s10  }
0x38: {  	s10 =	sld [smem:$0x3FB8]  }
0x39: {  	_ = 	snop;
	(pc) =	sbr.ind lr, $3  }
0x3a: {  	_ = 	snop  }
0x3b: {  	_ = 	snop  }
0x3c: {  	p2 =	seq.s32 s10, $0x1;
	s10 =	sld [smem:$0x3FB7]  }
0x3d: {  	_ =	shalt  }
0x3e: {  	_ =	shalt  }
0x3f: {  	_ =	shalt  }
0x40: {  	_ =	shalt  }
0x41: {  	_ =	shalt  }
0x42: {  	_ =	shalt  }
0x43: {  	_ =	shalt  }
0x44: {  	_ =	shalt  }
0x45: {  	_ =	shalt  }
0x46: {  	_ =	shalt  }
0x47: {  	_ =	shalt  }
0x48: {  	_ =	shalt  }
0x49: {  	_ =	shalt  }
0x4a: {  	_ =	shalt  }
0x4b: {  	_ =	shalt  }
0x4c: {  	_ =	shalt  }
0x4d: {  	_ =	shalt  }
0x4e: {  	_ =	shalt  }
0x4f: {  	_ =	shalt  }
0x50: {  	_ =	shalt  }
0x51: {  	_ =	shalt  }
0x52: {  	_ =	shalt  }
0x53: {  	_ =	shalt  }
0x54: {  	_ =	shalt  }
0x55: {  	_ =	shalt  }
0x56: {  	_ =	shalt  }
0x57: {  	_ =	shalt  }
0x58: {  	_ =	shalt  }
0x59: {  	_ =	shalt  }
0x5a: {  	_ =	shalt  }
0x5b: {  	_ =	shalt  }
0x5c: {  	_ =	shalt  }
0x5d: {  	_ =	shalt  }
0x5e: {  	_ =	shalt  }
0x5f: {  	_ =	shalt  }
0x60: {  	_ =	shalt  }
0x61: {  	_ =	shalt  }
0x62: {  	_ =	shalt  }
0x63: {  	_ =	shalt  }
0x64: {  	_ =	shalt  }
0x65: {  	_ =	shalt  }
0x66: {  	_ =	shalt  }
0x67: {  	_ =	shalt  }
0x68: {  	_ =	shalt  }
0x69: {  	_ =	shalt  }
0x6a: {  	_ =	shalt  }
0x6b: {  	_ =	shalt  }
0x6c: {  	_ =	shalt  }
0x6d: {  	_ =	shalt  }
0x6e: {  	_ =	shalt  }
0x6f: {  	_ =	shalt  }
0x70: {  	_ =	shalt  }
0x71: {  	_ =	shalt  }
0x72: {  	_ =	shalt  }
0x73: {  	_ =	shalt  }
0x74: {  	_ =	shalt  }
0x75: {  	_ =	shalt  }
0x76: {  	_ =	shalt  }
0x77: {  	_ =	shalt  }
0x78: {  	_ =	shalt  }
0x79: {  	_ =	shalt  }
0x7a: {  	_ =	shalt  }
0x7b: {  	_ =	shalt  }
0x7c: {  	_ =	shalt  }
0x7d: {  	_ =	shalt  }
0x7e: {  	_ =	shalt  }
0x7f: {  	_ =	shalt  }
0x80: {  	_ =	shalt  }
0x81: {  	_ =	shalt  }
0x82: {  	_ =	shalt  }
0x83: {  	_ =	shalt  }
0x84: {  	_ =	shalt  }
0x85: {  	_ =	shalt  }
0x86: {  	_ =	shalt  }
0x87: {  	_ =	shalt  }
.Lfunc_end0:
.L_simem_size_0:
called_computation_lowered:
.L_overlay_start_0:
0x88: {  	s2 =	sld [smem:$0x3FD9]  }
0x89: {  	s3 =	sld [smem:$0x3FFE];
	_ =	sdelay $0x1  }
0x8a: {  	s1 =	srdreg.scid  }
0x8b: {  	s0 =	sand.u32 $0x1, s1  }
0x8c: {  	s17 =	sshll.u32 s0, $0xA;
	s2 =	sadd.s32 s3, s2  }
0x8d: {  	s2 =	sadd.s32 s2, s17  }
0x8e: {  	[smem:$0x3FC3] =	sst s2  }
0x8f: {  	_ = 	snop  }
0x90: {  	s2 =	sld [smem:$0x3FD0];
	(tm) =	ssettm $0x1  }
0x91: {  	s18 =	sld [smem:$0x3FFB];
	_ =	sdelay $0x3  }
0x92: {  	_ =	strace s18  }
0x93: {  	s3 =	sld [smem:$0x3FFC];
	_ =	sdelay $0x3  }
0x94: {  	_ =	strace s3  }
0x95: {  	s3 =	sld [smem:$0x3FFD];
	_ =	sdelay $0x3  }
0x96: {  	_ =	strace s3  }
0x97: {  	_ =	strace $0x8FFFFFFF  }
0x98: {  	s19 =	sld [smem:$0x3FDB];
	_ =	sdelay $0x1  }
0x99: {  	s4 =	simm.s32 $_scs_section_size  }
0x9a: {  	s5 =	simm.s32 $_size__tile_overlayer_lowered;
	s6 =	simm.s32 $_tile_overlayer_lowered  }
0x9b: {  	s22 =	simm.s32 $0x1BFF;
	s21 =	sshll.u32 s6, $0x1;
	s3 =	sadd.s32 s4, s19  }
0x9c: {  	s7 =	simm.s32 $0x0;
	s20 =	sshll.u32 s5, $0x1;
	s5 =	sadd.s32 s21, s3  }
0x9d: {  	[timem:s7], [sflag:s22] =	dma.local [hbm:s5], s20  }
0x9e: {  	_ =	swait.ge [sflag:s22], s20  }
0x9f: {  	s4 =	ssub.s32 $0x0, s20;
	[sflag:s22] =	ssyncset.done $0x0  }
0xa0: {  	[sflag:s22] =	ssyncadd.s32 s4;
	_ =	sdelay $0x1  }
0xa1: {  	s23 =	simm.s32 $0x1B8B  }
0xa2: {  	_ =	swait.ge [sflag:s23], $0x1  }
0xa3: {  	[sflag:s23] =	ssyncset.done $0x0  }
0xa4: {  	s25 =	simm.s32 $0x1B8E;
	s24 =	sld [smem:$0x3FFE];
	[sflag:s23] =	ssyncadd.s32 $0xFFFFFFFF  }
0xa5: {  	s26 =	simm.s32 $execute0_lowered;
	[smem:$0x3FD2] =	sst s25  }
0xa6: {  	s5 =	sshll.u32 s26, $0x1;
	_ =	strace $0x80000046;
	[dreg:$0x1] =	wrdreg $0xFFFFFFFF  }
0xa7: {  	s28 =	simm.s32 $_size_execute0_lowered;
	s3 =	sadd.s32 s3, s5;
	[dreg:$0x0] =	wrdreg $0x0  }
0xa8: {  	s5 =	sshll.u32 s28, $0x1;
	[dreg:$0x2] =	wrdreg s3  }
0xa9: {  	[dreg:$0x3] =	wrdreg s5  }
0xaa: {  	[dreg:$0x4] =	wrdreg $0xC0  }
0xab: {  	_ =	task [dreg:s7], $0x5FFFF  }
0xac: {  	[dreg:$0x1] =	wrdreg $0xFFFFFFFF  }
0xad: {  	[dreg:$0x0] =	wrdreg $0x60  }
0xae: {  	[dreg:$0x2] =	wrdreg s24  }
0xaf: {  	[dreg:$0x3] =	wrdreg s2  }
0xb0: {  	[dreg:$0x4] =	wrdreg $0xE0800  }
0xb1: {  	[dreg:$0x5] =	wrdreg $0x9  }
0xb2: {  	_ =	task.clear_ibuf [dreg:s7], $0x6FFFF;
	_ =	strace $0x90000046  }
0xb3: {  	s29 =	simm.s32 $0x9;
	_ =	strace $0x8000004C  }
0xb4: {  	_ =	swait.ge [sflag:s29], $0x1  }
0xb5: {  	[sflag:s29] =	ssyncadd.s32 $0xFFFFFFFF  }
0xb6: {  	_ =	strace $0x9000004C  }
0xb7: {  	_ =	sfence  }
0xb8: {  	s30 =	sld [smem:$0x0];
	_ =	sdelay $0x2  }
0xb9: {  	s31 =	sshll.u32 s1, $0xD;
	s1 =	sshrl.u32 s1, $0x2  }
0xba: {  	s3 =	sand.u32 $0x4000, s31;
	s1 =	sadd.s32 s1, s30  }
0xbb: {  	s0 =	sor.u32 s3, s0;
	s1 =	sshll.u32 s1, $0x11  }
0xbc: {  	s0 =	sor.u32 s1, s0  }
0xbd: {  	s0 =	sadd.s32 $0x8F2B, s0  }
0xbe: {  	[sflag:s0] =	ssyncadd.remote.s32 $0x1  }
0xbf: {  	_ =	sfence.sel $0xFFFF  }
0xc0: {  	[dreg:$0x0] =	wrdreg $0xFFFFFFFF;
	(pc) =	sbr.abs _section_cstart, $3  }
0xc1: {  	[dreg:$0x1] =	wrdreg $0xFFFFFFFF  }
0xc2: {  	_ =	task.clear_ibuf [dreg:s7], $0x2FFFF;
	_ =	strace $0x9FFFFFFF  }
0xc3: {  	(tm) =	ssettm $0x7FFFFFFF  }
tec
execute0_lowered:
.L_overlay_start_1:
0x0: {  	(tag) =	ssettag $0x1  }
0x1: {  	s0 =	rddreg [dreg:$0x0]  }
0x2: {  	s1 =	rddreg [dreg:$0x1]  }
0x3: {  	s2 =	rddreg [dreg:$0x2];
	s3 =	simm.s32 $0x0  }
0x4: {  	[smem:$0x7FF] =	sst s3;
	s4 =	sadd.s32 $0x1A00, s0  }
0x5: {  	s5 =	sadd.s32 $0x1800, s0;
	_ =	strace $0x80000047;
	[dreg:$0x9] =	wrdreg s4  }
0x6: {  	s6 =	sadd.s32 $0x1600, s0;
	[dreg:$0xa] =	wrdreg s5  }
0x7: {  	s8 =	sadd.s32 $0x1200, s0;
	[dreg:$0xb] =	wrdreg s6  }
0x8: {  	s9 =	sadd.s32 $0x40400, s0;
	[dreg:$0xd] =	wrdreg s8  }
0x9: {  	s10 =	sadd.s32 $0x21000, s0;
	[dreg:$0x4] =	wrdreg s9  }
0xa: {  	s11 =	sadd.s32 $0x1C00, s0;
	[dreg:$0x5] =	wrdreg s10  }
0xb: {  	s7 =	srdreg.scid;
	s12 =	sadd.s32 $0x5F800, s0;
	[dreg:$0x6] =	wrdreg s11  }
0xc: {  	s14 =	stileid.u32;
	s13 =	sadd.s32 $0x7EC00, s0;
	[dreg:$0x7] =	wrdreg s12  }
0xd: {  	s5 =	sadd.s32 $0x1400, s0;
	s4 =	sand.u32 $0x1, s7;
	[dreg:$0x8] =	wrdreg s13  }
0xe: {  	s6 =	smul.u32 $0xFA00, s14;
	s7 =	sadd.s32 $0xDC800, s0;
	[dreg:$0xc] =	wrdreg s5  }
0xf: {  	s15 =	ssub.s32 $0x2, s4;
	[dreg:$0xe] =	wrdreg s7  }
0x10: {  	s8 =	smul.u32 $0xFA000, s4;
	s4 =	sshll.u32 s4, $0x3;
	s19 =	sshrl.u32 s6, $0x3  }
0x11: {  	[dreg:$0x1c] =	wrdreg s4;
	s20 =	sadd.s32 s9, s19  }
0x12: {  	s21 =	sadd.s32 s10, s19;
	[dreg:$0x10] =	wrdreg s20  }
0x13: {  	s22 =	sadd.s32 s11, s19;
	[dreg:$0x11] =	wrdreg s21  }
0x14: {  	s23 =	sadd.s32 s12, s19;
	[dreg:$0x12] =	wrdreg s22  }
0x15: {  	s5 =	sadd.s32 s13, s19;
	[dreg:$0x13] =	wrdreg s23  }
0x16: {  	s8 =	sadd.s32 s6, s8;
	s24 =	sadd.s32 $0x190, s19;
	[dreg:$0x14] =	wrdreg s5  }
0x17: {  	s25 =	sadd.s32 s9, s24;
	[dreg:$0xf] =	wrdreg s8  }
0x18: {  	s26 =	sadd.s32 s10, s24;
	[dreg:$0x15] =	wrdreg s25  }
0x19: {  	s28 =	sadd.s32 s11, s24;
	[dreg:$0x16] =	wrdreg s26  }
0x1a: {  	s30 =	sadd.s32 s12, s24;
	[dreg:$0x17] =	wrdreg s28  }
0x1b: {  	s7 =	sadd.s32 s13, s24;
	[dreg:$0x18] =	wrdreg s30  }
0x1c: {  	s16 =	sadd.s32 $0x9E000, s0;
	s9 =	sadd.s32 $0x1900, s6;
	[dreg:$0x19] =	wrdreg s7  }
0x1d: {  	s17 =	sshrl.u32 s15, $0x1;
	s10 =	sadd.s32 $0x2580, s6;
	[dreg:$0x1a] =	wrdreg s9  }
0x1e: {  	s18 =	ssub.s32 s15, s17;
	s11 =	sadd.s32 $0xC80, s8;
	[dreg:$0x1b] =	wrdreg s10  }
0x1f: {  	s13 =	sshrl.u32 s8, $0x3;
	s0 =	smax.u32 s18, $0x1;
	[dreg:$0x1d] =	wrdreg s11  }
0x20: {  	s12 =	smul.u32 $0x11940, s14;
	s14 =	sadd.s32 s1, s13;
	[smem:$0x7F1] =	sst s0  }
0x21: {  	s4 =	sadd.s32 s16, s13;
	[dreg:$0x1f] =	wrdreg s14  }
0x22: {  	s15 =	sshrl.u32 s11, $0x3;
	[smem:$0x7EE] =	sst s4  }
0x23: {  	s29 =	simm.s32 $0x9;
	s5 =	sadd.s32 s1, s15;
	[dreg:$0x1e] =	wrdreg s12  }
0x24: {  	s31 =	simm.s32 $0x80;
	s4 =	sadd.s32 s16, s15;
	[smem:$0x7EF] =	sst s5  }
0x25: {  	s6 =	simm.s32 $0x2;
	s17 =	sadd.s32 s12, s2;
	[smem:$0x7F0] =	sst s4  }
0x26: {  	s0 =	simm.s32 $0x100;
	s18 =	sadd.s32 $0x1770, s17;
	[smem:$0x7FC] =	sst s17  }
0x27: {  	s9 =	simm.s32 $0x180;
	s19 =	sadd.s32 $0x2EE0, s17;
	[smem:$0x7F2] =	sst s18  }
0x28: {  	s10 =	simm.s32 $0x200;
	s20 =	sadd.s32 $0x4650, s17;
	[smem:$0x7F3] =	sst s19  }
0x29: {  	v0 =	vimm.f32 $1.000000010e-01;
	s11 =	simm.s32 $0x2800;
	s21 =	sadd.s32 $0x5DC0, s17;
	[smem:$0x7F4] =	sst s20  }
0x2a: {  	(erf) = vrcp.f32 v0;
	s13 =	simm.s32 $0x7F80;
	s22 =	sadd.s32 $0x7530, s17;
	[smem:$0x7F5] =	sst s21  }
0x2b: {  	s7 =	simm.s32 $0x9880;
	s23 =	sadd.s32 $0x8CA0, s17;
	[smem:$0x7F6] =	sst s22  }
0x2c: {  	s15 =	sadd.s32 $0x1900, s8;
	s24 =	sadd.s32 $0xA410, s17;
	[smem:$0x7F7] =	sst s23  }
0x2d: {  	s12 =	simm.s32 $0x6680;
	s25 =	sadd.s32 $0xBB80, s17;
	[smem:$0x7F8] =	sst s24  }
0x2e: {  	s26 =	sadd.s32 $0xD2F0, s17;
	s28 =	sadd.s32 $0xEA60, s17;
	[smem:$0x7F9] =	sst s25  }
.Ltmp0:
0x2f: {  	s30 =	sadd.s32 $0x101D0, s17;
	[smem:$0x7FA] =	sst s26;
	(pc) =	sbr.rel .LBB2_1-.Ltmp0, $4  }
0x30: {  	s17 =	sadd.s32 $0x2580, s8;
	s4 =	simm.s32 $0x1;
	[smem:$0x7FB] =	sst s28  }
0x31: {  	s5 =	simm.s32 $0x4D80;
	s8 =	simm.s32 $0xA500;
	[smem:$0x7FD] =	sst s30  }
0x32: {  	s20 =	simm.s32 $0xB180;
	s19 =	simm.s32 $0x7;
	s21 =	simm.s32 $0xC80  }
0x33: {  	v1 =	vimm.f32 $0.0e+00;
	s22 =	simm.s32 $0x6;
	s24 =	simm.s32 $0x8;
	s18 =	simm.s32 $0x0;
	v0 =	vpop (erf)  }
.LBB2_19:
0x34: {  	s18 =	sld [smem:$0x7ED]  }
0x35: {  	s14 =	sld [smem:$0x7F1];
	_ =	sdelay $0x1  }
0x36: {  	s18 =	sadd.s32 $0x1, s18  }
0x37: {  	p0 =	sne.s32 s18, s14  }
.Ltmp1:
0x38: {  	_ = 	snop;
	(pc) =	sbr.rel @!p0 .LBB2_20-.Ltmp1, $1  }
0x39: {  	_ =	sdelay $0x3  }
.LBB2_1:
0x3a: {  	[smem:$0x7ED] =	sst s18  }
0x3b: {  	s14 =	rddreg [dreg:$0x9]  }
0x3c: {  	[tilespmem:s3], [sflag:$0x9] =	stream.linear.gather [hbm4b:s14+s3], $0x80, $0x38;
	[tilespmem:$0x1F9C0] =	vst v63  }
0x3d: {  	_ =	swait.ge [sflag:s29], $0x80  }
0x3e: {  	[sflag:s29] =	ssyncset.done $0x0  }
0x3f: {  	s25 =	rddreg [dreg:$0xa];
	[sflag:s29] =	ssyncadd.s32 $0xFFFFFF80  }
0x40: {  	[tilespmem:s31], [sflag:$0x9] =	stream.linear.gather [hbm4b:s25+s3], $0x80, $0x38;
	[tilespmem:$0x1F9C0] =	vst v63  }
0x41: {  	_ =	swait.ge [sflag:s29], $0x80  }
0x42: {  	[sflag:s29] =	ssyncset.done $0x0  }
0x43: {  	s26 =	rddreg [dreg:$0xb];
	[sflag:s29] =	ssyncadd.s32 $0xFFFFFF80  }
0x44: {  	[tilespmem:s0], [sflag:$0x9] =	stream.linear.gather [hbm4b:s26+s3], $0x80, $0x38;
	[tilespmem:$0x1F9C0] =	vst v63  }
0x45: {  	_ =	swait.ge [sflag:s29], $0x80  }
0x46: {  	[sflag:s29] =	ssyncset.done $0x0  }
0x47: {  	s28 =	rddreg [dreg:$0xc];
	[sflag:s29] =	ssyncadd.s32 $0xFFFFFF80  }
0x48: {  	[tilespmem:s9], [sflag:$0x9] =	stream.linear.gather [hbm4b:s28+s3], $0x80, $0x38;
	[tilespmem:$0x1F9C0] =	vst v63  }
0x49: {  	_ =	swait.ge [sflag:s29], $0x80  }
0x4a: {  	[sflag:s29] =	ssyncset.done $0x0  }
0x4b: {  	s30 =	rddreg [dreg:$0xd];
	[sflag:s29] =	ssyncadd.s32 $0xFFFFFF80  }
0x4c: {  	[tilespmem:s10], [sflag:$0x9] =	stream.linear.gather [hbm4b:s30+s3], $0x80, $0x38;
	[tilespmem:$0x1F9C0] =	vst v63  }
0x4d: {  	_ =	swait.ge [sflag:s29], $0x80  }
0x4e: {  	[sflag:s29] =	ssyncset.done $0x0  }
0x4f: {  	s23 =	simm.s32 $0x280;
	s18 =	rddreg [dreg:$0x10];
	[sflag:s29] =	ssyncadd.s32 $0xFFFFFF80  }
0x50: {  	[tilespmem:s23], [sflag:$0x1] =	stream.linear.gather [hbm4b:s18+s3], $0xC80, $0x38;
	[tilespmem:$0x1F9C0] =	vst v63  }
0x51: {  	s26 =	simm.s32 $0xF00;
	s25 =	rddreg [dreg:$0x11]  }
0x52: {  	[tilespmem:s26], [sflag:$0x1] =	stream.linear.gather [hbm4b:s25+s3], $0xC80, $0x38;
	[tilespmem:$0x1F9C0] =	vst v63  }
0x53: {  	s30 =	simm.s32 $0x1B80;
	s28 =	rddreg [dreg:$0x12]  }
0x54: {  	[tilespmem:s30], [sflag:$0x1] =	stream.linear.gather [hbm4b:s28+s3], $0xC80, $0x38;
	[tilespmem:$0x1F9C0] =	vst v63  }
0x55: {  	s23 =	rddreg [dreg:$0x13]  }
0x56: {  	[tilespmem:s11], [sflag:$0x1] =	stream.linear.gather [hbm4b:s23+s3], $0xC80, $0x38;
	[tilespmem:$0x1F9C0] =	vst v63  }
0x57: {  	s25 =	rddreg [dreg:$0x14];
	s26 =	simm.s32 $0x3480  }
0x58: {  	[tilespmem:s26], [sflag:$0x1] =	stream.linear.gather [hbm4b:s25+s3], $0xC80, $0x38;
	[tilespmem:$0x1F9C0] =	vst v63  }
0x59: {  	s28 =	rddreg [dreg:$0x15];
	s30 =	simm.s32 $0x5A00  }
0x5a: {  	[tilespmem:s30], [sflag:$0x2] =	stream.linear.gather [hbm4b:s28+s3], $0xC80, $0x38;
	[tilespmem:$0x1F9C0] =	vst v63  }
0x5b: {  	s18 =	rddreg [dreg:$0x16]  }
0x5c: {  	[tilespmem:s12], [sflag:$0x2] =	stream.linear.gather [hbm4b:s18+s3], $0xC80, $0x38;
	[tilespmem:$0x1F9C0] =	vst v63  }
0x5d: {  	s23 =	rddreg [dreg:$0x17];
	s25 =	simm.s32 $0x7300  }
0x5e: {  	[tilespmem:s25], [sflag:$0x2] =	stream.linear.gather [hbm4b:s23+s3], $0xC80, $0x38;
	[tilespmem:$0x1F9C0] =	vst v63  }
0x5f: {  	s26 =	rddreg [dreg:$0x18]  }
0x60: {  	[tilespmem:s13], [sflag:$0x2] =	stream.linear.gather [hbm4b:s26+s3], $0xC80, $0x38;
	[tilespmem:$0x1F9C0] =	vst v63  }
0x61: {  	s28 =	rddreg [dreg:$0x19];
	s30 =	simm.s32 $0x8C00  }
0x62: {  	[tilespmem:s30], [sflag:$0x2] =	stream.linear.gather [hbm4b:s28+s3], $0xC80, $0x38;
	[tilespmem:$0x1F9C0] =	vst v63  }
0x63: {  	s25 =	simm.s32 $0x0;
	_ =	strace $0x80000048  }
.LBB2_2:
0x64: {  	p0 =	seq.s32 s25, $0x0  }
0x65: {  	s14 =	simm.s32 @!p0 $0x3  }
0x66: {  	_ =	swait.ge @!p0 [sflag:s14], $0xC80  }
0x67: {  	[sflag:s14] =	ssyncset.done @!p0 $0x0  }
0x68: {  	[sflag:s14] =	ssyncadd.s32 @!p0 $0xFFFFF380  }
0x69: {  	_ =	swait.ge @!p0 [sflag:s14], $0xC80  }
0x6a: {  	[sflag:s14] =	ssyncset.done @!p0 $0x0  }
0x6b: {  	[sflag:s14] =	ssyncadd.s32 @!p0 $0xFFFFF380  }
0x6c: {  	_ =	swait.ge [sflag:s4], $0xC80  }
0x6d: {  	[sflag:s4] =	ssyncset.done $0x0  }
0x6e: {  	[sflag:s4] =	ssyncadd.s32 $0xFFFFF380  }
0x6f: {  	_ =	swait.ge [sflag:s4], $0xC80  }
0x70: {  	[sflag:s4] =	ssyncset.done $0x0  }
0x71: {  	[sflag:s4] =	ssyncadd.s32 $0xFFFFF380  }
0x72: {  	_ =	swait.ge [sflag:s4], $0xC80  }
0x73: {  	[sflag:s4] =	ssyncset.done $0x0  }
0x74: {  	[sflag:s4] =	ssyncadd.s32 $0xFFFFF380  }
0x75: {  	_ =	swait.ge [sflag:s4], $0xC80  }
0x76: {  	[sflag:s4] =	ssyncset.done $0x0  }
0x77: {  	[sflag:s4] =	ssyncadd.s32 $0xFFFFF380  }
0x78: {  	_ =	swait.ge [sflag:s4], $0xC80  }
0x79: {  	[sflag:s4] =	ssyncset.done $0x0  }
0x7a: {  	s28 =	simm.s32 $0x0;
	[sflag:s4] =	ssyncadd.s32 $0xFFFFF380  }
0x7b: {  	v4 =	vld [tilespmem:s28+$0x2800];
	_ =	sdelay $0x5  }
0x7c: {  	v2 =	vld [tilespmem:s28+$0x1B80]  }
0x7d: {  	v3 =	vld [tilespmem:s28+$0x280]  }
0x7e: {  	v5 =	vld.idx.msk [tilespmem:v4+s10+$0x0], $0xffff  }
0x7f: {  	v6 =	vld.idx.msk [tilespmem:v4+s3+$0x0], $0xffff  }
0x80: {  	v7 =	vld.idx.msk [tilespmem:v4+s0+$0x0], $0xffff;
	_ =	sdelay $0x1  }
0x81: {  	v8 =	vld.idx.msk [tilespmem:v4+s9+$0x0], $0xffff;
	_ =	sdelay $0x1  }
0x82: {  	v9 =	vsub.f32 $0.0e+00, v5  }
0x83: {  	v3 =	vsub.f32 v3, v6;
	v2 =	vsub.f32 v2, v7;
	_ =	sdelay $0x1  }
0x84: {  	v6 =	vmul.f32 v9, v3;
	v7 =	vmul.f32 v2, v8  }
0x85: {  	v3 =	vmul.f32 v8, v3;
	v2 =	vmul.f32 v5, v2  }
0x86: {  	v5 =	vadd.f32 v6, v7  }
0x87: {  	v2 =	vadd.f32 v2, v3  }
0x88: {  	v3 =	vadd.f32 $1.200000000e+01, v5  }
0x89: {  	v2 =	vadd.f32 $1.200000000e+01, v2  }
0x8a: {  	v3 =	vmul.f32 v3, v0  }
0x8b: {  	v6 =	vld.idx.msk [tilespmem:v4+s31+$0x0], $0xffff;
	v2 =	vmul.f32 v2, v0  }
0x8c: {  	v5 =	vld [tilespmem:s28+$0x3480];
	v3 =	vadd.f32 $1.258291200e+07, v3  }
0x8d: {  	v7 =	vld [tilespmem:s28+$0xF00];
	v2 =	vadd.f32 $1.258291200e+07, v2  }
0x8e: {  	v3 =	vadd.f32 $-1.258291200e+07, v3  }
0x8f: {  	v2 =	vadd.f32 $-1.258291200e+07, v2  }
0x90: {  	v8 =	vadd.f32 $-1.250000000e+00, v6;
	v40 =	vadd.f32 $7.500000000e-01, v6;
	v3 =	vtrunc.f32 v3  }
0x91: {  	v5 =	vmul.u32 $0xE100, v5;
	v2 =	vtrunc.f32 v2;
	v3 =	vcvt.f32.s32 v3  }
0x92: {  	vm0 =	vgt.f32 v7, v8;
	vm1 =	vlt.f32 v7, v40;
	v2 =	vcvt.f32.s32 v2  }
0x93: {  	v8 =	vld [tilespmem:s28+$0x2810];
	vm0 =	vmand vm0, vm1;
	vm1 =	vlt.u32 v3, $0xF0;
	vm2 =	vgt.s32 v3, $0x0  }
0x94: {  	vm0 =	vmand vm0, vm1;
	v3 =	vnsel vm2, $0x0, v3;
	vm1 =	vgt.s32 v2, $0x0  }
0x95: {  	vm2 =	vlt.u32 v2, $0xF0;
	v10 =	vmin.u32 v3, $0xEF;
	v2 =	vnsel vm1, $0x0, v2  }
0x96: {  	v6 =	vsub.f32 v7, v6;
	v11 =	vmin.u32 v2, $0xEF;
	v10 =	vmul.u32 $0xF0, v10  }
0x97: {  	vm0 =	vmand vm2, vm0;
	v5 =	vor.u32 v5, v11  }
0x98: {  	v4 =	vshll.u32 v4, $0x15;
	v6 =	vnsel vm0, $0x0, v6;
	v5 =	vadd.s32 v10, v5  }
0x99: {  	[tilespmem:s28+$0x4D80] =	vst v6;
	v4 =	vor.u32 v4, v5;
	v5 =	vld [tilespmem:s28+$0x1B90]  }
0x9a: {  	[tilespmem:s28+$0x4100] =	vst v4;
	v4 =	vld [tilespmem:s28+$0x290]  }
0x9b: {  	v6 =	vld.idx.msk [tilespmem:v8+s3+$0x0], $0xffff  }
0x9c: {  	v42 =	vld.idx.msk [tilespmem:v8+s10+$0x0], $0xffff  }
0x9d: {  	v43 =	vld.idx.msk [tilespmem:v8+s0+$0x0], $0xffff  }
0x9e: {  	v12 =	vld.idx.msk [tilespmem:v8+s9+$0x0], $0xffff;
	_ =	sdelay $0x2  }
0x9f: {  	v4 =	vsub.f32 v4, v6;
	v6 =	vsub.f32 $0.0e+00, v42  }
0xa0: {  	v5 =	vsub.f32 v5, v43  }
0xa1: {  	v44 =	vmul.f32 v12, v4;
	v4 =	vmul.f32 v6, v4  }
0xa2: {  	v6 =	vmul.f32 v42, v5;
	v5 =	vmul.f32 v5, v12;
	_ =	sdelay $0x1  }
0xa3: {  	v4 =	vadd.f32 v4, v5  }
0xa4: {  	v6 =	vadd.f32 v6, v44  }
0xa5: {  	v4 =	vadd.f32 $1.200000000e+01, v4  }
0xa6: {  	v5 =	vadd.f32 $1.200000000e+01, v6  }
0xa7: {  	v4 =	vmul.f32 v4, v0  }
0xa8: {  	v6 =	vld.idx.msk [tilespmem:v8+s31+$0x0], $0xffff;
	v5 =	vmul.f32 v5, v0  }
0xa9: {  	v7 =	vld [tilespmem:s28+$0x3490];
	v4 =	vadd.f32 $1.258291200e+07, v4  }
0xaa: {  	v45 =	vld [tilespmem:s28+$0xF10];
	v5 =	vadd.f32 $1.258291200e+07, v5  }
0xab: {  	v4 =	vadd.f32 $-1.258291200e+07, v4  }
0xac: {  	v5 =	vadd.f32 $-1.258291200e+07, v5  }
0xad: {  	v46 =	vadd.f32 $-1.250000000e+00, v6;
	v47 =	vadd.f32 $7.500000000e-01, v6;
	v4 =	vtrunc.f32 v4  }
0xae: {  	v7 =	vmul.u32 $0xE100, v7;
	v5 =	vtrunc.f32 v5;
	v4 =	vcvt.f32.s32 v4  }
0xaf: {  	vm0 =	vgt.f32 v45, v46;
	vm1 =	vlt.f32 v45, v47;
	v5 =	vcvt.f32.s32 v5  }
0xb0: {  	v48 =	vld [tilespmem:s28+$0x2820];
	v6 =	vsub.f32 v45, v6;
	vm0 =	vmand vm0, vm1;
	vm2 =	vgt.s32 v4, $0x0  }
0xb1: {  	vm3 =	vgt.s32 v5, $0x0;
	vm1 =	vlt.u32 v4, $0xF0;
	v49 =	vnsel vm2, $0x0, v4  }
0xb2: {  	v50 =	vnsel vm3, $0x0, v5;
	vm0 =	vmand vm0, vm1;
	v4 =	vmin.u32 v49, $0xEF  }
0xb3: {  	vm1 =	vlt.u32 v5, $0xF0;
	v51 =	vmin.u32 v50, $0xEF;
	v4 =	vmul.u32 $0xF0, v4  }
0xb4: {  	vm0 =	vmand vm1, vm0;
	v5 =	vor.u32 v7, v51  }
0xb5: {  	v7 =	vshll.u32 v8, $0x15;
	v4 =	vadd.s32 v4, v5;
	v5 =	vnsel vm0, $0x0, v6  }
0xb6: {  	v8 =	vld [tilespmem:s28+$0x1BA0];
	v4 =	vor.u32 v7, v4;
	[tilespmem:s28+$0x4D90] =	vst v5  }
0xb7: {  	[tilespmem:s28+$0x4110] =	vst v4;
	v4 =	vld [tilespmem:s28+$0x2A0]  }
0xb8: {  	v5 =	vld.idx.msk [tilespmem:v48+s3+$0x0], $0xffff  }
0xb9: {  	v6 =	vld.idx.msk [tilespmem:v48+s10+$0x0], $0xffff  }
0xba: {  	v7 =	vld.idx.msk [tilespmem:v48+s0+$0x0], $0xffff;
	_ =	sdelay $0x1  }
0xbb: {  	v52 =	vld.idx.msk [tilespmem:v48+s9+$0x0], $0xffff;
	_ =	sdelay $0x1  }
0xbc: {  	v4 =	vsub.f32 v4, v5  }
0xbd: {  	v5 =	vsub.f32 $0.0e+00, v6;
	v7 =	vsub.f32 v8, v7;
	_ =	sdelay $0x1  }
0xbe: {  	v5 =	vmul.f32 v5, v4;
	v8 =	vmul.f32 v7, v52  }
0xbf: {  	v4 =	vmul.f32 v52, v4;
	v6 =	vmul.f32 v6, v7  }
0xc0: {  	v5 =	vadd.f32 v5, v8  }
0xc1: {  	v4 =	vadd.f32 v6, v4  }
0xc2: {  	v5 =	vadd.f32 $1.200000000e+01, v5  }
0xc3: {  	v4 =	vadd.f32 $1.200000000e+01, v4  }
0xc4: {  	v5 =	vmul.f32 v5, v0  }
0xc5: {  	v6 =	vld.idx.msk [tilespmem:v48+s31+$0x0], $0xffff;
	v4 =	vmul.f32 v4, v0  }
0xc6: {  	v7 =	vld [tilespmem:s28+$0xF20];
	v5 =	vadd.f32 $1.258291200e+07, v5  }
0xc7: {  	v4 =	vadd.f32 $1.258291200e+07, v4  }
0xc8: {  	v41 =	vld [tilespmem:s28+$0x34A0];
	v5 =	vadd.f32 $-1.258291200e+07, v5  }
0xc9: {  	v4 =	vadd.f32 $-1.258291200e+07, v4  }
0xca: {  	v8 =	vadd.f32 $-1.250000000e+00, v6;
	v53 =	vadd.f32 $7.500000000e-01, v6;
	v5 =	vtrunc.f32 v5  }
0xcb: {  	v6 =	vsub.f32 v7, v6;
	v4 =	vtrunc.f32 v4;
	v5 =	vcvt.f32.s32 v5  }
0xcc: {  	vm0 =	vgt.f32 v7, v8;
	vm4 =	vlt.f32 v7, v53;
	v4 =	vcvt.f32.s32 v4  }
0xcd: {  	v8 =	vmul.u32 $0xE100, v41;
	v7 =	vld [tilespmem:s28+$0x2830];
	vm0 =	vmand vm0, vm4;
	vm2 =	vgt.s32 v5, $0x0  }
0xce: {  	vm1 =	vlt.u32 v5, $0xF0;
	vm3 =	vgt.s32 v4, $0x0;
	v5 =	vnsel vm2, $0x0, v5  }
0xcf: {  	v54 =	vnsel vm3, $0x0, v4;
	vm0 =	vmand vm0, vm1;
	v5 =	vmin.u32 v5, $0xEF  }
0xd0: {  	vm1 =	vlt.u32 v4, $0xF0;
	v4 =	vmin.u32 v54, $0xEF;
	v5 =	vmul.u32 $0xF0, v5  }
0xd1: {  	vm0 =	vmand vm1, vm0;
	v4 =	vor.u32 v8, v4  }
0xd2: {  	v6 =	vnsel vm0, $0x0, v6;
	v8 =	vshll.u32 v48, $0x15;
	v4 =	vadd.s32 v5, v4  }
0xd3: {  	[tilespmem:s28+$0x4DA0] =	vst v6;
	v5 =	vld [tilespmem:s28+$0x2B0];
	v4 =	vor.u32 v8, v4  }
0xd4: {  	[tilespmem:s28+$0x4120] =	vst v4;
	v4 =	vld [tilespmem:s28+$0x1BB0]  }
0xd5: {  	v6 =	vld.idx.msk [tilespmem:v7+s3+$0x0], $0xffff  }
0xd6: {  	v8 =	vld.idx.msk [tilespmem:v7+s0+$0x0], $0xffff  }
0xd7: {  	v55 =	vld.idx.msk [tilespmem:v7+s10+$0x0], $0xffff;
	_ =	sdelay $0x1  }
0xd8: {  	v56 =	vld.idx.msk [tilespmem:v7+s9+$0x0], $0xffff;
	_ =	sdelay $0x1  }
0xd9: {  	v4 =	vsub.f32 v4, v8  }
0xda: {  	v5 =	vsub.f32 v5, v6;
	v6 =	vsub.f32 $0.0e+00, v55;
	_ =	sdelay $0x1  }
0xdb: {  	v8 =	vmul.f32 v4, v56;
	v6 =	vmul.f32 v6, v5;
	_ =	sdelay $0x1  }
0xdc: {  	v4 =	vmul.f32 v55, v4;
	v5 =	vmul.f32 v56, v5;
	v6 =	vadd.f32 v6, v8;
	_ =	sdelay $0x1  }
0xdd: {  	v4 =	vadd.f32 v4, v5;
	v5 =	vadd.f32 $1.200000000e+01, v6;
	_ =	sdelay $0x1  }
0xde: {  	v4 =	vadd.f32 $1.200000000e+01, v4;
	v6 =	vld.idx.msk [tilespmem:v7+s31+$0x0], $0xffff;
	v5 =	vmul.f32 v5, v0;
	_ =	sdelay $0x1  }
0xdf: {  	v4 =	vmul.f32 v4, v0;
	v5 =	vadd.f32 $1.258291200e+07, v5  }
0xe0: {  	v8 =	vld [tilespmem:s28+$0xF30]  }
0xe1: {  	v4 =	vadd.f32 $1.258291200e+07, v4;
	v5 =	vadd.f32 $-1.258291200e+07, v5  }
0xe2: {  	v57 =	vadd.f32 $-1.250000000e+00, v6  }
0xe3: {  	v3 =	vld [tilespmem:s28+$0x34B0];
	v58 =	vadd.f32 $7.500000000e-01, v6;
	v4 =	vadd.f32 $-1.258291200e+07, v4;
	v5 =	vtrunc.f32 v5  }
0xe4: {  	v5 =	vcvt.f32.s32 v5  }
0xe5: {  	vm0 =	vgt.f32 v8, v57;
	vm1 =	vlt.f32 v8, v58;
	v4 =	vtrunc.f32 v4  }
0xe6: {  	vm0 =	vmand vm0, vm1;
	v4 =	vcvt.f32.s32 v4;
	vm1 =	vgt.s32 v5, $0x0  }
0xe7: {  	vm2 =	vlt.u32 v5, $0xF0;
	v59 =	vnsel vm1, $0x0, v5;
	v5 =	vld [tilespmem:s28+$0x2840]  }
0xe8: {  	v3 =	vmul.u32 $0xE100, v3;
	v6 =	vsub.f32 v8, v6;
	vm3 =	vgt.s32 v4, $0x0  }
0xe9: {  	vm0 =	vmand vm0, vm2;
	v60 =	vnsel vm3, $0x0, v4;
	v9 =	vmin.u32 v59, $0xEF  }
0xea: {  	vm1 =	vlt.u32 v4, $0xF0;
	v4 =	vmin.u32 v60, $0xEF;
	v8 =	vmul.u32 $0xF0, v9  }
0xeb: {  	vm0 =	vmand vm1, vm0;
	v3 =	vor.u32 v3, v4  }
0xec: {  	v4 =	vnsel vm0, $0x0, v6;
	v6 =	vshll.u32 v7, $0x15;
	v3 =	vadd.s32 v8, v3  }
0xed: {  	[tilespmem:s28+$0x4DB0] =	vst v4;
	v4 =	vld [tilespmem:s28+$0x1BC0];
	v3 =	vor.u32 v6, v3  }
0xee: {  	[tilespmem:s28+$0x4130] =	vst v3;
	v3 =	vld [tilespmem:s28+$0x2C0]  }
0xef: {  	v6 =	vld.idx.msk [tilespmem:v5+s3+$0x0], $0xffff  }
0xf0: {  	v7 =	vld.idx.msk [tilespmem:v5+s0+$0x0], $0xffff  }
0xf1: {  	v8 =	vld.idx.msk [tilespmem:v5+s9+$0x0], $0xffff  }
0xf2: {  	v61 =	vld.idx.msk [tilespmem:v5+s10+$0x0], $0xffff;
	_ =	sdelay $0x2  }
0xf3: {  	v6 =	vsub.f32 v3, v6;
	v4 =	vsub.f32 v4, v7;
	_ =	sdelay $0x1  }
0xf4: {  	v9 =	vsub.f32 $0.0e+00, v61;
	v7 =	vmul.f32 v8, v6;
	v62 =	vmul.f32 v61, v4;
	_ =	sdelay $0x1  }
0xf5: {  	v3 =	vld.idx.msk [tilespmem:v5+s31+$0x0], $0xffff;
	v8 =	vmul.f32 v4, v8;
	v6 =	vmul.f32 v9, v6;
	v7 =	vadd.f32 v62, v7;
	_ =	sdelay $0x1  }
0xf6: {  	v4 =	vld [tilespmem:s28+$0xF40];
	v6 =	vadd.f32 v6, v8;
	v7 =	vadd.f32 $1.200000000e+01, v7;
	_ =	sdelay $0x1  }
0xf7: {  	v6 =	vadd.f32 $1.200000000e+01, v6;
	v7 =	vmul.f32 v7, v0  }
0xf8: {  	v8 =	vadd.f32 $-1.250000000e+00, v3;
	v63 =	vadd.f32 $7.500000000e-01, v3  }
0xf9: {  	v6 =	vmul.f32 v6, v0;
	v7 =	vadd.f32 $1.258291200e+07, v7  }
0xfa: {  	vm0 =	vgt.f32 v4, v8;
	vm1 =	vlt.f32 v4, v63  }
0xfb: {  	s26 =	simm.s32 $0x140;
	v2 =	vld [tilespmem:s28+$0x34C0];
	vm0 =	vmand vm0, vm1;
	v6 =	vadd.f32 $1.258291200e+07, v6;
	v7 =	vadd.f32 $-1.258291200e+07, v7  }
.LBB2_3:
0xfc: {  	p0 =	sne.s32 s26, $0x30C0;
	s14 =	smov.u32 s26;
	s26 =	sadd.s32 $0x140, s26  }
0xfd: {  	v6 =	vadd.f32 $-1.258291200e+07, v6;
	v7 =	vtrunc.f32 v7  }
0xfe: {  	v7 =	vcvt.f32.s32 v7  }
0xff: {  	v6 =	vtrunc.f32 v6  }
0x100: {  	v6 =	vcvt.f32.s32 v6;
	vm1 =	vgt.s32 v7, $0x0  }
0x101: {  	v3 =	vsub.f32 v4, v3;
	v2 =	vmul.u32 $0xE100, v2;
	s14 =	sshra.s32 s14, $0x2;
	v4 =	vnsel vm1, $0x0, v7  }
0x102: {  	v8 =	vld [tilespmem:s14+$0x2800];
	vm1 =	vlt.u32 v6, $0xF0;
	vm2 =	vgt.s32 v6, $0x0;
	v9 =	vmin.u32 v4, $0xEF  }
0x103: {  	v10 =	vld [tilespmem:s14+$0x3480];
	vm0 =	vmand vm0, vm1;
	vm1 =	vlt.u32 v7, $0xF0;
	v4 =	vnsel vm2, $0x0, v6  }
0x104: {  	v6 =	vld [tilespmem:s14+$0x3490];
	vm0 =	vmand vm1, vm0;
	v7 =	vmin.u32 v4, $0xEF  }
0x105: {  	v9 =	vor.u32 v2, v9;
	v4 =	vld [tilespmem:s14+$0x34A0];
	v7 =	vmul.u32 $0xF0, v7;
	v2 =	vnsel vm0, $0x0, v3  }
0x106: {  	v5 =	vshll.u32 v5, $0x15;
	v3 =	vld [tilespmem:s14+$0x34B0];
	[tilespmem:s28+$0x4DC0] =	vst v2  }
0x107: {  	v2 =	vld [tilespmem:s14+$0x34C0];
	v7 =	vadd.s32 v7, v9  }
0x108: {  	v9 =	vld [tilespmem:s14+$0x1B80];
	v5 =	vor.u32 v5, v7  }
0x109: {  	v7 =	vld [tilespmem:s14+$0x280];
	[tilespmem:s28+$0x4140] =	vst v5;
	s28 =	smov.u32 s14  }
0x10a: {  	v5 =	vld.idx.msk [tilespmem:v8+s10+$0x0], $0xffff  }
0x10b: {  	v11 =	vld.idx.msk [tilespmem:v8+s3+$0x0], $0xffff  }
0x10c: {  	v12 =	vld.idx.msk [tilespmem:v8+s0+$0x0], $0xffff  }
0x10d: {  	v13 =	vld.idx.msk [tilespmem:v8+s9+$0x0], $0xffff;
	_ =	sdelay $0x2  }
0x10e: {  	v14 =	vsub.f32 $0.0e+00, v5  }
0x10f: {  	v7 =	vsub.f32 v7, v11  }
0x110: {  	v9 =	vsub.f32 v9, v12  }
0x111: {  	v11 =	vmul.f32 v13, v7  }
0x112: {  	v7 =	vmul.f32 v14, v7;
	v12 =	vmul.f32 v9, v13  }
0x113: {  	v5 =	vmul.f32 v5, v9  }
0x114: {  	v7 =	vadd.f32 v7, v12  }
0x115: {  	v5 =	vadd.f32 v5, v11  }
0x116: {  	v7 =	vadd.f32 $1.200000000e+01, v7  }
0x117: {  	v5 =	vadd.f32 $1.200000000e+01, v5  }
0x118: {  	v7 =	vmul.f32 v7, v0;
	v9 =	vld.idx.msk [tilespmem:v8+s31+$0x0], $0xffff  }
0x119: {  	v5 =	vmul.f32 v5, v0  }
0x11a: {  	v7 =	vadd.f32 $1.258291200e+07, v7;
	v11 =	vld [tilespmem:s28+$0xF00]  }
0x11b: {  	v5 =	vadd.f32 $1.258291200e+07, v5  }
0x11c: {  	v7 =	vadd.f32 $-1.258291200e+07, v7  }
0x11d: {  	v10 =	vmul.u32 $0xE100, v10;
	v5 =	vadd.f32 $-1.258291200e+07, v5  }
0x11e: {  	v12 =	vadd.f32 $-1.250000000e+00, v9;
	v13 =	vadd.f32 $7.500000000e-01, v9;
	v7 =	vtrunc.f32 v7  }
0x11f: {  	v5 =	vtrunc.f32 v5;
	v7 =	vcvt.f32.s32 v7;
	v9 =	vsub.f32 v11, v9  }
0x120: {  	v5 =	vcvt.f32.s32 v5;
	vm0 =	vgt.f32 v11, v12;
	vm1 =	vlt.f32 v11, v13  }
0x121: {  	vm0 =	vmand vm0, vm1;
	vm1 =	vlt.u32 v7, $0xF0;
	vm2 =	vgt.s32 v7, $0x0;
	v11 =	vld [tilespmem:s28+$0x2810]  }
0x122: {  	vm0 =	vmand vm0, vm1;
	v7 =	vnsel vm2, $0x0, v7;
	vm1 =	vgt.s32 v5, $0x0  }
0x123: {  	vm2 =	vlt.u32 v5, $0xF0;
	v7 =	vmin.u32 v7, $0xEF;
	v5 =	vnsel vm1, $0x0, v5  }
0x124: {  	vm0 =	vmand vm2, vm0;
	v5 =	vmin.u32 v5, $0xEF;
	v7 =	vmul.u32 $0xF0, v7  }
0x125: {  	v9 =	vnsel vm0, $0x0, v9;
	v5 =	vor.u32 v10, v5  }
0x126: {  	v8 =	vshll.u32 v8, $0x15;
	v5 =	vadd.s32 v7, v5;
	[tilespmem:s28+$0x4D80] =	vst v9  }
0x127: {  	v5 =	vor.u32 v8, v5;
	v7 =	vld [tilespmem:s28+$0x1B90]  }
0x128: {  	[tilespmem:s28+$0x4100] =	vst v5;
	v5 =	vld [tilespmem:s28+$0x290]  }
0x129: {  	v8 =	vld.idx.msk [tilespmem:v11+s3+$0x0], $0xffff  }
0x12a: {  	v9 =	vld.idx.msk [tilespmem:v11+s10+$0x0], $0xffff  }
0x12b: {  	v10 =	vld.idx.msk [tilespmem:v11+s0+$0x0], $0xffff  }
0x12c: {  	v12 =	vld.idx.msk [tilespmem:v11+s9+$0x0], $0xffff;
	_ =	sdelay $0x3  }
0x12d: {  	v5 =	vsub.f32 v5, v8;
	v8 =	vsub.f32 $0.0e+00, v9  }
0x12e: {  	v7 =	vsub.f32 v7, v10  }
0x12f: {  	v10 =	vmul.f32 v12, v5;
	v5 =	vmul.f32 v8, v5  }
0x130: {  	v8 =	vmul.f32 v9, v7;
	v7 =	vmul.f32 v7, v12;
	_ =	sdelay $0x1  }
0x131: {  	v8 =	vadd.f32 v8, v10;
	v5 =	vadd.f32 v5, v7;
	_ =	sdelay $0x1  }
0x132: {  	v5 =	vadd.f32 $1.200000000e+01, v5;
	v7 =	vadd.f32 $1.200000000e+01, v8;
	_ =	sdelay $0x1  }
0x133: {  	v5 =	vmul.f32 v5, v0;
	v7 =	vmul.f32 v7, v0;
	v8 =	vld.idx.msk [tilespmem:v11+s31+$0x0], $0xffff;
	_ =	sdelay $0x1  }
0x134: {  	v5 =	vadd.f32 $1.258291200e+07, v5;
	v7 =	vadd.f32 $1.258291200e+07, v7  }
0x135: {  	v9 =	vld [tilespmem:s28+$0xF10]  }
0x136: {  	v5 =	vadd.f32 $-1.258291200e+07, v5;
	v7 =	vadd.f32 $-1.258291200e+07, v7;
	_ =	sdelay $0x1  }
0x137: {  	v10 =	vadd.f32 $-1.250000000e+00, v8;
	v5 =	vtrunc.f32 v5;
	v7 =	vtrunc.f32 v7  }
0x138: {  	v12 =	vadd.f32 $7.500000000e-01, v8;
	v5 =	vcvt.f32.s32 v5;
	v7 =	vcvt.f32.s32 v7  }
0x139: {  	v6 =	vmul.u32 $0xE100, v6;
	vm0 =	vgt.f32 v9, v10;
	v8 =	vsub.f32 v9, v8  }
0x13a: {  	vm1 =	vlt.f32 v9, v12;
	vm2 =	vgt.s32 v5, $0x0;
	vm3 =	vgt.s32 v7, $0x0;
	v9 =	vld [tilespmem:s28+$0x2820]  }
0x13b: {  	vm0 =	vmand vm0, vm1;
	v10 =	vnsel vm2, $0x0, v5;
	v12 =	vnsel vm3, $0x0, v7  }
0x13c: {  	vm1 =	vlt.u32 v5, $0xF0;
	v5 =	vmin.u32 v10, $0xEF;
	v10 =	vmin.u32 v12, $0xEF  }
0x13d: {  	vm0 =	vmand vm0, vm1;
	vm1 =	vlt.u32 v7, $0xF0;
	v5 =	vmul.u32 $0xF0, v5  }
0x13e: {  	vm0 =	vmand vm1, vm0;
	v6 =	vor.u32 v6, v10  }
0x13f: {  	v7 =	vshll.u32 v11, $0x15;
	v5 =	vadd.s32 v5, v6;
	v6 =	vnsel vm0, $0x0, v8  }
0x140: {  	v5 =	vor.u32 v7, v5;
	[tilespmem:s28+$0x4D90] =	vst v6  }
0x141: {  	[tilespmem:s28+$0x4110] =	vst v5;
	v5 =	vld [tilespmem:s28+$0x2A0]  }
0x142: {  	v6 =	vld.idx.msk [tilespmem:v9+s3+$0x0], $0xffff  }
0x143: {  	v7 =	vld.idx.msk [tilespmem:v9+s9+$0x0], $0xffff  }
0x144: {  	v8 =	vld.idx.msk [tilespmem:v9+s10+$0x0], $0xffff  }
0x145: {  	v10 =	vld.idx.msk [tilespmem:v9+s0+$0x0], $0xffff  }
0x146: {  	v11 =	vld [tilespmem:s28+$0x1BA0];
	_ =	sdelay $0x1  }
0x147: {  	v5 =	vsub.f32 v5, v6;
	_ =	sdelay $0x1  }
0x148: {  	v6 =	vmul.f32 v7, v5;
	v12 =	vsub.f32 $0.0e+00, v8  }
0x149: {  	v10 =	vsub.f32 v11, v10  }
0x14a: {  	v5 =	vmul.f32 v12, v5  }
0x14b: {  	v8 =	vmul.f32 v8, v10;
	v7 =	vmul.f32 v10, v7;
	_ =	sdelay $0x1  }
0x14c: {  	v6 =	vadd.f32 v8, v6;
	v5 =	vadd.f32 v5, v7;
	_ =	sdelay $0x1  }
0x14d: {  	v5 =	vadd.f32 $1.200000000e+01, v5;
	v6 =	vadd.f32 $1.200000000e+01, v6;
	_ =	sdelay $0x1  }
0x14e: {  	v7 =	vld.idx.msk [tilespmem:v9+s31+$0x0], $0xffff;
	v5 =	vmul.f32 v5, v0;
	v6 =	vmul.f32 v6, v0;
	_ =	sdelay $0x1  }
0x14f: {  	v5 =	vadd.f32 $1.258291200e+07, v5;
	v6 =	vadd.f32 $1.258291200e+07, v6  }
0x150: {  	v8 =	vld [tilespmem:s28+$0xF20]  }
0x151: {  	v5 =	vadd.f32 $-1.258291200e+07, v5;
	v6 =	vadd.f32 $-1.258291200e+07, v6;
	_ =	sdelay $0x1  }
0x152: {  	v10 =	vadd.f32 $-1.250000000e+00, v7;
	v5 =	vtrunc.f32 v5;
	v6 =	vtrunc.f32 v6  }
0x153: {  	v11 =	vadd.f32 $7.500000000e-01, v7;
	v5 =	vcvt.f32.s32 v5;
	v6 =	vcvt.f32.s32 v6  }
0x154: {  	v4 =	vmul.u32 $0xE100, v4;
	vm0 =	vgt.f32 v8, v10;
	v7 =	vsub.f32 v8, v7  }
0x155: {  	vm1 =	vlt.u32 v5, $0xF0;
	vm2 =	vgt.s32 v5, $0x0;
	vm3 =	vgt.s32 v6, $0x0;
	v10 =	vld [tilespmem:s28+$0x2830]  }
0x156: {  	vm4 =	vlt.f32 v8, v11;
	v5 =	vnsel vm2, $0x0, v5;
	v8 =	vnsel vm3, $0x0, v6  }
0x157: {  	vm0 =	vmand vm0, vm4;
	v5 =	vmin.u32 v5, $0xEF;
	v8 =	vmin.u32 v8, $0xEF  }
0x158: {  	vm0 =	vmand vm0, vm1;
	vm1 =	vlt.u32 v6, $0xF0;
	v5 =	vmul.u32 $0xF0, v5  }
0x159: {  	vm0 =	vmand vm1, vm0;
	v4 =	vor.u32 v4, v8  }
0x15a: {  	v6 =	vshll.u32 v9, $0x15;
	v4 =	vadd.s32 v5, v4;
	v5 =	vnsel vm0, $0x0, v7  }
0x15b: {  	v4 =	vor.u32 v6, v4;
	[tilespmem:s28+$0x4DA0] =	vst v5;
	v5 =	vld [tilespmem:s28+$0x2B0]  }
0x15c: {  	[tilespmem:s28+$0x4120] =	vst v4;
	v4 =	vld [tilespmem:s28+$0x1BB0]  }
0x15d: {  	v6 =	vld.idx.msk [tilespmem:v10+s3+$0x0], $0xffff  }
0x15e: {  	v7 =	vld.idx.msk [tilespmem:v10+s0+$0x0], $0xffff  }
0x15f: {  	v8 =	vld.idx.msk [tilespmem:v10+s10+$0x0], $0xffff  }
0x160: {  	v9 =	vld.idx.msk [tilespmem:v10+s9+$0x0], $0xffff  }
0x161: {  	v11 =	vld.idx.msk [tilespmem:v10+s31+$0x0], $0xffff;
	_ =	sdelay $0x2  }
0x162: {  	v4 =	vsub.f32 v4, v7;
	v12 =	vld [tilespmem:s28+$0xF30]  }
0x163: {  	v5 =	vsub.f32 v5, v6;
	v6 =	vsub.f32 $0.0e+00, v8  }
0x164: {  	v7 =	vmul.f32 v8, v4;
	v4 =	vmul.f32 v4, v9  }
0x165: {  	v9 =	vmul.f32 v9, v5;
	v8 =	vadd.f32 $-1.250000000e+00, v11;
	v5 =	vmul.f32 v6, v5  }
0x166: {  	v6 =	vadd.f32 $7.500000000e-01, v11  }
0x167: {  	v7 =	vadd.f32 v7, v9;
	v4 =	vadd.f32 v5, v4;
	vm0 =	vgt.f32 v12, v8  }
0x168: {  	vm1 =	vlt.f32 v12, v6  }
0x169: {  	v5 =	vadd.f32 $1.200000000e+01, v7;
	vm0 =	vmand vm0, vm1;
	v4 =	vadd.f32 $1.200000000e+01, v4;
	_ =	sdelay $0x1  }
0x16a: {  	v5 =	vmul.f32 v5, v0;
	v4 =	vmul.f32 v4, v0;
	_ =	sdelay $0x1  }
0x16b: {  	v5 =	vadd.f32 $1.258291200e+07, v5;
	v4 =	vadd.f32 $1.258291200e+07, v4;
	_ =	sdelay $0x1  }
0x16c: {  	v5 =	vadd.f32 $-1.258291200e+07, v5;
	v4 =	vadd.f32 $-1.258291200e+07, v4;
	_ =	sdelay $0x1  }
0x16d: {  	v5 =	vtrunc.f32 v5;
	v4 =	vtrunc.f32 v4  }
0x16e: {  	v6 =	vcvt.f32.s32 v5;
	v4 =	vcvt.f32.s32 v4;
	_ =	sdelay $0x1  }
0x16f: {  	vm3 =	vgt.s32 v6, $0x0;
	vm1 =	vlt.u32 v4, $0xF0;
	vm2 =	vgt.s32 v4, $0x0;
	v5 =	vld [tilespmem:s28+$0x2840]  }
0x170: {  	v7 =	vnsel vm3, $0x0, v6;
	vm0 =	vmand vm0, vm1;
	v4 =	vnsel vm2, $0x0, v4  }
0x171: {  	v3 =	vmul.u32 $0xE100, v3;
	v7 =	vmin.u32 v7, $0xEF;
	v4 =	vmin.u32 v4, $0xEF  }
0x172: {  	v8 =	vsub.f32 v12, v11;
	vm1 =	vlt.u32 v6, $0xF0;
	v4 =	vmul.u32 $0xF0, v4  }
0x173: {  	vm0 =	vmand vm1, vm0;
	v3 =	vor.u32 v3, v7  }
0x174: {  	v6 =	vshll.u32 v10, $0x15;
	v3 =	vadd.s32 v4, v3;
	v4 =	vnsel vm0, $0x0, v8  }
0x175: {  	v3 =	vor.u32 v6, v3;
	[tilespmem:s28+$0x4DB0] =	vst v4;
	v6 =	vld [tilespmem:s28+$0x1BC0]  }
0x176: {  	[tilespmem:s28+$0x4130] =	vst v3;
	v7 =	vld [tilespmem:s28+$0x2C0]  }
0x177: {  	v8 =	vld.idx.msk [tilespmem:v5+s3+$0x0], $0xffff  }
0x178: {  	v9 =	vld.idx.msk [tilespmem:v5+s9+$0x0], $0xffff  }
0x179: {  	v10 =	vld.idx.msk [tilespmem:v5+s0+$0x0], $0xffff  }
0x17a: {  	v3 =	vld.idx.msk [tilespmem:v5+s31+$0x0], $0xffff  }
0x17b: {  	v11 =	vld.idx.msk [tilespmem:v5+s10+$0x0], $0xffff;
	_ =	sdelay $0x1  }
0x17c: {  	v7 =	vsub.f32 v7, v8;
	v4 =	vld [tilespmem:s28+$0xF40];
	_ =	sdelay $0x1  }
0x17d: {  	v6 =	vsub.f32 v6, v10;
	v8 =	vmul.f32 v9, v7  }
0x17e: {  	v10 =	vadd.f32 $-1.250000000e+00, v3;
	v12 =	vadd.f32 $7.500000000e-01, v3  }
0x17f: {  	v13 =	vmul.f32 v11, v6;
	v11 =	vsub.f32 $0.0e+00, v11;
	v6 =	vmul.f32 v6, v9  }
0x180: {  	vm0 =	vgt.f32 v4, v10;
	vm1 =	vlt.f32 v4, v12  }
0x181: {  	v8 =	vadd.f32 v13, v8;
	v7 =	vmul.f32 v11, v7;
	vm0 =	vmand vm0, vm1;
	_ =	sdelay $0x1  }
0x182: {  	v6 =	vadd.f32 v7, v6;
	v7 =	vadd.f32 $1.200000000e+01, v8;
	_ =	sdelay $0x1  }
.Ltmp2:
0x183: {  	v6 =	vadd.f32 $1.200000000e+01, v6;
	v7 =	vmul.f32 v7, v0;
	(pc) =	sbr.rel @p0 .LBB2_3-.Ltmp2, $3  }
0x184: {  	_ = 	snop  }
0x185: {  	v6 =	vmul.f32 v6, v0;
	v7 =	vadd.f32 $1.258291200e+07, v7;
	_ =	sdelay $0x1  }
0x186: {  	v6 =	vadd.f32 $1.258291200e+07, v6;
	v7 =	vadd.f32 $-1.258291200e+07, v7  }
0x187: {  	_ = 	snop  }
0x188: {  	v6 =	vadd.f32 $-1.258291200e+07, v6;
	_ =	sdelay $0x1  }
0x189: {  	v7 =	vtrunc.f32 v7;
	v6 =	vtrunc.f32 v6  }
0x18a: {  	v7 =	vcvt.f32.s32 v7;
	v6 =	vcvt.f32.s32 v6;
	_ =	sdelay $0x1  }
0x18b: {  	v3 =	vsub.f32 v4, v3;
	vm1 =	vgt.s32 v7, $0x0;
	vm2 =	vgt.s32 v6, $0x0  }
0x18c: {  	v4 =	vnsel vm1, $0x0, v7;
	vm1 =	vlt.u32 v6, $0xF0;
	v6 =	vnsel vm2, $0x0, v6  }
0x18d: {  	v2 =	vmul.u32 $0xE100, v2;
	v4 =	vmin.u32 v4, $0xEF;
	v6 =	vmin.u32 v6, $0xEF  }
0x18e: {  	s26 =	smul.u32 $0x1900, s25;
	vm0 =	vmand vm0, vm1;
	vm1 =	vlt.u32 v7, $0xF0;
	v6 =	vmul.u32 $0xF0, v6  }
0x18f: {  	s14 =	rddreg [dreg:$0xf];
	v2 =	vor.u32 v2, v4;
	vm0 =	vmand vm1, vm0  }
0x190: {  	s14 =	sadd.s32 s14, s26;
	v4 =	vshll.u32 v5, $0x15;
	v3 =	vnsel vm0, $0x0, v3;
	v2 =	vadd.s32 v6, v2  }
0x191: {  	s14 =	sshrl.u32 s14, $0x3;
	[tilespmem:s28+$0x4DC0] =	vst v3;
	v2 =	vor.u32 v4, v2  }
0x192: {  	s23 =	simm.s32 $0x4100;
	s18 =	sadd.s32 s1, s14;
	[tilespmem:s28+$0x4140] =	vst v2  }
0x193: {  	[hbm4b:s18+s3] =	stream.linear.scatter [tilespmem:s23], [sflag:$0x3], $0xC80, $0x200038;
	[tilespmem:$0x1F9C0] =	vst v63  }
0x194: {  	s14 =	sadd.s32 s16, s14  }
0x195: {  	[hbm4b:s14+s3] =	stream.linear.scatter [tilespmem:s5], [sflag:$0x3], $0xC80, $0x200038;
	[tilespmem:$0x1F9C0] =	vst v63  }
0x196: {  	p0 =	seq.s32 s25, $0x9;
	s14 =	rddreg [dreg:$0x1a]  }
0x197: {  	s14 =	sadd.s32 @!p0 s26, s14  }
0x198: {  	s18 =	rddreg [dreg:$0x4];
	s14 =	sshrl.u32 @!p0 s14, $0x3  }
0x199: {  	s30 =	simm.s32 @!p0 $0x280;
	s28 =	simm.s32 @!p0 $0x0;
	s18 =	sadd.s32 @!p0 s18, s14  }
0x19a: {  	[tilespmem:s30], [sflag:$0x1] =	stream.linear.gather @!p0 [hbm4b:s18+s28], $0xC80, $0x200038;
	[tilespmem:$0x1F9C0] =	vst v63  }
0x19b: {  	s18 =	rddreg [dreg:$0x5]  }
0x19c: {  	s30 =	simm.s32 @!p0 $0xF00;
	s18 =	sadd.s32 @!p0 s18, s14  }
0x19d: {  	[tilespmem:s30], [sflag:$0x1] =	stream.linear.gather @!p0 [hbm4b:s18+s28], $0xC80, $0x200038;
	[tilespmem:$0x1F9C0] =	vst v63  }
0x19e: {  	s18 =	rddreg [dreg:$0x6]  }
0x19f: {  	s30 =	simm.s32 @!p0 $0x1B80;
	s18 =	sadd.s32 @!p0 s18, s14  }
0x1a0: {  	[tilespmem:s30], [sflag:$0x1] =	stream.linear.gather @!p0 [hbm4b:s18+s28], $0xC80, $0x200038;
	[tilespmem:$0x1F9C0] =	vst v63  }
0x1a1: {  	s18 =	rddreg [dreg:$0x7]  }
0x1a2: {  	s30 =	simm.s32 @!p0 $0x2800;
	s18 =	sadd.s32 @!p0 s18, s14  }
0x1a3: {  	[tilespmem:s30], [sflag:$0x1] =	stream.linear.gather @!p0 [hbm4b:s18+s28], $0xC80, $0x200038;
	[tilespmem:$0x1F9C0] =	vst v63  }
0x1a4: {  	p1 =	seq.s32 @!p0 s25, $0x0;
	s18 =	rddreg [dreg:$0x8]  }
0x1a5: {  	p1 =	por p0, !p1;
	s14 =	sadd.s32 @!p0 s18, s14;
	s18 =	simm.s32 @!p0 $0x3480  }
0x1a6: {  	[tilespmem:s18], [sflag:$0x1] =	stream.linear.gather @!p0 [hbm4b:s14+s28], $0xC80, $0x200038;
	[tilespmem:$0x1F9C0] =	vst v63  }
0x1a7: {  	s14 =	simm.s32 @p1 $0x4  }
0x1a8: {  	_ =	swait.ge @p1 [sflag:s14], $0xC80  }
0x1a9: {  	[sflag:s14] =	ssyncset.done @p1 $0x0  }
0x1aa: {  	[sflag:s14] =	ssyncadd.s32 @p1 $0xFFFFF380  }
0x1ab: {  	_ =	swait.ge @p1 [sflag:s14], $0xC80  }
0x1ac: {  	[sflag:s14] =	ssyncset.done @p1 $0x0  }
0x1ad: {  	[sflag:s14] =	ssyncadd.s32 @p1 $0xFFFFF380  }
0x1ae: {  	_ =	swait.ge [sflag:s6], $0xC80  }
0x1af: {  	[sflag:s6] =	ssyncset.done $0x0  }
0x1b0: {  	[sflag:s6] =	ssyncadd.s32 $0xFFFFF380  }
0x1b1: {  	_ =	swait.ge [sflag:s6], $0xC80  }
0x1b2: {  	[sflag:s6] =	ssyncset.done $0x0  }
0x1b3: {  	[sflag:s6] =	ssyncadd.s32 $0xFFFFF380  }
0x1b4: {  	_ =	swait.ge [sflag:s6], $0xC80  }
0x1b5: {  	[sflag:s6] =	ssyncset.done $0x0  }
0x1b6: {  	[sflag:s6] =	ssyncadd.s32 $0xFFFFF380  }
0x1b7: {  	_ =	swait.ge [sflag:s6], $0xC80  }
0x1b8: {  	[sflag:s6] =	ssyncset.done $0x0  }
0x1b9: {  	[sflag:s6] =	ssyncadd.s32 $0xFFFFF380  }
0x1ba: {  	_ =	swait.ge [sflag:s6], $0xC80  }
0x1bb: {  	[sflag:s6] =	ssyncset.done $0x0  }
0x1bc: {  	s28 =	simm.s32 $0x0;
	[sflag:s6] =	ssyncadd.s32 $0xFFFFF380  }
0x1bd: {  	v4 =	vld [tilespmem:s28+$0x7F80];
	_ =	sdelay $0x5  }
0x1be: {  	v2 =	vld [tilespmem:s28+$0x7300]  }
0x1bf: {  	v3 =	vld [tilespmem:s28+$0x5A00]  }
0x1c0: {  	v5 =	vld.idx.msk [tilespmem:v4+s10+$0x0], $0xffff  }
0x1c1: {  	v6 =	vld.idx.msk [tilespmem:v4+s3+$0x0], $0xffff  }
0x1c2: {  	v7 =	vld.idx.msk [tilespmem:v4+s0+$0x0], $0xffff;
	_ =	sdelay $0x1  }
0x1c3: {  	v8 =	vld.idx.msk [tilespmem:v4+s9+$0x0], $0xffff;
	_ =	sdelay $0x1  }
0x1c4: {  	v9 =	vsub.f32 $0.0e+00, v5  }
0x1c5: {  	v3 =	vsub.f32 v3, v6;
	v2 =	vsub.f32 v2, v7;
	_ =	sdelay $0x1  }
0x1c6: {  	v6 =	vmul.f32 v9, v3;
	v7 =	vmul.f32 v2, v8  }
0x1c7: {  	v3 =	vmul.f32 v8, v3;
	v2 =	vmul.f32 v5, v2  }
0x1c8: {  	v5 =	vadd.f32 v6, v7  }
0x1c9: {  	v2 =	vadd.f32 v2, v3  }
0x1ca: {  	v3 =	vadd.f32 $1.200000000e+01, v5  }
0x1cb: {  	v2 =	vadd.f32 $1.200000000e+01, v2  }
0x1cc: {  	v3 =	vmul.f32 v3, v0  }
0x1cd: {  	v6 =	vld.idx.msk [tilespmem:v4+s31+$0x0], $0xffff;
	v2 =	vmul.f32 v2, v0  }
0x1ce: {  	v5 =	vld [tilespmem:s28+$0x8C00];
	v3 =	vadd.f32 $1.258291200e+07, v3  }
0x1cf: {  	v7 =	vld [tilespmem:s28+$0x6680];
	v2 =	vadd.f32 $1.258291200e+07, v2  }
0x1d0: {  	v3 =	vadd.f32 $-1.258291200e+07, v3  }
0x1d1: {  	v2 =	vadd.f32 $-1.258291200e+07, v2  }
0x1d2: {  	v8 =	vadd.f32 $-1.250000000e+00, v6;
	v40 =	vadd.f32 $7.500000000e-01, v6;
	v3 =	vtrunc.f32 v3  }
0x1d3: {  	v5 =	vmul.u32 $0xE100, v5;
	v2 =	vtrunc.f32 v2;
	v3 =	vcvt.f32.s32 v3  }
0x1d4: {  	vm0 =	vgt.f32 v7, v8;
	vm1 =	vlt.f32 v7, v40;
	v2 =	vcvt.f32.s32 v2  }
0x1d5: {  	v8 =	vld [tilespmem:s28+$0x7F90];
	vm0 =	vmand vm0, vm1;
	vm1 =	vlt.u32 v3, $0xF0;
	vm2 =	vgt.s32 v3, $0x0  }
0x1d6: {  	vm0 =	vmand vm0, vm1;
	v3 =	vnsel vm2, $0x0, v3;
	vm1 =	vgt.s32 v2, $0x0  }
0x1d7: {  	vm2 =	vlt.u32 v2, $0xF0;
	v10 =	vmin.u32 v3, $0xEF;
	v2 =	vnsel vm1, $0x0, v2  }
0x1d8: {  	v6 =	vsub.f32 v7, v6;
	v11 =	vmin.u32 v2, $0xEF;
	v10 =	vmul.u32 $0xF0, v10  }
0x1d9: {  	vm0 =	vmand vm2, vm0;
	v5 =	vor.u32 v5, v11  }
0x1da: {  	v4 =	vshll.u32 v4, $0x15;
	v6 =	vnsel vm0, $0x0, v6;
	v5 =	vadd.s32 v10, v5  }
0x1db: {  	[tilespmem:s28+$0xA500] =	vst v6;
	v4 =	vor.u32 v4, v5;
	v5 =	vld [tilespmem:s28+$0x7310]  }
0x1dc: {  	[tilespmem:s28+$0x9880] =	vst v4;
	v4 =	vld [tilespmem:s28+$0x5A10]  }
0x1dd: {  	v6 =	vld.idx.msk [tilespmem:v8+s3+$0x0], $0xffff  }
0x1de: {  	v42 =	vld.idx.msk [tilespmem:v8+s10+$0x0], $0xffff  }
0x1df: {  	v43 =	vld.idx.msk [tilespmem:v8+s0+$0x0], $0xffff  }
0x1e0: {  	v12 =	vld.idx.msk [tilespmem:v8+s9+$0x0], $0xffff;
	_ =	sdelay $0x2  }
0x1e1: {  	v4 =	vsub.f32 v4, v6;
	v6 =	vsub.f32 $0.0e+00, v42  }
0x1e2: {  	v5 =	vsub.f32 v5, v43  }
0x1e3: {  	v44 =	vmul.f32 v12, v4;
	v4 =	vmul.f32 v6, v4  }
0x1e4: {  	v6 =	vmul.f32 v42, v5;
	v5 =	vmul.f32 v5, v12;
	_ =	sdelay $0x1  }
0x1e5: {  	v4 =	vadd.f32 v4, v5  }
0x1e6: {  	v6 =	vadd.f32 v6, v44  }
0x1e7: {  	v4 =	vadd.f32 $1.200000000e+01, v4  }
0x1e8: {  	v5 =	vadd.f32 $1.200000000e+01, v6  }
0x1e9: {  	v4 =	vmul.f32 v4, v0  }
0x1ea: {  	v6 =	vld.idx.msk [tilespmem:v8+s31+$0x0], $0xffff;
	v5 =	vmul.f32 v5, v0  }
0x1eb: {  	v7 =	vld [tilespmem:s28+$0x8C10];
	v4 =	vadd.f32 $1.258291200e+07, v4  }
0x1ec: {  	v45 =	vld [tilespmem:s28+$0x6690];
	v5 =	vadd.f32 $1.258291200e+07, v5  }
0x1ed: {  	v4 =	vadd.f32 $-1.258291200e+07, v4  }
0x1ee: {  	v5 =	vadd.f32 $-1.258291200e+07, v5  }
0x1ef: {  	v46 =	vadd.f32 $-1.250000000e+00, v6;
	v47 =	vadd.f32 $7.500000000e-01, v6;
	v4 =	vtrunc.f32 v4  }
0x1f0: {  	v7 =	vmul.u32 $0xE100, v7;
	v5 =	vtrunc.f32 v5;
	v4 =	vcvt.f32.s32 v4  }
0x1f1: {  	vm0 =	vgt.f32 v45, v46;
	vm1 =	vlt.f32 v45, v47;
	v5 =	vcvt.f32.s32 v5  }
0x1f2: {  	v48 =	vld [tilespmem:s28+$0x7FA0];
	v6 =	vsub.f32 v45, v6;
	vm0 =	vmand vm0, vm1;
	vm2 =	vgt.s32 v4, $0x0  }
0x1f3: {  	vm3 =	vgt.s32 v5, $0x0;
	vm1 =	vlt.u32 v4, $0xF0;
	v49 =	vnsel vm2, $0x0, v4  }
0x1f4: {  	v50 =	vnsel vm3, $0x0, v5;
	vm0 =	vmand vm0, vm1;
	v4 =	vmin.u32 v49, $0xEF  }
0x1f5: {  	vm1 =	vlt.u32 v5, $0xF0;
	v51 =	vmin.u32 v50, $0xEF;
	v4 =	vmul.u32 $0xF0, v4  }
0x1f6: {  	vm0 =	vmand vm1, vm0;
	v5 =	vor.u32 v7, v51  }
0x1f7: {  	v7 =	vshll.u32 v8, $0x15;
	v4 =	vadd.s32 v4, v5;
	v5 =	vnsel vm0, $0x0, v6  }
0x1f8: {  	v8 =	vld [tilespmem:s28+$0x7320];
	v4 =	vor.u32 v7, v4;
	[tilespmem:s28+$0xA510] =	vst v5  }
0x1f9: {  	[tilespmem:s28+$0x9890] =	vst v4;
	v4 =	vld [tilespmem:s28+$0x5A20]  }
0x1fa: {  	v5 =	vld.idx.msk [tilespmem:v48+s3+$0x0], $0xffff  }
0x1fb: {  	v6 =	vld.idx.msk [tilespmem:v48+s10+$0x0], $0xffff  }
0x1fc: {  	v7 =	vld.idx.msk [tilespmem:v48+s0+$0x0], $0xffff;
	_ =	sdelay $0x1  }
0x1fd: {  	v52 =	vld.idx.msk [tilespmem:v48+s9+$0x0], $0xffff;
	_ =	sdelay $0x1  }
0x1fe: {  	v4 =	vsub.f32 v4, v5  }
0x1ff: {  	v5 =	vsub.f32 $0.0e+00, v6;
	v7 =	vsub.f32 v8, v7;
	_ =	sdelay $0x1  }
0x200: {  	v5 =	vmul.f32 v5, v4;
	v8 =	vmul.f32 v7, v52  }
0x201: {  	v4 =	vmul.f32 v52, v4;
	v6 =	vmul.f32 v6, v7  }
0x202: {  	v5 =	vadd.f32 v5, v8  }
0x203: {  	v4 =	vadd.f32 v6, v4  }
0x204: {  	v5 =	vadd.f32 $1.200000000e+01, v5  }
0x205: {  	v4 =	vadd.f32 $1.200000000e+01, v4  }
0x206: {  	v5 =	vmul.f32 v5, v0  }
0x207: {  	v6 =	vld.idx.msk [tilespmem:v48+s31+$0x0], $0xffff;
	v4 =	vmul.f32 v4, v0  }
0x208: {  	v7 =	vld [tilespmem:s28+$0x66A0];
	v5 =	vadd.f32 $1.258291200e+07, v5  }
0x209: {  	v4 =	vadd.f32 $1.258291200e+07, v4  }
0x20a: {  	v41 =	vld [tilespmem:s28+$0x8C20];
	v5 =	vadd.f32 $-1.258291200e+07, v5  }
0x20b: {  	v4 =	vadd.f32 $-1.258291200e+07, v4  }
0x20c: {  	v8 =	vadd.f32 $-1.250000000e+00, v6;
	v53 =	vadd.f32 $7.500000000e-01, v6;
	v5 =	vtrunc.f32 v5  }
0x20d: {  	v6 =	vsub.f32 v7, v6;
	v4 =	vtrunc.f32 v4;
	v5 =	vcvt.f32.s32 v5  }
0x20e: {  	vm0 =	vgt.f32 v7, v8;
	vm4 =	vlt.f32 v7, v53;
	v4 =	vcvt.f32.s32 v4  }
0x20f: {  	v8 =	vmul.u32 $0xE100, v41;
	v7 =	vld [tilespmem:s28+$0x7FB0];
	vm0 =	vmand vm0, vm4;
	vm2 =	vgt.s32 v5, $0x0  }
0x210: {  	vm1 =	vlt.u32 v5, $0xF0;
	vm3 =	vgt.s32 v4, $0x0;
	v5 =	vnsel vm2, $0x0, v5  }
0x211: {  	v54 =	vnsel vm3, $0x0, v4;
	vm0 =	vmand vm0, vm1;
	v5 =	vmin.u32 v5, $0xEF  }
0x212: {  	vm1 =	vlt.u32 v4, $0xF0;
	v4 =	vmin.u32 v54, $0xEF;
	v5 =	vmul.u32 $0xF0, v5  }
0x213: {  	vm0 =	vmand vm1, vm0;
	v4 =	vor.u32 v8, v4  }
0x214: {  	v6 =	vnsel vm0, $0x0, v6;
	v8 =	vshll.u32 v48, $0x15;
	v4 =	vadd.s32 v5, v4  }
0x215: {  	[tilespmem:s28+$0xA520] =	vst v6;
	v5 =	vld [tilespmem:s28+$0x5A30];
	v4 =	vor.u32 v8, v4  }
0x216: {  	[tilespmem:s28+$0x98A0] =	vst v4;
	v4 =	vld [tilespmem:s28+$0x7330]  }
0x217: {  	v6 =	vld.idx.msk [tilespmem:v7+s3+$0x0], $0xffff  }
0x218: {  	v8 =	vld.idx.msk [tilespmem:v7+s0+$0x0], $0xffff  }
0x219: {  	v55 =	vld.idx.msk [tilespmem:v7+s10+$0x0], $0xffff;
	_ =	sdelay $0x1  }
0x21a: {  	v56 =	vld.idx.msk [tilespmem:v7+s9+$0x0], $0xffff;
	_ =	sdelay $0x1  }
0x21b: {  	v4 =	vsub.f32 v4, v8  }
0x21c: {  	v5 =	vsub.f32 v5, v6;
	v6 =	vsub.f32 $0.0e+00, v55;
	_ =	sdelay $0x1  }
0x21d: {  	v8 =	vmul.f32 v4, v56;
	v6 =	vmul.f32 v6, v5;
	_ =	sdelay $0x1  }
0x21e: {  	v4 =	vmul.f32 v55, v4;
	v5 =	vmul.f32 v56, v5;
	v6 =	vadd.f32 v6, v8;
	_ =	sdelay $0x1  }
0x21f: {  	v4 =	vadd.f32 v4, v5;
	v5 =	vadd.f32 $1.200000000e+01, v6;
	_ =	sdelay $0x1  }
0x220: {  	v4 =	vadd.f32 $1.200000000e+01, v4;
	v6 =	vld.idx.msk [tilespmem:v7+s31+$0x0], $0xffff;
	v5 =	vmul.f32 v5, v0;
	_ =	sdelay $0x1  }
0x221: {  	v4 =	vmul.f32 v4, v0;
	v5 =	vadd.f32 $1.258291200e+07, v5  }
0x222: {  	v8 =	vld [tilespmem:s28+$0x66B0]  }
0x223: {  	v4 =	vadd.f32 $1.258291200e+07, v4;
	v5 =	vadd.f32 $-1.258291200e+07, v5  }
0x224: {  	v57 =	vadd.f32 $-1.250000000e+00, v6  }
0x225: {  	v3 =	vld [tilespmem:s28+$0x8C30];
	v58 =	vadd.f32 $7.500000000e-01, v6;
	v4 =	vadd.f32 $-1.258291200e+07, v4;
	v5 =	vtrunc.f32 v5  }
0x226: {  	v5 =	vcvt.f32.s32 v5  }
0x227: {  	vm0 =	vgt.f32 v8, v57;
	vm1 =	vlt.f32 v8, v58;
	v4 =	vtrunc.f32 v4  }
0x228: {  	vm0 =	vmand vm0, vm1;
	v4 =	vcvt.f32.s32 v4;
	vm1 =	vgt.s32 v5, $0x0  }
0x229: {  	vm2 =	vlt.u32 v5, $0xF0;
	v59 =	vnsel vm1, $0x0, v5;
	v5 =	vld [tilespmem:s28+$0x7FC0]  }
0x22a: {  	v3 =	vmul.u32 $0xE100, v3;
	v6 =	vsub.f32 v8, v6;
	vm3 =	vgt.s32 v4, $0x0  }
0x22b: {  	vm0 =	vmand vm0, vm2;
	v60 =	vnsel vm3, $0x0, v4;
	v9 =	vmin.u32 v59, $0xEF  }
0x22c: {  	vm1 =	vlt.u32 v4, $0xF0;
	v4 =	vmin.u32 v60, $0xEF;
	v8 =	vmul.u32 $0xF0, v9  }
0x22d: {  	vm0 =	vmand vm1, vm0;
	v3 =	vor.u32 v3, v4  }
0x22e: {  	v4 =	vnsel vm0, $0x0, v6;
	v6 =	vshll.u32 v7, $0x15;
	v3 =	vadd.s32 v8, v3  }
0x22f: {  	[tilespmem:s28+$0xA530] =	vst v4;
	v4 =	vld [tilespmem:s28+$0x7340];
	v3 =	vor.u32 v6, v3  }
0x230: {  	[tilespmem:s28+$0x98B0] =	vst v3;
	v3 =	vld [tilespmem:s28+$0x5A40]  }
0x231: {  	v6 =	vld.idx.msk [tilespmem:v5+s3+$0x0], $0xffff  }
0x232: {  	v7 =	vld.idx.msk [tilespmem:v5+s0+$0x0], $0xffff  }
0x233: {  	v8 =	vld.idx.msk [tilespmem:v5+s9+$0x0], $0xffff  }
0x234: {  	v61 =	vld.idx.msk [tilespmem:v5+s10+$0x0], $0xffff;
	_ =	sdelay $0x2  }
0x235: {  	v6 =	vsub.f32 v3, v6;
	v4 =	vsub.f32 v4, v7;
	_ =	sdelay $0x1  }
0x236: {  	v9 =	vsub.f32 $0.0e+00, v61;
	v7 =	vmul.f32 v8, v6;
	v62 =	vmul.f32 v61, v4;
	_ =	sdelay $0x1  }
0x237: {  	v3 =	vld.idx.msk [tilespmem:v5+s31+$0x0], $0xffff;
	v8 =	vmul.f32 v4, v8;
	v6 =	vmul.f32 v9, v6;
	v7 =	vadd.f32 v62, v7;
	_ =	sdelay $0x1  }
0x238: {  	v4 =	vld [tilespmem:s28+$0x66C0];
	v6 =	vadd.f32 v6, v8;
	v7 =	vadd.f32 $1.200000000e+01, v7;
	_ =	sdelay $0x1  }
0x239: {  	v6 =	vadd.f32 $1.200000000e+01, v6;
	v7 =	vmul.f32 v7, v0  }
0x23a: {  	v8 =	vadd.f32 $-1.250000000e+00, v3;
	v63 =	vadd.f32 $7.500000000e-01, v3  }
0x23b: {  	v6 =	vmul.f32 v6, v0;
	v7 =	vadd.f32 $1.258291200e+07, v7  }
0x23c: {  	vm0 =	vgt.f32 v4, v8;
	vm1 =	vlt.f32 v4, v63  }
0x23d: {  	s18 =	simm.s32 $0x140;
	v2 =	vld [tilespmem:s28+$0x8C40];
	vm0 =	vmand vm0, vm1;
	v6 =	vadd.f32 $1.258291200e+07, v6;
	v7 =	vadd.f32 $-1.258291200e+07, v7  }
.LBB2_5:
0x23e: {  	p1 =	sne.s32 s18, $0x30C0;
	s14 =	smov.u32 s18;
	s18 =	sadd.s32 $0x140, s18  }
0x23f: {  	v6 =	vadd.f32 $-1.258291200e+07, v6;
	v7 =	vtrunc.f32 v7  }
0x240: {  	v7 =	vcvt.f32.s32 v7  }
0x241: {  	v6 =	vtrunc.f32 v6  }
0x242: {  	v6 =	vcvt.f32.s32 v6;
	vm1 =	vgt.s32 v7, $0x0  }
0x243: {  	v3 =	vsub.f32 v4, v3;
	v2 =	vmul.u32 $0xE100, v2;
	s14 =	sshra.s32 s14, $0x2;
	v4 =	vnsel vm1, $0x0, v7  }
0x244: {  	v8 =	vld [tilespmem:s14+$0x7F80];
	vm1 =	vlt.u32 v6, $0xF0;
	vm2 =	vgt.s32 v6, $0x0;
	v9 =	vmin.u32 v4, $0xEF  }
0x245: {  	v10 =	vld [tilespmem:s14+$0x8C00];
	vm0 =	vmand vm0, vm1;
	vm1 =	vlt.u32 v7, $0xF0;
	v4 =	vnsel vm2, $0x0, v6  }
0x246: {  	v6 =	vld [tilespmem:s14+$0x8C10];
	vm0 =	vmand vm1, vm0;
	v7 =	vmin.u32 v4, $0xEF  }
0x247: {  	v9 =	vor.u32 v2, v9;
	v4 =	vld [tilespmem:s14+$0x8C20];
	v7 =	vmul.u32 $0xF0, v7;
	v2 =	vnsel vm0, $0x0, v3  }
0x248: {  	v5 =	vshll.u32 v5, $0x15;
	v3 =	vld [tilespmem:s14+$0x8C30];
	[tilespmem:s28+$0xA540] =	vst v2  }
0x249: {  	v2 =	vld [tilespmem:s14+$0x8C40];
	v7 =	vadd.s32 v7, v9  }
0x24a: {  	v9 =	vld [tilespmem:s14+$0x7300];
	v5 =	vor.u32 v5, v7  }
0x24b: {  	v7 =	vld [tilespmem:s14+$0x5A00];
	[tilespmem:s28+$0x98C0] =	vst v5;
	s28 =	smov.u32 s14  }
0x24c: {  	v5 =	vld.idx.msk [tilespmem:v8+s10+$0x0], $0xffff  }
0x24d: {  	v11 =	vld.idx.msk [tilespmem:v8+s3+$0x0], $0xffff  }
0x24e: {  	v12 =	vld.idx.msk [tilespmem:v8+s0+$0x0], $0xffff  }
0x24f: {  	v13 =	vld.idx.msk [tilespmem:v8+s9+$0x0], $0xffff;
	_ =	sdelay $0x2  }
0x250: {  	v14 =	vsub.f32 $0.0e+00, v5  }
0x251: {  	v7 =	vsub.f32 v7, v11  }
0x252: {  	v9 =	vsub.f32 v9, v12  }
0x253: {  	v11 =	vmul.f32 v13, v7  }
0x254: {  	v7 =	vmul.f32 v14, v7;
	v12 =	vmul.f32 v9, v13  }
0x255: {  	v5 =	vmul.f32 v5, v9  }
0x256: {  	v7 =	vadd.f32 v7, v12  }
0x257: {  	v5 =	vadd.f32 v5, v11  }
0x258: {  	v7 =	vadd.f32 $1.200000000e+01, v7  }
0x259: {  	v5 =	vadd.f32 $1.200000000e+01, v5  }
0x25a: {  	v7 =	vmul.f32 v7, v0;
	v9 =	vld.idx.msk [tilespmem:v8+s31+$0x0], $0xffff  }
0x25b: {  	v5 =	vmul.f32 v5, v0  }
0x25c: {  	v7 =	vadd.f32 $1.258291200e+07, v7;
	v11 =	vld [tilespmem:s28+$0x6680]  }
0x25d: {  	v5 =	vadd.f32 $1.258291200e+07, v5  }
0x25e: {  	v7 =	vadd.f32 $-1.258291200e+07, v7  }
0x25f: {  	v10 =	vmul.u32 $0xE100, v10;
	v5 =	vadd.f32 $-1.258291200e+07, v5  }
0x260: {  	v12 =	vadd.f32 $-1.250000000e+00, v9;
	v13 =	vadd.f32 $7.500000000e-01, v9;
	v7 =	vtrunc.f32 v7  }
0x261: {  	v5 =	vtrunc.f32 v5;
	v7 =	vcvt.f32.s32 v7;
	v9 =	vsub.f32 v11, v9  }
0x262: {  	v5 =	vcvt.f32.s32 v5;
	vm0 =	vgt.f32 v11, v12;
	vm1 =	vlt.f32 v11, v13  }
0x263: {  	vm0 =	vmand vm0, vm1;
	vm1 =	vlt.u32 v7, $0xF0;
	vm2 =	vgt.s32 v7, $0x0;
	v11 =	vld [tilespmem:s28+$0x7F90]  }
0x264: {  	vm0 =	vmand vm0, vm1;
	v7 =	vnsel vm2, $0x0, v7;
	vm1 =	vgt.s32 v5, $0x0  }
0x265: {  	vm2 =	vlt.u32 v5, $0xF0;
	v7 =	vmin.u32 v7, $0xEF;
	v5 =	vnsel vm1, $0x0, v5  }
0x266: {  	vm0 =	vmand vm2, vm0;
	v5 =	vmin.u32 v5, $0xEF;
	v7 =	vmul.u32 $0xF0, v7  }
0x267: {  	v9 =	vnsel vm0, $0x0, v9;
	v5 =	vor.u32 v10, v5  }
0x268: {  	v8 =	vshll.u32 v8, $0x15;
	v5 =	vadd.s32 v7, v5;
	[tilespmem:s28+$0xA500] =	vst v9  }
0x269: {  	v5 =	vor.u32 v8, v5;
	v7 =	vld [tilespmem:s28+$0x7310]  }
0x26a: {  	[tilespmem:s28+$0x9880] =	vst v5;
	v5 =	vld [tilespmem:s28+$0x5A10]  }
0x26b: {  	v8 =	vld.idx.msk [tilespmem:v11+s3+$0x0], $0xffff  }
0x26c: {  	v9 =	vld.idx.msk [tilespmem:v11+s10+$0x0], $0xffff  }
0x26d: {  	v10 =	vld.idx.msk [tilespmem:v11+s0+$0x0], $0xffff  }
0x26e: {  	v12 =	vld.idx.msk [tilespmem:v11+s9+$0x0], $0xffff;
	_ =	sdelay $0x3  }
0x26f: {  	v5 =	vsub.f32 v5, v8;
	v8 =	vsub.f32 $0.0e+00, v9  }
0x270: {  	v7 =	vsub.f32 v7, v10  }
0x271: {  	v10 =	vmul.f32 v12, v5;
	v5 =	vmul.f32 v8, v5  }
0x272: {  	v8 =	vmul.f32 v9, v7;
	v7 =	vmul.f32 v7, v12;
	_ =	sdelay $0x1  }
0x273: {  	v8 =	vadd.f32 v8, v10;
	v5 =	vadd.f32 v5, v7;
	_ =	sdelay $0x1  }
0x274: {  	v5 =	vadd.f32 $1.200000000e+01, v5;
	v7 =	vadd.f32 $1.200000000e+01, v8;
	_ =	sdelay $0x1  }
0x275: {  	v5 =	vmul.f32 v5, v0;
	v7 =	vmul.f32 v7, v0;
	v8 =	vld.idx.msk [tilespmem:v11+s31+$0x0], $0xffff;
	_ =	sdelay $0x1  }
0x276: {  	v5 =	vadd.f32 $1.258291200e+07, v5;
	v7 =	vadd.f32 $1.258291200e+07, v7  }
0x277: {  	v9 =	vld [tilespmem:s28+$0x6690]  }
0x278: {  	v5 =	vadd.f32 $-1.258291200e+07, v5;
	v7 =	vadd.f32 $-1.258291200e+07, v7;
	_ =	sdelay $0x1  }
0x279: {  	v10 =	vadd.f32 $-1.250000000e+00, v8;
	v5 =	vtrunc.f32 v5;
	v7 =	vtrunc.f32 v7  }
0x27a: {  	v12 =	vadd.f32 $7.500000000e-01, v8;
	v5 =	vcvt.f32.s32 v5;
	v7 =	vcvt.f32.s32 v7  }
0x27b: {  	v6 =	vmul.u32 $0xE100, v6;
	vm0 =	vgt.f32 v9, v10;
	v8 =	vsub.f32 v9, v8  }
0x27c: {  	vm1 =	vlt.f32 v9, v12;
	vm2 =	vgt.s32 v5, $0x0;
	vm3 =	vgt.s32 v7, $0x0;
	v9 =	vld [tilespmem:s28+$0x7FA0]  }
0x27d: {  	vm0 =	vmand vm0, vm1;
	v10 =	vnsel vm2, $0x0, v5;
	v12 =	vnsel vm3, $0x0, v7  }
0x27e: {  	vm1 =	vlt.u32 v5, $0xF0;
	v5 =	vmin.u32 v10, $0xEF;
	v10 =	vmin.u32 v12, $0xEF  }
0x27f: {  	vm0 =	vmand vm0, vm1;
	vm1 =	vlt.u32 v7, $0xF0;
	v5 =	vmul.u32 $0xF0, v5  }
0x280: {  	vm0 =	vmand vm1, vm0;
	v6 =	vor.u32 v6, v10  }
0x281: {  	v7 =	vshll.u32 v11, $0x15;
	v5 =	vadd.s32 v5, v6;
	v6 =	vnsel vm0, $0x0, v8  }
0x282: {  	v5 =	vor.u32 v7, v5;
	[tilespmem:s28+$0xA510] =	vst v6  }
0x283: {  	[tilespmem:s28+$0x9890] =	vst v5;
	v5 =	vld [tilespmem:s28+$0x5A20]  }
0x284: {  	v6 =	vld.idx.msk [tilespmem:v9+s3+$0x0], $0xffff  }
0x285: {  	v7 =	vld.idx.msk [tilespmem:v9+s9+$0x0], $0xffff  }
0x286: {  	v8 =	vld.idx.msk [tilespmem:v9+s10+$0x0], $0xffff  }
0x287: {  	v10 =	vld.idx.msk [tilespmem:v9+s0+$0x0], $0xffff  }
0x288: {  	v11 =	vld [tilespmem:s28+$0x7320];
	_ =	sdelay $0x1  }
0x289: {  	v5 =	vsub.f32 v5, v6;
	_ =	sdelay $0x1  }
0x28a: {  	v6 =	vmul.f32 v7, v5;
	v12 =	vsub.f32 $0.0e+00, v8  }
0x28b: {  	v10 =	vsub.f32 v11, v10  }
0x28c: {  	v5 =	vmul.f32 v12, v5  }
0x28d: {  	v8 =	vmul.f32 v8, v10;
	v7 =	vmul.f32 v10, v7;
	_ =	sdelay $0x1  }
0x28e: {  	v6 =	vadd.f32 v8, v6;
	v5 =	vadd.f32 v5, v7;
	_ =	sdelay $0x1  }
0x28f: {  	v5 =	vadd.f32 $1.200000000e+01, v5;
	v6 =	vadd.f32 $1.200000000e+01, v6;
	_ =	sdelay $0x1  }
0x290: {  	v7 =	vld.idx.msk [tilespmem:v9+s31+$0x0], $0xffff;
	v5 =	vmul.f32 v5, v0;
	v6 =	vmul.f32 v6, v0;
	_ =	sdelay $0x1  }
0x291: {  	v5 =	vadd.f32 $1.258291200e+07, v5;
	v6 =	vadd.f32 $1.258291200e+07, v6  }
0x292: {  	v8 =	vld [tilespmem:s28+$0x66A0]  }
0x293: {  	v5 =	vadd.f32 $-1.258291200e+07, v5;
	v6 =	vadd.f32 $-1.258291200e+07, v6;
	_ =	sdelay $0x1  }
0x294: {  	v10 =	vadd.f32 $-1.250000000e+00, v7;
	v5 =	vtrunc.f32 v5;
	v6 =	vtrunc.f32 v6  }
0x295: {  	v11 =	vadd.f32 $7.500000000e-01, v7;
	v5 =	vcvt.f32.s32 v5;
	v6 =	vcvt.f32.s32 v6  }
0x296: {  	v4 =	vmul.u32 $0xE100, v4;
	vm0 =	vgt.f32 v8, v10;
	v7 =	vsub.f32 v8, v7  }
0x297: {  	vm1 =	vlt.u32 v5, $0xF0;
	vm2 =	vgt.s32 v5, $0x0;
	vm3 =	vgt.s32 v6, $0x0;
	v10 =	vld [tilespmem:s28+$0x7FB0]  }
0x298: {  	vm4 =	vlt.f32 v8, v11;
	v5 =	vnsel vm2, $0x0, v5;
	v8 =	vnsel vm3, $0x0, v6  }
0x299: {  	vm0 =	vmand vm0, vm4;
	v5 =	vmin.u32 v5, $0xEF;
	v8 =	vmin.u32 v8, $0xEF  }
0x29a: {  	vm0 =	vmand vm0, vm1;
	vm1 =	vlt.u32 v6, $0xF0;
	v5 =	vmul.u32 $0xF0, v5  }
0x29b: {  	vm0 =	vmand vm1, vm0;
	v4 =	vor.u32 v4, v8  }
0x29c: {  	v6 =	vshll.u32 v9, $0x15;
	v4 =	vadd.s32 v5, v4;
	v5 =	vnsel vm0, $0x0, v7  }
0x29d: {  	v4 =	vor.u32 v6, v4;
	[tilespmem:s28+$0xA520] =	vst v5;
	v5 =	vld [tilespmem:s28+$0x5A30]  }
0x29e: {  	[tilespmem:s28+$0x98A0] =	vst v4;
	v4 =	vld [tilespmem:s28+$0x7330]  }
0x29f: {  	v6 =	vld.idx.msk [tilespmem:v10+s3+$0x0], $0xffff  }
0x2a0: {  	v7 =	vld.idx.msk [tilespmem:v10+s0+$0x0], $0xffff  }
0x2a1: {  	v8 =	vld.idx.msk [tilespmem:v10+s10+$0x0], $0xffff  }
0x2a2: {  	v9 =	vld.idx.msk [tilespmem:v10+s9+$0x0], $0xffff  }
0x2a3: {  	v11 =	vld.idx.msk [tilespmem:v10+s31+$0x0], $0xffff;
	_ =	sdelay $0x2  }
0x2a4: {  	v4 =	vsub.f32 v4, v7;
	v12 =	vld [tilespmem:s28+$0x66B0]  }
0x2a5: {  	v5 =	vsub.f32 v5, v6;
	v6 =	vsub.f32 $0.0e+00, v8  }
0x2a6: {  	v7 =	vmul.f32 v8, v4;
	v4 =	vmul.f32 v4, v9  }
0x2a7: {  	v9 =	vmul.f32 v9, v5;
	v8 =	vadd.f32 $-1.250000000e+00, v11;
	v5 =	vmul.f32 v6, v5  }
0x2a8: {  	v6 =	vadd.f32 $7.500000000e-01, v11  }
0x2a9: {  	v7 =	vadd.f32 v7, v9;
	v4 =	vadd.f32 v5, v4;
	vm0 =	vgt.f32 v12, v8  }
0x2aa: {  	vm1 =	vlt.f32 v12, v6  }
0x2ab: {  	v5 =	vadd.f32 $1.200000000e+01, v7;
	vm0 =	vmand vm0, vm1;
	v4 =	vadd.f32 $1.200000000e+01, v4;
	_ =	sdelay $0x1  }
0x2ac: {  	v5 =	vmul.f32 v5, v0;
	v4 =	vmul.f32 v4, v0;
	_ =	sdelay $0x1  }
0x2ad: {  	v5 =	vadd.f32 $1.258291200e+07, v5;
	v4 =	vadd.f32 $1.258291200e+07, v4;
	_ =	sdelay $0x1  }
0x2ae: {  	v5 =	vadd.f32 $-1.258291200e+07, v5;
	v4 =	vadd.f32 $-1.258291200e+07, v4;
	_ =	sdelay $0x1  }
0x2af: {  	v5 =	vtrunc.f32 v5;
	v4 =	vtrunc.f32 v4  }
0x2b0: {  	v6 =	vcvt.f32.s32 v5;
	v4 =	vcvt.f32.s32 v4;
	_ =	sdelay $0x1  }
0x2b1: {  	vm3 =	vgt.s32 v6, $0x0;
	vm1 =	vlt.u32 v4, $0xF0;
	vm2 =	vgt.s32 v4, $0x0;
	v5 =	vld [tilespmem:s28+$0x7FC0]  }
0x2b2: {  	v7 =	vnsel vm3, $0x0, v6;
	vm0 =	vmand vm0, vm1;
	v4 =	vnsel vm2, $0x0, v4  }
0x2b3: {  	v3 =	vmul.u32 $0xE100, v3;
	v7 =	vmin.u32 v7, $0xEF;
	v4 =	vmin.u32 v4, $0xEF  }
0x2b4: {  	v8 =	vsub.f32 v12, v11;
	vm1 =	vlt.u32 v6, $0xF0;
	v4 =	vmul.u32 $0xF0, v4  }
0x2b5: {  	vm0 =	vmand vm1, vm0;
	v3 =	vor.u32 v3, v7  }
0x2b6: {  	v6 =	vshll.u32 v10, $0x15;
	v3 =	vadd.s32 v4, v3;
	v4 =	vnsel vm0, $0x0, v8  }
0x2b7: {  	v3 =	vor.u32 v6, v3;
	[tilespmem:s28+$0xA530] =	vst v4;
	v6 =	vld [tilespmem:s28+$0x7340]  }
0x2b8: {  	[tilespmem:s28+$0x98B0] =	vst v3;
	v7 =	vld [tilespmem:s28+$0x5A40]  }
0x2b9: {  	v8 =	vld.idx.msk [tilespmem:v5+s3+$0x0], $0xffff  }
0x2ba: {  	v9 =	vld.idx.msk [tilespmem:v5+s9+$0x0], $0xffff  }
0x2bb: {  	v10 =	vld.idx.msk [tilespmem:v5+s0+$0x0], $0xffff  }
0x2bc: {  	v3 =	vld.idx.msk [tilespmem:v5+s31+$0x0], $0xffff  }
0x2bd: {  	v11 =	vld.idx.msk [tilespmem:v5+s10+$0x0], $0xffff;
	_ =	sdelay $0x1  }
0x2be: {  	v7 =	vsub.f32 v7, v8;
	v4 =	vld [tilespmem:s28+$0x66C0];
	_ =	sdelay $0x1  }
0x2bf: {  	v6 =	vsub.f32 v6, v10;
	v8 =	vmul.f32 v9, v7  }
0x2c0: {  	v10 =	vadd.f32 $-1.250000000e+00, v3;
	v12 =	vadd.f32 $7.500000000e-01, v3  }
0x2c1: {  	v13 =	vmul.f32 v11, v6;
	v11 =	vsub.f32 $0.0e+00, v11;
	v6 =	vmul.f32 v6, v9  }
0x2c2: {  	vm0 =	vgt.f32 v4, v10;
	vm1 =	vlt.f32 v4, v12  }
0x2c3: {  	v8 =	vadd.f32 v13, v8;
	v7 =	vmul.f32 v11, v7;
	vm0 =	vmand vm0, vm1;
	_ =	sdelay $0x1  }
0x2c4: {  	v6 =	vadd.f32 v7, v6;
	v7 =	vadd.f32 $1.200000000e+01, v8;
	_ =	sdelay $0x1  }
.Ltmp3:
0x2c5: {  	v6 =	vadd.f32 $1.200000000e+01, v6;
	v7 =	vmul.f32 v7, v0;
	(pc) =	sbr.rel @p1 .LBB2_5-.Ltmp3, $3  }
0x2c6: {  	_ = 	snop  }
0x2c7: {  	v6 =	vmul.f32 v6, v0;
	v7 =	vadd.f32 $1.258291200e+07, v7;
	_ =	sdelay $0x1  }
0x2c8: {  	v6 =	vadd.f32 $1.258291200e+07, v6;
	v7 =	vadd.f32 $-1.258291200e+07, v7  }
0x2c9: {  	_ = 	snop  }
0x2ca: {  	v6 =	vadd.f32 $-1.258291200e+07, v6;
	_ =	sdelay $0x1  }
0x2cb: {  	v6 =	vtrunc.f32 v6  }
0x2cc: {  	v7 =	vtrunc.f32 v7;
	v6 =	vcvt.f32.s32 v6  }
0x2cd: {  	v7 =	vcvt.f32.s32 v7  }
0x2ce: {  	v3 =	vsub.f32 v4, v3;
	v2 =	vmul.u32 $0xE100, v2;
	vm2 =	vgt.s32 v6, $0x0  }
0x2cf: {  	vm1 =	vgt.s32 v7, $0x0;
	vm14 =	vlt.u32 v6, $0xF0;
	v6 =	vnsel vm2, $0x0, v6  }
0x2d0: {  	vm15 =	vlt.u32 v7, $0xF0;
	v62 =	vnsel vm1, $0x0, v7;
	v6 =	vmin.u32 v6, $0xEF  }
0x2d1: {  	v4 =	vmin.u32 v62, $0xEF;
	vm0 =	vmand vm0, vm14;
	v6 =	vmul.u32 $0xF0, v6  }
0x2d2: {  	s14 =	rddreg [dreg:$0x1d];
	v2 =	vor.u32 v2, v4;
	vm0 =	vmand vm15, vm0  }
0x2d3: {  	v63 =	vshll.u32 v5, $0x15;
	s14 =	sadd.s32 s26, s14;
	v3 =	vnsel vm0, $0x0, v3;
	v2 =	vadd.s32 v6, v2  }
.Ltmp4:
0x2d4: {  	s14 =	sshrl.u32 s14, $0x3;
	[tilespmem:s28+$0xA540] =	vst v3;
	v2 =	vor.u32 v63, v2;
	(pc) =	sbr.rel @p0 .LBB2_8-.Ltmp4, $4  }
0x2d5: {  	s18 =	sadd.s32 s1, s14;
	[tilespmem:s28+$0x98C0] =	vst v2  }
0x2d6: {  	[hbm4b:s18+s3] =	stream.linear.scatter [tilespmem:s7], [sflag:$0x4], $0xC80, $0x200038;
	[tilespmem:$0x1F9C0] =	vst v63  }
0x2d7: {  	s14 =	sadd.s32 s16, s14  }
0x2d8: {  	[hbm4b:s14+s3] =	stream.linear.scatter [tilespmem:s8], [sflag:$0x4], $0xC80, $0x200038;
	[tilespmem:$0x1F9C0] =	vst v63  }
0x2d9: {  	s14 =	rddreg [dreg:$0x1b]  }
0x2da: {  	s14 =	sadd.s32 s26, s14  }
0x2db: {  	s18 =	rddreg [dreg:$0x4];
	s14 =	sshrl.u32 s14, $0x3  }
0x2dc: {  	s23 =	simm.s32 $0x5A00;
	s26 =	rddreg [dreg:$0x5];
	s18 =	sadd.s32 s18, s14  }
0x2dd: {  	[tilespmem:s23], [sflag:$0x2] =	stream.linear.gather [hbm4b:s18+s3], $0xC80, $0x200038;
	[tilespmem:$0x1F9C0] =	vst v63  }
0x2de: {  	s28 =	rddreg [dreg:$0x6];
	s18 =	sadd.s32 s26, s14  }
0x2df: {  	[tilespmem:s12], [sflag:$0x2] =	stream.linear.gather [hbm4b:s18+s3], $0xC80, $0x200038;
	[tilespmem:$0x1F9C0] =	vst v63  }
0x2e0: {  	s30 =	simm.s32 $0x7300;
	s18 =	sadd.s32 s28, s14  }
0x2e1: {  	[tilespmem:s30], [sflag:$0x2] =	stream.linear.gather [hbm4b:s18+s3], $0xC80, $0x200038;
	[tilespmem:$0x1F9C0] =	vst v63  }
.Ltmp5:
0x2e2: {  	s26 =	rddreg [dreg:$0x7];
	(pc) =	sbr.rel .LBB2_2-.Ltmp5, $4  }
0x2e3: {  	s28 =	rddreg [dreg:$0x8];
	s18 =	sadd.s32 s26, s14  }
0x2e4: {  	[tilespmem:s13], [sflag:$0x2] =	stream.linear.gather [hbm4b:s18+s3], $0xC80, $0x200038;
	[tilespmem:$0x1F9C0] =	vst v63  }
0x2e5: {  	s25 =	sadd.s32 $0x1, s25;
	s14 =	sadd.s32 s28, s14;
	s30 =	simm.s32 $0x8C00  }
0x2e6: {  	[tilespmem:s30], [sflag:$0x2] =	stream.linear.gather [hbm4b:s14+s3], $0xC80, $0x200038;
	[tilespmem:$0x1F9C0] =	vst v63  }
.LBB2_8:
0x2e7: {  	s14 =	simm.s32 $0x3  }
0x2e8: {  	_ =	swait.ge [sflag:s14], $0xC80  }
0x2e9: {  	[sflag:s14] =	ssyncset.done $0x0  }
0x2ea: {  	[sflag:s14] =	ssyncadd.s32 $0xFFFFF380  }
0x2eb: {  	_ =	swait.ge [sflag:s14], $0xC80  }
0x2ec: {  	[sflag:s14] =	ssyncset.done $0x0  }
0x2ed: {  	s30 =	simm.s32 $0x4;
	[sflag:s14] =	ssyncadd.s32 $0xFFFFF380  }
0x2ee: {  	_ =	swait.ge [sflag:s30], $0xC80  }
0x2ef: {  	[sflag:s30] =	ssyncset.done $0x0  }
0x2f0: {  	[sflag:s30] =	ssyncadd.s32 $0xFFFFF380  }
0x2f1: {  	_ =	swait.ge [sflag:s30], $0xC80  }
.Ltmp6:
0x2f2: {  	[sflag:s30] =	ssyncset.done $0x0;
	(pc) =	sbr.rel .LBB2_9-.Ltmp6, $4  }
0x2f3: {  	[sflag:s30] =	ssyncadd.s32 $0xFFFFF380  }
0x2f4: {  	_ =	strace $0x90000048  }
0x2f5: {  	[bflag:$0x0] =	sbarrier.arrive $0xFFFF  }
0x2f6: {  	s25 =	simm.s32 $0x0  }
.LBB2_18:
0x2f7: {  	_ =	strace $0x9000004A;
	s14 =	simm.s32 $0x5  }
0x2f8: {  	_ =	swait.ge [sflag:s14], $0xC80  }
0x2f9: {  	[sflag:s14] =	ssyncset.done $0x0  }
0x2fa: {  	[sflag:s14] =	ssyncadd.s32 $0xFFFFF380  }
0x2fb: {  	_ =	swait.ge [sflag:s22], $0xC80  }
0x2fc: {  	[sflag:s22] =	ssyncset.done $0x0  }
0x2fd: {  	[sflag:s22] =	ssyncadd.s32 $0xFFFFF380  }
0x2fe: {  	[bflag:$0x0] =	sbarrier.arrive $0xFFFF  }
0x2ff: {  	_ =	strace $0x8000004B  }
0x300: {  	s28 =	sld [smem:$0x7FC];
	_ =	sdelay $0x2  }
0x301: {  	[tilespmem:s20], [sflag:$0x9] =	stream.linear.gather [spmem:s28], $0x1770, $0x200038;
	[tilespmem:$0x1F9C0] =	vst v63  }
0x302: {  	s26 =	smul.u32 $0x119400, s18;
	_ =	swait.ge [sflag:s29], $0x1770  }
0x303: {  	s30 =	rddreg [dreg:$0x1e]  }
0x304: {  	s14 =	sadd.s32 s30, s26  }
0x305: {  	[sflag:s29] =	ssyncset.done $0x0;
	s23 =	rddreg [dreg:$0xe];
	s14 =	sshrl.u32 s14, $0x3  }
0x306: {  	[sflag:s29] =	ssyncadd.s32 $0xFFFFE890;
	s26 =	sld [smem:$0x7F2];
	s14 =	sadd.s32 s23, s14  }
0x307: {  	[hbm4b:s14+s3] =	stream.linear.scatter [tilespmem:s20], [sflag:$0x7], $0x1770, $0x200038;
	[tilespmem:$0x1F9C0] =	vst v63  }
0x308: {  	s23 =	simm.s32 $0xC900  }
0x309: {  	[tilespmem:s23], [sflag:$0x9] =	stream.linear.gather [spmem:s26], $0x1770, $0x200038;
	[tilespmem:$0x1F9C0] =	vst v63  }
0x30a: {  	_ =	swait.ge [sflag:s29], $0x1770  }
0x30b: {  	[sflag:s29] =	ssyncset.done $0x0  }
0x30c: {  	s28 =	sadd.s32 $0x2EE, s14;
	[sflag:s29] =	ssyncadd.s32 $0xFFFFE890  }
0x30d: {  	[hbm4b:s28+s3] =	stream.linear.scatter [tilespmem:s23], [sflag:$0x8], $0x1770, $0x200038;
	[tilespmem:$0x1F9C0] =	vst v63  }
0x30e: {  	_ =	swait.ge [sflag:s19], $0x1770  }
0x30f: {  	s30 =	sld [smem:$0x7F3]  }
0x310: {  	[sflag:s19] =	ssyncset.done $0x0  }
0x311: {  	[sflag:s19] =	ssyncadd.s32 $0xFFFFE890  }
0x312: {  	[tilespmem:s20], [sflag:$0x9] =	stream.linear.gather [spmem:s30], $0x1770, $0x200038;
	[tilespmem:$0x1F9C0] =	vst v63  }
0x313: {  	_ =	swait.ge [sflag:s29], $0x1770  }
0x314: {  	[sflag:s29] =	ssyncset.done $0x0  }
0x315: {  	s26 =	sadd.s32 $0x5DC, s14;
	[sflag:s29] =	ssyncadd.s32 $0xFFFFE890  }
0x316: {  	[hbm4b:s26+s3] =	stream.linear.scatter [tilespmem:s20], [sflag:$0x7], $0x1770, $0x200038;
	[tilespmem:$0x1F9C0] =	vst v63  }
0x317: {  	_ =	swait.ge [sflag:s24], $0x1770  }
0x318: {  	s28 =	sld [smem:$0x7F4]  }
0x319: {  	[sflag:s24] =	ssyncset.done $0x0  }
0x31a: {  	[sflag:s24] =	ssyncadd.s32 $0xFFFFE890  }
0x31b: {  	[tilespmem:s23], [sflag:$0x9] =	stream.linear.gather [spmem:s28], $0x1770, $0x200038;
	[tilespmem:$0x1F9C0] =	vst v63  }
0x31c: {  	_ =	swait.ge [sflag:s29], $0x1770  }
0x31d: {  	[sflag:s29] =	ssyncset.done $0x0  }
0x31e: {  	s30 =	sadd.s32 $0x8CA, s14;
	[sflag:s29] =	ssyncadd.s32 $0xFFFFE890  }
0x31f: {  	[hbm4b:s30+s3] =	stream.linear.scatter [tilespmem:s23], [sflag:$0x8], $0x1770, $0x200038;
	[tilespmem:$0x1F9C0] =	vst v63  }
0x320: {  	_ =	swait.ge [sflag:s19], $0x1770  }
0x321: {  	s26 =	sld [smem:$0x7F5]  }
0x322: {  	[sflag:s19] =	ssyncset.done $0x0  }
0x323: {  	[sflag:s19] =	ssyncadd.s32 $0xFFFFE890  }
0x324: {  	[tilespmem:s20], [sflag:$0x9] =	stream.linear.gather [spmem:s26], $0x1770, $0x200038;
	[tilespmem:$0x1F9C0] =	vst v63  }
0x325: {  	_ =	swait.ge [sflag:s29], $0x1770  }
0x326: {  	[sflag:s29] =	ssyncset.done $0x0  }
0x327: {  	s28 =	sadd.s32 $0xBB8, s14;
	[sflag:s29] =	ssyncadd.s32 $0xFFFFE890  }
0x328: {  	[hbm4b:s28+s3] =	stream.linear.scatter [tilespmem:s20], [sflag:$0x7], $0x1770, $0x200038;
	[tilespmem:$0x1F9C0] =	vst v63  }
0x329: {  	_ =	swait.ge [sflag:s24], $0x1770  }
0x32a: {  	s30 =	sld [smem:$0x7F6]  }
0x32b: {  	[sflag:s24] =	ssyncset.done $0x0  }
0x32c: {  	[sflag:s24] =	ssyncadd.s32 $0xFFFFE890  }
0x32d: {  	[tilespmem:s23], [sflag:$0x9] =	stream.linear.gather [spmem:s30], $0x1770, $0x200038;
	[tilespmem:$0x1F9C0] =	vst v63  }
0x32e: {  	_ =	swait.ge [sflag:s29], $0x1770  }
0x32f: {  	[sflag:s29] =	ssyncset.done $0x0  }
0x330: {  	s26 =	sadd.s32 $0xEA6, s14;
	[sflag:s29] =	ssyncadd.s32 $0xFFFFE890  }
0x331: {  	[hbm4b:s26+s3] =	stream.linear.scatter [tilespmem:s23], [sflag:$0x8], $0x1770, $0x200038;
	[tilespmem:$0x1F9C0] =	vst v63  }
0x332: {  	_ =	swait.ge [sflag:s19], $0x1770  }
0x333: {  	s28 =	sld [smem:$0x7F7]  }
0x334: {  	[sflag:s19] =	ssyncset.done $0x0  }
0x335: {  	[sflag:s19] =	ssyncadd.s32 $0xFFFFE890  }
0x336: {  	[tilespmem:s20], [sflag:$0x9] =	stream.linear.gather [spmem:s28], $0x1770, $0x200038;
	[tilespmem:$0x1F9C0] =	vst v63  }
0x337: {  	_ =	swait.ge [sflag:s29], $0x1770  }
0x338: {  	[sflag:s29] =	ssyncset.done $0x0  }
0x339: {  	s30 =	sadd.s32 $0x1194, s14;
	[sflag:s29] =	ssyncadd.s32 $0xFFFFE890  }
0x33a: {  	[hbm4b:s30+s3] =	stream.linear.scatter [tilespmem:s20], [sflag:$0x7], $0x1770, $0x200038;
	[tilespmem:$0x1F9C0] =	vst v63  }
0x33b: {  	_ =	swait.ge [sflag:s24], $0x1770  }
0x33c: {  	s26 =	sld [smem:$0x7F8]  }
0x33d: {  	[sflag:s24] =	ssyncset.done $0x0  }
0x33e: {  	[sflag:s24] =	ssyncadd.s32 $0xFFFFE890  }
0x33f: {  	[tilespmem:s23], [sflag:$0x9] =	stream.linear.gather [spmem:s26], $0x1770, $0x200038;
	[tilespmem:$0x1F9C0] =	vst v63  }
0x340: {  	_ =	swait.ge [sflag:s29], $0x1770  }
0x341: {  	[sflag:s29] =	ssyncset.done $0x0  }
0x342: {  	s28 =	sadd.s32 $0x1482, s14;
	[sflag:s29] =	ssyncadd.s32 $0xFFFFE890  }
0x343: {  	[hbm4b:s28+s3] =	stream.linear.scatter [tilespmem:s23], [sflag:$0x8], $0x1770, $0x200038;
	[tilespmem:$0x1F9C0] =	vst v63  }
0x344: {  	_ =	swait.ge [sflag:s19], $0x1770  }
0x345: {  	s30 =	sld [smem:$0x7F9]  }
0x346: {  	[sflag:s19] =	ssyncset.done $0x0  }
0x347: {  	[sflag:s19] =	ssyncadd.s32 $0xFFFFE890  }
0x348: {  	[tilespmem:s20], [sflag:$0x9] =	stream.linear.gather [spmem:s30], $0x1770, $0x200038;
	[tilespmem:$0x1F9C0] =	vst v63  }
0x349: {  	_ =	swait.ge [sflag:s29], $0x1770  }
0x34a: {  	[sflag:s29] =	ssyncset.done $0x0  }
0x34b: {  	s26 =	sadd.s32 $0x1770, s14;
	[sflag:s29] =	ssyncadd.s32 $0xFFFFE890  }
0x34c: {  	[hbm4b:s26+s3] =	stream.linear.scatter [tilespmem:s20], [sflag:$0x7], $0x1770, $0x200038;
	[tilespmem:$0x1F9C0] =	vst v63  }
0x34d: {  	_ =	swait.ge [sflag:s24], $0x1770  }
0x34e: {  	s28 =	sld [smem:$0x7FA]  }
0x34f: {  	[sflag:s24] =	ssyncset.done $0x0  }
0x350: {  	[sflag:s24] =	ssyncadd.s32 $0xFFFFE890  }
0x351: {  	[tilespmem:s23], [sflag:$0x9] =	stream.linear.gather [spmem:s28], $0x1770, $0x200038;
	[tilespmem:$0x1F9C0] =	vst v63  }
0x352: {  	_ =	swait.ge [sflag:s29], $0x1770  }
0x353: {  	[sflag:s29] =	ssyncset.done $0x0  }
0x354: {  	s30 =	sadd.s32 $0x1A5E, s14;
	[sflag:s29] =	ssyncadd.s32 $0xFFFFE890  }
0x355: {  	[hbm4b:s30+s3] =	stream.linear.scatter [tilespmem:s23], [sflag:$0x8], $0x1770, $0x200038;
	[tilespmem:$0x1F9C0] =	vst v63  }
0x356: {  	_ =	swait.ge [sflag:s19], $0x1770  }
0x357: {  	s26 =	sld [smem:$0x7FB]  }
0x358: {  	[sflag:s19] =	ssyncset.done $0x0  }
0x359: {  	[sflag:s19] =	ssyncadd.s32 $0xFFFFE890  }
0x35a: {  	[tilespmem:s20], [sflag:$0x9] =	stream.linear.gather [spmem:s26], $0x1770, $0x200038;
	[tilespmem:$0x1F9C0] =	vst v63  }
0x35b: {  	_ =	swait.ge [sflag:s29], $0x1770  }
0x35c: {  	[sflag:s29] =	ssyncset.done $0x0  }
0x35d: {  	s28 =	sadd.s32 $0x1D4C, s14;
	[sflag:s29] =	ssyncadd.s32 $0xFFFFE890  }
0x35e: {  	[hbm4b:s28+s3] =	stream.linear.scatter [tilespmem:s20], [sflag:$0x7], $0x1770, $0x200038;
	[tilespmem:$0x1F9C0] =	vst v63  }
0x35f: {  	_ =	swait.ge [sflag:s24], $0x1770  }
0x360: {  	s30 =	sld [smem:$0x7FD]  }
0x361: {  	[sflag:s24] =	ssyncset.done $0x0  }
0x362: {  	[sflag:s24] =	ssyncadd.s32 $0xFFFFE890  }
0x363: {  	[tilespmem:s23], [sflag:$0x9] =	stream.linear.gather [spmem:s30], $0x1770, $0x200038;
	[tilespmem:$0x1F9C0] =	vst v63  }
0x364: {  	_ =	swait.ge [sflag:s29], $0x1770  }
0x365: {  	[sflag:s29] =	ssyncset.done $0x0  }
0x366: {  	s14 =	sadd.s32 $0x203A, s14;
	[sflag:s29] =	ssyncadd.s32 $0xFFFFE890  }
0x367: {  	[hbm4b:s14+s3] =	stream.linear.scatter [tilespmem:s23], [sflag:$0x8], $0x1770, $0x200038;
	[tilespmem:$0x1F9C0] =	vst v63  }
0x368: {  	s25 =	sadd.s32 $0x1, s25;
	_ =	swait.ge [sflag:s19], $0x1770  }
0x369: {  	p0 =	sne.s32 s25, $0x8;
	[sflag:s19] =	ssyncset.done $0x0  }
.Ltmp7:
0x36a: {  	[sflag:s19] =	ssyncadd.s32 $0xFFFFE890;
	(pc) =	sbr.rel @!p0 .LBB2_19-.Ltmp7, $4  }
0x36b: {  	_ =	swait.ge [sflag:s24], $0x1770  }
0x36c: {  	[sflag:s24] =	ssyncset.done $0x0  }
0x36d: {  	[sflag:s24] =	ssyncadd.s32 $0xFFFFE890  }
0x36e: {  	_ =	strace $0x9000004B  }
.LBB2_9:
0x36f: {  	_ =	strace $0x80000049;
	s14 =	simm.s32 $0x40;
	s18 =	simm.s32 $0x0  }
.LBB2_10:
0x370: {  	p0 =	sne.s32 s14, $0x5D80;
	[tilespmem:s18+$0xB180] =	vst v1;
	s18 =	smov.u32 s14;
	s14 =	sadd.s32 $0x40, s14  }
.Ltmp8:
0x371: {  	(pc) =	sbr.rel @p0 .LBB2_10-.Ltmp8, $2  }
0x372: {  	_ =	sdelay $0x2  }
0x373: {  	s18 =	sshra.s32 s18, $0x2  }
0x374: {  	s14 =	sld [smem:$0x7FC];
	_ =	sdelay $0x1  }
0x375: {  	[tilespmem:s18+$0xB180] =	vst v1;
	s30 =	sld [smem:$0x7F2]  }
0x376: {  	[spmem:s14] =	stream.linear.scatter [tilespmem:s20], [sflag:$0x7], $0x1770, $0x200038;
	[tilespmem:$0x1F9C0] =	vst v63  }
0x377: {  	s18 =	sld [smem:$0x7F3]  }
0x378: {  	[spmem:s30] =	stream.linear.scatter [tilespmem:s20], [sflag:$0x7], $0x1770, $0x200038;
	[tilespmem:$0x1F9C0] =	vst v63  }
0x379: {  	s23 =	sld [smem:$0x7F4]  }
0x37a: {  	[spmem:s18] =	stream.linear.scatter [tilespmem:s20], [sflag:$0x7], $0x1770, $0x200038;
	[tilespmem:$0x1F9C0] =	vst v63  }
0x37b: {  	s26 =	sld [smem:$0x7F5]  }
0x37c: {  	[spmem:s23] =	stream.linear.scatter [tilespmem:s20], [sflag:$0x7], $0x1770, $0x200038;
	[tilespmem:$0x1F9C0] =	vst v63  }
0x37d: {  	s28 =	sld [smem:$0x7F6]  }
0x37e: {  	[spmem:s26] =	stream.linear.scatter [tilespmem:s20], [sflag:$0x7], $0x1770, $0x200038;
	[tilespmem:$0x1F9C0] =	vst v63  }
0x37f: {  	s30 =	sld [smem:$0x7F7]  }
0x380: {  	[spmem:s28] =	stream.linear.scatter [tilespmem:s20], [sflag:$0x7], $0x1770, $0x200038;
	[tilespmem:$0x1F9C0] =	vst v63  }
0x381: {  	s18 =	sld [smem:$0x7F8]  }
0x382: {  	[spmem:s30] =	stream.linear.scatter [tilespmem:s20], [sflag:$0x7], $0x1770, $0x200038;
	[tilespmem:$0x1F9C0] =	vst v63  }
0x383: {  	s23 =	sld [smem:$0x7F9]  }
0x384: {  	[spmem:s18] =	stream.linear.scatter [tilespmem:s20], [sflag:$0x7], $0x1770, $0x200038;
	[tilespmem:$0x1F9C0] =	vst v63  }
0x385: {  	s26 =	sld [smem:$0x7FA]  }
0x386: {  	[spmem:s23] =	stream.linear.scatter [tilespmem:s20], [sflag:$0x7], $0x1770, $0x200038;
	[tilespmem:$0x1F9C0] =	vst v63  }
0x387: {  	s28 =	sld [smem:$0x7FB]  }
0x388: {  	[spmem:s26] =	stream.linear.scatter [tilespmem:s20], [sflag:$0x7], $0x1770, $0x200038;
	[tilespmem:$0x1F9C0] =	vst v63  }
0x389: {  	s30 =	sld [smem:$0x7FD]  }
0x38a: {  	[spmem:s28] =	stream.linear.scatter [tilespmem:s20], [sflag:$0x7], $0x1770, $0x200038;
	[tilespmem:$0x1F9C0] =	vst v63  }
0x38b: {  	_ = 	snop  }
0x38c: {  	[spmem:s30] =	stream.linear.scatter [tilespmem:s20], [sflag:$0x7], $0x1770, $0x200038;
	[tilespmem:$0x1F9C0] =	vst v63  }
0x38d: {  	_ =	swait.ge [sflag:s19], $0x1770  }
0x38e: {  	[sflag:s19] =	ssyncset.done $0x0  }
0x38f: {  	[sflag:s19] =	ssyncadd.s32 $0xFFFFE890  }
0x390: {  	_ =	swait.ge [sflag:s19], $0x1770  }
0x391: {  	[sflag:s19] =	ssyncset.done $0x0  }
0x392: {  	[sflag:s19] =	ssyncadd.s32 $0xFFFFE890  }
0x393: {  	_ =	swait.ge [sflag:s19], $0x1770  }
0x394: {  	[sflag:s19] =	ssyncset.done $0x0  }
0x395: {  	[sflag:s19] =	ssyncadd.s32 $0xFFFFE890  }
0x396: {  	_ =	swait.ge [sflag:s19], $0x1770  }
0x397: {  	[sflag:s19] =	ssyncset.done $0x0  }
0x398: {  	[sflag:s19] =	ssyncadd.s32 $0xFFFFE890  }
0x399: {  	_ =	swait.ge [sflag:s19], $0x1770  }
0x39a: {  	[sflag:s19] =	ssyncset.done $0x0  }
0x39b: {  	[sflag:s19] =	ssyncadd.s32 $0xFFFFE890  }
0x39c: {  	_ =	swait.ge [sflag:s19], $0x1770  }
0x39d: {  	[sflag:s19] =	ssyncset.done $0x0  }
0x39e: {  	[sflag:s19] =	ssyncadd.s32 $0xFFFFE890  }
0x39f: {  	_ =	swait.ge [sflag:s19], $0x1770  }
0x3a0: {  	[sflag:s19] =	ssyncset.done $0x0  }
0x3a1: {  	[sflag:s19] =	ssyncadd.s32 $0xFFFFE890  }
0x3a2: {  	_ =	swait.ge [sflag:s19], $0x1770  }
0x3a3: {  	[sflag:s19] =	ssyncset.done $0x0  }
0x3a4: {  	[sflag:s19] =	ssyncadd.s32 $0xFFFFE890  }
0x3a5: {  	_ =	swait.ge [sflag:s19], $0x1770  }
0x3a6: {  	[sflag:s19] =	ssyncset.done $0x0  }
0x3a7: {  	[sflag:s19] =	ssyncadd.s32 $0xFFFFE890  }
0x3a8: {  	_ =	swait.ge [sflag:s19], $0x1770  }
0x3a9: {  	[sflag:s19] =	ssyncset.done $0x0  }
0x3aa: {  	[sflag:s19] =	ssyncadd.s32 $0xFFFFE890  }
0x3ab: {  	_ =	swait.ge [sflag:s19], $0x1770  }
0x3ac: {  	[sflag:s19] =	ssyncset.done $0x0  }
0x3ad: {  	[sflag:s19] =	ssyncadd.s32 $0xFFFFE890  }
0x3ae: {  	_ =	swait.ge [sflag:s19], $0x1770  }
0x3af: {  	[sflag:s19] =	ssyncset.done $0x0  }
0x3b0: {  	[sflag:s19] =	ssyncadd.s32 $0xFFFFE890  }
0x3b1: {  	_ =	strace $0x90000049  }
0x3b2: {  	[bflag:$0x0] =	sbarrier.arrive $0xFFFF  }
0x3b3: {  	s18 =	rddreg [dreg:$0x1f]  }
0x3b4: {  	s23 =	simm.s32 $0x4100;
	s26 =	simm.s32 $0x0;
	s28 =	sld [smem:$0x7EE]  }
0x3b5: {  	[tilespmem:s23], [sflag:$0x1] =	stream.linear.gather [hbm4b:s18+s26], $0xC80, $0x38;
	[tilespmem:$0x1F9C0] =	vst v63  }
0x3b6: {  	s30 =	simm.s32 $0xF00;
	s23 =	sld [smem:$0x7EF]  }
0x3b7: {  	[tilespmem:s30], [sflag:$0x1] =	stream.linear.gather [hbm4b:s28+s26], $0xC80, $0x38;
	[tilespmem:$0x1F9C0] =	vst v63  }
0x3b8: {  	s28 =	sld [smem:$0x7F0]  }
0x3b9: {  	s30 =	rddreg [dreg:$0x1c]  }
0x3ba: {  	[tilespmem:s7], [sflag:$0x2] =	stream.linear.gather [hbm4b:s23+s26], $0xC80, $0x38;
	[tilespmem:$0x1F9C0] =	vst v63  }
0x3bb: {  	s18 =	sadd.s32 s30, s25  }
0x3bc: {  	[tilespmem:s12], [sflag:$0x2] =	stream.linear.gather [hbm4b:s28+s26], $0xC80, $0x38;
	[tilespmem:$0x1F9C0] =	vst v63  }
0x3bd: {  	v2 =	vmov s18;
	_ =	strace $0x8000004A  }
.LBB2_12:
0x3be: {  	p0 =	seq.s32 s26, $0x0  }
0x3bf: {  	s14 =	simm.s32 @!p0 $0x5  }
0x3c0: {  	_ =	swait.ge @!p0 [sflag:s14], $0xC80  }
0x3c1: {  	[sflag:s14] =	ssyncset.done @!p0 $0x0  }
0x3c2: {  	[sflag:s14] =	ssyncadd.s32 @!p0 $0xFFFFF380  }
0x3c3: {  	_ =	swait.ge [sflag:s4], $0xC80  }
0x3c4: {  	[sflag:s4] =	ssyncset.done $0x0  }
0x3c5: {  	[sflag:s4] =	ssyncadd.s32 $0xFFFFF380  }
0x3c6: {  	_ =	swait.ge [sflag:s4], $0xC80  }
0x3c7: {  	[sflag:s4] =	ssyncset.done $0x0  }
0x3c8: {  	s28 =	simm.s32 $0x0;
	[sflag:s4] =	ssyncadd.s32 $0xFFFFF380  }
0x3c9: {  	v5 =	vld [tilespmem:s28+$0x4140]  }
0x3ca: {  	v7 =	vld [tilespmem:s28+$0x4100]  }
0x3cb: {  	v9 =	vld [tilespmem:s28+$0x4110]  }
0x3cc: {  	v8 =	vld [tilespmem:s28+$0xF40]  }
0x3cd: {  	v10 =	vld [tilespmem:s28+$0x4120]  }
0x3ce: {  	v3 =	vld [tilespmem:s28+$0x4130];
	v6 =	vand.u32 $0x1FFFFF, v5  }
0x3cf: {  	v4 =	vld [tilespmem:s28+$0xF00];
	v11 =	vand.u32 $0x1FFFFF, v7;
	v5 =	vshra.s32 v5, $0x15;
	[tilespmem:s28+$0x2840] =	vst v6  }
0x3d0: {  	v7 =	vshra.s32 v7, $0x15;
	[tilespmem:s28+$0x2800] =	vst v11;
	vm0 =	veq.s32 v5, v2;
	v6 =	vld [tilespmem:s28+$0xF10];
	v11 =	vand.u32 $0x1FFFFF, v9  }
0x3d1: {  	s30 =	simm.s32 $0x280;
	v5 =	vld [tilespmem:s28+$0xF20];
	v8 =	vnsel vm0, $0x0, v8;
	vm0 =	veq.s32 v7, v2;
	v7 =	vshra.s32 v9, $0x15;
	[tilespmem:s28+$0x2810] =	vst v11  }
0x3d2: {  	s14 =	simm.s32 $0x50;
	v9 =	vand.u32 $0x1FFFFF, v10;
	[tilespmem:s28+$0x4DC0] =	vst v8;
	vm1 =	veq.s32 v7, v2;
	v8 =	vshra.s32 v10, $0x15;
	v7 =	vld [tilespmem:s28+$0xF30]  }
.LBB2_13:
0x3d3: {  	p0 =	sne.s32 s30, $0x30C0;
	v10 =	vld [tilespmem:s14+$0x4140];
	vm2 =	veq.s32 v8, v2;
	[tilespmem:s28+$0x2820] =	vst v9;
	v8 =	vshra.s32 v3, $0x15;
	v3 =	vand.u32 $0x1FFFFF, v3  }
0x3d4: {  	v9 =	vld [tilespmem:s14+$0x4100];
	v4 =	vnsel vm0, $0x0, v4;
	vm0 =	veq.s32 v8, v2;
	[tilespmem:s28+$0x2830] =	vst v3  }
0x3d5: {  	v8 =	vld [tilespmem:s14+$0xF40];
	[tilespmem:s28+$0x4D80] =	vst v4;
	v3 =	vnsel vm1, $0x0, v6  }
0x3d6: {  	v11 =	vld [tilespmem:s14+$0x4110];
	[tilespmem:s28+$0x4D90] =	vst v3;
	v3 =	vnsel vm2, $0x0, v5  }
0x3d7: {  	v12 =	vld [tilespmem:s14+$0x4120];
	[tilespmem:s28+$0x4DA0] =	vst v3;
	v4 =	vnsel vm0, $0x0, v7  }
.Ltmp9:
0x3d8: {  	v3 =	vld [tilespmem:s14+$0x4130];
	v5 =	vshra.s32 v10, $0x15;
	v6 =	vand.u32 $0x1FFFFF, v10;
	[tilespmem:s28+$0x4DB0] =	vst v4;
	s28 =	smov.u32 s14;
	(pc) =	sbr.rel @p0 .LBB2_13-.Ltmp9, $4  }
0x3d9: {  	v7 =	vshra.s32 v9, $0x15;
	v9 =	vand.u32 $0x1FFFFF, v9;
	v4 =	vld [tilespmem:s28+$0xF00];
	vm1 =	veq.s32 v5, v2;
	[tilespmem:s28+$0x2840] =	vst v6  }
0x3da: {  	vm0 =	veq.s32 v7, v2;
	[tilespmem:s28+$0x2800] =	vst v9;
	v6 =	vld [tilespmem:s28+$0xF10];
	v7 =	vnsel vm1, $0x0, v8  }
0x3db: {  	v8 =	vshra.s32 v11, $0x15;
	v9 =	vand.u32 $0x1FFFFF, v11;
	v5 =	vld [tilespmem:s28+$0xF20];
	[tilespmem:s28+$0x4DC0] =	vst v7  }
0x3dc: {  	s14 =	sshra.s32 s30, $0x2;
	s30 =	sadd.s32 $0x140, s30;
	vm1 =	veq.s32 v8, v2;
	[tilespmem:s28+$0x2810] =	vst v9;
	v8 =	vshra.s32 v12, $0x15;
	v9 =	vand.u32 $0x1FFFFF, v12;
	v7 =	vld [tilespmem:s28+$0xF30]  }
0x3dd: {  	v10 =	vld [tilespmem:s14+$0x4140];
	[tilespmem:s28+$0x2820] =	vst v9;
	v9 =	vand.u32 $0x1FFFFF, v3  }
0x3de: {  	v11 =	vld [tilespmem:s14+$0x4100];
	[tilespmem:s28+$0x2830] =	vst v9;
	v4 =	vnsel vm0, $0x0, v4  }
0x3df: {  	v3 =	vshra.s32 v3, $0x15;
	vm0 =	veq.s32 v8, v2;
	v9 =	vld [tilespmem:s14+$0xF40];
	[tilespmem:s28+$0x4D80] =	vst v4;
	v4 =	vnsel vm1, $0x0, v6  }
0x3e0: {  	v6 =	vld [tilespmem:s14+$0x4110];
	[tilespmem:s28+$0x4D90] =	vst v4;
	v4 =	vnsel vm0, $0x0, v5;
	vm0 =	veq.s32 v3, v2  }
0x3e1: {  	v5 =	vld [tilespmem:s14+$0x4120];
	[tilespmem:s28+$0x4DA0] =	vst v4;
	v3 =	vnsel vm0, $0x0, v7  }
0x3e2: {  	v4 =	vld [tilespmem:s14+$0x4130];
	[tilespmem:s28+$0x4DB0] =	vst v3;
	v3 =	vand.u32 $0x1FFFFF, v10  }
0x3e3: {  	[tilespmem:s14+$0x2840] =	vst v3;
	v3 =	vshra.s32 v10, $0x15  }
0x3e4: {  	v7 =	vld [tilespmem:s14+$0xF00];
	v8 =	vand.u32 $0x1FFFFF, v11;
	vm0 =	veq.s32 v3, v2  }
0x3e5: {  	[tilespmem:s14+$0x2800] =	vst v8;
	v3 =	vld [tilespmem:s14+$0xF10];
	v8 =	vnsel vm0, $0x0, v9  }
0x3e6: {  	v9 =	vld [tilespmem:s14+$0xF20];
	v10 =	vand.u32 $0x1FFFFF, v6;
	[tilespmem:s14+$0x4DC0] =	vst v8  }
0x3e7: {  	[tilespmem:s14+$0x2810] =	vst v10;
	v8 =	vshra.s32 v11, $0x15;
	v10 =	vand.u32 $0x1FFFFF, v5;
	v11 =	vld [tilespmem:s14+$0xF30]  }
0x3e8: {  	v6 =	vshra.s32 v6, $0x15;
	vm0 =	veq.s32 v8, v2;
	[tilespmem:s14+$0x2820] =	vst v10;
	v8 =	vand.u32 $0x1FFFFF, v4  }
0x3e9: {  	vm1 =	veq.s32 v6, v2;
	v5 =	vshra.s32 v5, $0x15;
	v6 =	vnsel vm0, $0x0, v7;
	[tilespmem:s14+$0x2830] =	vst v8  }
0x3ea: {  	v4 =	vshra.s32 v4, $0x15;
	vm0 =	veq.s32 v5, v2;
	[tilespmem:s14+$0x4D80] =	vst v6;
	v3 =	vnsel vm1, $0x0, v3  }
0x3eb: {  	vm1 =	veq.s32 v4, v2;
	[tilespmem:s14+$0x4D90] =	vst v3;
	v3 =	vnsel vm0, $0x0, v9  }
0x3ec: {  	p0 =	seq.s32 s26, $0x9;
	[tilespmem:s14+$0x4DA0] =	vst v3;
	v3 =	vnsel vm1, $0x0, v11  }
0x3ed: {  	[tilespmem:s14+$0x4DB0] =	vst v3;
	s14 =	smul.u32 @!p0 $0x1900, s26  }
0x3ee: {  	[spmem:s2] =	stream.indirect.scatter.add.f32 [tilespmem:s5], [sflag:$0x5], $0x1, s11, s21, $0x2000b8;
	[tilespmem:$0x1F9C0] =	vst v63  }
0x3ef: {  	s14 =	sadd.s32 @!p0 s14, s15  }
0x3f0: {  	s30 =	simm.s32 @!p0 $0x0;
	s14 =	sshrl.u32 @!p0 s14, $0x3  }
0x3f1: {  	s23 =	simm.s32 @!p0 $0x4100;
	p1 =	seq.s32 @!p0 s26, $0x0;
	s28 =	sadd.s32 @!p0 s1, s14  }
0x3f2: {  	[tilespmem:s23], [sflag:$0x1] =	stream.linear.gather @!p0 [hbm4b:s28+s30], $0xC80, $0x200038;
	[tilespmem:$0x1F9C0] =	vst v63  }
0x3f3: {  	p1 =	por p0, !p1;
	s14 =	sadd.s32 @!p0 s16, s14;
	s23 =	simm.s32 @!p0 $0xF00  }
0x3f4: {  	[tilespmem:s23], [sflag:$0x1] =	stream.linear.gather @!p0 [hbm4b:s14+s30], $0xC80, $0x200038;
	[tilespmem:$0x1F9C0] =	vst v63  }
0x3f5: {  	_ =	swait.ge @p1 [sflag:s22], $0xC80  }
0x3f6: {  	[sflag:s22] =	ssyncset.done @p1 $0x0  }
0x3f7: {  	[sflag:s22] =	ssyncadd.s32 @p1 $0xFFFFF380  }
0x3f8: {  	_ =	swait.ge [sflag:s6], $0xC80  }
0x3f9: {  	[sflag:s6] =	ssyncset.done $0x0  }
0x3fa: {  	[sflag:s6] =	ssyncadd.s32 $0xFFFFF380  }
0x3fb: {  	_ =	swait.ge [sflag:s6], $0xC80  }
0x3fc: {  	[sflag:s6] =	ssyncset.done $0x0  }
0x3fd: {  	s28 =	simm.s32 $0x0;
	[sflag:s6] =	ssyncadd.s32 $0xFFFFF380  }
0x3fe: {  	v5 =	vld [tilespmem:s28+$0x98C0]  }
0x3ff: {  	v7 =	vld [tilespmem:s28+$0x9880]  }
0x400: {  	v9 =	vld [tilespmem:s28+$0x9890]  }
0x401: {  	v8 =	vld [tilespmem:s28+$0x66C0]  }
0x402: {  	v10 =	vld [tilespmem:s28+$0x98A0]  }
0x403: {  	v3 =	vld [tilespmem:s28+$0x98B0];
	v6 =	vand.u32 $0x1FFFFF, v5  }
0x404: {  	v4 =	vld [tilespmem:s28+$0x6680];
	v11 =	vand.u32 $0x1FFFFF, v7;
	v5 =	vshra.s32 v5, $0x15;
	[tilespmem:s28+$0x7FC0] =	vst v6  }
0x405: {  	v7 =	vshra.s32 v7, $0x15;
	[tilespmem:s28+$0x7F80] =	vst v11;
	vm0 =	veq.s32 v5, v2;
	v6 =	vld [tilespmem:s28+$0x6690];
	v11 =	vand.u32 $0x1FFFFF, v9  }
0x406: {  	s14 =	simm.s32 $0x50;
	v5 =	vld [tilespmem:s28+$0x66A0];
	v8 =	vnsel vm0, $0x0, v8;
	vm0 =	veq.s32 v7, v2;
	v7 =	vshra.s32 v9, $0x15;
	[tilespmem:s28+$0x7F90] =	vst v11  }
0x407: {  	s30 =	simm.s32 $0x280;
	v9 =	vand.u32 $0x1FFFFF, v10;
	[tilespmem:s28+$0xA540] =	vst v8;
	vm1 =	veq.s32 v7, v2;
	v8 =	vshra.s32 v10, $0x15;
	v7 =	vld [tilespmem:s28+$0x66B0]  }
.LBB2_15:
0x408: {  	p1 =	sne.s32 s30, $0x30C0;
	v10 =	vld [tilespmem:s14+$0x98C0];
	vm2 =	veq.s32 v8, v2;
	[tilespmem:s28+$0x7FA0] =	vst v9;
	v8 =	vshra.s32 v3, $0x15;
	v3 =	vand.u32 $0x1FFFFF, v3  }
0x409: {  	v9 =	vld [tilespmem:s14+$0x9880];
	v4 =	vnsel vm0, $0x0, v4;
	vm0 =	veq.s32 v8, v2;
	[tilespmem:s28+$0x7FB0] =	vst v3  }
0x40a: {  	v8 =	vld [tilespmem:s14+$0x66C0];
	[tilespmem:s28+$0xA500] =	vst v4;
	v3 =	vnsel vm1, $0x0, v6  }
0x40b: {  	v11 =	vld [tilespmem:s14+$0x9890];
	[tilespmem:s28+$0xA510] =	vst v3;
	v3 =	vnsel vm2, $0x0, v5  }
0x40c: {  	v12 =	vld [tilespmem:s14+$0x98A0];
	[tilespmem:s28+$0xA520] =	vst v3;
	v4 =	vnsel vm0, $0x0, v7  }
.Ltmp10:
0x40d: {  	v3 =	vld [tilespmem:s14+$0x98B0];
	v5 =	vshra.s32 v10, $0x15;
	v6 =	vand.u32 $0x1FFFFF, v10;
	[tilespmem:s28+$0xA530] =	vst v4;
	s28 =	smov.u32 s14;
	(pc) =	sbr.rel @p1 .LBB2_15-.Ltmp10, $4  }
0x40e: {  	v7 =	vshra.s32 v9, $0x15;
	v9 =	vand.u32 $0x1FFFFF, v9;
	v4 =	vld [tilespmem:s28+$0x6680];
	vm1 =	veq.s32 v5, v2;
	[tilespmem:s28+$0x7FC0] =	vst v6  }
0x40f: {  	vm0 =	veq.s32 v7, v2;
	[tilespmem:s28+$0x7F80] =	vst v9;
	v6 =	vld [tilespmem:s28+$0x6690];
	v7 =	vnsel vm1, $0x0, v8  }
0x410: {  	v8 =	vshra.s32 v11, $0x15;
	v9 =	vand.u32 $0x1FFFFF, v11;
	v5 =	vld [tilespmem:s28+$0x66A0];
	[tilespmem:s28+$0xA540] =	vst v7  }
0x411: {  	s14 =	sshra.s32 s30, $0x2;
	s30 =	sadd.s32 $0x140, s30;
	vm1 =	veq.s32 v8, v2;
	[tilespmem:s28+$0x7F90] =	vst v9;
	v8 =	vshra.s32 v12, $0x15;
	v9 =	vand.u32 $0x1FFFFF, v12;
	v7 =	vld [tilespmem:s28+$0x66B0]  }
0x412: {  	v10 =	vld [tilespmem:s14+$0x98C0];
	[tilespmem:s28+$0x7FA0] =	vst v9;
	v49 =	vand.u32 $0x1FFFFF, v3  }
0x413: {  	v11 =	vld [tilespmem:s14+$0x9880];
	[tilespmem:s28+$0x7FB0] =	vst v49;
	v4 =	vnsel vm0, $0x0, v4  }
0x414: {  	vm9 =	veq.s32 v8, v2;
	v3 =	vshra.s32 v3, $0x15;
	v9 =	vld [tilespmem:s14+$0x66C0];
	[tilespmem:s28+$0xA500] =	vst v4;
	v50 =	vnsel vm1, $0x0, v6  }
0x415: {  	vm10 =	veq.s32 v3, v2;
	v51 =	vld [tilespmem:s14+$0x9890];
	[tilespmem:s28+$0xA510] =	vst v50;
	v52 =	vnsel vm9, $0x0, v5  }
0x416: {  	v53 =	vld [tilespmem:s14+$0x98A0];
	[tilespmem:s28+$0xA520] =	vst v52;
	v3 =	vnsel vm10, $0x0, v7  }
0x417: {  	v4 =	vld [tilespmem:s14+$0x98B0];
	[tilespmem:s28+$0xA530] =	vst v3;
	v3 =	vand.u32 $0x1FFFFF, v10  }
0x418: {  	[tilespmem:s14+$0x7FC0] =	vst v3;
	v3 =	vshra.s32 v10, $0x15  }
0x419: {  	v54 =	vld [tilespmem:s14+$0x6680];
	v55 =	vand.u32 $0x1FFFFF, v11;
	vm11 =	veq.s32 v3, v2  }
0x41a: {  	[tilespmem:s14+$0x7F80] =	vst v55;
	v3 =	vld [tilespmem:s14+$0x6690];
	v56 =	vnsel vm11, $0x0, v9  }
0x41b: {  	v57 =	vld [tilespmem:s14+$0x66A0];
	v58 =	vand.u32 $0x1FFFFF, v51;
	[tilespmem:s14+$0xA540] =	vst v56  }
0x41c: {  	v59 =	vshra.s32 v11, $0x15;
	v61 =	vld [tilespmem:s14+$0x66B0];
	[tilespmem:s14+$0x7F90] =	vst v58;
	v60 =	vand.u32 $0x1FFFFF, v53  }
0x41d: {  	vm12 =	veq.s32 v59, v2;
	v6 =	vshra.s32 v51, $0x15;
	[tilespmem:s14+$0x7FA0] =	vst v60;
	v62 =	vand.u32 $0x1FFFFF, v4  }
0x41e: {  	vm13 =	veq.s32 v6, v2;
	v5 =	vshra.s32 v53, $0x15;
	v63 =	vnsel vm12, $0x0, v54;
	[tilespmem:s14+$0x7FB0] =	vst v62  }
.Ltmp11:
0x41f: {  	vm14 =	veq.s32 v5, v2;
	v4 =	vshra.s32 v4, $0x15;
	[tilespmem:s14+$0xA500] =	vst v63;
	v3 =	vnsel vm13, $0x0, v3;
	(pc) =	sbr.rel @p0 .LBB2_18-.Ltmp11, $4  }
0x420: {  	vm15 =	veq.s32 v4, v2;
	[tilespmem:s14+$0xA510] =	vst v3;
	v3 =	vnsel vm14, $0x0, v57  }
0x421: {  	[tilespmem:s14+$0xA520] =	vst v3;
	v3 =	vnsel vm15, $0x0, v61  }
0x422: {  	[tilespmem:s14+$0xA530] =	vst v3  }
0x423: {  	[spmem:s2] =	stream.indirect.scatter.add.f32 [tilespmem:s8], [sflag:$0x6], $0x1, s13, s21, $0x2000b8;
	[tilespmem:$0x1F9C0] =	vst v63  }
0x424: {  	s14 =	smul.u32 $0x1900, s26;
	_ =	sdelay $0x1  }
0x425: {  	s14 =	sadd.s32 s14, s17  }
.Ltmp12:
0x426: {  	s14 =	sshrl.u32 s14, $0x3;
	(pc) =	sbr.rel .LBB2_12-.Ltmp12, $4  }
0x427: {  	s23 =	sadd.s32 s1, s14  }
0x428: {  	[tilespmem:s7], [sflag:$0x2] =	stream.linear.gather [hbm4b:s23+s3], $0xC80, $0x200038;
	[tilespmem:$0x1F9C0] =	vst v63  }
0x429: {  	s26 =	sadd.s32 $0x1, s26;
	s14 =	sadd.s32 s16, s14  }
0x42a: {  	[tilespmem:s12], [sflag:$0x2] =	stream.linear.gather [hbm4b:s14+s3], $0xC80, $0x200038;
	[tilespmem:$0x1F9C0] =	vst v63  }
.LBB2_20:
0x42b: {  	_ =	sfence.sel $0x180000  }
0x42c: {  	[bflag:$0x0] =	sbarrier.arrive $0xFFFF  }
0x42d: {  	_ =	strace $0x90000047  }
0x42e: {  	s0 =	stileid.u32;
	[bflag:$0x2] =	sbarrier.arrive $0xFFFF  }
0x42f: {  	p0 =	sne.s32 s0, $0x0;
	s0 =	rddreg [dreg:$0x3]  }
0x430: {  	s0 =	sadd.s32 @!p0 $0x100000, s0  }
0x431: {  	[sflag:s0] =	ssyncadd.tile.s32 @!p0 $0x1;
	_ =	shalt  }
.Lfunc_end2:
_tile_overlayer_lowered:
.L_overlay_start_2:
0x432: {  	(tag) =	ssettag $0x2  }
0x433: {  	s0 =	rddreg [dreg:$0x0];
	s2 =	stileid.u32  }
0x434: {  	s1 =	rddreg [dreg:$0x1];
	p0 =	sne.s32 s2, $0x0  }
0x435: {  	s3 =	rddreg [dreg:$0x2];
	[bflag:$0x3] =	sbarrier.arrive $0xFFFF;
	s2 =	simm.s32 @!p0 $0x1C09  }
0x436: {  	[timem:s3], [sflag:s2] =	dma.local @!p0 [hbm:s0], s1  }
0x437: {  	s0 =	simm.s32 @!p0 $0x9  }
0x438: {  	_ =	swait.ge @!p0 [sflag:s0], s1  }
0x439: {  	s1 =	ssub.s32 @!p0 $0x0, s1;
	[sflag:s0] =	ssyncset.done @!p0 $0x0  }
0x43a: {  	[sflag:s0] =	ssyncadd.s32 @!p0 s1  }
0x43b: {  	[bflag:$0x3] =	sbarrier.arrive $0xFFFF  }
0x43c: {  	_ =	shalt  }

</sc_bundles>
